<compile_context>
chip_gen: v7x
topology: tpu7x:2x2x1
jax: 0.10.2.dev20260603
libtpu: 0.0.44.dev20260713+nightly
codegen_flags: <defaults>
</compile_context>

<pallas_src>
import functools

import jax
import jax.numpy as jnp
from jax import lax
from jax.experimental import pallas as pl
from jax.experimental.pallas import tpu as pltpu
from jax.experimental.pallas import tpu_sc as plsc

N = 10000
D = 128
E = 320000
NC = 2
NS = 16
K = 80
EPT = E // NS
NCHUNK = EPT // K
STRIPE = 632
LAST = N - (NS - 1) * STRIPE
ZB = 64
BN = 1000
GN = N // BN

assert NCHUNK % 2 == 0 and EPT % K == 0 and K % 8 == 0 and K <= 128
assert STRIPE % 8 == 0 and LAST % 8 == 0 and 0 < LAST <= STRIPE


def _dot(a, b):
    return lax.dot_general(a, b, (((1,), (0,)), ((), ())),
                           precision=lax.Precision.HIGHEST,
                           preferred_element_type=jnp.float32)


def _zero_stripe(s, zbuf, acc):

    def _zero_rows(r0, nrows):
        for q in range(nrows // ZB):
            pltpu.sync_copy(zbuf.at[pl.ds(0, ZB)],
                            acc.at[pl.ds(r0 + q * ZB, ZB)])
        rem = nrows % ZB
        if rem:
            pltpu.sync_copy(zbuf.at[pl.ds(0, rem)],
                            acc.at[pl.ds(r0 + (nrows // ZB) * ZB, rem)])

    r0 = s * STRIPE

    @pl.when(s < NS - 1)
    def _full():
        _zero_rows(r0, STRIPE)

    @pl.when(s == NS - 1)
    def _last():
        _zero_rows(r0, LAST)


def _copy_out(c, s, acc, out_hbm):
    r0 = s * STRIPE

    @pl.when(s < NS - 1)
    def _full():
        pltpu.sync_copy(acc.at[pl.ds(r0, STRIPE)],
                        out_hbm.at[pl.ds(c * N + r0, STRIPE)])

    @pl.when(s == NS - 1)
    def _last():
        pltpu.sync_copy(acc.at[pl.ds(r0, LAST)],
                        out_hbm.at[pl.ds(c * N + r0, LAST)])


@functools.cache
def _make_sc_segment_sum():
    mesh = plsc.VectorSubcoreMesh(core_axis_name="c", subcore_axis_name="s")

    def body(y_hbm, row_hbm, col_hbm, out_hbm,
             cidx0, cidx1, ridx0, ridx1, rows0, rows1, acc,
             gsem0, gsem1, isem0, isem1):
        c = lax.axis_index("c")
        s = lax.axis_index("s")
        base_e = c * E + s * EPT

        zvec = jnp.zeros((16,), jnp.float32)

        @pl.loop(0, ZB)
        def _zrow(r):
            for q in range(D // 16):
                rows0[r, pl.ds(q * 16, 16)] = zvec

        _zero_stripe(s, rows0, acc)
        plsc.subcore_barrier()

        cidx = (cidx0, cidx1)
        ridx = (ridx0, ridx1)
        rows = (rows0, rows1)
        gsem = (gsem0, gsem1)
        isem = (isem0, isem1)

        def load_idx(j, b):
            st = base_e + j * K
            dc = pltpu.async_copy(col_hbm.at[pl.ds(st, K)], cidx[b], isem[b])
            dr = pltpu.async_copy(row_hbm.at[pl.ds(st, K)], ridx[b], isem[b])
            return dc, dr

        def wait_idx(b):
            pltpu.make_async_copy(col_hbm.at[pl.ds(0, K)], cidx[b], isem[b]).wait()
            pltpu.make_async_copy(row_hbm.at[pl.ds(0, K)], ridx[b], isem[b]).wait()

        def start_gather(b):
            pltpu.async_copy(y_hbm.at[cidx[b]], rows[b], gsem[b])

        def wait_gather(b):
            pltpu.make_async_copy(y_hbm.at[cidx[b]], rows[b], gsem[b]).wait()

        dc, dr = load_idx(0, 0)
        dc.wait()
        dr.wait()
        start_gather(0)
        load_idx(1, 1)

        @pl.loop(0, NCHUNK, step=2)
        def _chunks(jb):
            for b in (0, 1):
                j = jb + b
                nb = 1 - b
                wait_idx(nb)
                wait_gather(b)
                start_gather(nb)
                pltpu.sync_copy(rows[b], acc.at[ridx[b]], add=True)
                jn2 = jnp.minimum(j + 2, NCHUNK - 1)
                load_idx(jn2, b)

        wait_gather(0)
        wait_idx(1)

        plsc.subcore_barrier()
        _copy_out(c, s, acc, out_hbm)

    return pl.kernel(
        body,
        out_type=jax.ShapeDtypeStruct((2 * N, D), jnp.float32),
        mesh=mesh,
        scratch_types=[
            pltpu.VMEM((K,), jnp.int32),
            pltpu.VMEM((K,), jnp.int32),
            pltpu.VMEM((K,), jnp.int32),
            pltpu.VMEM((K,), jnp.int32),
            pltpu.VMEM((K, D), jnp.float32),
            pltpu.VMEM((K, D), jnp.float32),
            pltpu.VMEM_SHARED((N, D), jnp.float32),
            pltpu.SemaphoreType.DMA,
            pltpu.SemaphoreType.DMA,
            pltpu.SemaphoreType.DMA,
            pltpu.SemaphoreType.DMA,
        ],
    )


@functools.cache
def _make_sc_degree():
    mesh = plsc.VectorSubcoreMesh(core_axis_name="c", subcore_axis_name="s")

    def body(row_hbm, out_hbm, ridx0, ridx1, ones_buf, acc, isem0, isem1):
        c = lax.axis_index("c")
        s = lax.axis_index("s")
        base_e = c * E + s * EPT

        zvec = jnp.zeros((16,), jnp.float32)

        @pl.loop(0, ZB)
        def _zrow(r):
            for q in range(D // 16):
                ones_buf[r, pl.ds(q * 16, 16)] = zvec

        _zero_stripe(s, ones_buf, acc)
        ovec = jnp.ones((16,), jnp.float32)

        @pl.loop(0, K)
        def _orow(r):
            for q in range(D // 16):
                ones_buf[r, pl.ds(q * 16, 16)] = ovec

        plsc.subcore_barrier()

        ridx = (ridx0, ridx1)
        isem = (isem0, isem1)

        def load_idx(j, b):
            pltpu.async_copy(row_hbm.at[pl.ds(base_e + j * K, K)],
                             ridx[b], isem[b])

        def wait_idx(b):
            pltpu.make_async_copy(row_hbm.at[pl.ds(0, K)], ridx[b], isem[b]).wait()

        load_idx(0, 0)
        load_idx(1, 1)

        @pl.loop(0, NCHUNK, step=2)
        def _chunks(jb):
            for b in (0, 1):
                j = jb + b
                wait_idx(b)
                pltpu.sync_copy(ones_buf, acc.at[ridx[b]], add=True)
                jn2 = jnp.minimum(j + 2, NCHUNK - 1)
                load_idx(jn2, b)

        wait_idx(0)
        wait_idx(1)

        plsc.subcore_barrier()
        _copy_out(c, s, acc, out_hbm)

    return pl.kernel(
        body,
        out_type=jax.ShapeDtypeStruct((2 * N, D), jnp.float32),
        mesh=mesh,
        scratch_types=[
            pltpu.VMEM((K,), jnp.int32),
            pltpu.VMEM((K,), jnp.int32),
            pltpu.VMEM((K, D), jnp.float32),
            pltpu.VMEM_SHARED((N, D), jnp.float32),
            pltpu.SemaphoreType.DMA,
            pltpu.SemaphoreType.DMA,
        ],
    )


def _tc_base(inp, ws, b, shared_input, interpret=False):
    def body(x_ref, ws_ref, b_ref, base_ref):
        base_ref[...] = _dot(x_ref[...], ws_ref[0]) + b_ref[0]

    in_map = ((lambda g, i: (i, 0)) if shared_input
              else (lambda g, i: (g * GN + i, 0)))
    return pl.pallas_call(
        body,
        grid=(2, GN),
        in_specs=[
            pl.BlockSpec((BN, D), in_map),
            pl.BlockSpec((1, D, D), lambda g, i: (g, 0, 0)),
            pl.BlockSpec((1, 1, D), lambda g, i: (g, 0, 0)),
        ],
        out_specs=pl.BlockSpec((BN, D), lambda g, i: (g * GN + i, 0)),
        out_shape=jax.ShapeDtypeStruct((2 * N, D), jnp.float32),
        interpret=interpret,
    )(inp, ws, b)


def _tc2(s0x, cnt, base0, wn0, interpret=False):
    def body(s0_ref, cnt_ref, base0_ref, wn_ref, h_ref):
        nei = _dot(s0_ref[...], wn_ref[0]) / (cnt_ref[...] + 1e-12)
        h_ref[...] = jnp.maximum(base0_ref[...] + nei, 0.0)

    blk = pl.BlockSpec((BN, D), lambda g, i: (g * GN + i, 0))
    return pl.pallas_call(
        body,
        grid=(2, GN),
        in_specs=[blk, blk, blk,
                  pl.BlockSpec((1, D, D), lambda g, i: (g, 0, 0))],
        out_specs=blk,
        out_shape=jax.ShapeDtypeStruct((2 * N, D), jnp.float32),
        interpret=interpret,
    )(s0x, cnt, base0, wn0)


def _tc3(base1, s1h, cnt, wn1, alpha, interpret=False):
    def body(b1s_ref, b1a_ref, s1s_ref, s1a_ref, cs_ref, ca_ref, wn_ref,
             a_ref, out_ref):
        wgt = 1.0 / (1.0 + jnp.exp(-a_ref[0, 0]))
        ns = _dot(s1s_ref[...], wn_ref[0]) / (cs_ref[...] + 1e-12)
        na = _dot(s1a_ref[...], wn_ref[1]) / (ca_ref[...] + 1e-12)
        hs = jnp.maximum(b1s_ref[...] + ns, 0.0)
        ha = jnp.maximum(b1a_ref[...] + na, 0.0)
        out_ref[...] = wgt * hs + (1.0 - wgt) * ha

    lo = lambda i: (i, 0)
    hi = lambda i: (GN + i, 0)
    return pl.pallas_call(
        body,
        grid=(GN,),
        in_specs=[
            pl.BlockSpec((BN, D), lo),
            pl.BlockSpec((BN, D), hi),
            pl.BlockSpec((BN, D), lo),
            pl.BlockSpec((BN, D), hi),
            pl.BlockSpec((BN, D), lo),
            pl.BlockSpec((BN, D), hi),
            pl.BlockSpec((2, D, D), lambda i: (0, 0, 0)),
            pl.BlockSpec(memory_space=pltpu.SMEM),
        ],
        out_specs=pl.BlockSpec((BN, D), lo),
        out_shape=jax.ShapeDtypeStruct((N, D), jnp.float32),
        interpret=interpret,
    )(base1, base1, s1h, s1h, cnt, cnt, wn1, alpha)


def kernel(x, edge_spatial, edge_attr, alpha,
           s0_ws, s0_bs, s0_wn, s0_bn, s1_ws, s1_bs, s1_wn, s1_bn,
           a0_ws, a0_bs, a0_wn, a0_bn, a1_ws, a1_bs, a1_wn, a1_bn):
    es = edge_spatial.astype(jnp.int32)
    ea = edge_attr.astype(jnp.int32)
    row_all = jnp.concatenate([es[0], ea[0]])
    col_loc = jnp.concatenate([es[1], ea[1]])
    col_glob = jnp.concatenate([es[1], ea[1] + N])

    wn0 = jnp.stack([s0_wn, a0_wn])
    ws0 = jnp.stack([s0_ws, a0_ws])
    b0 = jnp.stack([s0_bs + s0_bn, a0_bs + a0_bn])[:, None, :]
    wn1 = jnp.stack([s1_wn, a1_wn])
    ws1 = jnp.stack([s1_ws, a1_ws])
    b1 = jnp.stack([s1_bs + s1_bn, a1_bs + a1_bn])[:, None, :]
    alpha2 = jnp.reshape(alpha, (1, 1)).astype(jnp.float32)

    cnt = _make_sc_degree()(row_all)
    s0x = _make_sc_segment_sum()(x, row_all, col_loc)
    base0 = _tc_base(x, ws0, b0, True)
    h0 = _tc2(s0x, cnt, base0, wn0)
    base1 = _tc_base(h0, ws1, b1, False)
    s1h = _make_sc_segment_sum()(h0, row_all, col_glob)
    return _tc3(base1, s1h, cnt, wn1, alpha2)

# --- scband reference (transcript-rebuilt; emitter-appended) ---
"""Pipeline reference for scband-dual-graph-encoder-75033078661165 (READ-ONLY COPY).

The authoritative reference and input builder live on the scoring server;
editing this copy changes nothing except your own understanding.
"""

import jax, jax.numpy as jnp
import numpy as np

N = 10000
E = 320000
D = 128

def _linear_params(key, d_in, d_out):
    k1, k2 = jax.random.split(key)
    w = jax.random.normal(k1, (d_in, d_out), dtype=jnp.float32) * (1.0 / np.sqrt(d_in))
    b = jax.random.normal(k2, (d_out,), dtype=jnp.float32) * 0.01
    return w, b

def setup_inputs(seed: int = 0) -> dict:
    key = jax.random.key(seed)
    ks = jax.random.split(key, 20)
    x = jax.random.normal(ks[0], (N, D), dtype=jnp.float32)
    edge_spatial = jax.random.randint(ks[1], (2, E), 0, N, dtype=jnp.int64)
    edge_attr = jax.random.randint(ks[2], (2, E), 0, N, dtype=jnp.int64)
    alpha = jnp.asarray(0.0, dtype=jnp.float32)
    s0_ws, s0_bs = _linear_params(ks[3], D, D)
    s0_wn, s0_bn = _linear_params(ks[4], D, D)
    s1_ws, s1_bs = _linear_params(ks[5], D, D)
    s1_wn, s1_bn = _linear_params(ks[6], D, D)
    a0_ws, a0_bs = _linear_params(ks[7], D, D)
    a0_wn, a0_bn = _linear_params(ks[8], D, D)
    a1_ws, a1_bs = _linear_params(ks[9], D, D)
    a1_wn, a1_bn = _linear_params(ks[10], D, D)
    return {
        'x': x, 'edge_spatial': edge_spatial, 'edge_attr': edge_attr, 'alpha': alpha,
        's0_ws': s0_ws, 's0_bs': s0_bs, 's0_wn': s0_wn, 's0_bn': s0_bn,
        's1_ws': s1_ws, 's1_bs': s1_bs, 's1_wn': s1_wn, 's1_bn': s1_bn,
        'a0_ws': a0_ws, 'a0_bs': a0_bs, 'a0_wn': a0_wn, 'a0_bn': a0_bn,
        'a1_ws': a1_ws, 'a1_bs': a1_bs, 'a1_wn': a1_wn, 'a1_bn': a1_bn,
    }

def _sage(x, edge_index, ws, bs, wn, bn):
    row = edge_index[0]
    col = edge_index[1]
    m = x[col]
    s = jax.ops.segment_sum(m, row, num_segments=x.shape[0])
    ones = jnp.ones((row.shape[0], 1), dtype=x.dtype)
    cnt = jax.ops.segment_sum(ones, row, num_segments=x.shape[0])
    nei = s / (cnt + 1e-12)
    h = x @ ws + bs + nei @ wn + bn
    return jax.nn.relu(h)

def reference(x, edge_spatial, edge_attr, alpha,
              s0_ws, s0_bs, s0_wn, s0_bn, s1_ws, s1_bs, s1_wn, s1_bn,
              a0_ws, a0_bs, a0_wn, a0_bn, a1_ws, a1_bs, a1_wn, a1_bn):
    hs = _sage(x, edge_spatial, s0_ws, s0_bs, s0_wn, s0_bn)
    hs = _sage(hs, edge_spatial, s1_ws, s1_bs, s1_wn, s1_bn)
    ha = _sage(x, edge_attr, a0_ws, a0_bs, a0_wn, a0_bn)
    ha = _sage(ha, edge_attr, a1_ws, a1_bs, a1_wn, a1_bn)
    w = jax.nn.sigmoid(alpha)
    return w * hs + (1.0 - w) * ha

if __name__ == "__main__":
    import jax
    _d = setup_inputs()
    print(jax.jit(kernel)(*tuple(_d.values())))

</pallas_src>

<mosaic_0001>
#map = affine_map<(d0, d1) -> (0, 0)>
#map1 = affine_map<(d0, d1) -> (0)>
module attributes {stable_mosaic.version = 14 : i64} {
  func.func @body(%arg0: i32, %arg1: i32, %arg2: memref<20000x128xf32, #tpu.memory_space<hbm>>, %arg3: memref<640000xi32, #tpu.memory_space<hbm>>, %arg4: memref<640000xi32, #tpu.memory_space<hbm>>, %arg5: memref<20000x128xf32, #tpu.memory_space<hbm>>, %arg6: memref<80xi32, #tpu.memory_space<vmem>>, %arg7: memref<80xi32, #tpu.memory_space<vmem>>, %arg8: memref<80xi32, #tpu.memory_space<vmem>>, %arg9: memref<80xi32, #tpu.memory_space<vmem>>, %arg10: memref<80x128xf32, #tpu.memory_space<vmem>>, %arg11: memref<80x128xf32, #tpu.memory_space<vmem>>, %arg12: memref<10000x128xf32, #tpu.memory_space<vmem_shared>>, %arg13: memref<!tpu.dma_semaphore, #tpu.memory_space<semaphore_mem>>, %arg14: memref<!tpu.dma_semaphore, #tpu.memory_space<semaphore_mem>>, %arg15: memref<!tpu.dma_semaphore, #tpu.memory_space<semaphore_mem>>, %arg16: memref<!tpu.dma_semaphore, #tpu.memory_space<semaphore_mem>>) attributes {dimension_semantics = [#tpu.dimension_semantics<core_parallel>, #tpu.dimension_semantics<subcore_parallel>], iteration_bounds = array<i64: 2, 16>, scalar_prefetch = 0 : i64, scratch_operands = 11 : i64, tpu.core_type = #tpu.core_type<sc_vector_subcore>, window_params = [{transform_indices = #map}, {transform_indices = #map1}, {transform_indices = #map1}, {transform_indices = #map}]} {
    %mul3A = arith.constant 320000 : i32
    %mul3A_0 = arith.muli %arg0, %mul3A : i32
    %mul3A_1 = arith.constant 20000 : i32
    %mul3A_2 = arith.muli %arg1, %mul3A_1 : i32
    %add3A = arith.addi %mul3A_0, %mul3A_2 : i32
    %broadcast_in_dim3A = arith.constant 0.000000e+00 : f32
    %broadcast_in_dim3A_3 = vector.broadcast %broadcast_in_dim3A : f32 to vector<16xf32>
    %scan3A = arith.constant 0 : i32
    %scan3A_4 = arith.constant 64 : i32
    %scan3A_5 = arith.addi %scan3A, %scan3A_4 : i32
    %scan3A_6 = arith.constant 1 : i32
    scf.for %scan3A_62 = %scan3A to %scan3A_5 step %scan3A_6  : i32 {
      %mul3A_63 = arith.constant 1 : i32
      %mul3A_64 = arith.muli %scan3A_62, %mul3A_63 : i32
      %add3A_65 = arith.constant 0 : i32
      %add3A_66 = arith.addi %add3A_65, %mul3A_64 : i32
      %swap3A = arith.index_cast %add3A_66 : i32 to index
      %swap3A_67 = arith.constant 0 : index
      %swap3A_68 = tpu.vector_load %arg10[%swap3A, %swap3A_67] {strides = array<i32>} : memref<80x128xf32, #tpu.memory_space<vmem>>, vector<1x16xf32>,
      %swap3A_69 = vector.shape_cast %swap3A_68 : vector<1x16xf32> to vector<16xf32>
      %swap3A_70 = vector.shape_cast %broadcast_in_dim3A_3 : vector<16xf32> to vector<1x16xf32>
      tpu.vector_store %arg10[%swap3A, %swap3A_67], %swap3A_70 {strides = array<i32>} : memref<80x128xf32, #tpu.memory_space<vmem>>, vector<1x16xf32>,
      %swap3A_71 = arith.index_cast %add3A_66 : i32 to index
      %swap3A_72 = arith.constant 16 : index
      %swap3A_73 = tpu.vector_load %arg10[%swap3A_71, %swap3A_72] {strides = array<i32>} : memref<80x128xf32, #tpu.memory_space<vmem>>, vector<1x16xf32>,
      %swap3A_74 = vector.shape_cast %swap3A_73 : vector<1x16xf32> to vector<16xf32>
      %swap3A_75 = vector.shape_cast %broadcast_in_dim3A_3 : vector<16xf32> to vector<1x16xf32>
      tpu.vector_store %arg10[%swap3A_71, %swap3A_72], %swap3A_75 {strides = array<i32>} : memref<80x128xf32, #tpu.memory_space<vmem>>, vector<1x16xf32>,
      %swap3A_76 = arith.index_cast %add3A_66 : i32 to index
      %swap3A_77 = arith.constant 32 : index
      %swap3A_78 = tpu.vector_load %arg10[%swap3A_76, %swap3A_77] {strides = array<i32>} : memref<80x128xf32, #tpu.memory_space<vmem>>, vector<1x16xf32>,
      %swap3A_79 = vector.shape_cast %swap3A_78 : vector<1x16xf32> to vector<16xf32>
      %swap3A_80 = vector.shape_cast %broadcast_in_dim3A_3 : vector<16xf32> to vector<1x16xf32>
      tpu.vector_store %arg10[%swap3A_76, %swap3A_77], %swap3A_80 {strides = array<i32>} : memref<80x128xf32, #tpu.memory_space<vmem>>, vector<1x16xf32>,
      %swap3A_81 = arith.index_cast %add3A_66 : i32 to index
      %swap3A_82 = arith.constant 48 : index
      %swap3A_83 = tpu.vector_load %arg10[%swap3A_81, %swap3A_82] {strides = array<i32>} : memref<80x128xf32, #tpu.memory_space<vmem>>, vector<1x16xf32>,
      %swap3A_84 = vector.shape_cast %swap3A_83 : vector<1x16xf32> to vector<16xf32>
      %swap3A_85 = vector.shape_cast %broadcast_in_dim3A_3 : vector<16xf32> to vector<1x16xf32>
      tpu.vector_store %arg10[%swap3A_81, %swap3A_82], %swap3A_85 {strides = array<i32>} : memref<80x128xf32, #tpu.memory_space<vmem>>, vector<1x16xf32>,
      %swap3A_86 = arith.index_cast %add3A_66 : i32 to index
      %swap3A_87 = arith.constant 64 : index
      %swap3A_88 = tpu.vector_load %arg10[%swap3A_86, %swap3A_87] {strides = array<i32>} : memref<80x128xf32, #tpu.memory_space<vmem>>, vector<1x16xf32>,
      %swap3A_89 = vector.shape_cast %swap3A_88 : vector<1x16xf32> to vector<16xf32>
      %swap3A_90 = vector.shape_cast %broadcast_in_dim3A_3 : vector<16xf32> to vector<1x16xf32>
      tpu.vector_store %arg10[%swap3A_86, %swap3A_87], %swap3A_90 {strides = array<i32>} : memref<80x128xf32, #tpu.memory_space<vmem>>, vector<1x16xf32>,
      %swap3A_91 = arith.index_cast %add3A_66 : i32 to index
      %swap3A_92 = arith.constant 80 : index
      %swap3A_93 = tpu.vector_load %arg10[%swap3A_91, %swap3A_92] {strides = array<i32>} : memref<80x128xf32, #tpu.memory_space<vmem>>, vector<1x16xf32>,
      %swap3A_94 = vector.shape_cast %swap3A_93 : vector<1x16xf32> to vector<16xf32>
      %swap3A_95 = vector.shape_cast %broadcast_in_dim3A_3 : vector<16xf32> to vector<1x16xf32>
      tpu.vector_store %arg10[%swap3A_91, %swap3A_92], %swap3A_95 {strides = array<i32>} : memref<80x128xf32, #tpu.memory_space<vmem>>, vector<1x16xf32>,
      %swap3A_96 = arith.index_cast %add3A_66 : i32 to index
      %swap3A_97 = arith.constant 96 : index
      %swap3A_98 = tpu.vector_load %arg10[%swap3A_96, %swap3A_97] {strides = array<i32>} : memref<80x128xf32, #tpu.memory_space<vmem>>, vector<1x16xf32>,
      %swap3A_99 = vector.shape_cast %swap3A_98 : vector<1x16xf32> to vector<16xf32>
      %swap3A_100 = vector.shape_cast %broadcast_in_dim3A_3 : vector<16xf32> to vector<1x16xf32>
      tpu.vector_store %arg10[%swap3A_96, %swap3A_97], %swap3A_100 {strides = array<i32>} : memref<80x128xf32, #tpu.memory_space<vmem>>, vector<1x16xf32>,
      %swap3A_101 = arith.index_cast %add3A_66 : i32 to index
      %swap3A_102 = arith.constant 112 : index
      %swap3A_103 = tpu.vector_load %arg10[%swap3A_101, %swap3A_102] {strides = array<i32>} : memref<80x128xf32, #tpu.memory_space<vmem>>, vector<1x16xf32>,
      %swap3A_104 = vector.shape_cast %swap3A_103 : vector<1x16xf32> to vector<16xf32>
      %swap3A_105 = vector.shape_cast %broadcast_in_dim3A_3 : vector<16xf32> to vector<1x16xf32>
      tpu.vector_store %arg10[%swap3A_101, %swap3A_102], %swap3A_105 {strides = array<i32>} : memref<80x128xf32, #tpu.memory_space<vmem>>, vector<1x16xf32>,
    }
    %scan3A_7 = arith.constant 64 : i32
    %mul3A_8 = arith.constant 632 : i32
    %mul3A_9 = arith.muli %arg1, %mul3A_8 : i32
    %lt3A = arith.constant 15 : i32
    %lt3A_10 = arith.cmpi slt, %arg1, %lt3A : i32
    %convert_element_type3A = arith.extui %lt3A_10 : i1 to i32
    %cond3A = arith.constant 0 : i32
    %cond3A_11 = arith.cmpi ne, %convert_element_type3A, %cond3A : i32
    scf.if %cond3A_11 {
      %add3A_62 = arith.constant 0 : i32
      %add3A_63 = arith.addi %mul3A_9, %add3A_62 : i32
      "tpu.region"() ({
        %run_scoped3A = tpu.sem_alloc : memref<!tpu.dma_semaphore, #tpu.memory_space<semaphore_mem>>
        %dma_start3A_82 = arith.constant 0 : i32
        %dma_start3A_83 = arith.constant 0 : i32
        %dma_start3A_84 = tpu.memref_slice %arg10[%dma_start3A_82, %dma_start3A_83] : memref<80x128xf32, #tpu.memory_space<vmem>> -> memref<64x128xf32, #tpu.memory_space<vmem>>
        %dma_start3A_85 = arith.constant 0 : i32
        %dma_start3A_86 = tpu.memref_slice %arg12[%add3A_63, %dma_start3A_85] : memref<10000x128xf32, #tpu.memory_space<vmem_shared>> -> memref<64x128xf32, #tpu.memory_space<vmem_shared>>
        %dma_start3A_87 = arith.constant 0 : i32
        %dma_start3A_88 = tpu.memref_slice %arg12[%add3A_63, %dma_start3A_87] : memref<10000x128xf32, #tpu.memory_space<vmem_shared>> -> memref<64x128xf32, #tpu.memory_space<vmem_shared>>
        %dma_start3A_89 = arith.constant 0 : i32
        %dma_start3A_90 = arith.constant 0 : i32
        %dma_start3A_91 = tpu.memref_slice %arg10[%dma_start3A_89, %dma_start3A_90] : memref<80x128xf32, #tpu.memory_space<vmem>> -> memref<64x128xf32, #tpu.memory_space<vmem>>
        tpu.enqueue_dma source(%dma_start3A_91 : memref<64x128xf32, #tpu.memory_space<vmem>>) target(%dma_start3A_88 : memref<64x128xf32, #tpu.memory_space<vmem_shared>>) target_semaphore(%run_scoped3A : memref<!tpu.dma_semaphore, #tpu.memory_space<semaphore_mem>>)
        %dma_wait3A_92 = arith.constant 0 : i32
        %dma_wait3A_93 = arith.constant 0 : i32
        %dma_wait3A_94 = tpu.memref_slice %arg10[%dma_wait3A_92, %dma_wait3A_93] : memref<80x128xf32, #tpu.memory_space<vmem>> -> memref<64x128xf32, #tpu.memory_space<vmem>>
        %dma_wait3A_95 = arith.constant 0 : i32
        %dma_wait3A_96 = tpu.memref_slice %arg12[%add3A_63, %dma_wait3A_95] : memref<10000x128xf32, #tpu.memory_space<vmem_shared>> -> memref<64x128xf32, #tpu.memory_space<vmem_shared>>
        %dma_wait3A_97 = arith.constant 0 : i32
        %dma_wait3A_98 = tpu.memref_slice %arg12[%add3A_63, %dma_wait3A_97] : memref<10000x128xf32, #tpu.memory_space<vmem_shared>> -> memref<64x128xf32, #tpu.memory_space<vmem_shared>>
        %dma_wait3A_99 = arith.constant 0 : i32
        %dma_wait3A_100 = arith.constant 0 : i32
        %dma_wait3A_101 = tpu.memref_slice %arg10[%dma_wait3A_99, %dma_wait3A_100] : memref<80x128xf32, #tpu.memory_space<vmem>> -> memref<64x128xf32, #tpu.memory_space<vmem>>
        tpu.wait_dma2 semaphore(%run_scoped3A : memref<!tpu.dma_semaphore, #tpu.memory_space<semaphore_mem>>) src(%dma_wait3A_101 : memref<64x128xf32, #tpu.memory_space<vmem>>) dst(%dma_wait3A_98 : memref<64x128xf32, #tpu.memory_space<vmem_shared>>)
        tpu.yield
      }) : () -> ()
      %add3A_64 = arith.constant 64 : i32
      %add3A_65 = arith.addi %mul3A_9, %add3A_64 : i32
      "tpu.region"() ({
        %run_scoped3A = tpu.sem_alloc : memref<!tpu.dma_semaphore, #tpu.memory_space<semaphore_mem>>
        %dma_start3A_82 = arith.constant 0 : i32
        %dma_start3A_83 = arith.constant 0 : i32
        %dma_start3A_84 = tpu.memref_slice %arg10[%dma_start3A_82, %dma_start3A_83] : memref<80x128xf32, #tpu.memory_space<vmem>> -> memref<64x128xf32, #tpu.memory_space<vmem>>
        %dma_start3A_85 = arith.constant 0 : i32
        %dma_start3A_86 = tpu.memref_slice %arg12[%add3A_65, %dma_start3A_85] : memref<10000x128xf32, #tpu.memory_space<vmem_shared>> -> memref<64x128xf32, #tpu.memory_space<vmem_shared>>
        %dma_start3A_87 = arith.constant 0 : i32
        %dma_start3A_88 = tpu.memref_slice %arg12[%add3A_65, %dma_start3A_87] : memref<10000x128xf32, #tpu.memory_space<vmem_shared>> -> memref<64x128xf32, #tpu.memory_space<vmem_shared>>
        %dma_start3A_89 = arith.constant 0 : i32
        %dma_start3A_90 = arith.constant 0 : i32
        %dma_start3A_91 = tpu.memref_slice %arg10[%dma_start3A_89, %dma_start3A_90] : memref<80x128xf32, #tpu.memory_space<vmem>> -> memref<64x128xf32, #tpu.memory_space<vmem>>
        tpu.enqueue_dma source(%dma_start3A_91 : memref<64x128xf32, #tpu.memory_space<vmem>>) target(%dma_start3A_88 : memref<64x128xf32, #tpu.memory_space<vmem_shared>>) target_semaphore(%run_scoped3A : memref<!tpu.dma_semaphore, #tpu.memory_space<semaphore_mem>>)
        %dma_wait3A_92 = arith.constant 0 : i32
        %dma_wait3A_93 = arith.constant 0 : i32
        %dma_wait3A_94 = tpu.memref_slice %arg10[%dma_wait3A_92, %dma_wait3A_93] : memref<80x128xf32, #tpu.memory_space<vmem>> -> memref<64x128xf32, #tpu.memory_space<vmem>>
        %dma_wait3A_95 = arith.constant 0 : i32
        %dma_wait3A_96 = tpu.memref_slice %arg12[%add3A_65, %dma_wait3A_95] : memref<10000x128xf32, #tpu.memory_space<vmem_shared>> -> memref<64x128xf32, #tpu.memory_space<vmem_shared>>
        %dma_wait3A_97 = arith.constant 0 : i32
        %dma_wait3A_98 = tpu.memref_slice %arg12[%add3A_65, %dma_wait3A_97] : memref<10000x128xf32, #tpu.memory_space<vmem_shared>> -> memref<64x128xf32, #tpu.memory_space<vmem_shared>>
        %dma_wait3A_99 = arith.constant 0 : i32
        %dma_wait3A_100 = arith.constant 0 : i32
        %dma_wait3A_101 = tpu.memref_slice %arg10[%dma_wait3A_99, %dma_wait3A_100] : memref<80x128xf32, #tpu.memory_space<vmem>> -> memref<64x128xf32, #tpu.memory_space<vmem>>
        tpu.wait_dma2 semaphore(%run_scoped3A : memref<!tpu.dma_semaphore, #tpu.memory_space<semaphore_mem>>) src(%dma_wait3A_101 : memref<64x128xf32, #tpu.memory_space<vmem>>) dst(%dma_wait3A_98 : memref<64x128xf32, #tpu.memory_space<vmem_shared>>)
        tpu.yield
      }) : () -> ()
      %add3A_66 = arith.constant 128 : i32
      %add3A_67 = arith.addi %mul3A_9, %add3A_66 : i32
      "tpu.region"() ({
        %run_scoped3A = tpu.sem_alloc : memref<!tpu.dma_semaphore, #tpu.memory_space<semaphore_mem>>
        %dma_start3A_82 = arith.constant 0 : i32
        %dma_start3A_83 = arith.constant 0 : i32
        %dma_start3A_84 = tpu.memref_slice %arg10[%dma_start3A_82, %dma_start3A_83] : memref<80x128xf32, #tpu.memory_space<vmem>> -> memref<64x128xf32, #tpu.memory_space<vmem>>
        %dma_start3A_85 = arith.constant 0 : i32
        %dma_start3A_86 = tpu.memref_slice %arg12[%add3A_67, %dma_start3A_85] : memref<10000x128xf32, #tpu.memory_space<vmem_shared>> -> memref<64x128xf32, #tpu.memory_space<vmem_shared>>
        %dma_start3A_87 = arith.constant 0 : i32
        %dma_start3A_88 = tpu.memref_slice %arg12[%add3A_67, %dma_start3A_87] : memref<10000x128xf32, #tpu.memory_space<vmem_shared>> -> memref<64x128xf32, #tpu.memory_space<vmem_shared>>
        %dma_start3A_89 = arith.constant 0 : i32
        %dma_start3A_90 = arith.constant 0 : i32
        %dma_start3A_91 = tpu.memref_slice %arg10[%dma_start3A_89, %dma_start3A_90] : memref<80x128xf32, #tpu.memory_space<vmem>> -> memref<64x128xf32, #tpu.memory_space<vmem>>
        tpu.enqueue_dma source(%dma_start3A_91 : memref<64x128xf32, #tpu.memory_space<vmem>>) target(%dma_start3A_88 : memref<64x128xf32, #tpu.memory_space<vmem_shared>>) target_semaphore(%run_scoped3A : memref<!tpu.dma_semaphore, #tpu.memory_space<semaphore_mem>>)
        %dma_wait3A_92 = arith.constant 0 : i32
        %dma_wait3A_93 = arith.constant 0 : i32
        %dma_wait3A_94 = tpu.memref_slice %arg10[%dma_wait3A_92, %dma_wait3A_93] : memref<80x128xf32, #tpu.memory_space<vmem>> -> memref<64x128xf32, #tpu.memory_space<vmem>>
        %dma_wait3A_95 = arith.constant 0 : i32
        %dma_wait3A_96 = tpu.memref_slice %arg12[%add3A_67, %dma_wait3A_95] : memref<10000x128xf32, #tpu.memory_space<vmem_shared>> -> memref<64x128xf32, #tpu.memory_space<vmem_shared>>
        %dma_wait3A_97 = arith.constant 0 : i32
        %dma_wait3A_98 = tpu.memref_slice %arg12[%add3A_67, %dma_wait3A_97] : memref<10000x128xf32, #tpu.memory_space<vmem_shared>> -> memref<64x128xf32, #tpu.memory_space<vmem_shared>>
        %dma_wait3A_99 = arith.constant 0 : i32
        %dma_wait3A_100 = arith.constant 0 : i32
        %dma_wait3A_101 = tpu.memref_slice %arg10[%dma_wait3A_99, %dma_wait3A_100] : memref<80x128xf32, #tpu.memory_space<vmem>> -> memref<64x128xf32, #tpu.memory_space<vmem>>
        tpu.wait_dma2 semaphore(%run_scoped3A : memref<!tpu.dma_semaphore, #tpu.memory_space<semaphore_mem>>) src(%dma_wait3A_101 : memref<64x128xf32, #tpu.memory_space<vmem>>) dst(%dma_wait3A_98 : memref<64x128xf32, #tpu.memory_space<vmem_shared>>)
        tpu.yield
      }) : () -> ()
      %add3A_68 = arith.constant 192 : i32
      %add3A_69 = arith.addi %mul3A_9, %add3A_68 : i32
      "tpu.region"() ({
        %run_scoped3A = tpu.sem_alloc : memref<!tpu.dma_semaphore, #tpu.memory_space<semaphore_mem>>
        %dma_start3A_82 = arith.constant 0 : i32
        %dma_start3A_83 = arith.constant 0 : i32
        %dma_start3A_84 = tpu.memref_slice %arg10[%dma_start3A_82, %dma_start3A_83] : memref<80x128xf32, #tpu.memory_space<vmem>> -> memref<64x128xf32, #tpu.memory_space<vmem>>
        %dma_start3A_85 = arith.constant 0 : i32
        %dma_start3A_86 = tpu.memref_slice %arg12[%add3A_69, %dma_start3A_85] : memref<10000x128xf32, #tpu.memory_space<vmem_shared>> -> memref<64x128xf32, #tpu.memory_space<vmem_shared>>
        %dma_start3A_87 = arith.constant 0 : i32
        %dma_start3A_88 = tpu.memref_slice %arg12[%add3A_69, %dma_start3A_87] : memref<10000x128xf32, #tpu.memory_space<vmem_shared>> -> memref<64x128xf32, #tpu.memory_space<vmem_shared>>
        %dma_start3A_89 = arith.constant 0 : i32
        %dma_start3A_90 = arith.constant 0 : i32
        %dma_start3A_91 = tpu.memref_slice %arg10[%dma_start3A_89, %dma_start3A_90] : memref<80x128xf32, #tpu.memory_space<vmem>> -> memref<64x128xf32, #tpu.memory_space<vmem>>
        tpu.enqueue_dma source(%dma_start3A_91 : memref<64x128xf32, #tpu.memory_space<vmem>>) target(%dma_start3A_88 : memref<64x128xf32, #tpu.memory_space<vmem_shared>>) target_semaphore(%run_scoped3A : memref<!tpu.dma_semaphore, #tpu.memory_space<semaphore_mem>>)
        %dma_wait3A_92 = arith.constant 0 : i32
        %dma_wait3A_93 = arith.constant 0 : i32
        %dma_wait3A_94 = tpu.memref_slice %arg10[%dma_wait3A_92, %dma_wait3A_93] : memref<80x128xf32, #tpu.memory_space<vmem>> -> memref<64x128xf32, #tpu.memory_space<vmem>>
        %dma_wait3A_95 = arith.constant 0 : i32
        %dma_wait3A_96 = tpu.memref_slice %arg12[%add3A_69, %dma_wait3A_95] : memref<10000x128xf32, #tpu.memory_space<vmem_shared>> -> memref<64x128xf32, #tpu.memory_space<vmem_shared>>
        %dma_wait3A_97 = arith.constant 0 : i32
        %dma_wait3A_98 = tpu.memref_slice %arg12[%add3A_69, %dma_wait3A_97] : memref<10000x128xf32, #tpu.memory_space<vmem_shared>> -> memref<64x128xf32, #tpu.memory_space<vmem_shared>>
        %dma_wait3A_99 = arith.constant 0 : i32
        %dma_wait3A_100 = arith.constant 0 : i32
        %dma_wait3A_101 = tpu.memref_slice %arg10[%dma_wait3A_99, %dma_wait3A_100] : memref<80x128xf32, #tpu.memory_space<vmem>> -> memref<64x128xf32, #tpu.memory_space<vmem>>
        tpu.wait_dma2 semaphore(%run_scoped3A : memref<!tpu.dma_semaphore, #tpu.memory_space<semaphore_mem>>) src(%dma_wait3A_101 : memref<64x128xf32, #tpu.memory_space<vmem>>) dst(%dma_wait3A_98 : memref<64x128xf32, #tpu.memory_space<vmem_shared>>)
        tpu.yield
      }) : () -> ()
      %add3A_70 = arith.constant 256 : i32
      %add3A_71 = arith.addi %mul3A_9, %add3A_70 : i32
      "tpu.region"() ({
        %run_scoped3A = tpu.sem_alloc : memref<!tpu.dma_semaphore, #tpu.memory_space<semaphore_mem>>
        %dma_start3A_82 = arith.constant 0 : i32
        %dma_start3A_83 = arith.constant 0 : i32
        %dma_start3A_84 = tpu.memref_slice %arg10[%dma_start3A_82, %dma_start3A_83] : memref<80x128xf32, #tpu.memory_space<vmem>> -> memref<64x128xf32, #tpu.memory_space<vmem>>
        %dma_start3A_85 = arith.constant 0 : i32
        %dma_start3A_86 = tpu.memref_slice %arg12[%add3A_71, %dma_start3A_85] : memref<10000x128xf32, #tpu.memory_space<vmem_shared>> -> memref<64x128xf32, #tpu.memory_space<vmem_shared>>
        %dma_start3A_87 = arith.constant 0 : i32
        %dma_start3A_88 = tpu.memref_slice %arg12[%add3A_71, %dma_start3A_87] : memref<10000x128xf32, #tpu.memory_space<vmem_shared>> -> memref<64x128xf32, #tpu.memory_space<vmem_shared>>
        %dma_start3A_89 = arith.constant 0 : i32
        %dma_start3A_90 = arith.constant 0 : i32
        %dma_start3A_91 = tpu.memref_slice %arg10[%dma_start3A_89, %dma_start3A_90] : memref<80x128xf32, #tpu.memory_space<vmem>> -> memref<64x128xf32, #tpu.memory_space<vmem>>
        tpu.enqueue_dma source(%dma_start3A_91 : memref<64x128xf32, #tpu.memory_space<vmem>>) target(%dma_start3A_88 : memref<64x128xf32, #tpu.memory_space<vmem_shared>>) target_semaphore(%run_scoped3A : memref<!tpu.dma_semaphore, #tpu.memory_space<semaphore_mem>>)
        %dma_wait3A_92 = arith.constant 0 : i32
        %dma_wait3A_93 = arith.constant 0 : i32
        %dma_wait3A_94 = tpu.memref_slice %arg10[%dma_wait3A_92, %dma_wait3A_93] : memref<80x128xf32, #tpu.memory_space<vmem>> -> memref<64x128xf32, #tpu.memory_space<vmem>>
        %dma_wait3A_95 = arith.constant 0 : i32
        %dma_wait3A_96 = tpu.memref_slice %arg12[%add3A_71, %dma_wait3A_95] : memref<10000x128xf32, #tpu.memory_space<vmem_shared>> -> memref<64x128xf32, #tpu.memory_space<vmem_shared>>
        %dma_wait3A_97 = arith.constant 0 : i32
        %dma_wait3A_98 = tpu.memref_slice %arg12[%add3A_71, %dma_wait3A_97] : memref<10000x128xf32, #tpu.memory_space<vmem_shared>> -> memref<64x128xf32, #tpu.memory_space<vmem_shared>>
        %dma_wait3A_99 = arith.constant 0 : i32
        %dma_wait3A_100 = arith.constant 0 : i32
        %dma_wait3A_101 = tpu.memref_slice %arg10[%dma_wait3A_99, %dma_wait3A_100] : memref<80x128xf32, #tpu.memory_space<vmem>> -> memref<64x128xf32, #tpu.memory_space<vmem>>
        tpu.wait_dma2 semaphore(%run_scoped3A : memref<!tpu.dma_semaphore, #tpu.memory_space<semaphore_mem>>) src(%dma_wait3A_101 : memref<64x128xf32, #tpu.memory_space<vmem>>) dst(%dma_wait3A_98 : memref<64x128xf32, #tpu.memory_space<vmem_shared>>)
        tpu.yield
      }) : () -> ()
      %add3A_72 = arith.constant 320 : i32
      %add3A_73 = arith.addi %mul3A_9, %add3A_72 : i32
      "tpu.region"() ({
        %run_scoped3A = tpu.sem_alloc : memref<!tpu.dma_semaphore, #tpu.memory_space<semaphore_mem>>
        %dma_start3A_82 = arith.constant 0 : i32
        %dma_start3A_83 = arith.constant 0 : i32
        %dma_start3A_84 = tpu.memref_slice %arg10[%dma_start3A_82, %dma_start3A_83] : memref<80x128xf32, #tpu.memory_space<vmem>> -> memref<64x128xf32, #tpu.memory_space<vmem>>
        %dma_start3A_85 = arith.constant 0 : i32
        %dma_start3A_86 = tpu.memref_slice %arg12[%add3A_73, %dma_start3A_85] : memref<10000x128xf32, #tpu.memory_space<vmem_shared>> -> memref<64x128xf32, #tpu.memory_space<vmem_shared>>
        %dma_start3A_87 = arith.constant 0 : i32
        %dma_start3A_88 = tpu.memref_slice %arg12[%add3A_73, %dma_start3A_87] : memref<10000x128xf32, #tpu.memory_space<vmem_shared>> -> memref<64x128xf32, #tpu.memory_space<vmem_shared>>
        %dma_start3A_89 = arith.constant 0 : i32
        %dma_start3A_90 = arith.constant 0 : i32
        %dma_start3A_91 = tpu.memref_slice %arg10[%dma_start3A_89, %dma_start3A_90] : memref<80x128xf32, #tpu.memory_space<vmem>> -> memref<64x128xf32, #tpu.memory_space<vmem>>
        tpu.enqueue_dma source(%dma_start3A_91 : memref<64x128xf32, #tpu.memory_space<vmem>>) target(%dma_start3A_88 : memref<64x128xf32, #tpu.memory_space<vmem_shared>>) target_semaphore(%run_scoped3A : memref<!tpu.dma_semaphore, #tpu.memory_space<semaphore_mem>>)
        %dma_wait3A_92 = arith.constant 0 : i32
        %dma_wait3A_93 = arith.constant 0 : i32
        %dma_wait3A_94 = tpu.memref_slice %arg10[%dma_wait3A_92, %dma_wait3A_93] : memref<80x128xf32, #tpu.memory_space<vmem>> -> memref<64x128xf32, #tpu.memory_space<vmem>>
        %dma_wait3A_95 = arith.constant 0 : i32
        %dma_wait3A_96 = tpu.memref_slice %arg12[%add3A_73, %dma_wait3A_95] : memref<10000x128xf32, #tpu.memory_space<vmem_shared>> -> memref<64x128xf32, #tpu.memory_space<vmem_shared>>
        %dma_wait3A_97 = arith.constant 0 : i32
        %dma_wait3A_98 = tpu.memref_slice %arg12[%add3A_73, %dma_wait3A_97] : memref<10000x128xf32, #tpu.memory_space<vmem_shared>> -> memref<64x128xf32, #tpu.memory_space<vmem_shared>>
        %dma_wait3A_99 = arith.constant 0 : i32
        %dma_wait3A_100 = arith.constant 0 : i32
        %dma_wait3A_101 = tpu.memref_slice %arg10[%dma_wait3A_99, %dma_wait3A_100] : memref<80x128xf32, #tpu.memory_space<vmem>> -> memref<64x128xf32, #tpu.memory_space<vmem>>
        tpu.wait_dma2 semaphore(%run_scoped3A : memref<!tpu.dma_semaphore, #tpu.memory_space<semaphore_mem>>) src(%dma_wait3A_101 : memref<64x128xf32, #tpu.memory_space<vmem>>) dst(%dma_wait3A_98 : memref<64x128xf32, #tpu.memory_space<vmem_shared>>)
        tpu.yield
      }) : () -> ()
      %add3A_74 = arith.constant 384 : i32
      %add3A_75 = arith.addi %mul3A_9, %add3A_74 : i32
      "tpu.region"() ({
        %run_scoped3A = tpu.sem_alloc : memref<!tpu.dma_semaphore, #tpu.memory_space<semaphore_mem>>
        %dma_start3A_82 = arith.constant 0 : i32
        %dma_start3A_83 = arith.constant 0 : i32
        %dma_start3A_84 = tpu.memref_slice %arg10[%dma_start3A_82, %dma_start3A_83] : memref<80x128xf32, #tpu.memory_space<vmem>> -> memref<64x128xf32, #tpu.memory_space<vmem>>
        %dma_start3A_85 = arith.constant 0 : i32
        %dma_start3A_86 = tpu.memref_slice %arg12[%add3A_75, %dma_start3A_85] : memref<10000x128xf32, #tpu.memory_space<vmem_shared>> -> memref<64x128xf32, #tpu.memory_space<vmem_shared>>
        %dma_start3A_87 = arith.constant 0 : i32
        %dma_start3A_88 = tpu.memref_slice %arg12[%add3A_75, %dma_start3A_87] : memref<10000x128xf32, #tpu.memory_space<vmem_shared>> -> memref<64x128xf32, #tpu.memory_space<vmem_shared>>
        %dma_start3A_89 = arith.constant 0 : i32
        %dma_start3A_90 = arith.constant 0 : i32
        %dma_start3A_91 = tpu.memref_slice %arg10[%dma_start3A_89, %dma_start3A_90] : memref<80x128xf32, #tpu.memory_space<vmem>> -> memref<64x128xf32, #tpu.memory_space<vmem>>
        tpu.enqueue_dma source(%dma_start3A_91 : memref<64x128xf32, #tpu.memory_space<vmem>>) target(%dma_start3A_88 : memref<64x128xf32, #tpu.memory_space<vmem_shared>>) target_semaphore(%run_scoped3A : memref<!tpu.dma_semaphore, #tpu.memory_space<semaphore_mem>>)
        %dma_wait3A_92 = arith.constant 0 : i32
        %dma_wait3A_93 = arith.constant 0 : i32
        %dma_wait3A_94 = tpu.memref_slice %arg10[%dma_wait3A_92, %dma_wait3A_93] : memref<80x128xf32, #tpu.memory_space<vmem>> -> memref<64x128xf32, #tpu.memory_space<vmem>>
        %dma_wait3A_95 = arith.constant 0 : i32
        %dma_wait3A_96 = tpu.memref_slice %arg12[%add3A_75, %dma_wait3A_95] : memref<10000x128xf32, #tpu.memory_space<vmem_shared>> -> memref<64x128xf32, #tpu.memory_space<vmem_shared>>
        %dma_wait3A_97 = arith.constant 0 : i32
        %dma_wait3A_98 = tpu.memref_slice %arg12[%add3A_75, %dma_wait3A_97] : memref<10000x128xf32, #tpu.memory_space<vmem_shared>> -> memref<64x128xf32, #tpu.memory_space<vmem_shared>>
        %dma_wait3A_99 = arith.constant 0 : i32
        %dma_wait3A_100 = arith.constant 0 : i32
        %dma_wait3A_101 = tpu.memref_slice %arg10[%dma_wait3A_99, %dma_wait3A_100] : memref<80x128xf32, #tpu.memory_space<vmem>> -> memref<64x128xf32, #tpu.memory_space<vmem>>
        tpu.wait_dma2 semaphore(%run_scoped3A : memref<!tpu.dma_semaphore, #tpu.memory_space<semaphore_mem>>) src(%dma_wait3A_101 : memref<64x128xf32, #tpu.memory_space<vmem>>) dst(%dma_wait3A_98 : memref<64x128xf32, #tpu.memory_space<vmem_shared>>)
        tpu.yield
      }) : () -> ()
      %add3A_76 = arith.constant 448 : i32
      %add3A_77 = arith.addi %mul3A_9, %add3A_76 : i32
      "tpu.region"() ({
        %run_scoped3A = tpu.sem_alloc : memref<!tpu.dma_semaphore, #tpu.memory_space<semaphore_mem>>
        %dma_start3A_82 = arith.constant 0 : i32
        %dma_start3A_83 = arith.constant 0 : i32
        %dma_start3A_84 = tpu.memref_slice %arg10[%dma_start3A_82, %dma_start3A_83] : memref<80x128xf32, #tpu.memory_space<vmem>> -> memref<64x128xf32, #tpu.memory_space<vmem>>
        %dma_start3A_85 = arith.constant 0 : i32
        %dma_start3A_86 = tpu.memref_slice %arg12[%add3A_77, %dma_start3A_85] : memref<10000x128xf32, #tpu.memory_space<vmem_shared>> -> memref<64x128xf32, #tpu.memory_space<vmem_shared>>
        %dma_start3A_87 = arith.constant 0 : i32
        %dma_start3A_88 = tpu.memref_slice %arg12[%add3A_77, %dma_start3A_87] : memref<10000x128xf32, #tpu.memory_space<vmem_shared>> -> memref<64x128xf32, #tpu.memory_space<vmem_shared>>
        %dma_start3A_89 = arith.constant 0 : i32
        %dma_start3A_90 = arith.constant 0 : i32
        %dma_start3A_91 = tpu.memref_slice %arg10[%dma_start3A_89, %dma_start3A_90] : memref<80x128xf32, #tpu.memory_space<vmem>> -> memref<64x128xf32, #tpu.memory_space<vmem>>
        tpu.enqueue_dma source(%dma_start3A_91 : memref<64x128xf32, #tpu.memory_space<vmem>>) target(%dma_start3A_88 : memref<64x128xf32, #tpu.memory_space<vmem_shared>>) target_semaphore(%run_scoped3A : memref<!tpu.dma_semaphore, #tpu.memory_space<semaphore_mem>>)
        %dma_wait3A_92 = arith.constant 0 : i32
        %dma_wait3A_93 = arith.constant 0 : i32
        %dma_wait3A_94 = tpu.memref_slice %arg10[%dma_wait3A_92, %dma_wait3A_93] : memref<80x128xf32, #tpu.memory_space<vmem>> -> memref<64x128xf32, #tpu.memory_space<vmem>>
        %dma_wait3A_95 = arith.constant 0 : i32
        %dma_wait3A_96 = tpu.memref_slice %arg12[%add3A_77, %dma_wait3A_95] : memref<10000x128xf32, #tpu.memory_space<vmem_shared>> -> memref<64x128xf32, #tpu.memory_space<vmem_shared>>
        %dma_wait3A_97 = arith.constant 0 : i32
        %dma_wait3A_98 = tpu.memref_slice %arg12[%add3A_77, %dma_wait3A_97] : memref<10000x128xf32, #tpu.memory_space<vmem_shared>> -> memref<64x128xf32, #tpu.memory_space<vmem_shared>>
        %dma_wait3A_99 = arith.constant 0 : i32
        %dma_wait3A_100 = arith.constant 0 : i32
        %dma_wait3A_101 = tpu.memref_slice %arg10[%dma_wait3A_99, %dma_wait3A_100] : memref<80x128xf32, #tpu.memory_space<vmem>> -> memref<64x128xf32, #tpu.memory_space<vmem>>
        tpu.wait_dma2 semaphore(%run_scoped3A : memref<!tpu.dma_semaphore, #tpu.memory_space<semaphore_mem>>) src(%dma_wait3A_101 : memref<64x128xf32, #tpu.memory_space<vmem>>) dst(%dma_wait3A_98 : memref<64x128xf32, #tpu.memory_space<vmem_shared>>)
        tpu.yield
      }) : () -> ()
      %add3A_78 = arith.constant 512 : i32
      %add3A_79 = arith.addi %mul3A_9, %add3A_78 : i32
      "tpu.region"() ({
        %run_scoped3A = tpu.sem_alloc : memref<!tpu.dma_semaphore, #tpu.memory_space<semaphore_mem>>
        %dma_start3A_82 = arith.constant 0 : i32
        %dma_start3A_83 = arith.constant 0 : i32
        %dma_start3A_84 = tpu.memref_slice %arg10[%dma_start3A_82, %dma_start3A_83] : memref<80x128xf32, #tpu.memory_space<vmem>> -> memref<64x128xf32, #tpu.memory_space<vmem>>
        %dma_start3A_85 = arith.constant 0 : i32
        %dma_start3A_86 = tpu.memref_slice %arg12[%add3A_79, %dma_start3A_85] : memref<10000x128xf32, #tpu.memory_space<vmem_shared>> -> memref<64x128xf32, #tpu.memory_space<vmem_shared>>
        %dma_start3A_87 = arith.constant 0 : i32
        %dma_start3A_88 = tpu.memref_slice %arg12[%add3A_79, %dma_start3A_87] : memref<10000x128xf32, #tpu.memory_space<vmem_shared>> -> memref<64x128xf32, #tpu.memory_space<vmem_shared>>
        %dma_start3A_89 = arith.constant 0 : i32
        %dma_start3A_90 = arith.constant 0 : i32
        %dma_start3A_91 = tpu.memref_slice %arg10[%dma_start3A_89, %dma_start3A_90] : memref<80x128xf32, #tpu.memory_space<vmem>> -> memref<64x128xf32, #tpu.memory_space<vmem>>
        tpu.enqueue_dma source(%dma_start3A_91 : memref<64x128xf32, #tpu.memory_space<vmem>>) target(%dma_start3A_88 : memref<64x128xf32, #tpu.memory_space<vmem_shared>>) target_semaphore(%run_scoped3A : memref<!tpu.dma_semaphore, #tpu.memory_space<semaphore_mem>>)
        %dma_wait3A_92 = arith.constant 0 : i32
        %dma_wait3A_93 = arith.constant 0 : i32
        %dma_wait3A_94 = tpu.memref_slice %arg10[%dma_wait3A_92, %dma_wait3A_93] : memref<80x128xf32, #tpu.memory_space<vmem>> -> memref<64x128xf32, #tpu.memory_space<vmem>>
        %dma_wait3A_95 = arith.constant 0 : i32
        %dma_wait3A_96 = tpu.memref_slice %arg12[%add3A_79, %dma_wait3A_95] : memref<10000x128xf32, #tpu.memory_space<vmem_shared>> -> memref<64x128xf32, #tpu.memory_space<vmem_shared>>
        %dma_wait3A_97 = arith.constant 0 : i32
        %dma_wait3A_98 = tpu.memref_slice %arg12[%add3A_79, %dma_wait3A_97] : memref<10000x128xf32, #tpu.memory_space<vmem_shared>> -> memref<64x128xf32, #tpu.memory_space<vmem_shared>>
        %dma_wait3A_99 = arith.constant 0 : i32
        %dma_wait3A_100 = arith.constant 0 : i32
        %dma_wait3A_101 = tpu.memref_slice %arg10[%dma_wait3A_99, %dma_wait3A_100] : memref<80x128xf32, #tpu.memory_space<vmem>> -> memref<64x128xf32, #tpu.memory_space<vmem>>
        tpu.wait_dma2 semaphore(%run_scoped3A : memref<!tpu.dma_semaphore, #tpu.memory_space<semaphore_mem>>) src(%dma_wait3A_101 : memref<64x128xf32, #tpu.memory_space<vmem>>) dst(%dma_wait3A_98 : memref<64x128xf32, #tpu.memory_space<vmem_shared>>)
        tpu.yield
      }) : () -> ()
      %add3A_80 = arith.constant 576 : i32
      %add3A_81 = arith.addi %mul3A_9, %add3A_80 : i32
      "tpu.region"() ({
        %run_scoped3A = tpu.sem_alloc : memref<!tpu.dma_semaphore, #tpu.memory_space<semaphore_mem>>
        %dma_start3A_82 = arith.constant 0 : i32
        %dma_start3A_83 = arith.constant 0 : i32
        %dma_start3A_84 = tpu.memref_slice %arg10[%dma_start3A_82, %dma_start3A_83] : memref<80x128xf32, #tpu.memory_space<vmem>> -> memref<56x128xf32, #tpu.memory_space<vmem>>
        %dma_start3A_85 = arith.constant 0 : i32
        %dma_start3A_86 = tpu.memref_slice %arg12[%add3A_81, %dma_start3A_85] : memref<10000x128xf32, #tpu.memory_space<vmem_shared>> -> memref<56x128xf32, #tpu.memory_space<vmem_shared>>
        %dma_start3A_87 = arith.constant 0 : i32
        %dma_start3A_88 = tpu.memref_slice %arg12[%add3A_81, %dma_start3A_87] : memref<10000x128xf32, #tpu.memory_space<vmem_shared>> -> memref<56x128xf32, #tpu.memory_space<vmem_shared>>
        %dma_start3A_89 = arith.constant 0 : i32
        %dma_start3A_90 = arith.constant 0 : i32
        %dma_start3A_91 = tpu.memref_slice %arg10[%dma_start3A_89, %dma_start3A_90] : memref<80x128xf32, #tpu.memory_space<vmem>> -> memref<56x128xf32, #tpu.memory_space<vmem>>
        tpu.enqueue_dma source(%dma_start3A_91 : memref<56x128xf32, #tpu.memory_space<vmem>>) target(%dma_start3A_88 : memref<56x128xf32, #tpu.memory_space<vmem_shared>>) target_semaphore(%run_scoped3A : memref<!tpu.dma_semaphore, #tpu.memory_space<semaphore_mem>>)
        %dma_wait3A_92 = arith.constant 0 : i32
        %dma_wait3A_93 = arith.constant 0 : i32
        %dma_wait3A_94 = tpu.memref_slice %arg10[%dma_wait3A_92, %dma_wait3A_93] : memref<80x128xf32, #tpu.memory_space<vmem>> -> memref<56x128xf32, #tpu.memory_space<vmem>>
        %dma_wait3A_95 = arith.constant 0 : i32
        %dma_wait3A_96 = tpu.memref_slice %arg12[%add3A_81, %dma_wait3A_95] : memref<10000x128xf32, #tpu.memory_space<vmem_shared>> -> memref<56x128xf32, #tpu.memory_space<vmem_shared>>
        %dma_wait3A_97 = arith.constant 0 : i32
        %dma_wait3A_98 = tpu.memref_slice %arg12[%add3A_81, %dma_wait3A_97] : memref<10000x128xf32, #tpu.memory_space<vmem_shared>> -> memref<56x128xf32, #tpu.memory_space<vmem_shared>>
        %dma_wait3A_99 = arith.constant 0 : i32
        %dma_wait3A_100 = arith.constant 0 : i32
        %dma_wait3A_101 = tpu.memref_slice %arg10[%dma_wait3A_99, %dma_wait3A_100] : memref<80x128xf32, #tpu.memory_space<vmem>> -> memref<56x128xf32, #tpu.memory_space<vmem>>
        tpu.wait_dma2 semaphore(%run_scoped3A : memref<!tpu.dma_semaphore, #tpu.memory_space<semaphore_mem>>) src(%dma_wait3A_101 : memref<56x128xf32, #tpu.memory_space<vmem>>) dst(%dma_wait3A_98 : memref<56x128xf32, #tpu.memory_space<vmem_shared>>)
        tpu.yield
      }) : () -> ()
    } else {
    }
    %eq3A = arith.constant 15 : i32
    %eq3A_12 = arith.cmpi eq, %arg1, %eq3A : i32
    %convert_element_type3A_13 = arith.extui %eq3A_12 : i1 to i32
    %cond3A_14 = arith.constant 0 : i32
    %cond3A_15 = arith.cmpi ne, %convert_element_type3A_13, %cond3A_14 : i32
    scf.if %cond3A_15 {
      %add3A_62 = arith.constant 0 : i32
      %add3A_63 = arith.addi %mul3A_9, %add3A_62 : i32
      "tpu.region"() ({
        %run_scoped3A = tpu.sem_alloc : memref<!tpu.dma_semaphore, #tpu.memory_space<semaphore_mem>>
        %dma_start3A_80 = arith.constant 0 : i32
        %dma_start3A_81 = arith.constant 0 : i32
        %dma_start3A_82 = tpu.memref_slice %arg10[%dma_start3A_80, %dma_start3A_81] : memref<80x128xf32, #tpu.memory_space<vmem>> -> memref<64x128xf32, #tpu.memory_space<vmem>>
        %dma_start3A_83 = arith.constant 0 : i32
        %dma_start3A_84 = tpu.memref_slice %arg12[%add3A_63, %dma_start3A_83] : memref<10000x128xf32, #tpu.memory_space<vmem_shared>> -> memref<64x128xf32, #tpu.memory_space<vmem_shared>>
        %dma_start3A_85 = arith.constant 0 : i32
        %dma_start3A_86 = tpu.memref_slice %arg12[%add3A_63, %dma_start3A_85] : memref<10000x128xf32, #tpu.memory_space<vmem_shared>> -> memref<64x128xf32, #tpu.memory_space<vmem_shared>>
        %dma_start3A_87 = arith.constant 0 : i32
        %dma_start3A_88 = arith.constant 0 : i32
        %dma_start3A_89 = tpu.memref_slice %arg10[%dma_start3A_87, %dma_start3A_88] : memref<80x128xf32, #tpu.memory_space<vmem>> -> memref<64x128xf32, #tpu.memory_space<vmem>>
        tpu.enqueue_dma source(%dma_start3A_89 : memref<64x128xf32, #tpu.memory_space<vmem>>) target(%dma_start3A_86 : memref<64x128xf32, #tpu.memory_space<vmem_shared>>) target_semaphore(%run_scoped3A : memref<!tpu.dma_semaphore, #tpu.memory_space<semaphore_mem>>)
        %dma_wait3A_90 = arith.constant 0 : i32
        %dma_wait3A_91 = arith.constant 0 : i32
        %dma_wait3A_92 = tpu.memref_slice %arg10[%dma_wait3A_90, %dma_wait3A_91] : memref<80x128xf32, #tpu.memory_space<vmem>> -> memref<64x128xf32, #tpu.memory_space<vmem>>
        %dma_wait3A_93 = arith.constant 0 : i32
        %dma_wait3A_94 = tpu.memref_slice %arg12[%add3A_63, %dma_wait3A_93] : memref<10000x128xf32, #tpu.memory_space<vmem_shared>> -> memref<64x128xf32, #tpu.memory_space<vmem_shared>>
        %dma_wait3A_95 = arith.constant 0 : i32
        %dma_wait3A_96 = tpu.memref_slice %arg12[%add3A_63, %dma_wait3A_95] : memref<10000x128xf32, #tpu.memory_space<vmem_shared>> -> memref<64x128xf32, #tpu.memory_space<vmem_shared>>
        %dma_wait3A_97 = arith.constant 0 : i32
        %dma_wait3A_98 = arith.constant 0 : i32
        %dma_wait3A_99 = tpu.memref_slice %arg10[%dma_wait3A_97, %dma_wait3A_98] : memref<80x128xf32, #tpu.memory_space<vmem>> -> memref<64x128xf32, #tpu.memory_space<vmem>>
        tpu.wait_dma2 semaphore(%run_scoped3A : memref<!tpu.dma_semaphore, #tpu.memory_space<semaphore_mem>>) src(%dma_wait3A_99 : memref<64x128xf32, #tpu.memory_space<vmem>>) dst(%dma_wait3A_96 : memref<64x128xf32, #tpu.memory_space<vmem_shared>>)
        tpu.yield
      }) : () -> ()
      %add3A_64 = arith.constant 64 : i32
      %add3A_65 = arith.addi %mul3A_9, %add3A_64 : i32
      "tpu.region"() ({
        %run_scoped3A = tpu.sem_alloc : memref<!tpu.dma_semaphore, #tpu.memory_space<semaphore_mem>>
        %dma_start3A_80 = arith.constant 0 : i32
        %dma_start3A_81 = arith.constant 0 : i32
        %dma_start3A_82 = tpu.memref_slice %arg10[%dma_start3A_80, %dma_start3A_81] : memref<80x128xf32, #tpu.memory_space<vmem>> -> memref<64x128xf32, #tpu.memory_space<vmem>>
        %dma_start3A_83 = arith.constant 0 : i32
        %dma_start3A_84 = tpu.memref_slice %arg12[%add3A_65, %dma_start3A_83] : memref<10000x128xf32, #tpu.memory_space<vmem_shared>> -> memref<64x128xf32, #tpu.memory_space<vmem_shared>>
        %dma_start3A_85 = arith.constant 0 : i32
        %dma_start3A_86 = tpu.memref_slice %arg12[%add3A_65, %dma_start3A_85] : memref<10000x128xf32, #tpu.memory_space<vmem_shared>> -> memref<64x128xf32, #tpu.memory_space<vmem_shared>>
        %dma_start3A_87 = arith.constant 0 : i32
        %dma_start3A_88 = arith.constant 0 : i32
        %dma_start3A_89 = tpu.memref_slice %arg10[%dma_start3A_87, %dma_start3A_88] : memref<80x128xf32, #tpu.memory_space<vmem>> -> memref<64x128xf32, #tpu.memory_space<vmem>>
        tpu.enqueue_dma source(%dma_start3A_89 : memref<64x128xf32, #tpu.memory_space<vmem>>) target(%dma_start3A_86 : memref<64x128xf32, #tpu.memory_space<vmem_shared>>) target_semaphore(%run_scoped3A : memref<!tpu.dma_semaphore, #tpu.memory_space<semaphore_mem>>)
        %dma_wait3A_90 = arith.constant 0 : i32
        %dma_wait3A_91 = arith.constant 0 : i32
        %dma_wait3A_92 = tpu.memref_slice %arg10[%dma_wait3A_90, %dma_wait3A_91] : memref<80x128xf32, #tpu.memory_space<vmem>> -> memref<64x128xf32, #tpu.memory_space<vmem>>
        %dma_wait3A_93 = arith.constant 0 : i32
        %dma_wait3A_94 = tpu.memref_slice %arg12[%add3A_65, %dma_wait3A_93] : memref<10000x128xf32, #tpu.memory_space<vmem_shared>> -> memref<64x128xf32, #tpu.memory_space<vmem_shared>>
        %dma_wait3A_95 = arith.constant 0 : i32
        %dma_wait3A_96 = tpu.memref_slice %arg12[%add3A_65, %dma_wait3A_95] : memref<10000x128xf32, #tpu.memory_space<vmem_shared>> -> memref<64x128xf32, #tpu.memory_space<vmem_shared>>
        %dma_wait3A_97 = arith.constant 0 : i32
        %dma_wait3A_98 = arith.constant 0 : i32
        %dma_wait3A_99 = tpu.memref_slice %arg10[%dma_wait3A_97, %dma_wait3A_98] : memref<80x128xf32, #tpu.memory_space<vmem>> -> memref<64x128xf32, #tpu.memory_space<vmem>>
        tpu.wait_dma2 semaphore(%run_scoped3A : memref<!tpu.dma_semaphore, #tpu.memory_space<semaphore_mem>>) src(%dma_wait3A_99 : memref<64x128xf32, #tpu.memory_space<vmem>>) dst(%dma_wait3A_96 : memref<64x128xf32, #tpu.memory_space<vmem_shared>>)
        tpu.yield
      }) : () -> ()
      %add3A_66 = arith.constant 128 : i32
      %add3A_67 = arith.addi %mul3A_9, %add3A_66 : i32
      "tpu.region"() ({
        %run_scoped3A = tpu.sem_alloc : memref<!tpu.dma_semaphore, #tpu.memory_space<semaphore_mem>>
        %dma_start3A_80 = arith.constant 0 : i32
        %dma_start3A_81 = arith.constant 0 : i32
        %dma_start3A_82 = tpu.memref_slice %arg10[%dma_start3A_80, %dma_start3A_81] : memref<80x128xf32, #tpu.memory_space<vmem>> -> memref<64x128xf32, #tpu.memory_space<vmem>>
        %dma_start3A_83 = arith.constant 0 : i32
        %dma_start3A_84 = tpu.memref_slice %arg12[%add3A_67, %dma_start3A_83] : memref<10000x128xf32, #tpu.memory_space<vmem_shared>> -> memref<64x128xf32, #tpu.memory_space<vmem_shared>>
        %dma_start3A_85 = arith.constant 0 : i32
        %dma_start3A_86 = tpu.memref_slice %arg12[%add3A_67, %dma_start3A_85] : memref<10000x128xf32, #tpu.memory_space<vmem_shared>> -> memref<64x128xf32, #tpu.memory_space<vmem_shared>>
        %dma_start3A_87 = arith.constant 0 : i32
        %dma_start3A_88 = arith.constant 0 : i32
        %dma_start3A_89 = tpu.memref_slice %arg10[%dma_start3A_87, %dma_start3A_88] : memref<80x128xf32, #tpu.memory_space<vmem>> -> memref<64x128xf32, #tpu.memory_space<vmem>>
        tpu.enqueue_dma source(%dma_start3A_89 : memref<64x128xf32, #tpu.memory_space<vmem>>) target(%dma_start3A_86 : memref<64x128xf32, #tpu.memory_space<vmem_shared>>) target_semaphore(%run_scoped3A : memref<!tpu.dma_semaphore, #tpu.memory_space<semaphore_mem>>)
        %dma_wait3A_90 = arith.constant 0 : i32
        %dma_wait3A_91 = arith.constant 0 : i32
        %dma_wait3A_92 = tpu.memref_slice %arg10[%dma_wait3A_90, %dma_wait3A_91] : memref<80x128xf32, #tpu.memory_space<vmem>> -> memref<64x128xf32, #tpu.memory_space<vmem>>
        %dma_wait3A_93 = arith.constant 0 : i32
        %dma_wait3A_94 = tpu.memref_slice %arg12[%add3A_67, %dma_wait3A_93] : memref<10000x128xf32, #tpu.memory_space<vmem_shared>> -> memref<64x128xf32, #tpu.memory_space<vmem_shared>>
        %dma_wait3A_95 = arith.constant 0 : i32
        %dma_wait3A_96 = tpu.memref_slice %arg12[%add3A_67, %dma_wait3A_95] : memref<10000x128xf32, #tpu.memory_space<vmem_shared>> -> memref<64x128xf32, #tpu.memory_space<vmem_shared>>
        %dma_wait3A_97 = arith.constant 0 : i32
        %dma_wait3A_98 = arith.constant 0 : i32
        %dma_wait3A_99 = tpu.memref_slice %arg10[%dma_wait3A_97, %dma_wait3A_98] : memref<80x128xf32, #tpu.memory_space<vmem>> -> memref<64x128xf32, #tpu.memory_space<vmem>>
        tpu.wait_dma2 semaphore(%run_scoped3A : memref<!tpu.dma_semaphore, #tpu.memory_space<semaphore_mem>>) src(%dma_wait3A_99 : memref<64x128xf32, #tpu.memory_space<vmem>>) dst(%dma_wait3A_96 : memref<64x128xf32, #tpu.memory_space<vmem_shared>>)
        tpu.yield
      }) : () -> ()
      %add3A_68 = arith.constant 192 : i32
      %add3A_69 = arith.addi %mul3A_9, %add3A_68 : i32
      "tpu.region"() ({
        %run_scoped3A = tpu.sem_alloc : memref<!tpu.dma_semaphore, #tpu.memory_space<semaphore_mem>>
        %dma_start3A_80 = arith.constant 0 : i32
        %dma_start3A_81 = arith.constant 0 : i32
        %dma_start3A_82 = tpu.memref_slice %arg10[%dma_start3A_80, %dma_start3A_81] : memref<80x128xf32, #tpu.memory_space<vmem>> -> memref<64x128xf32, #tpu.memory_space<vmem>>
        %dma_start3A_83 = arith.constant 0 : i32
        %dma_start3A_84 = tpu.memref_slice %arg12[%add3A_69, %dma_start3A_83] : memref<10000x128xf32, #tpu.memory_space<vmem_shared>> -> memref<64x128xf32, #tpu.memory_space<vmem_shared>>
        %dma_start3A_85 = arith.constant 0 : i32
        %dma_start3A_86 = tpu.memref_slice %arg12[%add3A_69, %dma_start3A_85] : memref<10000x128xf32, #tpu.memory_space<vmem_shared>> -> memref<64x128xf32, #tpu.memory_space<vmem_shared>>
        %dma_start3A_87 = arith.constant 0 : i32
        %dma_start3A_88 = arith.constant 0 : i32
        %dma_start3A_89 = tpu.memref_slice %arg10[%dma_start3A_87, %dma_start3A_88] : memref<80x128xf32, #tpu.memory_space<vmem>> -> memref<64x128xf32, #tpu.memory_space<vmem>>
        tpu.enqueue_dma source(%dma_start3A_89 : memref<64x128xf32, #tpu.memory_space<vmem>>) target(%dma_start3A_86 : memref<64x128xf32, #tpu.memory_space<vmem_shared>>) target_semaphore(%run_scoped3A : memref<!tpu.dma_semaphore, #tpu.memory_space<semaphore_mem>>)
        %dma_wait3A_90 = arith.constant 0 : i32
        %dma_wait3A_91 = arith.constant 0 : i32
        %dma_wait3A_92 = tpu.memref_slice %arg10[%dma_wait3A_90, %dma_wait3A_91] : memref<80x128xf32, #tpu.memory_space<vmem>> -> memref<64x128xf32, #tpu.memory_space<vmem>>
        %dma_wait3A_93 = arith.constant 0 : i32
        %dma_wait3A_94 = tpu.memref_slice %arg12[%add3A_69, %dma_wait3A_93] : memref<10000x128xf32, #tpu.memory_space<vmem_shared>> -> memref<64x128xf32, #tpu.memory_space<vmem_shared>>
        %dma_wait3A_95 = arith.constant 0 : i32
        %dma_wait3A_96 = tpu.memref_slice %arg12[%add3A_69, %dma_wait3A_95] : memref<10000x128xf32, #tpu.memory_space<vmem_shared>> -> memref<64x128xf32, #tpu.memory_space<vmem_shared>>
        %dma_wait3A_97 = arith.constant 0 : i32
        %dma_wait3A_98 = arith.constant 0 : i32
        %dma_wait3A_99 = tpu.memref_slice %arg10[%dma_wait3A_97, %dma_wait3A_98] : memref<80x128xf32, #tpu.memory_space<vmem>> -> memref<64x128xf32, #tpu.memory_space<vmem>>
        tpu.wait_dma2 semaphore(%run_scoped3A : memref<!tpu.dma_semaphore, #tpu.memory_space<semaphore_mem>>) src(%dma_wait3A_99 : memref<64x128xf32, #tpu.memory_space<vmem>>) dst(%dma_wait3A_96 : memref<64x128xf32, #tpu.memory_space<vmem_shared>>)
        tpu.yield
      }) : () -> ()
      %add3A_70 = arith.constant 256 : i32
      %add3A_71 = arith.addi %mul3A_9, %add3A_70 : i32
      "tpu.region"() ({
        %run_scoped3A = tpu.sem_alloc : memref<!tpu.dma_semaphore, #tpu.memory_space<semaphore_mem>>
        %dma_start3A_80 = arith.constant 0 : i32
        %dma_start3A_81 = arith.constant 0 : i32
        %dma_start3A_82 = tpu.memref_slice %arg10[%dma_start3A_80, %dma_start3A_81] : memref<80x128xf32, #tpu.memory_space<vmem>> -> memref<64x128xf32, #tpu.memory_space<vmem>>
        %dma_start3A_83 = arith.constant 0 : i32
        %dma_start3A_84 = tpu.memref_slice %arg12[%add3A_71, %dma_start3A_83] : memref<10000x128xf32, #tpu.memory_space<vmem_shared>> -> memref<64x128xf32, #tpu.memory_space<vmem_shared>>
        %dma_start3A_85 = arith.constant 0 : i32
        %dma_start3A_86 = tpu.memref_slice %arg12[%add3A_71, %dma_start3A_85] : memref<10000x128xf32, #tpu.memory_space<vmem_shared>> -> memref<64x128xf32, #tpu.memory_space<vmem_shared>>
        %dma_start3A_87 = arith.constant 0 : i32
        %dma_start3A_88 = arith.constant 0 : i32
        %dma_start3A_89 = tpu.memref_slice %arg10[%dma_start3A_87, %dma_start3A_88] : memref<80x128xf32, #tpu.memory_space<vmem>> -> memref<64x128xf32, #tpu.memory_space<vmem>>
        tpu.enqueue_dma source(%dma_start3A_89 : memref<64x128xf32, #tpu.memory_space<vmem>>) target(%dma_start3A_86 : memref<64x128xf32, #tpu.memory_space<vmem_shared>>) target_semaphore(%run_scoped3A : memref<!tpu.dma_semaphore, #tpu.memory_space<semaphore_mem>>)
        %dma_wait3A_90 = arith.constant 0 : i32
        %dma_wait3A_91 = arith.constant 0 : i32
        %dma_wait3A_92 = tpu.memref_slice %arg10[%dma_wait3A_90, %dma_wait3A_91] : memref<80x128xf32, #tpu.memory_space<vmem>> -> memref<64x128xf32, #tpu.memory_space<vmem>>
        %dma_wait3A_93 = arith.constant 0 : i32
        %dma_wait3A_94 = tpu.memref_slice %arg12[%add3A_71, %dma_wait3A_93] : memref<10000x128xf32, #tpu.memory_space<vmem_shared>> -> memref<64x128xf32, #tpu.memory_space<vmem_shared>>
        %dma_wait3A_95 = arith.constant 0 : i32
        %dma_wait3A_96 = tpu.memref_slice %arg12[%add3A_71, %dma_wait3A_95] : memref<10000x128xf32, #tpu.memory_space<vmem_shared>> -> memref<64x128xf32, #tpu.memory_space<vmem_shared>>
        %dma_wait3A_97 = arith.constant 0 : i32
        %dma_wait3A_98 = arith.constant 0 : i32
        %dma_wait3A_99 = tpu.memref_slice %arg10[%dma_wait3A_97, %dma_wait3A_98] : memref<80x128xf32, #tpu.memory_space<vmem>> -> memref<64x128xf32, #tpu.memory_space<vmem>>
        tpu.wait_dma2 semaphore(%run_scoped3A : memref<!tpu.dma_semaphore, #tpu.memory_space<semaphore_mem>>) src(%dma_wait3A_99 : memref<64x128xf32, #tpu.memory_space<vmem>>) dst(%dma_wait3A_96 : memref<64x128xf32, #tpu.memory_space<vmem_shared>>)
        tpu.yield
      }) : () -> ()
      %add3A_72 = arith.constant 320 : i32
      %add3A_73 = arith.addi %mul3A_9, %add3A_72 : i32
      "tpu.region"() ({
        %run_scoped3A = tpu.sem_alloc : memref<!tpu.dma_semaphore, #tpu.memory_space<semaphore_mem>>
        %dma_start3A_80 = arith.constant 0 : i32
        %dma_start3A_81 = arith.constant 0 : i32
        %dma_start3A_82 = tpu.memref_slice %arg10[%dma_start3A_80, %dma_start3A_81] : memref<80x128xf32, #tpu.memory_space<vmem>> -> memref<64x128xf32, #tpu.memory_space<vmem>>
        %dma_start3A_83 = arith.constant 0 : i32
        %dma_start3A_84 = tpu.memref_slice %arg12[%add3A_73, %dma_start3A_83] : memref<10000x128xf32, #tpu.memory_space<vmem_shared>> -> memref<64x128xf32, #tpu.memory_space<vmem_shared>>
        %dma_start3A_85 = arith.constant 0 : i32
        %dma_start3A_86 = tpu.memref_slice %arg12[%add3A_73, %dma_start3A_85] : memref<10000x128xf32, #tpu.memory_space<vmem_shared>> -> memref<64x128xf32, #tpu.memory_space<vmem_shared>>
        %dma_start3A_87 = arith.constant 0 : i32
        %dma_start3A_88 = arith.constant 0 : i32
        %dma_start3A_89 = tpu.memref_slice %arg10[%dma_start3A_87, %dma_start3A_88] : memref<80x128xf32, #tpu.memory_space<vmem>> -> memref<64x128xf32, #tpu.memory_space<vmem>>
        tpu.enqueue_dma source(%dma_start3A_89 : memref<64x128xf32, #tpu.memory_space<vmem>>) target(%dma_start3A_86 : memref<64x128xf32, #tpu.memory_space<vmem_shared>>) target_semaphore(%run_scoped3A : memref<!tpu.dma_semaphore, #tpu.memory_space<semaphore_mem>>)
        %dma_wait3A_90 = arith.constant 0 : i32
        %dma_wait3A_91 = arith.constant 0 : i32
        %dma_wait3A_92 = tpu.memref_slice %arg10[%dma_wait3A_90, %dma_wait3A_91] : memref<80x128xf32, #tpu.memory_space<vmem>> -> memref<64x128xf32, #tpu.memory_space<vmem>>
        %dma_wait3A_93 = arith.constant 0 : i32
        %dma_wait3A_94 = tpu.memref_slice %arg12[%add3A_73, %dma_wait3A_93] : memref<10000x128xf32, #tpu.memory_space<vmem_shared>> -> memref<64x128xf32, #tpu.memory_space<vmem_shared>>
        %dma_wait3A_95 = arith.constant 0 : i32
        %dma_wait3A_96 = tpu.memref_slice %arg12[%add3A_73, %dma_wait3A_95] : memref<10000x128xf32, #tpu.memory_space<vmem_shared>> -> memref<64x128xf32, #tpu.memory_space<vmem_shared>>
        %dma_wait3A_97 = arith.constant 0 : i32
        %dma_wait3A_98 = arith.constant 0 : i32
        %dma_wait3A_99 = tpu.memref_slice %arg10[%dma_wait3A_97, %dma_wait3A_98] : memref<80x128xf32, #tpu.memory_space<vmem>> -> memref<64x128xf32, #tpu.memory_space<vmem>>
        tpu.wait_dma2 semaphore(%run_scoped3A : memref<!tpu.dma_semaphore, #tpu.memory_space<semaphore_mem>>) src(%dma_wait3A_99 : memref<64x128xf32, #tpu.memory_space<vmem>>) dst(%dma_wait3A_96 : memref<64x128xf32, #tpu.memory_space<vmem_shared>>)
        tpu.yield
      }) : () -> ()
      %add3A_74 = arith.constant 384 : i32
      %add3A_75 = arith.addi %mul3A_9, %add3A_74 : i32
      "tpu.region"() ({
        %run_scoped3A = tpu.sem_alloc : memref<!tpu.dma_semaphore, #tpu.memory_space<semaphore_mem>>
        %dma_start3A_80 = arith.constant 0 : i32
        %dma_start3A_81 = arith.constant 0 : i32
        %dma_start3A_82 = tpu.memref_slice %arg10[%dma_start3A_80, %dma_start3A_81] : memref<80x128xf32, #tpu.memory_space<vmem>> -> memref<64x128xf32, #tpu.memory_space<vmem>>
        %dma_start3A_83 = arith.constant 0 : i32
        %dma_start3A_84 = tpu.memref_slice %arg12[%add3A_75, %dma_start3A_83] : memref<10000x128xf32, #tpu.memory_space<vmem_shared>> -> memref<64x128xf32, #tpu.memory_space<vmem_shared>>
        %dma_start3A_85 = arith.constant 0 : i32
        %dma_start3A_86 = tpu.memref_slice %arg12[%add3A_75, %dma_start3A_85] : memref<10000x128xf32, #tpu.memory_space<vmem_shared>> -> memref<64x128xf32, #tpu.memory_space<vmem_shared>>
        %dma_start3A_87 = arith.constant 0 : i32
        %dma_start3A_88 = arith.constant 0 : i32
        %dma_start3A_89 = tpu.memref_slice %arg10[%dma_start3A_87, %dma_start3A_88] : memref<80x128xf32, #tpu.memory_space<vmem>> -> memref<64x128xf32, #tpu.memory_space<vmem>>
        tpu.enqueue_dma source(%dma_start3A_89 : memref<64x128xf32, #tpu.memory_space<vmem>>) target(%dma_start3A_86 : memref<64x128xf32, #tpu.memory_space<vmem_shared>>) target_semaphore(%run_scoped3A : memref<!tpu.dma_semaphore, #tpu.memory_space<semaphore_mem>>)
        %dma_wait3A_90 = arith.constant 0 : i32
        %dma_wait3A_91 = arith.constant 0 : i32
        %dma_wait3A_92 = tpu.memref_slice %arg10[%dma_wait3A_90, %dma_wait3A_91] : memref<80x128xf32, #tpu.memory_space<vmem>> -> memref<64x128xf32, #tpu.memory_space<vmem>>
        %dma_wait3A_93 = arith.constant 0 : i32
        %dma_wait3A_94 = tpu.memref_slice %arg12[%add3A_75, %dma_wait3A_93] : memref<10000x128xf32, #tpu.memory_space<vmem_shared>> -> memref<64x128xf32, #tpu.memory_space<vmem_shared>>
        %dma_wait3A_95 = arith.constant 0 : i32
        %dma_wait3A_96 = tpu.memref_slice %arg12[%add3A_75, %dma_wait3A_95] : memref<10000x128xf32, #tpu.memory_space<vmem_shared>> -> memref<64x128xf32, #tpu.memory_space<vmem_shared>>
        %dma_wait3A_97 = arith.constant 0 : i32
        %dma_wait3A_98 = arith.constant 0 : i32
        %dma_wait3A_99 = tpu.memref_slice %arg10[%dma_wait3A_97, %dma_wait3A_98] : memref<80x128xf32, #tpu.memory_space<vmem>> -> memref<64x128xf32, #tpu.memory_space<vmem>>
        tpu.wait_dma2 semaphore(%run_scoped3A : memref<!tpu.dma_semaphore, #tpu.memory_space<semaphore_mem>>) src(%dma_wait3A_99 : memref<64x128xf32, #tpu.memory_space<vmem>>) dst(%dma_wait3A_96 : memref<64x128xf32, #tpu.memory_space<vmem_shared>>)
        tpu.yield
      }) : () -> ()
      %add3A_76 = arith.constant 448 : i32
      %add3A_77 = arith.addi %mul3A_9, %add3A_76 : i32
      "tpu.region"() ({
        %run_scoped3A = tpu.sem_alloc : memref<!tpu.dma_semaphore, #tpu.memory_space<semaphore_mem>>
        %dma_start3A_80 = arith.constant 0 : i32
        %dma_start3A_81 = arith.constant 0 : i32
        %dma_start3A_82 = tpu.memref_slice %arg10[%dma_start3A_80, %dma_start3A_81] : memref<80x128xf32, #tpu.memory_space<vmem>> -> memref<64x128xf32, #tpu.memory_space<vmem>>
        %dma_start3A_83 = arith.constant 0 : i32
        %dma_start3A_84 = tpu.memref_slice %arg12[%add3A_77, %dma_start3A_83] : memref<10000x128xf32, #tpu.memory_space<vmem_shared>> -> memref<64x128xf32, #tpu.memory_space<vmem_shared>>
        %dma_start3A_85 = arith.constant 0 : i32
        %dma_start3A_86 = tpu.memref_slice %arg12[%add3A_77, %dma_start3A_85] : memref<10000x128xf32, #tpu.memory_space<vmem_shared>> -> memref<64x128xf32, #tpu.memory_space<vmem_shared>>
        %dma_start3A_87 = arith.constant 0 : i32
        %dma_start3A_88 = arith.constant 0 : i32
        %dma_start3A_89 = tpu.memref_slice %arg10[%dma_start3A_87, %dma_start3A_88] : memref<80x128xf32, #tpu.memory_space<vmem>> -> memref<64x128xf32, #tpu.memory_space<vmem>>
        tpu.enqueue_dma source(%dma_start3A_89 : memref<64x128xf32, #tpu.memory_space<vmem>>) target(%dma_start3A_86 : memref<64x128xf32, #tpu.memory_space<vmem_shared>>) target_semaphore(%run_scoped3A : memref<!tpu.dma_semaphore, #tpu.memory_space<semaphore_mem>>)
        %dma_wait3A_90 = arith.constant 0 : i32
        %dma_wait3A_91 = arith.constant 0 : i32
        %dma_wait3A_92 = tpu.memref_slice %arg10[%dma_wait3A_90, %dma_wait3A_91] : memref<80x128xf32, #tpu.memory_space<vmem>> -> memref<64x128xf32, #tpu.memory_space<vmem>>
        %dma_wait3A_93 = arith.constant 0 : i32
        %dma_wait3A_94 = tpu.memref_slice %arg12[%add3A_77, %dma_wait3A_93] : memref<10000x128xf32, #tpu.memory_space<vmem_shared>> -> memref<64x128xf32, #tpu.memory_space<vmem_shared>>
        %dma_wait3A_95 = arith.constant 0 : i32
        %dma_wait3A_96 = tpu.memref_slice %arg12[%add3A_77, %dma_wait3A_95] : memref<10000x128xf32, #tpu.memory_space<vmem_shared>> -> memref<64x128xf32, #tpu.memory_space<vmem_shared>>
        %dma_wait3A_97 = arith.constant 0 : i32
        %dma_wait3A_98 = arith.constant 0 : i32
        %dma_wait3A_99 = tpu.memref_slice %arg10[%dma_wait3A_97, %dma_wait3A_98] : memref<80x128xf32, #tpu.memory_space<vmem>> -> memref<64x128xf32, #tpu.memory_space<vmem>>
        tpu.wait_dma2 semaphore(%run_scoped3A : memref<!tpu.dma_semaphore, #tpu.memory_space<semaphore_mem>>) src(%dma_wait3A_99 : memref<64x128xf32, #tpu.memory_space<vmem>>) dst(%dma_wait3A_96 : memref<64x128xf32, #tpu.memory_space<vmem_shared>>)
        tpu.yield
      }) : () -> ()
      %add3A_78 = arith.constant 512 : i32
      %add3A_79 = arith.addi %mul3A_9, %add3A_78 : i32
      "tpu.region"() ({
        %run_scoped3A = tpu.sem_alloc : memref<!tpu.dma_semaphore, #tpu.memory_space<semaphore_mem>>
        %dma_start3A_80 = arith.constant 0 : i32
        %dma_start3A_81 = arith.constant 0 : i32
        %dma_start3A_82 = tpu.memref_slice %arg10[%dma_start3A_80, %dma_start3A_81] : memref<80x128xf32, #tpu.memory_space<vmem>> -> memref<8x128xf32, #tpu.memory_space<vmem>>
        %dma_start3A_83 = arith.constant 0 : i32
        %dma_start3A_84 = tpu.memref_slice %arg12[%add3A_79, %dma_start3A_83] : memref<10000x128xf32, #tpu.memory_space<vmem_shared>> -> memref<8x128xf32, #tpu.memory_space<vmem_shared>>
        %dma_start3A_85 = arith.constant 0 : i32
        %dma_start3A_86 = tpu.memref_slice %arg12[%add3A_79, %dma_start3A_85] : memref<10000x128xf32, #tpu.memory_space<vmem_shared>> -> memref<8x128xf32, #tpu.memory_space<vmem_shared>>
        %dma_start3A_87 = arith.constant 0 : i32
        %dma_start3A_88 = arith.constant 0 : i32
        %dma_start3A_89 = tpu.memref_slice %arg10[%dma_start3A_87, %dma_start3A_88] : memref<80x128xf32, #tpu.memory_space<vmem>> -> memref<8x128xf32, #tpu.memory_space<vmem>>
        tpu.enqueue_dma source(%dma_start3A_89 : memref<8x128xf32, #tpu.memory_space<vmem>>) target(%dma_start3A_86 : memref<8x128xf32, #tpu.memory_space<vmem_shared>>) target_semaphore(%run_scoped3A : memref<!tpu.dma_semaphore, #tpu.memory_space<semaphore_mem>>)
        %dma_wait3A_90 = arith.constant 0 : i32
        %dma_wait3A_91 = arith.constant 0 : i32
        %dma_wait3A_92 = tpu.memref_slice %arg10[%dma_wait3A_90, %dma_wait3A_91] : memref<80x128xf32, #tpu.memory_space<vmem>> -> memref<8x128xf32, #tpu.memory_space<vmem>>
        %dma_wait3A_93 = arith.constant 0 : i32
        %dma_wait3A_94 = tpu.memref_slice %arg12[%add3A_79, %dma_wait3A_93] : memref<10000x128xf32, #tpu.memory_space<vmem_shared>> -> memref<8x128xf32, #tpu.memory_space<vmem_shared>>
        %dma_wait3A_95 = arith.constant 0 : i32
        %dma_wait3A_96 = tpu.memref_slice %arg12[%add3A_79, %dma_wait3A_95] : memref<10000x128xf32, #tpu.memory_space<vmem_shared>> -> memref<8x128xf32, #tpu.memory_space<vmem_shared>>
        %dma_wait3A_97 = arith.constant 0 : i32
        %dma_wait3A_98 = arith.constant 0 : i32
        %dma_wait3A_99 = tpu.memref_slice %arg10[%dma_wait3A_97, %dma_wait3A_98] : memref<80x128xf32, #tpu.memory_space<vmem>> -> memref<8x128xf32, #tpu.memory_space<vmem>>
        tpu.wait_dma2 semaphore(%run_scoped3A : memref<!tpu.dma_semaphore, #tpu.memory_space<semaphore_mem>>) src(%dma_wait3A_99 : memref<8x128xf32, #tpu.memory_space<vmem>>) dst(%dma_wait3A_96 : memref<8x128xf32, #tpu.memory_space<vmem_shared>>)
        tpu.yield
      }) : () -> ()
    } else {
    }
    %barrier3A = arith.constant 0 : index
    tpu.barrier barrier_id(%barrier3A)
    %add3A_16 = arith.constant 0 : i32
    %add3A_17 = arith.addi %add3A, %add3A_16 : i32
    %dma_start3A = tpu.memref_slice %arg4[%add3A_17] : memref<640000xi32, #tpu.memory_space<hbm>> -> memref<80xi32, #tpu.memory_space<hbm>>
    %dma_start3A_18 = tpu.memref_slice %arg4[%add3A_17] : memref<640000xi32, #tpu.memory_space<hbm>> -> memref<80xi32, #tpu.memory_space<hbm>>
    tpu.enqueue_dma source(%dma_start3A_18 : memref<80xi32, #tpu.memory_space<hbm>>) target(%arg6 : memref<80xi32, #tpu.memory_space<vmem>>) target_semaphore(%arg15 : memref<!tpu.dma_semaphore, #tpu.memory_space<semaphore_mem>>)
    %dma_start3A_19 = tpu.memref_slice %arg3[%add3A_17] : memref<640000xi32, #tpu.memory_space<hbm>> -> memref<80xi32, #tpu.memory_space<hbm>>
    %dma_start3A_20 = tpu.memref_slice %arg3[%add3A_17] : memref<640000xi32, #tpu.memory_space<hbm>> -> memref<80xi32, #tpu.memory_space<hbm>>
    tpu.enqueue_dma source(%dma_start3A_20 : memref<80xi32, #tpu.memory_space<hbm>>) target(%arg8 : memref<80xi32, #tpu.memory_space<vmem>>) target_semaphore(%arg15 : memref<!tpu.dma_semaphore, #tpu.memory_space<semaphore_mem>>)
    %dma_wait3A = tpu.memref_slice %arg4[%add3A_17] : memref<640000xi32, #tpu.memory_space<hbm>> -> memref<80xi32, #tpu.memory_space<hbm>>
    %dma_wait3A_21 = tpu.memref_slice %arg4[%add3A_17] : memref<640000xi32, #tpu.memory_space<hbm>> -> memref<80xi32, #tpu.memory_space<hbm>>
    tpu.wait_dma2 semaphore(%arg15 : memref<!tpu.dma_semaphore, #tpu.memory_space<semaphore_mem>>) src(%dma_wait3A_21 : memref<80xi32, #tpu.memory_space<hbm>>) dst(%arg6 : memref<80xi32, #tpu.memory_space<vmem>>)
    %dma_wait3A_22 = tpu.memref_slice %arg3[%add3A_17] : memref<640000xi32, #tpu.memory_space<hbm>> -> memref<80xi32, #tpu.memory_space<hbm>>
    %dma_wait3A_23 = tpu.memref_slice %arg3[%add3A_17] : memref<640000xi32, #tpu.memory_space<hbm>> -> memref<80xi32, #tpu.memory_space<hbm>>
    tpu.wait_dma2 semaphore(%arg15 : memref<!tpu.dma_semaphore, #tpu.memory_space<semaphore_mem>>) src(%dma_wait3A_23 : memref<80xi32, #tpu.memory_space<hbm>>) dst(%arg8 : memref<80xi32, #tpu.memory_space<vmem>>)
    %dma_start3A_24 = arith.constant 0 : i32
    %dma_start3A_25 = arith.constant 0 : i32
    %dma_start3A_26 = tpu.memref_slice %arg2[%dma_start3A_24, %dma_start3A_25] : memref<20000x128xf32, #tpu.memory_space<hbm>> -> memref<20000x128xf32, #tpu.memory_space<hbm>>
    tpu.enqueue_indirect_dma source(%dma_start3A_26 : memref<20000x128xf32, #tpu.memory_space<hbm>>) target(%arg10 : memref<80x128xf32, #tpu.memory_space<vmem>>) offsets(%arg6 : memref<80xi32, #tpu.memory_space<vmem>>) semaphore(%arg13 : memref<!tpu.dma_semaphore, #tpu.memory_space<semaphore_mem>>)
    %add3A_27 = arith.constant 80 : i32
    %add3A_28 = arith.addi %add3A, %add3A_27 : i32
    %dma_start3A_29 = tpu.memref_slice %arg4[%add3A_28] : memref<640000xi32, #tpu.memory_space<hbm>> -> memref<80xi32, #tpu.memory_space<hbm>>
    %dma_start3A_30 = tpu.memref_slice %arg4[%add3A_28] : memref<640000xi32, #tpu.memory_space<hbm>> -> memref<80xi32, #tpu.memory_space<hbm>>
    tpu.enqueue_dma source(%dma_start3A_30 : memref<80xi32, #tpu.memory_space<hbm>>) target(%arg7 : memref<80xi32, #tpu.memory_space<vmem>>) target_semaphore(%arg16 : memref<!tpu.dma_semaphore, #tpu.memory_space<semaphore_mem>>)
    %dma_start3A_31 = tpu.memref_slice %arg3[%add3A_28] : memref<640000xi32, #tpu.memory_space<hbm>> -> memref<80xi32, #tpu.memory_space<hbm>>
    %dma_start3A_32 = tpu.memref_slice %arg3[%add3A_28] : memref<640000xi32, #tpu.memory_space<hbm>> -> memref<80xi32, #tpu.memory_space<hbm>>
    tpu.enqueue_dma source(%dma_start3A_32 : memref<80xi32, #tpu.memory_space<hbm>>) target(%arg9 : memref<80xi32, #tpu.memory_space<vmem>>) target_semaphore(%arg16 : memref<!tpu.dma_semaphore, #tpu.memory_space<semaphore_mem>>)
    %scan3A_33 = arith.constant 0 : i32
    %scan3A_34 = arith.constant 125 : i32
    %scan3A_35 = arith.addi %scan3A_33, %scan3A_34 : i32
    %scan3A_36 = arith.constant 1 : i32
    scf.for %scan3A_62 = %scan3A_33 to %scan3A_35 step %scan3A_36  : i32 {
      %mul3A_63 = arith.constant 2 : i32
      %mul3A_64 = arith.muli %scan3A_62, %mul3A_63 : i32
      %add3A_65 = arith.constant 0 : i32
      %add3A_66 = arith.addi %add3A_65, %mul3A_64 : i32
      %add3A_67 = arith.constant 0 : i32
      %add3A_68 = arith.addi %add3A_66, %add3A_67 : i32
      %dma_wait3A_69 = arith.constant 0 : i32
      %dma_wait3A_70 = tpu.memref_slice %arg4[%dma_wait3A_69] : memref<640000xi32, #tpu.memory_space<hbm>> -> memref<80xi32, #tpu.memory_space<hbm>>
      %dma_wait3A_71 = arith.constant 0 : i32
      %dma_wait3A_72 = tpu.memref_slice %arg4[%dma_wait3A_71] : memref<640000xi32, #tpu.memory_space<hbm>> -> memref<80xi32, #tpu.memory_space<hbm>>
      tpu.wait_dma2 semaphore(%arg16 : memref<!tpu.dma_semaphore, #tpu.memory_space<semaphore_mem>>) src(%dma_wait3A_72 : memref<80xi32, #tpu.memory_space<hbm>>) dst(%arg7 : memref<80xi32, #tpu.memory_space<vmem>>)
      %dma_wait3A_73 = arith.constant 0 : i32
      %dma_wait3A_74 = tpu.memref_slice %arg3[%dma_wait3A_73] : memref<640000xi32, #tpu.memory_space<hbm>> -> memref<80xi32, #tpu.memory_space<hbm>>
      %dma_wait3A_75 = arith.constant 0 : i32
      %dma_wait3A_76 = tpu.memref_slice %arg3[%dma_wait3A_75] : memref<640000xi32, #tpu.memory_space<hbm>> -> memref<80xi32, #tpu.memory_space<hbm>>
      tpu.wait_dma2 semaphore(%arg16 : memref<!tpu.dma_semaphore, #tpu.memory_space<semaphore_mem>>) src(%dma_wait3A_76 : memref<80xi32, #tpu.memory_space<hbm>>) dst(%arg9 : memref<80xi32, #tpu.memory_space<vmem>>)
      %dma_wait3A_77 = arith.constant 0 : i32
      %dma_wait3A_78 = arith.constant 0 : i32
      %dma_wait3A_79 = tpu.memref_slice %arg2[%dma_wait3A_77, %dma_wait3A_78] : memref<20000x128xf32, #tpu.memory_space<hbm>> -> memref<20000x128xf32, #tpu.memory_space<hbm>>
      tpu.wait_indirect_dma semaphore(%arg13 : memref<!tpu.dma_semaphore, #tpu.memory_space<semaphore_mem>>) src(%dma_wait3A_79 : memref<20000x128xf32, #tpu.memory_space<hbm>>) dst(%arg10 : memref<80x128xf32, #tpu.memory_space<vmem>>)
      %dma_start3A_80 = arith.constant 0 : i32
      %dma_start3A_81 = arith.constant 0 : i32
      %dma_start3A_82 = tpu.memref_slice %arg2[%dma_start3A_80, %dma_start3A_81] : memref<20000x128xf32, #tpu.memory_space<hbm>> -> memref<20000x128xf32, #tpu.memory_space<hbm>>
      tpu.enqueue_indirect_dma source(%dma_start3A_82 : memref<20000x128xf32, #tpu.memory_space<hbm>>) target(%arg11 : memref<80x128xf32, #tpu.memory_space<vmem>>) offsets(%arg7 : memref<80xi32, #tpu.memory_space<vmem>>) semaphore(%arg14 : memref<!tpu.dma_semaphore, #tpu.memory_space<semaphore_mem>>)
      "tpu.region"() ({
        %run_scoped3A = tpu.sem_alloc : memref<!tpu.dma_semaphore, #tpu.memory_space<semaphore_mem>>
        %dma_start3A_120 = arith.constant 0 : i32
        %dma_start3A_121 = arith.constant 0 : i32
        %dma_start3A_122 = tpu.memref_slice %arg12[%dma_start3A_120, %dma_start3A_121] : memref<10000x128xf32, #tpu.memory_space<vmem_shared>> -> memref<10000x128xf32, #tpu.memory_space<vmem_shared>>
        tpu.enqueue_indirect_dma source(%arg10 : memref<80x128xf32, #tpu.memory_space<vmem>>) target(%dma_start3A_122 : memref<10000x128xf32, #tpu.memory_space<vmem_shared>>) offsets(%arg8 : memref<80xi32, #tpu.memory_space<vmem>>) semaphore(%run_scoped3A : memref<!tpu.dma_semaphore, #tpu.memory_space<semaphore_mem>>) {add = true}
        %dma_wait3A_123 = arith.constant 0 : i32
        %dma_wait3A_124 = arith.constant 0 : i32
        %dma_wait3A_125 = tpu.memref_slice %arg12[%dma_wait3A_123, %dma_wait3A_124] : memref<10000x128xf32, #tpu.memory_space<vmem_shared>> -> memref<10000x128xf32, #tpu.memory_space<vmem_shared>>
        tpu.wait_indirect_dma semaphore(%run_scoped3A : memref<!tpu.dma_semaphore, #tpu.memory_space<semaphore_mem>>) src(%arg10 : memref<80x128xf32, #tpu.memory_space<vmem>>) dst(%dma_wait3A_125 : memref<10000x128xf32, #tpu.memory_space<vmem_shared>>)
        tpu.yield
      }) : () -> ()
      %add3A_83 = arith.constant 2 : i32
      %add3A_84 = arith.addi %add3A_68, %add3A_83 : i32
      %min3A = arith.constant 249 : i32
      %min3A_85 = arith.minsi %add3A_84, %min3A : i32
      %mul3A_86 = arith.constant 80 : i32
      %mul3A_87 = arith.muli %min3A_85, %mul3A_86 : i32
      %add3A_88 = arith.addi %add3A, %mul3A_87 : i32
      %dma_start3A_89 = tpu.memref_slice %arg4[%add3A_88] : memref<640000xi32, #tpu.memory_space<hbm>> -> memref<80xi32, #tpu.memory_space<hbm>>
      %dma_start3A_90 = tpu.memref_slice %arg4[%add3A_88] : memref<640000xi32, #tpu.memory_space<hbm>> -> memref<80xi32, #tpu.memory_space<hbm>>
      tpu.enqueue_dma source(%dma_start3A_90 : memref<80xi32, #tpu.memory_space<hbm>>) target(%arg6 : memref<80xi32, #tpu.memory_space<vmem>>) target_semaphore(%arg15 : memref<!tpu.dma_semaphore, #tpu.memory_space<semaphore_mem>>)
      %dma_start3A_91 = tpu.memref_slice %arg3[%add3A_88] : memref<640000xi32, #tpu.memory_space<hbm>> -> memref<80xi32, #tpu.memory_space<hbm>>
      %dma_start3A_92 = tpu.memref_slice %arg3[%add3A_88] : memref<640000xi32, #tpu.memory_space<hbm>> -> memref<80xi32, #tpu.memory_space<hbm>>
      tpu.enqueue_dma source(%dma_start3A_92 : memref<80xi32, #tpu.memory_space<hbm>>) target(%arg8 : memref<80xi32, #tpu.memory_space<vmem>>) target_semaphore(%arg15 : memref<!tpu.dma_semaphore, #tpu.memory_space<semaphore_mem>>)
      %add3A_93 = arith.constant 1 : i32
      %add3A_94 = arith.addi %add3A_66, %add3A_93 : i32
      %dma_wait3A_95 = arith.constant 0 : i32
      %dma_wait3A_96 = tpu.memref_slice %arg4[%dma_wait3A_95] : memref<640000xi32, #tpu.memory_space<hbm>> -> memref<80xi32, #tpu.memory_space<hbm>>
      %dma_wait3A_97 = arith.constant 0 : i32
      %dma_wait3A_98 = tpu.memref_slice %arg4[%dma_wait3A_97] : memref<640000xi32, #tpu.memory_space<hbm>> -> memref<80xi32, #tpu.memory_space<hbm>>
      tpu.wait_dma2 semaphore(%arg15 : memref<!tpu.dma_semaphore, #tpu.memory_space<semaphore_mem>>) src(%dma_wait3A_98 : memref<80xi32, #tpu.memory_space<hbm>>) dst(%arg6 : memref<80xi32, #tpu.memory_space<vmem>>)
      %dma_wait3A_99 = arith.constant 0 : i32
      %dma_wait3A_100 = tpu.memref_slice %arg3[%dma_wait3A_99] : memref<640000xi32, #tpu.memory_space<hbm>> -> memref<80xi32, #tpu.memory_space<hbm>>
      %dma_wait3A_101 = arith.constant 0 : i32
      %dma_wait3A_102 = tpu.memref_slice %arg3[%dma_wait3A_101] : memref<640000xi32, #tpu.memory_space<hbm>> -> memref<80xi32, #tpu.memory_space<hbm>>
      tpu.wait_dma2 semaphore(%arg15 : memref<!tpu.dma_semaphore, #tpu.memory_space<semaphore_mem>>) src(%dma_wait3A_102 : memref<80xi32, #tpu.memory_space<hbm>>) dst(%arg8 : memref<80xi32, #tpu.memory_space<vmem>>)
      %dma_wait3A_103 = arith.constant 0 : i32
      %dma_wait3A_104 = arith.constant 0 : i32
      %dma_wait3A_105 = tpu.memref_slice %arg2[%dma_wait3A_103, %dma_wait3A_104] : memref<20000x128xf32, #tpu.memory_space<hbm>> -> memref<20000x128xf32, #tpu.memory_space<hbm>>
      tpu.wait_indirect_dma semaphore(%arg14 : memref<!tpu.dma_semaphore, #tpu.memory_space<semaphore_mem>>) src(%dma_wait3A_105 : memref<20000x128xf32, #tpu.memory_space<hbm>>) dst(%arg11 : memref<80x128xf32, #tpu.memory_space<vmem>>)
      %dma_start3A_106 = arith.constant 0 : i32
      %dma_start3A_107 = arith.constant 0 : i32
      %dma_start3A_108 = tpu.memref_slice %arg2[%dma_start3A_106, %dma_start3A_107] : memref<20000x128xf32, #tpu.memory_space<hbm>> -> memref<20000x128xf32, #tpu.memory_space<hbm>>
      tpu.enqueue_indirect_dma source(%dma_start3A_108 : memref<20000x128xf32, #tpu.memory_space<hbm>>) target(%arg10 : memref<80x128xf32, #tpu.memory_space<vmem>>) offsets(%arg6 : memref<80xi32, #tpu.memory_space<vmem>>) semaphore(%arg13 : memref<!tpu.dma_semaphore, #tpu.memory_space<semaphore_mem>>)
      "tpu.region"() ({
        %run_scoped3A = tpu.sem_alloc : memref<!tpu.dma_semaphore, #tpu.memory_space<semaphore_mem>>
        %dma_start3A_120 = arith.constant 0 : i32
        %dma_start3A_121 = arith.constant 0 : i32
        %dma_start3A_122 = tpu.memref_slice %arg12[%dma_start3A_120, %dma_start3A_121] : memref<10000x128xf32, #tpu.memory_space<vmem_shared>> -> memref<10000x128xf32, #tpu.memory_space<vmem_shared>>
        tpu.enqueue_indirect_dma source(%arg11 : memref<80x128xf32, #tpu.memory_space<vmem>>) target(%dma_start3A_122 : memref<10000x128xf32, #tpu.memory_space<vmem_shared>>) offsets(%arg9 : memref<80xi32, #tpu.memory_space<vmem>>) semaphore(%run_scoped3A : memref<!tpu.dma_semaphore, #tpu.memory_space<semaphore_mem>>) {add = true}
        %dma_wait3A_123 = arith.constant 0 : i32
        %dma_wait3A_124 = arith.constant 0 : i32
        %dma_wait3A_125 = tpu.memref_slice %arg12[%dma_wait3A_123, %dma_wait3A_124] : memref<10000x128xf32, #tpu.memory_space<vmem_shared>> -> memref<10000x128xf32, #tpu.memory_space<vmem_shared>>
        tpu.wait_indirect_dma semaphore(%run_scoped3A : memref<!tpu.dma_semaphore, #tpu.memory_space<semaphore_mem>>) src(%arg11 : memref<80x128xf32, #tpu.memory_space<vmem>>) dst(%dma_wait3A_125 : memref<10000x128xf32, #tpu.memory_space<vmem_shared>>)
        tpu.yield
      }) : () -> ()
      %add3A_109 = arith.constant 2 : i32
      %add3A_110 = arith.addi %add3A_94, %add3A_109 : i32
      %min3A_111 = arith.constant 249 : i32
      %min3A_112 = arith.minsi %add3A_110, %min3A_111 : i32
      %mul3A_113 = arith.constant 80 : i32
      %mul3A_114 = arith.muli %min3A_112, %mul3A_113 : i32
      %add3A_115 = arith.addi %add3A, %mul3A_114 : i32
      %dma_start3A_116 = tpu.memref_slice %arg4[%add3A_115] : memref<640000xi32, #tpu.memory_space<hbm>> -> memref<80xi32, #tpu.memory_space<hbm>>
      %dma_start3A_117 = tpu.memref_slice %arg4[%add3A_115] : memref<640000xi32, #tpu.memory_space<hbm>> -> memref<80xi32, #tpu.memory_space<hbm>>
      tpu.enqueue_dma source(%dma_start3A_117 : memref<80xi32, #tpu.memory_space<hbm>>) target(%arg7 : memref<80xi32, #tpu.memory_space<vmem>>) target_semaphore(%arg16 : memref<!tpu.dma_semaphore, #tpu.memory_space<semaphore_mem>>)
      %dma_start3A_118 = tpu.memref_slice %arg3[%add3A_115] : memref<640000xi32, #tpu.memory_space<hbm>> -> memref<80xi32, #tpu.memory_space<hbm>>
      %dma_start3A_119 = tpu.memref_slice %arg3[%add3A_115] : memref<640000xi32, #tpu.memory_space<hbm>> -> memref<80xi32, #tpu.memory_space<hbm>>
      tpu.enqueue_dma source(%dma_start3A_119 : memref<80xi32, #tpu.memory_space<hbm>>) target(%arg9 : memref<80xi32, #tpu.memory_space<vmem>>) target_semaphore(%arg16 : memref<!tpu.dma_semaphore, #tpu.memory_space<semaphore_mem>>)
    }
    %scan3A_37 = arith.constant 125 : i32
    %dma_wait3A_38 = arith.constant 0 : i32
    %dma_wait3A_39 = arith.constant 0 : i32
    %dma_wait3A_40 = tpu.memref_slice %arg2[%dma_wait3A_38, %dma_wait3A_39] : memref<20000x128xf32, #tpu.memory_space<hbm>> -> memref<20000x128xf32, #tpu.memory_space<hbm>>
    tpu.wait_indirect_dma semaphore(%arg13 : memref<!tpu.dma_semaphore, #tpu.memory_space<semaphore_mem>>) src(%dma_wait3A_40 : memref<20000x128xf32, #tpu.memory_space<hbm>>) dst(%arg10 : memref<80x128xf32, #tpu.memory_space<vmem>>)
    %dma_wait3A_41 = arith.constant 0 : i32
    %dma_wait3A_42 = tpu.memref_slice %arg4[%dma_wait3A_41] : memref<640000xi32, #tpu.memory_space<hbm>> -> memref<80xi32, #tpu.memory_space<hbm>>
    %dma_wait3A_43 = arith.constant 0 : i32
    %dma_wait3A_44 = tpu.memref_slice %arg4[%dma_wait3A_43] : memref<640000xi32, #tpu.memory_space<hbm>> -> memref<80xi32, #tpu.memory_space<hbm>>
    tpu.wait_dma2 semaphore(%arg16 : memref<!tpu.dma_semaphore, #tpu.memory_space<semaphore_mem>>) src(%dma_wait3A_44 : memref<80xi32, #tpu.memory_space<hbm>>) dst(%arg7 : memref<80xi32, #tpu.memory_space<vmem>>)
    %dma_wait3A_45 = arith.constant 0 : i32
    %dma_wait3A_46 = tpu.memref_slice %arg3[%dma_wait3A_45] : memref<640000xi32, #tpu.memory_space<hbm>> -> memref<80xi32, #tpu.memory_space<hbm>>
    %dma_wait3A_47 = arith.constant 0 : i32
    %dma_wait3A_48 = tpu.memref_slice %arg3[%dma_wait3A_47] : memref<640000xi32, #tpu.memory_space<hbm>> -> memref<80xi32, #tpu.memory_space<hbm>>
    tpu.wait_dma2 semaphore(%arg16 : memref<!tpu.dma_semaphore, #tpu.memory_space<semaphore_mem>>) src(%dma_wait3A_48 : memref<80xi32, #tpu.memory_space<hbm>>) dst(%arg9 : memref<80xi32, #tpu.memory_space<vmem>>)
    %barrier3A_49 = arith.constant 0 : index
    tpu.barrier barrier_id(%barrier3A_49)
    %mul3A_50 = arith.constant 632 : i32
    %mul3A_51 = arith.muli %arg1, %mul3A_50 : i32
    %lt3A_52 = arith.constant 15 : i32
    %lt3A_53 = arith.cmpi slt, %arg1, %lt3A_52 : i32
    %convert_element_type3A_54 = arith.extui %lt3A_53 : i1 to i32
    %cond3A_55 = arith.constant 0 : i32
    %cond3A_56 = arith.cmpi ne, %convert_element_type3A_54, %cond3A_55 : i32
    scf.if %cond3A_56 {
      %mul3A_62 = arith.constant 10000 : i32
      %mul3A_63 = arith.muli %arg0, %mul3A_62 : i32
      %add3A_64 = arith.addi %mul3A_63, %mul3A_51 : i32
      "tpu.region"() ({
        %run_scoped3A = tpu.sem_alloc : memref<!tpu.dma_semaphore, #tpu.memory_space<semaphore_mem>>
        %dma_start3A_65 = arith.constant 0 : i32
        %dma_start3A_66 = tpu.memref_slice %arg5[%add3A_64, %dma_start3A_65] : memref<20000x128xf32, #tpu.memory_space<hbm>> -> memref<632x128xf32, #tpu.memory_space<hbm>>
        %dma_start3A_67 = arith.constant 0 : i32
        %dma_start3A_68 = tpu.memref_slice %arg12[%mul3A_51, %dma_start3A_67] : memref<10000x128xf32, #tpu.memory_space<vmem_shared>> -> memref<632x128xf32, #tpu.memory_space<vmem_shared>>
        tpu.enqueue_dma source(%dma_start3A_68 : memref<632x128xf32, #tpu.memory_space<vmem_shared>>) target(%dma_start3A_66 : memref<632x128xf32, #tpu.memory_space<hbm>>) target_semaphore(%run_scoped3A : memref<!tpu.dma_semaphore, #tpu.memory_space<semaphore_mem>>)
        %dma_wait3A_69 = arith.constant 0 : i32
        %dma_wait3A_70 = tpu.memref_slice %arg5[%add3A_64, %dma_wait3A_69] : memref<20000x128xf32, #tpu.memory_space<hbm>> -> memref<632x128xf32, #tpu.memory_space<hbm>>
        %dma_wait3A_71 = arith.constant 0 : i32
        %dma_wait3A_72 = tpu.memref_slice %arg12[%mul3A_51, %dma_wait3A_71] : memref<10000x128xf32, #tpu.memory_space<vmem_shared>> -> memref<632x128xf32, #tpu.memory_space<vmem_shared>>
        tpu.wait_dma2 semaphore(%run_scoped3A : memref<!tpu.dma_semaphore, #tpu.memory_space<semaphore_mem>>) src(%dma_wait3A_72 : memref<632x128xf32, #tpu.memory_space<vmem_shared>>) dst(%dma_wait3A_70 : memref<632x128xf32, #tpu.memory_space<hbm>>)
        tpu.yield
      }) : () -> ()
    } else {
    }
    %eq3A_57 = arith.constant 15 : i32
    %eq3A_58 = arith.cmpi eq, %arg1, %eq3A_57 : i32
    %convert_element_type3A_59 = arith.extui %eq3A_58 : i1 to i32
    %cond3A_60 = arith.constant 0 : i32
    %cond3A_61 = arith.cmpi ne, %convert_element_type3A_59, %cond3A_60 : i32
    scf.if %cond3A_61 {
      %mul3A_62 = arith.constant 10000 : i32
      %mul3A_63 = arith.muli %arg0, %mul3A_62 : i32
      %add3A_64 = arith.addi %mul3A_63, %mul3A_51 : i32
      "tpu.region"() ({
        %run_scoped3A = tpu.sem_alloc : memref<!tpu.dma_semaphore, #tpu.memory_space<semaphore_mem>>
        %dma_start3A_65 = arith.constant 0 : i32
        %dma_start3A_66 = tpu.memref_slice %arg5[%add3A_64, %dma_start3A_65] : memref<20000x128xf32, #tpu.memory_space<hbm>> -> memref<520x128xf32, #tpu.memory_space<hbm>>
        %dma_start3A_67 = arith.constant 0 : i32
        %dma_start3A_68 = tpu.memref_slice %arg12[%mul3A_51, %dma_start3A_67] : memref<10000x128xf32, #tpu.memory_space<vmem_shared>> -> memref<520x128xf32, #tpu.memory_space<vmem_shared>>
        tpu.enqueue_dma source(%dma_start3A_68 : memref<520x128xf32, #tpu.memory_space<vmem_shared>>) target(%dma_start3A_66 : memref<520x128xf32, #tpu.memory_space<hbm>>) target_semaphore(%run_scoped3A : memref<!tpu.dma_semaphore, #tpu.memory_space<semaphore_mem>>)
        %dma_wait3A_69 = arith.constant 0 : i32
        %dma_wait3A_70 = tpu.memref_slice %arg5[%add3A_64, %dma_wait3A_69] : memref<20000x128xf32, #tpu.memory_space<hbm>> -> memref<520x128xf32, #tpu.memory_space<hbm>>
        %dma_wait3A_71 = arith.constant 0 : i32
        %dma_wait3A_72 = tpu.memref_slice %arg12[%mul3A_51, %dma_wait3A_71] : memref<10000x128xf32, #tpu.memory_space<vmem_shared>> -> memref<520x128xf32, #tpu.memory_space<vmem_shared>>
        tpu.wait_dma2 semaphore(%run_scoped3A : memref<!tpu.dma_semaphore, #tpu.memory_space<semaphore_mem>>) src(%dma_wait3A_72 : memref<520x128xf32, #tpu.memory_space<vmem_shared>>) dst(%dma_wait3A_70 : memref<520x128xf32, #tpu.memory_space<hbm>>)
        tpu.yield
      }) : () -> ()
    } else {
    }
    return
  }
}

#map = affine_map<(d0, d1) -> (0, 0)>
#map1 = affine_map<(d0, d1) -> (0)>
module attributes {stable_mosaic.version = 14 : i64} {
  func.func @body(%arg0: i32, %arg1: i32, %arg2: memref<10000x128xf32, #tpu.memory_space<hbm>>, %arg3: memref<640000xi32, #tpu.memory_space<hbm>>, %arg4: memref<640000xi32, #tpu.memory_space<hbm>>, %arg5: memref<20000x128xf32, #tpu.memory_space<hbm>>, %arg6: memref<80xi32, #tpu.memory_space<vmem>>, %arg7: memref<80xi32, #tpu.memory_space<vmem>>, %arg8: memref<80xi32, #tpu.memory_space<vmem>>, %arg9: memref<80xi32, #tpu.memory_space<vmem>>, %arg10: memref<80x128xf32, #tpu.memory_space<vmem>>, %arg11: memref<80x128xf32, #tpu.memory_space<vmem>>, %arg12: memref<10000x128xf32, #tpu.memory_space<vmem_shared>>, %arg13: memref<!tpu.dma_semaphore, #tpu.memory_space<semaphore_mem>>, %arg14: memref<!tpu.dma_semaphore, #tpu.memory_space<semaphore_mem>>, %arg15: memref<!tpu.dma_semaphore, #tpu.memory_space<semaphore_mem>>, %arg16: memref<!tpu.dma_semaphore, #tpu.memory_space<semaphore_mem>>) attributes {dimension_semantics = [#tpu.dimension_semantics<core_parallel>, #tpu.dimension_semantics<subcore_parallel>], iteration_bounds = array<i64: 2, 16>, scalar_prefetch = 0 : i64, scratch_operands = 11 : i64, tpu.core_type = #tpu.core_type<sc_vector_subcore>, window_params = [{transform_indices = #map}, {transform_indices = #map1}, {transform_indices = #map1}, {transform_indices = #map}]} {
    %mul3A = arith.constant 320000 : i32
    %mul3A_0 = arith.muli %arg0, %mul3A : i32
    %mul3A_1 = arith.constant 20000 : i32
    %mul3A_2 = arith.muli %arg1, %mul3A_1 : i32
    %add3A = arith.addi %mul3A_0, %mul3A_2 : i32
    %broadcast_in_dim3A = arith.constant 0.000000e+00 : f32
    %broadcast_in_dim3A_3 = vector.broadcast %broadcast_in_dim3A : f32 to vector<16xf32>
    %scan3A = arith.constant 0 : i32
    %scan3A_4 = arith.constant 64 : i32
    %scan3A_5 = arith.addi %scan3A, %scan3A_4 : i32
    %scan3A_6 = arith.constant 1 : i32
    scf.for %scan3A_62 = %scan3A to %scan3A_5 step %scan3A_6  : i32 {
      %mul3A_63 = arith.constant 1 : i32
      %mul3A_64 = arith.muli %scan3A_62, %mul3A_63 : i32
      %add3A_65 = arith.constant 0 : i32
      %add3A_66 = arith.addi %add3A_65, %mul3A_64 : i32
      %swap3A = arith.index_cast %add3A_66 : i32 to index
      %swap3A_67 = arith.constant 0 : index
      %swap3A_68 = tpu.vector_load %arg10[%swap3A, %swap3A_67] {strides = array<i32>} : memref<80x128xf32, #tpu.memory_space<vmem>>, vector<1x16xf32>,
      %swap3A_69 = vector.shape_cast %swap3A_68 : vector<1x16xf32> to vector<16xf32>
      %swap3A_70 = vector.shape_cast %broadcast_in_dim3A_3 : vector<16xf32> to vector<1x16xf32>
      tpu.vector_store %arg10[%swap3A, %swap3A_67], %swap3A_70 {strides = array<i32>} : memref<80x128xf32, #tpu.memory_space<vmem>>, vector<1x16xf32>,
      %swap3A_71 = arith.index_cast %add3A_66 : i32 to index
      %swap3A_72 = arith.constant 16 : index
      %swap3A_73 = tpu.vector_load %arg10[%swap3A_71, %swap3A_72] {strides = array<i32>} : memref<80x128xf32, #tpu.memory_space<vmem>>, vector<1x16xf32>,
      %swap3A_74 = vector.shape_cast %swap3A_73 : vector<1x16xf32> to vector<16xf32>
      %swap3A_75 = vector.shape_cast %broadcast_in_dim3A_3 : vector<16xf32> to vector<1x16xf32>
      tpu.vector_store %arg10[%swap3A_71, %swap3A_72], %swap3A_75 {strides = array<i32>} : memref<80x128xf32, #tpu.memory_space<vmem>>, vector<1x16xf32>,
      %swap3A_76 = arith.index_cast %add3A_66 : i32 to index
      %swap3A_77 = arith.constant 32 : index
      %swap3A_78 = tpu.vector_load %arg10[%swap3A_76, %swap3A_77] {strides = array<i32>} : memref<80x128xf32, #tpu.memory_space<vmem>>, vector<1x16xf32>,
      %swap3A_79 = vector.shape_cast %swap3A_78 : vector<1x16xf32> to vector<16xf32>
      %swap3A_80 = vector.shape_cast %broadcast_in_dim3A_3 : vector<16xf32> to vector<1x16xf32>
      tpu.vector_store %arg10[%swap3A_76, %swap3A_77], %swap3A_80 {strides = array<i32>} : memref<80x128xf32, #tpu.memory_space<vmem>>, vector<1x16xf32>,
      %swap3A_81 = arith.index_cast %add3A_66 : i32 to index
      %swap3A_82 = arith.constant 48 : index
      %swap3A_83 = tpu.vector_load %arg10[%swap3A_81, %swap3A_82] {strides = array<i32>} : memref<80x128xf32, #tpu.memory_space<vmem>>, vector<1x16xf32>,
      %swap3A_84 = vector.shape_cast %swap3A_83 : vector<1x16xf32> to vector<16xf32>
      %swap3A_85 = vector.shape_cast %broadcast_in_dim3A_3 : vector<16xf32> to vector<1x16xf32>
      tpu.vector_store %arg10[%swap3A_81, %swap3A_82], %swap3A_85 {strides = array<i32>} : memref<80x128xf32, #tpu.memory_space<vmem>>, vector<1x16xf32>,
      %swap3A_86 = arith.index_cast %add3A_66 : i32 to index
      %swap3A_87 = arith.constant 64 : index
      %swap3A_88 = tpu.vector_load %arg10[%swap3A_86, %swap3A_87] {strides = array<i32>} : memref<80x128xf32, #tpu.memory_space<vmem>>, vector<1x16xf32>,
      %swap3A_89 = vector.shape_cast %swap3A_88 : vector<1x16xf32> to vector<16xf32>
      %swap3A_90 = vector.shape_cast %broadcast_in_dim3A_3 : vector<16xf32> to vector<1x16xf32>
      tpu.vector_store %arg10[%swap3A_86, %swap3A_87], %swap3A_90 {strides = array<i32>} : memref<80x128xf32, #tpu.memory_space<vmem>>, vector<1x16xf32>,
      %swap3A_91 = arith.index_cast %add3A_66 : i32 to index
      %swap3A_92 = arith.constant 80 : index
      %swap3A_93 = tpu.vector_load %arg10[%swap3A_91, %swap3A_92] {strides = array<i32>} : memref<80x128xf32, #tpu.memory_space<vmem>>, vector<1x16xf32>,
      %swap3A_94 = vector.shape_cast %swap3A_93 : vector<1x16xf32> to vector<16xf32>
      %swap3A_95 = vector.shape_cast %broadcast_in_dim3A_3 : vector<16xf32> to vector<1x16xf32>
      tpu.vector_store %arg10[%swap3A_91, %swap3A_92], %swap3A_95 {strides = array<i32>} : memref<80x128xf32, #tpu.memory_space<vmem>>, vector<1x16xf32>,
      %swap3A_96 = arith.index_cast %add3A_66 : i32 to index
      %swap3A_97 = arith.constant 96 : index
      %swap3A_98 = tpu.vector_load %arg10[%swap3A_96, %swap3A_97] {strides = array<i32>} : memref<80x128xf32, #tpu.memory_space<vmem>>, vector<1x16xf32>,
      %swap3A_99 = vector.shape_cast %swap3A_98 : vector<1x16xf32> to vector<16xf32>
      %swap3A_100 = vector.shape_cast %broadcast_in_dim3A_3 : vector<16xf32> to vector<1x16xf32>
      tpu.vector_store %arg10[%swap3A_96, %swap3A_97], %swap3A_100 {strides = array<i32>} : memref<80x128xf32, #tpu.memory_space<vmem>>, vector<1x16xf32>,
      %swap3A_101 = arith.index_cast %add3A_66 : i32 to index
      %swap3A_102 = arith.constant 112 : index
      %swap3A_103 = tpu.vector_load %arg10[%swap3A_101, %swap3A_102] {strides = array<i32>} : memref<80x128xf32, #tpu.memory_space<vmem>>, vector<1x16xf32>,
      %swap3A_104 = vector.shape_cast %swap3A_103 : vector<1x16xf32> to vector<16xf32>
      %swap3A_105 = vector.shape_cast %broadcast_in_dim3A_3 : vector<16xf32> to vector<1x16xf32>
      tpu.vector_store %arg10[%swap3A_101, %swap3A_102], %swap3A_105 {strides = array<i32>} : memref<80x128xf32, #tpu.memory_space<vmem>>, vector<1x16xf32>,
    }
    %scan3A_7 = arith.constant 64 : i32
    %mul3A_8 = arith.constant 632 : i32
    %mul3A_9 = arith.muli %arg1, %mul3A_8 : i32
    %lt3A = arith.constant 15 : i32
    %lt3A_10 = arith.cmpi slt, %arg1, %lt3A : i32
    %convert_element_type3A = arith.extui %lt3A_10 : i1 to i32
    %cond3A = arith.constant 0 : i32
    %cond3A_11 = arith.cmpi ne, %convert_element_type3A, %cond3A : i32
    scf.if %cond3A_11 {
      %add3A_62 = arith.constant 0 : i32
      %add3A_63 = arith.addi %mul3A_9, %add3A_62 : i32
      "tpu.region"() ({
        %run_scoped3A = tpu.sem_alloc : memref<!tpu.dma_semaphore, #tpu.memory_space<semaphore_mem>>
        %dma_start3A_82 = arith.constant 0 : i32
        %dma_start3A_83 = arith.constant 0 : i32
        %dma_start3A_84 = tpu.memref_slice %arg10[%dma_start3A_82, %dma_start3A_83] : memref<80x128xf32, #tpu.memory_space<vmem>> -> memref<64x128xf32, #tpu.memory_space<vmem>>
        %dma_start3A_85 = arith.constant 0 : i32
        %dma_start3A_86 = tpu.memref_slice %arg12[%add3A_63, %dma_start3A_85] : memref<10000x128xf32, #tpu.memory_space<vmem_shared>> -> memref<64x128xf32, #tpu.memory_space<vmem_shared>>
        %dma_start3A_87 = arith.constant 0 : i32
        %dma_start3A_88 = tpu.memref_slice %arg12[%add3A_63, %dma_start3A_87] : memref<10000x128xf32, #tpu.memory_space<vmem_shared>> -> memref<64x128xf32, #tpu.memory_space<vmem_shared>>
        %dma_start3A_89 = arith.constant 0 : i32
        %dma_start3A_90 = arith.constant 0 : i32
        %dma_start3A_91 = tpu.memref_slice %arg10[%dma_start3A_89, %dma_start3A_90] : memref<80x128xf32, #tpu.memory_space<vmem>> -> memref<64x128xf32, #tpu.memory_space<vmem>>
        tpu.enqueue_dma source(%dma_start3A_91 : memref<64x128xf32, #tpu.memory_space<vmem>>) target(%dma_start3A_88 : memref<64x128xf32, #tpu.memory_space<vmem_shared>>) target_semaphore(%run_scoped3A : memref<!tpu.dma_semaphore, #tpu.memory_space<semaphore_mem>>)
        %dma_wait3A_92 = arith.constant 0 : i32
        %dma_wait3A_93 = arith.constant 0 : i32
        %dma_wait3A_94 = tpu.memref_slice %arg10[%dma_wait3A_92, %dma_wait3A_93] : memref<80x128xf32, #tpu.memory_space<vmem>> -> memref<64x128xf32, #tpu.memory_space<vmem>>
        %dma_wait3A_95 = arith.constant 0 : i32
        %dma_wait3A_96 = tpu.memref_slice %arg12[%add3A_63, %dma_wait3A_95] : memref<10000x128xf32, #tpu.memory_space<vmem_shared>> -> memref<64x128xf32, #tpu.memory_space<vmem_shared>>
        %dma_wait3A_97 = arith.constant 0 : i32
        %dma_wait3A_98 = tpu.memref_slice %arg12[%add3A_63, %dma_wait3A_97] : memref<10000x128xf32, #tpu.memory_space<vmem_shared>> -> memref<64x128xf32, #tpu.memory_space<vmem_shared>>
        %dma_wait3A_99 = arith.constant 0 : i32
        %dma_wait3A_100 = arith.constant 0 : i32
        %dma_wait3A_101 = tpu.memref_slice %arg10[%dma_wait3A_99, %dma_wait3A_100] : memref<80x128xf32, #tpu.memory_space<vmem>> -> memref<64x128xf32, #tpu.memory_space<vmem>>
        tpu.wait_dma2 semaphore(%run_scoped3A : memref<!tpu.dma_semaphore, #tpu.memory_space<semaphore_mem>>) src(%dma_wait3A_101 : memref<64x128xf32, #tpu.memory_space<vmem>>) dst(%dma_wait3A_98 : memref<64x128xf32, #tpu.memory_space<vmem_shared>>)
        tpu.yield
      }) : () -> ()
      %add3A_64 = arith.constant 64 : i32
      %add3A_65 = arith.addi %mul3A_9, %add3A_64 : i32
      "tpu.region"() ({
        %run_scoped3A = tpu.sem_alloc : memref<!tpu.dma_semaphore, #tpu.memory_space<semaphore_mem>>
        %dma_start3A_82 = arith.constant 0 : i32
        %dma_start3A_83 = arith.constant 0 : i32
        %dma_start3A_84 = tpu.memref_slice %arg10[%dma_start3A_82, %dma_start3A_83] : memref<80x128xf32, #tpu.memory_space<vmem>> -> memref<64x128xf32, #tpu.memory_space<vmem>>
        %dma_start3A_85 = arith.constant 0 : i32
        %dma_start3A_86 = tpu.memref_slice %arg12[%add3A_65, %dma_start3A_85] : memref<10000x128xf32, #tpu.memory_space<vmem_shared>> -> memref<64x128xf32, #tpu.memory_space<vmem_shared>>
        %dma_start3A_87 = arith.constant 0 : i32
        %dma_start3A_88 = tpu.memref_slice %arg12[%add3A_65, %dma_start3A_87] : memref<10000x128xf32, #tpu.memory_space<vmem_shared>> -> memref<64x128xf32, #tpu.memory_space<vmem_shared>>
        %dma_start3A_89 = arith.constant 0 : i32
        %dma_start3A_90 = arith.constant 0 : i32
        %dma_start3A_91 = tpu.memref_slice %arg10[%dma_start3A_89, %dma_start3A_90] : memref<80x128xf32, #tpu.memory_space<vmem>> -> memref<64x128xf32, #tpu.memory_space<vmem>>
        tpu.enqueue_dma source(%dma_start3A_91 : memref<64x128xf32, #tpu.memory_space<vmem>>) target(%dma_start3A_88 : memref<64x128xf32, #tpu.memory_space<vmem_shared>>) target_semaphore(%run_scoped3A : memref<!tpu.dma_semaphore, #tpu.memory_space<semaphore_mem>>)
        %dma_wait3A_92 = arith.constant 0 : i32
        %dma_wait3A_93 = arith.constant 0 : i32
        %dma_wait3A_94 = tpu.memref_slice %arg10[%dma_wait3A_92, %dma_wait3A_93] : memref<80x128xf32, #tpu.memory_space<vmem>> -> memref<64x128xf32, #tpu.memory_space<vmem>>
        %dma_wait3A_95 = arith.constant 0 : i32
        %dma_wait3A_96 = tpu.memref_slice %arg12[%add3A_65, %dma_wait3A_95] : memref<10000x128xf32, #tpu.memory_space<vmem_shared>> -> memref<64x128xf32, #tpu.memory_space<vmem_shared>>
        %dma_wait3A_97 = arith.constant 0 : i32
        %dma_wait3A_98 = tpu.memref_slice %arg12[%add3A_65, %dma_wait3A_97] : memref<10000x128xf32, #tpu.memory_space<vmem_shared>> -> memref<64x128xf32, #tpu.memory_space<vmem_shared>>
        %dma_wait3A_99 = arith.constant 0 : i32
        %dma_wait3A_100 = arith.constant 0 : i32
        %dma_wait3A_101 = tpu.memref_slice %arg10[%dma_wait3A_99, %dma_wait3A_100] : memref<80x128xf32, #tpu.memory_space<vmem>> -> memref<64x128xf32, #tpu.memory_space<vmem>>
        tpu.wait_dma2 semaphore(%run_scoped3A : memref<!tpu.dma_semaphore, #tpu.memory_space<semaphore_mem>>) src(%dma_wait3A_101 : memref<64x128xf32, #tpu.memory_space<vmem>>) dst(%dma_wait3A_98 : memref<64x128xf32, #tpu.memory_space<vmem_shared>>)
        tpu.yield
      }) : () -> ()
      %add3A_66 = arith.constant 128 : i32
      %add3A_67 = arith.addi %mul3A_9, %add3A_66 : i32
      "tpu.region"() ({
        %run_scoped3A = tpu.sem_alloc : memref<!tpu.dma_semaphore, #tpu.memory_space<semaphore_mem>>
        %dma_start3A_82 = arith.constant 0 : i32
        %dma_start3A_83 = arith.constant 0 : i32
        %dma_start3A_84 = tpu.memref_slice %arg10[%dma_start3A_82, %dma_start3A_83] : memref<80x128xf32, #tpu.memory_space<vmem>> -> memref<64x128xf32, #tpu.memory_space<vmem>>
        %dma_start3A_85 = arith.constant 0 : i32
        %dma_start3A_86 = tpu.memref_slice %arg12[%add3A_67, %dma_start3A_85] : memref<10000x128xf32, #tpu.memory_space<vmem_shared>> -> memref<64x128xf32, #tpu.memory_space<vmem_shared>>
        %dma_start3A_87 = arith.constant 0 : i32
        %dma_start3A_88 = tpu.memref_slice %arg12[%add3A_67, %dma_start3A_87] : memref<10000x128xf32, #tpu.memory_space<vmem_shared>> -> memref<64x128xf32, #tpu.memory_space<vmem_shared>>
        %dma_start3A_89 = arith.constant 0 : i32
        %dma_start3A_90 = arith.constant 0 : i32
        %dma_start3A_91 = tpu.memref_slice %arg10[%dma_start3A_89, %dma_start3A_90] : memref<80x128xf32, #tpu.memory_space<vmem>> -> memref<64x128xf32, #tpu.memory_space<vmem>>
        tpu.enqueue_dma source(%dma_start3A_91 : memref<64x128xf32, #tpu.memory_space<vmem>>) target(%dma_start3A_88 : memref<64x128xf32, #tpu.memory_space<vmem_shared>>) target_semaphore(%run_scoped3A : memref<!tpu.dma_semaphore, #tpu.memory_space<semaphore_mem>>)
        %dma_wait3A_92 = arith.constant 0 : i32
        %dma_wait3A_93 = arith.constant 0 : i32
        %dma_wait3A_94 = tpu.memref_slice %arg10[%dma_wait3A_92, %dma_wait3A_93] : memref<80x128xf32, #tpu.memory_space<vmem>> -> memref<64x128xf32, #tpu.memory_space<vmem>>
        %dma_wait3A_95 = arith.constant 0 : i32
        %dma_wait3A_96 = tpu.memref_slice %arg12[%add3A_67, %dma_wait3A_95] : memref<10000x128xf32, #tpu.memory_space<vmem_shared>> -> memref<64x128xf32, #tpu.memory_space<vmem_shared>>
        %dma_wait3A_97 = arith.constant 0 : i32
        %dma_wait3A_98 = tpu.memref_slice %arg12[%add3A_67, %dma_wait3A_97] : memref<10000x128xf32, #tpu.memory_space<vmem_shared>> -> memref<64x128xf32, #tpu.memory_space<vmem_shared>>
        %dma_wait3A_99 = arith.constant 0 : i32
        %dma_wait3A_100 = arith.constant 0 : i32
        %dma_wait3A_101 = tpu.memref_slice %arg10[%dma_wait3A_99, %dma_wait3A_100] : memref<80x128xf32, #tpu.memory_space<vmem>> -> memref<64x128xf32, #tpu.memory_space<vmem>>
        tpu.wait_dma2 semaphore(%run_scoped3A : memref<!tpu.dma_semaphore, #tpu.memory_space<semaphore_mem>>) src(%dma_wait3A_101 : memref<64x128xf32, #tpu.memory_space<vmem>>) dst(%dma_wait3A_98 : memref<64x128xf32, #tpu.memory_space<vmem_shared>>)
        tpu.yield
      }) : () -> ()
      %add3A_68 = arith.constant 192 : i32
      %add3A_69 = arith.addi %mul3A_9, %add3A_68 : i32
      "tpu.region"() ({
        %run_scoped3A = tpu.sem_alloc : memref<!tpu.dma_semaphore, #tpu.memory_space<semaphore_mem>>
        %dma_start3A_82 = arith.constant 0 : i32
        %dma_start3A_83 = arith.constant 0 : i32
        %dma_start3A_84 = tpu.memref_slice %arg10[%dma_start3A_82, %dma_start3A_83] : memref<80x128xf32, #tpu.memory_space<vmem>> -> memref<64x128xf32, #tpu.memory_space<vmem>>
        %dma_start3A_85 = arith.constant 0 : i32
        %dma_start3A_86 = tpu.memref_slice %arg12[%add3A_69, %dma_start3A_85] : memref<10000x128xf32, #tpu.memory_space<vmem_shared>> -> memref<64x128xf32, #tpu.memory_space<vmem_shared>>
        %dma_start3A_87 = arith.constant 0 : i32
        %dma_start3A_88 = tpu.memref_slice %arg12[%add3A_69, %dma_start3A_87] : memref<10000x128xf32, #tpu.memory_space<vmem_shared>> -> memref<64x128xf32, #tpu.memory_space<vmem_shared>>
        %dma_start3A_89 = arith.constant 0 : i32
        %dma_start3A_90 = arith.constant 0 : i32
        %dma_start3A_91 = tpu.memref_slice %arg10[%dma_start3A_89, %dma_start3A_90] : memref<80x128xf32, #tpu.memory_space<vmem>> -> memref<64x128xf32, #tpu.memory_space<vmem>>
        tpu.enqueue_dma source(%dma_start3A_91 : memref<64x128xf32, #tpu.memory_space<vmem>>) target(%dma_start3A_88 : memref<64x128xf32, #tpu.memory_space<vmem_shared>>) target_semaphore(%run_scoped3A : memref<!tpu.dma_semaphore, #tpu.memory_space<semaphore_mem>>)
        %dma_wait3A_92 = arith.constant 0 : i32
        %dma_wait3A_93 = arith.constant 0 : i32
        %dma_wait3A_94 = tpu.memref_slice %arg10[%dma_wait3A_92, %dma_wait3A_93] : memref<80x128xf32, #tpu.memory_space<vmem>> -> memref<64x128xf32, #tpu.memory_space<vmem>>
        %dma_wait3A_95 = arith.constant 0 : i32
        %dma_wait3A_96 = tpu.memref_slice %arg12[%add3A_69, %dma_wait3A_95] : memref<10000x128xf32, #tpu.memory_space<vmem_shared>> -> memref<64x128xf32, #tpu.memory_space<vmem_shared>>
        %dma_wait3A_97 = arith.constant 0 : i32
        %dma_wait3A_98 = tpu.memref_slice %arg12[%add3A_69, %dma_wait3A_97] : memref<10000x128xf32, #tpu.memory_space<vmem_shared>> -> memref<64x128xf32, #tpu.memory_space<vmem_shared>>
        %dma_wait3A_99 = arith.constant 0 : i32
        %dma_wait3A_100 = arith.constant 0 : i32
        %dma_wait3A_101 = tpu.memref_slice %arg10[%dma_wait3A_99, %dma_wait3A_100] : memref<80x128xf32, #tpu.memory_space<vmem>> -> memref<64x128xf32, #tpu.memory_space<vmem>>
        tpu.wait_dma2 semaphore(%run_scoped3A : memref<!tpu.dma_semaphore, #tpu.memory_space<semaphore_mem>>) src(%dma_wait3A_101 : memref<64x128xf32, #tpu.memory_space<vmem>>) dst(%dma_wait3A_98 : memref<64x128xf32, #tpu.memory_space<vmem_shared>>)
        tpu.yield
      }) : () -> ()
      %add3A_70 = arith.constant 256 : i32
      %add3A_71 = arith.addi %mul3A_9, %add3A_70 : i32
      "tpu.region"() ({
        %run_scoped3A = tpu.sem_alloc : memref<!tpu.dma_semaphore, #tpu.memory_space<semaphore_mem>>
        %dma_start3A_82 = arith.constant 0 : i32
        %dma_start3A_83 = arith.constant 0 : i32
        %dma_start3A_84 = tpu.memref_slice %arg10[%dma_start3A_82, %dma_start3A_83] : memref<80x128xf32, #tpu.memory_space<vmem>> -> memref<64x128xf32, #tpu.memory_space<vmem>>
        %dma_start3A_85 = arith.constant 0 : i32
        %dma_start3A_86 = tpu.memref_slice %arg12[%add3A_71, %dma_start3A_85] : memref<10000x128xf32, #tpu.memory_space<vmem_shared>> -> memref<64x128xf32, #tpu.memory_space<vmem_shared>>
        %dma_start3A_87 = arith.constant 0 : i32
        %dma_start3A_88 = tpu.memref_slice %arg12[%add3A_71, %dma_start3A_87] : memref<10000x128xf32, #tpu.memory_space<vmem_shared>> -> memref<64x128xf32, #tpu.memory_space<vmem_shared>>
        %dma_start3A_89 = arith.constant 0 : i32
        %dma_start3A_90 = arith.constant 0 : i32
        %dma_start3A_91 = tpu.memref_slice %arg10[%dma_start3A_89, %dma_start3A_90] : memref<80x128xf32, #tpu.memory_space<vmem>> -> memref<64x128xf32, #tpu.memory_space<vmem>>
        tpu.enqueue_dma source(%dma_start3A_91 : memref<64x128xf32, #tpu.memory_space<vmem>>) target(%dma_start3A_88 : memref<64x128xf32, #tpu.memory_space<vmem_shared>>) target_semaphore(%run_scoped3A : memref<!tpu.dma_semaphore, #tpu.memory_space<semaphore_mem>>)
        %dma_wait3A_92 = arith.constant 0 : i32
        %dma_wait3A_93 = arith.constant 0 : i32
        %dma_wait3A_94 = tpu.memref_slice %arg10[%dma_wait3A_92, %dma_wait3A_93] : memref<80x128xf32, #tpu.memory_space<vmem>> -> memref<64x128xf32, #tpu.memory_space<vmem>>
        %dma_wait3A_95 = arith.constant 0 : i32
        %dma_wait3A_96 = tpu.memref_slice %arg12[%add3A_71, %dma_wait3A_95] : memref<10000x128xf32, #tpu.memory_space<vmem_shared>> -> memref<64x128xf32, #tpu.memory_space<vmem_shared>>
        %dma_wait3A_97 = arith.constant 0 : i32
        %dma_wait3A_98 = tpu.memref_slice %arg12[%add3A_71, %dma_wait3A_97] : memref<10000x128xf32, #tpu.memory_space<vmem_shared>> -> memref<64x128xf32, #tpu.memory_space<vmem_shared>>
        %dma_wait3A_99 = arith.constant 0 : i32
        %dma_wait3A_100 = arith.constant 0 : i32
        %dma_wait3A_101 = tpu.memref_slice %arg10[%dma_wait3A_99, %dma_wait3A_100] : memref<80x128xf32, #tpu.memory_space<vmem>> -> memref<64x128xf32, #tpu.memory_space<vmem>>
        tpu.wait_dma2 semaphore(%run_scoped3A : memref<!tpu.dma_semaphore, #tpu.memory_space<semaphore_mem>>) src(%dma_wait3A_101 : memref<64x128xf32, #tpu.memory_space<vmem>>) dst(%dma_wait3A_98 : memref<64x128xf32, #tpu.memory_space<vmem_shared>>)
        tpu.yield
      }) : () -> ()
      %add3A_72 = arith.constant 320 : i32
      %add3A_73 = arith.addi %mul3A_9, %add3A_72 : i32
      "tpu.region"() ({
        %run_scoped3A = tpu.sem_alloc : memref<!tpu.dma_semaphore, #tpu.memory_space<semaphore_mem>>
        %dma_start3A_82 = arith.constant 0 : i32
        %dma_start3A_83 = arith.constant 0 : i32
        %dma_start3A_84 = tpu.memref_slice %arg10[%dma_start3A_82, %dma_start3A_83] : memref<80x128xf32, #tpu.memory_space<vmem>> -> memref<64x128xf32, #tpu.memory_space<vmem>>
        %dma_start3A_85 = arith.constant 0 : i32
        %dma_start3A_86 = tpu.memref_slice %arg12[%add3A_73, %dma_start3A_85] : memref<10000x128xf32, #tpu.memory_space<vmem_shared>> -> memref<64x128xf32, #tpu.memory_space<vmem_shared>>
        %dma_start3A_87 = arith.constant 0 : i32
        %dma_start3A_88 = tpu.memref_slice %arg12[%add3A_73, %dma_start3A_87] : memref<10000x128xf32, #tpu.memory_space<vmem_shared>> -> memref<64x128xf32, #tpu.memory_space<vmem_shared>>
        %dma_start3A_89 = arith.constant 0 : i32
        %dma_start3A_90 = arith.constant 0 : i32
        %dma_start3A_91 = tpu.memref_slice %arg10[%dma_start3A_89, %dma_start3A_90] : memref<80x128xf32, #tpu.memory_space<vmem>> -> memref<64x128xf32, #tpu.memory_space<vmem>>
        tpu.enqueue_dma source(%dma_start3A_91 : memref<64x128xf32, #tpu.memory_space<vmem>>) target(%dma_start3A_88 : memref<64x128xf32, #tpu.memory_space<vmem_shared>>) target_semaphore(%run_scoped3A : memref<!tpu.dma_semaphore, #tpu.memory_space<semaphore_mem>>)
        %dma_wait3A_92 = arith.constant 0 : i32
        %dma_wait3A_93 = arith.constant 0 : i32
        %dma_wait3A_94 = tpu.memref_slice %arg10[%dma_wait3A_92, %dma_wait3A_93] : memref<80x128xf32, #tpu.memory_space<vmem>> -> memref<64x128xf32, #tpu.memory_space<vmem>>
        %dma_wait3A_95 = arith.constant 0 : i32
        %dma_wait3A_96 = tpu.memref_slice %arg12[%add3A_73, %dma_wait3A_95] : memref<10000x128xf32, #tpu.memory_space<vmem_shared>> -> memref<64x128xf32, #tpu.memory_space<vmem_shared>>
        %dma_wait3A_97 = arith.constant 0 : i32
        %dma_wait3A_98 = tpu.memref_slice %arg12[%add3A_73, %dma_wait3A_97] : memref<10000x128xf32, #tpu.memory_space<vmem_shared>> -> memref<64x128xf32, #tpu.memory_space<vmem_shared>>
        %dma_wait3A_99 = arith.constant 0 : i32
        %dma_wait3A_100 = arith.constant 0 : i32
        %dma_wait3A_101 = tpu.memref_slice %arg10[%dma_wait3A_99, %dma_wait3A_100] : memref<80x128xf32, #tpu.memory_space<vmem>> -> memref<64x128xf32, #tpu.memory_space<vmem>>
        tpu.wait_dma2 semaphore(%run_scoped3A : memref<!tpu.dma_semaphore, #tpu.memory_space<semaphore_mem>>) src(%dma_wait3A_101 : memref<64x128xf32, #tpu.memory_space<vmem>>) dst(%dma_wait3A_98 : memref<64x128xf32, #tpu.memory_space<vmem_shared>>)
        tpu.yield
      }) : () -> ()
      %add3A_74 = arith.constant 384 : i32
      %add3A_75 = arith.addi %mul3A_9, %add3A_74 : i32
      "tpu.region"() ({
        %run_scoped3A = tpu.sem_alloc : memref<!tpu.dma_semaphore, #tpu.memory_space<semaphore_mem>>
        %dma_start3A_82 = arith.constant 0 : i32
        %dma_start3A_83 = arith.constant 0 : i32
        %dma_start3A_84 = tpu.memref_slice %arg10[%dma_start3A_82, %dma_start3A_83] : memref<80x128xf32, #tpu.memory_space<vmem>> -> memref<64x128xf32, #tpu.memory_space<vmem>>
        %dma_start3A_85 = arith.constant 0 : i32
        %dma_start3A_86 = tpu.memref_slice %arg12[%add3A_75, %dma_start3A_85] : memref<10000x128xf32, #tpu.memory_space<vmem_shared>> -> memref<64x128xf32, #tpu.memory_space<vmem_shared>>
        %dma_start3A_87 = arith.constant 0 : i32
        %dma_start3A_88 = tpu.memref_slice %arg12[%add3A_75, %dma_start3A_87] : memref<10000x128xf32, #tpu.memory_space<vmem_shared>> -> memref<64x128xf32, #tpu.memory_space<vmem_shared>>
        %dma_start3A_89 = arith.constant 0 : i32
        %dma_start3A_90 = arith.constant 0 : i32
        %dma_start3A_91 = tpu.memref_slice %arg10[%dma_start3A_89, %dma_start3A_90] : memref<80x128xf32, #tpu.memory_space<vmem>> -> memref<64x128xf32, #tpu.memory_space<vmem>>
        tpu.enqueue_dma source(%dma_start3A_91 : memref<64x128xf32, #tpu.memory_space<vmem>>) target(%dma_start3A_88 : memref<64x128xf32, #tpu.memory_space<vmem_shared>>) target_semaphore(%run_scoped3A : memref<!tpu.dma_semaphore, #tpu.memory_space<semaphore_mem>>)
        %dma_wait3A_92 = arith.constant 0 : i32
        %dma_wait3A_93 = arith.constant 0 : i32
        %dma_wait3A_94 = tpu.memref_slice %arg10[%dma_wait3A_92, %dma_wait3A_93] : memref<80x128xf32, #tpu.memory_space<vmem>> -> memref<64x128xf32, #tpu.memory_space<vmem>>
        %dma_wait3A_95 = arith.constant 0 : i32
        %dma_wait3A_96 = tpu.memref_slice %arg12[%add3A_75, %dma_wait3A_95] : memref<10000x128xf32, #tpu.memory_space<vmem_shared>> -> memref<64x128xf32, #tpu.memory_space<vmem_shared>>
        %dma_wait3A_97 = arith.constant 0 : i32
        %dma_wait3A_98 = tpu.memref_slice %arg12[%add3A_75, %dma_wait3A_97] : memref<10000x128xf32, #tpu.memory_space<vmem_shared>> -> memref<64x128xf32, #tpu.memory_space<vmem_shared>>
        %dma_wait3A_99 = arith.constant 0 : i32
        %dma_wait3A_100 = arith.constant 0 : i32
        %dma_wait3A_101 = tpu.memref_slice %arg10[%dma_wait3A_99, %dma_wait3A_100] : memref<80x128xf32, #tpu.memory_space<vmem>> -> memref<64x128xf32, #tpu.memory_space<vmem>>
        tpu.wait_dma2 semaphore(%run_scoped3A : memref<!tpu.dma_semaphore, #tpu.memory_space<semaphore_mem>>) src(%dma_wait3A_101 : memref<64x128xf32, #tpu.memory_space<vmem>>) dst(%dma_wait3A_98 : memref<64x128xf32, #tpu.memory_space<vmem_shared>>)
        tpu.yield
      }) : () -> ()
      %add3A_76 = arith.constant 448 : i32
      %add3A_77 = arith.addi %mul3A_9, %add3A_76 : i32
      "tpu.region"() ({
        %run_scoped3A = tpu.sem_alloc : memref<!tpu.dma_semaphore, #tpu.memory_space<semaphore_mem>>
        %dma_start3A_82 = arith.constant 0 : i32
        %dma_start3A_83 = arith.constant 0 : i32
        %dma_start3A_84 = tpu.memref_slice %arg10[%dma_start3A_82, %dma_start3A_83] : memref<80x128xf32, #tpu.memory_space<vmem>> -> memref<64x128xf32, #tpu.memory_space<vmem>>
        %dma_start3A_85 = arith.constant 0 : i32
        %dma_start3A_86 = tpu.memref_slice %arg12[%add3A_77, %dma_start3A_85] : memref<10000x128xf32, #tpu.memory_space<vmem_shared>> -> memref<64x128xf32, #tpu.memory_space<vmem_shared>>
        %dma_start3A_87 = arith.constant 0 : i32
        %dma_start3A_88 = tpu.memref_slice %arg12[%add3A_77, %dma_start3A_87] : memref<10000x128xf32, #tpu.memory_space<vmem_shared>> -> memref<64x128xf32, #tpu.memory_space<vmem_shared>>
        %dma_start3A_89 = arith.constant 0 : i32
        %dma_start3A_90 = arith.constant 0 : i32
        %dma_start3A_91 = tpu.memref_slice %arg10[%dma_start3A_89, %dma_start3A_90] : memref<80x128xf32, #tpu.memory_space<vmem>> -> memref<64x128xf32, #tpu.memory_space<vmem>>
        tpu.enqueue_dma source(%dma_start3A_91 : memref<64x128xf32, #tpu.memory_space<vmem>>) target(%dma_start3A_88 : memref<64x128xf32, #tpu.memory_space<vmem_shared>>) target_semaphore(%run_scoped3A : memref<!tpu.dma_semaphore, #tpu.memory_space<semaphore_mem>>)
        %dma_wait3A_92 = arith.constant 0 : i32
        %dma_wait3A_93 = arith.constant 0 : i32
        %dma_wait3A_94 = tpu.memref_slice %arg10[%dma_wait3A_92, %dma_wait3A_93] : memref<80x128xf32, #tpu.memory_space<vmem>> -> memref<64x128xf32, #tpu.memory_space<vmem>>
        %dma_wait3A_95 = arith.constant 0 : i32
        %dma_wait3A_96 = tpu.memref_slice %arg12[%add3A_77, %dma_wait3A_95] : memref<10000x128xf32, #tpu.memory_space<vmem_shared>> -> memref<64x128xf32, #tpu.memory_space<vmem_shared>>
        %dma_wait3A_97 = arith.constant 0 : i32
        %dma_wait3A_98 = tpu.memref_slice %arg12[%add3A_77, %dma_wait3A_97] : memref<10000x128xf32, #tpu.memory_space<vmem_shared>> -> memref<64x128xf32, #tpu.memory_space<vmem_shared>>
        %dma_wait3A_99 = arith.constant 0 : i32
        %dma_wait3A_100 = arith.constant 0 : i32
        %dma_wait3A_101 = tpu.memref_slice %arg10[%dma_wait3A_99, %dma_wait3A_100] : memref<80x128xf32, #tpu.memory_space<vmem>> -> memref<64x128xf32, #tpu.memory_space<vmem>>
        tpu.wait_dma2 semaphore(%run_scoped3A : memref<!tpu.dma_semaphore, #tpu.memory_space<semaphore_mem>>) src(%dma_wait3A_101 : memref<64x128xf32, #tpu.memory_space<vmem>>) dst(%dma_wait3A_98 : memref<64x128xf32, #tpu.memory_space<vmem_shared>>)
        tpu.yield
      }) : () -> ()
      %add3A_78 = arith.constant 512 : i32
      %add3A_79 = arith.addi %mul3A_9, %add3A_78 : i32
      "tpu.region"() ({
        %run_scoped3A = tpu.sem_alloc : memref<!tpu.dma_semaphore, #tpu.memory_space<semaphore_mem>>
        %dma_start3A_82 = arith.constant 0 : i32
        %dma_start3A_83 = arith.constant 0 : i32
        %dma_start3A_84 = tpu.memref_slice %arg10[%dma_start3A_82, %dma_start3A_83] : memref<80x128xf32, #tpu.memory_space<vmem>> -> memref<64x128xf32, #tpu.memory_space<vmem>>
        %dma_start3A_85 = arith.constant 0 : i32
        %dma_start3A_86 = tpu.memref_slice %arg12[%add3A_79, %dma_start3A_85] : memref<10000x128xf32, #tpu.memory_space<vmem_shared>> -> memref<64x128xf32, #tpu.memory_space<vmem_shared>>
        %dma_start3A_87 = arith.constant 0 : i32
        %dma_start3A_88 = tpu.memref_slice %arg12[%add3A_79, %dma_start3A_87] : memref<10000x128xf32, #tpu.memory_space<vmem_shared>> -> memref<64x128xf32, #tpu.memory_space<vmem_shared>>
        %dma_start3A_89 = arith.constant 0 : i32
        %dma_start3A_90 = arith.constant 0 : i32
        %dma_start3A_91 = tpu.memref_slice %arg10[%dma_start3A_89, %dma_start3A_90] : memref<80x128xf32, #tpu.memory_space<vmem>> -> memref<64x128xf32, #tpu.memory_space<vmem>>
        tpu.enqueue_dma source(%dma_start3A_91 : memref<64x128xf32, #tpu.memory_space<vmem>>) target(%dma_start3A_88 : memref<64x128xf32, #tpu.memory_space<vmem_shared>>) target_semaphore(%run_scoped3A : memref<!tpu.dma_semaphore, #tpu.memory_space<semaphore_mem>>)
        %dma_wait3A_92 = arith.constant 0 : i32
        %dma_wait3A_93 = arith.constant 0 : i32
        %dma_wait3A_94 = tpu.memref_slice %arg10[%dma_wait3A_92, %dma_wait3A_93] : memref<80x128xf32, #tpu.memory_space<vmem>> -> memref<64x128xf32, #tpu.memory_space<vmem>>
        %dma_wait3A_95 = arith.constant 0 : i32
        %dma_wait3A_96 = tpu.memref_slice %arg12[%add3A_79, %dma_wait3A_95] : memref<10000x128xf32, #tpu.memory_space<vmem_shared>> -> memref<64x128xf32, #tpu.memory_space<vmem_shared>>
        %dma_wait3A_97 = arith.constant 0 : i32
        %dma_wait3A_98 = tpu.memref_slice %arg12[%add3A_79, %dma_wait3A_97] : memref<10000x128xf32, #tpu.memory_space<vmem_shared>> -> memref<64x128xf32, #tpu.memory_space<vmem_shared>>
        %dma_wait3A_99 = arith.constant 0 : i32
        %dma_wait3A_100 = arith.constant 0 : i32
        %dma_wait3A_101 = tpu.memref_slice %arg10[%dma_wait3A_99, %dma_wait3A_100] : memref<80x128xf32, #tpu.memory_space<vmem>> -> memref<64x128xf32, #tpu.memory_space<vmem>>
        tpu.wait_dma2 semaphore(%run_scoped3A : memref<!tpu.dma_semaphore, #tpu.memory_space<semaphore_mem>>) src(%dma_wait3A_101 : memref<64x128xf32, #tpu.memory_space<vmem>>) dst(%dma_wait3A_98 : memref<64x128xf32, #tpu.memory_space<vmem_shared>>)
        tpu.yield
      }) : () -> ()
      %add3A_80 = arith.constant 576 : i32
      %add3A_81 = arith.addi %mul3A_9, %add3A_80 : i32
      "tpu.region"() ({
        %run_scoped3A = tpu.sem_alloc : memref<!tpu.dma_semaphore, #tpu.memory_space<semaphore_mem>>
        %dma_start3A_82 = arith.constant 0 : i32
        %dma_start3A_83 = arith.constant 0 : i32
        %dma_start3A_84 = tpu.memref_slice %arg10[%dma_start3A_82, %dma_start3A_83] : memref<80x128xf32, #tpu.memory_space<vmem>> -> memref<56x128xf32, #tpu.memory_space<vmem>>
        %dma_start3A_85 = arith.constant 0 : i32
        %dma_start3A_86 = tpu.memref_slice %arg12[%add3A_81, %dma_start3A_85] : memref<10000x128xf32, #tpu.memory_space<vmem_shared>> -> memref<56x128xf32, #tpu.memory_space<vmem_shared>>
        %dma_start3A_87 = arith.constant 0 : i32
        %dma_start3A_88 = tpu.memref_slice %arg12[%add3A_81, %dma_start3A_87] : memref<10000x128xf32, #tpu.memory_space<vmem_shared>> -> memref<56x128xf32, #tpu.memory_space<vmem_shared>>
        %dma_start3A_89 = arith.constant 0 : i32
        %dma_start3A_90 = arith.constant 0 : i32
        %dma_start3A_91 = tpu.memref_slice %arg10[%dma_start3A_89, %dma_start3A_90] : memref<80x128xf32, #tpu.memory_space<vmem>> -> memref<56x128xf32, #tpu.memory_space<vmem>>
        tpu.enqueue_dma source(%dma_start3A_91 : memref<56x128xf32, #tpu.memory_space<vmem>>) target(%dma_start3A_88 : memref<56x128xf32, #tpu.memory_space<vmem_shared>>) target_semaphore(%run_scoped3A : memref<!tpu.dma_semaphore, #tpu.memory_space<semaphore_mem>>)
        %dma_wait3A_92 = arith.constant 0 : i32
        %dma_wait3A_93 = arith.constant 0 : i32
        %dma_wait3A_94 = tpu.memref_slice %arg10[%dma_wait3A_92, %dma_wait3A_93] : memref<80x128xf32, #tpu.memory_space<vmem>> -> memref<56x128xf32, #tpu.memory_space<vmem>>
        %dma_wait3A_95 = arith.constant 0 : i32
        %dma_wait3A_96 = tpu.memref_slice %arg12[%add3A_81, %dma_wait3A_95] : memref<10000x128xf32, #tpu.memory_space<vmem_shared>> -> memref<56x128xf32, #tpu.memory_space<vmem_shared>>
        %dma_wait3A_97 = arith.constant 0 : i32
        %dma_wait3A_98 = tpu.memref_slice %arg12[%add3A_81, %dma_wait3A_97] : memref<10000x128xf32, #tpu.memory_space<vmem_shared>> -> memref<56x128xf32, #tpu.memory_space<vmem_shared>>
        %dma_wait3A_99 = arith.constant 0 : i32
        %dma_wait3A_100 = arith.constant 0 : i32
        %dma_wait3A_101 = tpu.memref_slice %arg10[%dma_wait3A_99, %dma_wait3A_100] : memref<80x128xf32, #tpu.memory_space<vmem>> -> memref<56x128xf32, #tpu.memory_space<vmem>>
        tpu.wait_dma2 semaphore(%run_scoped3A : memref<!tpu.dma_semaphore, #tpu.memory_space<semaphore_mem>>) src(%dma_wait3A_101 : memref<56x128xf32, #tpu.memory_space<vmem>>) dst(%dma_wait3A_98 : memref<56x128xf32, #tpu.memory_space<vmem_shared>>)
        tpu.yield
      }) : () -> ()
    } else {
    }
    %eq3A = arith.constant 15 : i32
    %eq3A_12 = arith.cmpi eq, %arg1, %eq3A : i32
    %convert_element_type3A_13 = arith.extui %eq3A_12 : i1 to i32
    %cond3A_14 = arith.constant 0 : i32
    %cond3A_15 = arith.cmpi ne, %convert_element_type3A_13, %cond3A_14 : i32
    scf.if %cond3A_15 {
      %add3A_62 = arith.constant 0 : i32
      %add3A_63 = arith.addi %mul3A_9, %add3A_62 : i32
      "tpu.region"() ({
        %run_scoped3A = tpu.sem_alloc : memref<!tpu.dma_semaphore, #tpu.memory_space<semaphore_mem>>
        %dma_start3A_80 = arith.constant 0 : i32
        %dma_start3A_81 = arith.constant 0 : i32
        %dma_start3A_82 = tpu.memref_slice %arg10[%dma_start3A_80, %dma_start3A_81] : memref<80x128xf32, #tpu.memory_space<vmem>> -> memref<64x128xf32, #tpu.memory_space<vmem>>
        %dma_start3A_83 = arith.constant 0 : i32
        %dma_start3A_84 = tpu.memref_slice %arg12[%add3A_63, %dma_start3A_83] : memref<10000x128xf32, #tpu.memory_space<vmem_shared>> -> memref<64x128xf32, #tpu.memory_space<vmem_shared>>
        %dma_start3A_85 = arith.constant 0 : i32
        %dma_start3A_86 = tpu.memref_slice %arg12[%add3A_63, %dma_start3A_85] : memref<10000x128xf32, #tpu.memory_space<vmem_shared>> -> memref<64x128xf32, #tpu.memory_space<vmem_shared>>
        %dma_start3A_87 = arith.constant 0 : i32
        %dma_start3A_88 = arith.constant 0 : i32
        %dma_start3A_89 = tpu.memref_slice %arg10[%dma_start3A_87, %dma_start3A_88] : memref<80x128xf32, #tpu.memory_space<vmem>> -> memref<64x128xf32, #tpu.memory_space<vmem>>
        tpu.enqueue_dma source(%dma_start3A_89 : memref<64x128xf32, #tpu.memory_space<vmem>>) target(%dma_start3A_86 : memref<64x128xf32, #tpu.memory_space<vmem_shared>>) target_semaphore(%run_scoped3A : memref<!tpu.dma_semaphore, #tpu.memory_space<semaphore_mem>>)
        %dma_wait3A_90 = arith.constant 0 : i32
        %dma_wait3A_91 = arith.constant 0 : i32
        %dma_wait3A_92 = tpu.memref_slice %arg10[%dma_wait3A_90, %dma_wait3A_91] : memref<80x128xf32, #tpu.memory_space<vmem>> -> memref<64x128xf32, #tpu.memory_space<vmem>>
        %dma_wait3A_93 = arith.constant 0 : i32
        %dma_wait3A_94 = tpu.memref_slice %arg12[%add3A_63, %dma_wait3A_93] : memref<10000x128xf32, #tpu.memory_space<vmem_shared>> -> memref<64x128xf32, #tpu.memory_space<vmem_shared>>
        %dma_wait3A_95 = arith.constant 0 : i32
        %dma_wait3A_96 = tpu.memref_slice %arg12[%add3A_63, %dma_wait3A_95] : memref<10000x128xf32, #tpu.memory_space<vmem_shared>> -> memref<64x128xf32, #tpu.memory_space<vmem_shared>>
        %dma_wait3A_97 = arith.constant 0 : i32
        %dma_wait3A_98 = arith.constant 0 : i32
        %dma_wait3A_99 = tpu.memref_slice %arg10[%dma_wait3A_97, %dma_wait3A_98] : memref<80x128xf32, #tpu.memory_space<vmem>> -> memref<64x128xf32, #tpu.memory_space<vmem>>
        tpu.wait_dma2 semaphore(%run_scoped3A : memref<!tpu.dma_semaphore, #tpu.memory_space<semaphore_mem>>) src(%dma_wait3A_99 : memref<64x128xf32, #tpu.memory_space<vmem>>) dst(%dma_wait3A_96 : memref<64x128xf32, #tpu.memory_space<vmem_shared>>)
        tpu.yield
      }) : () -> ()
      %add3A_64 = arith.constant 64 : i32
      %add3A_65 = arith.addi %mul3A_9, %add3A_64 : i32
      "tpu.region"() ({
        %run_scoped3A = tpu.sem_alloc : memref<!tpu.dma_semaphore, #tpu.memory_space<semaphore_mem>>
        %dma_start3A_80 = arith.constant 0 : i32
        %dma_start3A_81 = arith.constant 0 : i32
        %dma_start3A_82 = tpu.memref_slice %arg10[%dma_start3A_80, %dma_start3A_81] : memref<80x128xf32, #tpu.memory_space<vmem>> -> memref<64x128xf32, #tpu.memory_space<vmem>>
        %dma_start3A_83 = arith.constant 0 : i32
        %dma_start3A_84 = tpu.memref_slice %arg12[%add3A_65, %dma_start3A_83] : memref<10000x128xf32, #tpu.memory_space<vmem_shared>> -> memref<64x128xf32, #tpu.memory_space<vmem_shared>>
        %dma_start3A_85 = arith.constant 0 : i32
        %dma_start3A_86 = tpu.memref_slice %arg12[%add3A_65, %dma_start3A_85] : memref<10000x128xf32, #tpu.memory_space<vmem_shared>> -> memref<64x128xf32, #tpu.memory_space<vmem_shared>>
        %dma_start3A_87 = arith.constant 0 : i32
        %dma_start3A_88 = arith.constant 0 : i32
        %dma_start3A_89 = tpu.memref_slice %arg10[%dma_start3A_87, %dma_start3A_88] : memref<80x128xf32, #tpu.memory_space<vmem>> -> memref<64x128xf32, #tpu.memory_space<vmem>>
        tpu.enqueue_dma source(%dma_start3A_89 : memref<64x128xf32, #tpu.memory_space<vmem>>) target(%dma_start3A_86 : memref<64x128xf32, #tpu.memory_space<vmem_shared>>) target_semaphore(%run_scoped3A : memref<!tpu.dma_semaphore, #tpu.memory_space<semaphore_mem>>)
        %dma_wait3A_90 = arith.constant 0 : i32
        %dma_wait3A_91 = arith.constant 0 : i32
        %dma_wait3A_92 = tpu.memref_slice %arg10[%dma_wait3A_90, %dma_wait3A_91] : memref<80x128xf32, #tpu.memory_space<vmem>> -> memref<64x128xf32, #tpu.memory_space<vmem>>
        %dma_wait3A_93 = arith.constant 0 : i32
        %dma_wait3A_94 = tpu.memref_slice %arg12[%add3A_65, %dma_wait3A_93] : memref<10000x128xf32, #tpu.memory_space<vmem_shared>> -> memref<64x128xf32, #tpu.memory_space<vmem_shared>>
        %dma_wait3A_95 = arith.constant 0 : i32
        %dma_wait3A_96 = tpu.memref_slice %arg12[%add3A_65, %dma_wait3A_95] : memref<10000x128xf32, #tpu.memory_space<vmem_shared>> -> memref<64x128xf32, #tpu.memory_space<vmem_shared>>
        %dma_wait3A_97 = arith.constant 0 : i32
        %dma_wait3A_98 = arith.constant 0 : i32
        %dma_wait3A_99 = tpu.memref_slice %arg10[%dma_wait3A_97, %dma_wait3A_98] : memref<80x128xf32, #tpu.memory_space<vmem>> -> memref<64x128xf32, #tpu.memory_space<vmem>>
        tpu.wait_dma2 semaphore(%run_scoped3A : memref<!tpu.dma_semaphore, #tpu.memory_space<semaphore_mem>>) src(%dma_wait3A_99 : memref<64x128xf32, #tpu.memory_space<vmem>>) dst(%dma_wait3A_96 : memref<64x128xf32, #tpu.memory_space<vmem_shared>>)
        tpu.yield
      }) : () -> ()
      %add3A_66 = arith.constant 128 : i32
      %add3A_67 = arith.addi %mul3A_9, %add3A_66 : i32
      "tpu.region"() ({
        %run_scoped3A = tpu.sem_alloc : memref<!tpu.dma_semaphore, #tpu.memory_space<semaphore_mem>>
        %dma_start3A_80 = arith.constant 0 : i32
        %dma_start3A_81 = arith.constant 0 : i32
        %dma_start3A_82 = tpu.memref_slice %arg10[%dma_start3A_80, %dma_start3A_81] : memref<80x128xf32, #tpu.memory_space<vmem>> -> memref<64x128xf32, #tpu.memory_space<vmem>>
        %dma_start3A_83 = arith.constant 0 : i32
        %dma_start3A_84 = tpu.memref_slice %arg12[%add3A_67, %dma_start3A_83] : memref<10000x128xf32, #tpu.memory_space<vmem_shared>> -> memref<64x128xf32, #tpu.memory_space<vmem_shared>>
        %dma_start3A_85 = arith.constant 0 : i32
        %dma_start3A_86 = tpu.memref_slice %arg12[%add3A_67, %dma_start3A_85] : memref<10000x128xf32, #tpu.memory_space<vmem_shared>> -> memref<64x128xf32, #tpu.memory_space<vmem_shared>>
        %dma_start3A_87 = arith.constant 0 : i32
        %dma_start3A_88 = arith.constant 0 : i32
        %dma_start3A_89 = tpu.memref_slice %arg10[%dma_start3A_87, %dma_start3A_88] : memref<80x128xf32, #tpu.memory_space<vmem>> -> memref<64x128xf32, #tpu.memory_space<vmem>>
        tpu.enqueue_dma source(%dma_start3A_89 : memref<64x128xf32, #tpu.memory_space<vmem>>) target(%dma_start3A_86 : memref<64x128xf32, #tpu.memory_space<vmem_shared>>) target_semaphore(%run_scoped3A : memref<!tpu.dma_semaphore, #tpu.memory_space<semaphore_mem>>)
        %dma_wait3A_90 = arith.constant 0 : i32
        %dma_wait3A_91 = arith.constant 0 : i32
        %dma_wait3A_92 = tpu.memref_slice %arg10[%dma_wait3A_90, %dma_wait3A_91] : memref<80x128xf32, #tpu.memory_space<vmem>> -> memref<64x128xf32, #tpu.memory_space<vmem>>
        %dma_wait3A_93 = arith.constant 0 : i32
        %dma_wait3A_94 = tpu.memref_slice %arg12[%add3A_67, %dma_wait3A_93] : memref<10000x128xf32, #tpu.memory_space<vmem_shared>> -> memref<64x128xf32, #tpu.memory_space<vmem_shared>>
        %dma_wait3A_95 = arith.constant 0 : i32
        %dma_wait3A_96 = tpu.memref_slice %arg12[%add3A_67, %dma_wait3A_95] : memref<10000x128xf32, #tpu.memory_space<vmem_shared>> -> memref<64x128xf32, #tpu.memory_space<vmem_shared>>
        %dma_wait3A_97 = arith.constant 0 : i32
        %dma_wait3A_98 = arith.constant 0 : i32
        %dma_wait3A_99 = tpu.memref_slice %arg10[%dma_wait3A_97, %dma_wait3A_98] : memref<80x128xf32, #tpu.memory_space<vmem>> -> memref<64x128xf32, #tpu.memory_space<vmem>>
        tpu.wait_dma2 semaphore(%run_scoped3A : memref<!tpu.dma_semaphore, #tpu.memory_space<semaphore_mem>>) src(%dma_wait3A_99 : memref<64x128xf32, #tpu.memory_space<vmem>>) dst(%dma_wait3A_96 : memref<64x128xf32, #tpu.memory_space<vmem_shared>>)
        tpu.yield
      }) : () -> ()
      %add3A_68 = arith.constant 192 : i32
      %add3A_69 = arith.addi %mul3A_9, %add3A_68 : i32
      "tpu.region"() ({
        %run_scoped3A = tpu.sem_alloc : memref<!tpu.dma_semaphore, #tpu.memory_space<semaphore_mem>>
        %dma_start3A_80 = arith.constant 0 : i32
        %dma_start3A_81 = arith.constant 0 : i32
        %dma_start3A_82 = tpu.memref_slice %arg10[%dma_start3A_80, %dma_start3A_81] : memref<80x128xf32, #tpu.memory_space<vmem>> -> memref<64x128xf32, #tpu.memory_space<vmem>>
        %dma_start3A_83 = arith.constant 0 : i32
        %dma_start3A_84 = tpu.memref_slice %arg12[%add3A_69, %dma_start3A_83] : memref<10000x128xf32, #tpu.memory_space<vmem_shared>> -> memref<64x128xf32, #tpu.memory_space<vmem_shared>>
        %dma_start3A_85 = arith.constant 0 : i32
        %dma_start3A_86 = tpu.memref_slice %arg12[%add3A_69, %dma_start3A_85] : memref<10000x128xf32, #tpu.memory_space<vmem_shared>> -> memref<64x128xf32, #tpu.memory_space<vmem_shared>>
        %dma_start3A_87 = arith.constant 0 : i32
        %dma_start3A_88 = arith.constant 0 : i32
        %dma_start3A_89 = tpu.memref_slice %arg10[%dma_start3A_87, %dma_start3A_88] : memref<80x128xf32, #tpu.memory_space<vmem>> -> memref<64x128xf32, #tpu.memory_space<vmem>>
        tpu.enqueue_dma source(%dma_start3A_89 : memref<64x128xf32, #tpu.memory_space<vmem>>) target(%dma_start3A_86 : memref<64x128xf32, #tpu.memory_space<vmem_shared>>) target_semaphore(%run_scoped3A : memref<!tpu.dma_semaphore, #tpu.memory_space<semaphore_mem>>)
        %dma_wait3A_90 = arith.constant 0 : i32
        %dma_wait3A_91 = arith.constant 0 : i32
        %dma_wait3A_92 = tpu.memref_slice %arg10[%dma_wait3A_90, %dma_wait3A_91] : memref<80x128xf32, #tpu.memory_space<vmem>> -> memref<64x128xf32, #tpu.memory_space<vmem>>
        %dma_wait3A_93 = arith.constant 0 : i32
        %dma_wait3A_94 = tpu.memref_slice %arg12[%add3A_69, %dma_wait3A_93] : memref<10000x128xf32, #tpu.memory_space<vmem_shared>> -> memref<64x128xf32, #tpu.memory_space<vmem_shared>>
        %dma_wait3A_95 = arith.constant 0 : i32
        %dma_wait3A_96 = tpu.memref_slice %arg12[%add3A_69, %dma_wait3A_95] : memref<10000x128xf32, #tpu.memory_space<vmem_shared>> -> memref<64x128xf32, #tpu.memory_space<vmem_shared>>
        %dma_wait3A_97 = arith.constant 0 : i32
        %dma_wait3A_98 = arith.constant 0 : i32
        %dma_wait3A_99 = tpu.memref_slice %arg10[%dma_wait3A_97, %dma_wait3A_98] : memref<80x128xf32, #tpu.memory_space<vmem>> -> memref<64x128xf32, #tpu.memory_space<vmem>>
        tpu.wait_dma2 semaphore(%run_scoped3A : memref<!tpu.dma_semaphore, #tpu.memory_space<semaphore_mem>>) src(%dma_wait3A_99 : memref<64x128xf32, #tpu.memory_space<vmem>>) dst(%dma_wait3A_96 : memref<64x128xf32, #tpu.memory_space<vmem_shared>>)
        tpu.yield
      }) : () -> ()
      %add3A_70 = arith.constant 256 : i32
      %add3A_71 = arith.addi %mul3A_9, %add3A_70 : i32
      "tpu.region"() ({
        %run_scoped3A = tpu.sem_alloc : memref<!tpu.dma_semaphore, #tpu.memory_space<semaphore_mem>>
        %dma_start3A_80 = arith.constant 0 : i32
        %dma_start3A_81 = arith.constant 0 : i32
        %dma_start3A_82 = tpu.memref_slice %arg10[%dma_start3A_80, %dma_start3A_81] : memref<80x128xf32, #tpu.memory_space<vmem>> -> memref<64x128xf32, #tpu.memory_space<vmem>>
        %dma_start3A_83 = arith.constant 0 : i32
        %dma_start3A_84 = tpu.memref_slice %arg12[%add3A_71, %dma_start3A_83] : memref<10000x128xf32, #tpu.memory_space<vmem_shared>> -> memref<64x128xf32, #tpu.memory_space<vmem_shared>>
        %dma_start3A_85 = arith.constant 0 : i32
        %dma_start3A_86 = tpu.memref_slice %arg12[%add3A_71, %dma_start3A_85] : memref<10000x128xf32, #tpu.memory_space<vmem_shared>> -> memref<64x128xf32, #tpu.memory_space<vmem_shared>>
        %dma_start3A_87 = arith.constant 0 : i32
        %dma_start3A_88 = arith.constant 0 : i32
        %dma_start3A_89 = tpu.memref_slice %arg10[%dma_start3A_87, %dma_start3A_88] : memref<80x128xf32, #tpu.memory_space<vmem>> -> memref<64x128xf32, #tpu.memory_space<vmem>>
        tpu.enqueue_dma source(%dma_start3A_89 : memref<64x128xf32, #tpu.memory_space<vmem>>) target(%dma_start3A_86 : memref<64x128xf32, #tpu.memory_space<vmem_shared>>) target_semaphore(%run_scoped3A : memref<!tpu.dma_semaphore, #tpu.memory_space<semaphore_mem>>)
        %dma_wait3A_90 = arith.constant 0 : i32
        %dma_wait3A_91 = arith.constant 0 : i32
        %dma_wait3A_92 = tpu.memref_slice %arg10[%dma_wait3A_90, %dma_wait3A_91] : memref<80x128xf32, #tpu.memory_space<vmem>> -> memref<64x128xf32, #tpu.memory_space<vmem>>
        %dma_wait3A_93 = arith.constant 0 : i32
        %dma_wait3A_94 = tpu.memref_slice %arg12[%add3A_71, %dma_wait3A_93] : memref<10000x128xf32, #tpu.memory_space<vmem_shared>> -> memref<64x128xf32, #tpu.memory_space<vmem_shared>>
        %dma_wait3A_95 = arith.constant 0 : i32
        %dma_wait3A_96 = tpu.memref_slice %arg12[%add3A_71, %dma_wait3A_95] : memref<10000x128xf32, #tpu.memory_space<vmem_shared>> -> memref<64x128xf32, #tpu.memory_space<vmem_shared>>
        %dma_wait3A_97 = arith.constant 0 : i32
        %dma_wait3A_98 = arith.constant 0 : i32
        %dma_wait3A_99 = tpu.memref_slice %arg10[%dma_wait3A_97, %dma_wait3A_98] : memref<80x128xf32, #tpu.memory_space<vmem>> -> memref<64x128xf32, #tpu.memory_space<vmem>>
        tpu.wait_dma2 semaphore(%run_scoped3A : memref<!tpu.dma_semaphore, #tpu.memory_space<semaphore_mem>>) src(%dma_wait3A_99 : memref<64x128xf32, #tpu.memory_space<vmem>>) dst(%dma_wait3A_96 : memref<64x128xf32, #tpu.memory_space<vmem_shared>>)
        tpu.yield
      }) : () -> ()
      %add3A_72 = arith.constant 320 : i32
      %add3A_73 = arith.addi %mul3A_9, %add3A_72 : i32
      "tpu.region"() ({
        %run_scoped3A = tpu.sem_alloc : memref<!tpu.dma_semaphore, #tpu.memory_space<semaphore_mem>>
        %dma_start3A_80 = arith.constant 0 : i32
        %dma_start3A_81 = arith.constant 0 : i32
        %dma_start3A_82 = tpu.memref_slice %arg10[%dma_start3A_80, %dma_start3A_81] : memref<80x128xf32, #tpu.memory_space<vmem>> -> memref<64x128xf32, #tpu.memory_space<vmem>>
        %dma_start3A_83 = arith.constant 0 : i32
        %dma_start3A_84 = tpu.memref_slice %arg12[%add3A_73, %dma_start3A_83] : memref<10000x128xf32, #tpu.memory_space<vmem_shared>> -> memref<64x128xf32, #tpu.memory_space<vmem_shared>>
        %dma_start3A_85 = arith.constant 0 : i32
        %dma_start3A_86 = tpu.memref_slice %arg12[%add3A_73, %dma_start3A_85] : memref<10000x128xf32, #tpu.memory_space<vmem_shared>> -> memref<64x128xf32, #tpu.memory_space<vmem_shared>>
        %dma_start3A_87 = arith.constant 0 : i32
        %dma_start3A_88 = arith.constant 0 : i32
        %dma_start3A_89 = tpu.memref_slice %arg10[%dma_start3A_87, %dma_start3A_88] : memref<80x128xf32, #tpu.memory_space<vmem>> -> memref<64x128xf32, #tpu.memory_space<vmem>>
        tpu.enqueue_dma source(%dma_start3A_89 : memref<64x128xf32, #tpu.memory_space<vmem>>) target(%dma_start3A_86 : memref<64x128xf32, #tpu.memory_space<vmem_shared>>) target_semaphore(%run_scoped3A : memref<!tpu.dma_semaphore, #tpu.memory_space<semaphore_mem>>)
        %dma_wait3A_90 = arith.constant 0 : i32
        %dma_wait3A_91 = arith.constant 0 : i32
        %dma_wait3A_92 = tpu.memref_slice %arg10[%dma_wait3A_90, %dma_wait3A_91] : memref<80x128xf32, #tpu.memory_space<vmem>> -> memref<64x128xf32, #tpu.memory_space<vmem>>
        %dma_wait3A_93 = arith.constant 0 : i32
        %dma_wait3A_94 = tpu.memref_slice %arg12[%add3A_73, %dma_wait3A_93] : memref<10000x128xf32, #tpu.memory_space<vmem_shared>> -> memref<64x128xf32, #tpu.memory_space<vmem_shared>>
        %dma_wait3A_95 = arith.constant 0 : i32
        %dma_wait3A_96 = tpu.memref_slice %arg12[%add3A_73, %dma_wait3A_95] : memref<10000x128xf32, #tpu.memory_space<vmem_shared>> -> memref<64x128xf32, #tpu.memory_space<vmem_shared>>
        %dma_wait3A_97 = arith.constant 0 : i32
        %dma_wait3A_98 = arith.constant 0 : i32
        %dma_wait3A_99 = tpu.memref_slice %arg10[%dma_wait3A_97, %dma_wait3A_98] : memref<80x128xf32, #tpu.memory_space<vmem>> -> memref<64x128xf32, #tpu.memory_space<vmem>>
        tpu.wait_dma2 semaphore(%run_scoped3A : memref<!tpu.dma_semaphore, #tpu.memory_space<semaphore_mem>>) src(%dma_wait3A_99 : memref<64x128xf32, #tpu.memory_space<vmem>>) dst(%dma_wait3A_96 : memref<64x128xf32, #tpu.memory_space<vmem_shared>>)
        tpu.yield
      }) : () -> ()
      %add3A_74 = arith.constant 384 : i32
      %add3A_75 = arith.addi %mul3A_9, %add3A_74 : i32
      "tpu.region"() ({
        %run_scoped3A = tpu.sem_alloc : memref<!tpu.dma_semaphore, #tpu.memory_space<semaphore_mem>>
        %dma_start3A_80 = arith.constant 0 : i32
        %dma_start3A_81 = arith.constant 0 : i32
        %dma_start3A_82 = tpu.memref_slice %arg10[%dma_start3A_80, %dma_start3A_81] : memref<80x128xf32, #tpu.memory_space<vmem>> -> memref<64x128xf32, #tpu.memory_space<vmem>>
        %dma_start3A_83 = arith.constant 0 : i32
        %dma_start3A_84 = tpu.memref_slice %arg12[%add3A_75, %dma_start3A_83] : memref<10000x128xf32, #tpu.memory_space<vmem_shared>> -> memref<64x128xf32, #tpu.memory_space<vmem_shared>>
        %dma_start3A_85 = arith.constant 0 : i32
        %dma_start3A_86 = tpu.memref_slice %arg12[%add3A_75, %dma_start3A_85] : memref<10000x128xf32, #tpu.memory_space<vmem_shared>> -> memref<64x128xf32, #tpu.memory_space<vmem_shared>>
        %dma_start3A_87 = arith.constant 0 : i32
        %dma_start3A_88 = arith.constant 0 : i32
        %dma_start3A_89 = tpu.memref_slice %arg10[%dma_start3A_87, %dma_start3A_88] : memref<80x128xf32, #tpu.memory_space<vmem>> -> memref<64x128xf32, #tpu.memory_space<vmem>>
        tpu.enqueue_dma source(%dma_start3A_89 : memref<64x128xf32, #tpu.memory_space<vmem>>) target(%dma_start3A_86 : memref<64x128xf32, #tpu.memory_space<vmem_shared>>) target_semaphore(%run_scoped3A : memref<!tpu.dma_semaphore, #tpu.memory_space<semaphore_mem>>)
        %dma_wait3A_90 = arith.constant 0 : i32
        %dma_wait3A_91 = arith.constant 0 : i32
        %dma_wait3A_92 = tpu.memref_slice %arg10[%dma_wait3A_90, %dma_wait3A_91] : memref<80x128xf32, #tpu.memory_space<vmem>> -> memref<64x128xf32, #tpu.memory_space<vmem>>
        %dma_wait3A_93 = arith.constant 0 : i32
        %dma_wait3A_94 = tpu.memref_slice %arg12[%add3A_75, %dma_wait3A_93] : memref<10000x128xf32, #tpu.memory_space<vmem_shared>> -> memref<64x128xf32, #tpu.memory_space<vmem_shared>>
        %dma_wait3A_95 = arith.constant 0 : i32
        %dma_wait3A_96 = tpu.memref_slice %arg12[%add3A_75, %dma_wait3A_95] : memref<10000x128xf32, #tpu.memory_space<vmem_shared>> -> memref<64x128xf32, #tpu.memory_space<vmem_shared>>
        %dma_wait3A_97 = arith.constant 0 : i32
        %dma_wait3A_98 = arith.constant 0 : i32
        %dma_wait3A_99 = tpu.memref_slice %arg10[%dma_wait3A_97, %dma_wait3A_98] : memref<80x128xf32, #tpu.memory_space<vmem>> -> memref<64x128xf32, #tpu.memory_space<vmem>>
        tpu.wait_dma2 semaphore(%run_scoped3A : memref<!tpu.dma_semaphore, #tpu.memory_space<semaphore_mem>>) src(%dma_wait3A_99 : memref<64x128xf32, #tpu.memory_space<vmem>>) dst(%dma_wait3A_96 : memref<64x128xf32, #tpu.memory_space<vmem_shared>>)
        tpu.yield
      }) : () -> ()
      %add3A_76 = arith.constant 448 : i32
      %add3A_77 = arith.addi %mul3A_9, %add3A_76 : i32
      "tpu.region"() ({
        %run_scoped3A = tpu.sem_alloc : memref<!tpu.dma_semaphore, #tpu.memory_space<semaphore_mem>>
        %dma_start3A_80 = arith.constant 0 : i32
        %dma_start3A_81 = arith.constant 0 : i32
        %dma_start3A_82 = tpu.memref_slice %arg10[%dma_start3A_80, %dma_start3A_81] : memref<80x128xf32, #tpu.memory_space<vmem>> -> memref<64x128xf32, #tpu.memory_space<vmem>>
        %dma_start3A_83 = arith.constant 0 : i32
        %dma_start3A_84 = tpu.memref_slice %arg12[%add3A_77, %dma_start3A_83] : memref<10000x128xf32, #tpu.memory_space<vmem_shared>> -> memref<64x128xf32, #tpu.memory_space<vmem_shared>>
        %dma_start3A_85 = arith.constant 0 : i32
        %dma_start3A_86 = tpu.memref_slice %arg12[%add3A_77, %dma_start3A_85] : memref<10000x128xf32, #tpu.memory_space<vmem_shared>> -> memref<64x128xf32, #tpu.memory_space<vmem_shared>>
        %dma_start3A_87 = arith.constant 0 : i32
        %dma_start3A_88 = arith.constant 0 : i32
        %dma_start3A_89 = tpu.memref_slice %arg10[%dma_start3A_87, %dma_start3A_88] : memref<80x128xf32, #tpu.memory_space<vmem>> -> memref<64x128xf32, #tpu.memory_space<vmem>>
        tpu.enqueue_dma source(%dma_start3A_89 : memref<64x128xf32, #tpu.memory_space<vmem>>) target(%dma_start3A_86 : memref<64x128xf32, #tpu.memory_space<vmem_shared>>) target_semaphore(%run_scoped3A : memref<!tpu.dma_semaphore, #tpu.memory_space<semaphore_mem>>)
        %dma_wait3A_90 = arith.constant 0 : i32
        %dma_wait3A_91 = arith.constant 0 : i32
        %dma_wait3A_92 = tpu.memref_slice %arg10[%dma_wait3A_90, %dma_wait3A_91] : memref<80x128xf32, #tpu.memory_space<vmem>> -> memref<64x128xf32, #tpu.memory_space<vmem>>
        %dma_wait3A_93 = arith.constant 0 : i32
        %dma_wait3A_94 = tpu.memref_slice %arg12[%add3A_77, %dma_wait3A_93] : memref<10000x128xf32, #tpu.memory_space<vmem_shared>> -> memref<64x128xf32, #tpu.memory_space<vmem_shared>>
        %dma_wait3A_95 = arith.constant 0 : i32
        %dma_wait3A_96 = tpu.memref_slice %arg12[%add3A_77, %dma_wait3A_95] : memref<10000x128xf32, #tpu.memory_space<vmem_shared>> -> memref<64x128xf32, #tpu.memory_space<vmem_shared>>
        %dma_wait3A_97 = arith.constant 0 : i32
        %dma_wait3A_98 = arith.constant 0 : i32
        %dma_wait3A_99 = tpu.memref_slice %arg10[%dma_wait3A_97, %dma_wait3A_98] : memref<80x128xf32, #tpu.memory_space<vmem>> -> memref<64x128xf32, #tpu.memory_space<vmem>>
        tpu.wait_dma2 semaphore(%run_scoped3A : memref<!tpu.dma_semaphore, #tpu.memory_space<semaphore_mem>>) src(%dma_wait3A_99 : memref<64x128xf32, #tpu.memory_space<vmem>>) dst(%dma_wait3A_96 : memref<64x128xf32, #tpu.memory_space<vmem_shared>>)
        tpu.yield
      }) : () -> ()
      %add3A_78 = arith.constant 512 : i32
      %add3A_79 = arith.addi %mul3A_9, %add3A_78 : i32
      "tpu.region"() ({
        %run_scoped3A = tpu.sem_alloc : memref<!tpu.dma_semaphore, #tpu.memory_space<semaphore_mem>>
        %dma_start3A_80 = arith.constant 0 : i32
        %dma_start3A_81 = arith.constant 0 : i32
        %dma_start3A_82 = tpu.memref_slice %arg10[%dma_start3A_80, %dma_start3A_81] : memref<80x128xf32, #tpu.memory_space<vmem>> -> memref<8x128xf32, #tpu.memory_space<vmem>>
        %dma_start3A_83 = arith.constant 0 : i32
        %dma_start3A_84 = tpu.memref_slice %arg12[%add3A_79, %dma_start3A_83] : memref<10000x128xf32, #tpu.memory_space<vmem_shared>> -> memref<8x128xf32, #tpu.memory_space<vmem_shared>>
        %dma_start3A_85 = arith.constant 0 : i32
        %dma_start3A_86 = tpu.memref_slice %arg12[%add3A_79, %dma_start3A_85] : memref<10000x128xf32, #tpu.memory_space<vmem_shared>> -> memref<8x128xf32, #tpu.memory_space<vmem_shared>>
        %dma_start3A_87 = arith.constant 0 : i32
        %dma_start3A_88 = arith.constant 0 : i32
        %dma_start3A_89 = tpu.memref_slice %arg10[%dma_start3A_87, %dma_start3A_88] : memref<80x128xf32, #tpu.memory_space<vmem>> -> memref<8x128xf32, #tpu.memory_space<vmem>>
        tpu.enqueue_dma source(%dma_start3A_89 : memref<8x128xf32, #tpu.memory_space<vmem>>) target(%dma_start3A_86 : memref<8x128xf32, #tpu.memory_space<vmem_shared>>) target_semaphore(%run_scoped3A : memref<!tpu.dma_semaphore, #tpu.memory_space<semaphore_mem>>)
        %dma_wait3A_90 = arith.constant 0 : i32
        %dma_wait3A_91 = arith.constant 0 : i32
        %dma_wait3A_92 = tpu.memref_slice %arg10[%dma_wait3A_90, %dma_wait3A_91] : memref<80x128xf32, #tpu.memory_space<vmem>> -> memref<8x128xf32, #tpu.memory_space<vmem>>
        %dma_wait3A_93 = arith.constant 0 : i32
        %dma_wait3A_94 = tpu.memref_slice %arg12[%add3A_79, %dma_wait3A_93] : memref<10000x128xf32, #tpu.memory_space<vmem_shared>> -> memref<8x128xf32, #tpu.memory_space<vmem_shared>>
        %dma_wait3A_95 = arith.constant 0 : i32
        %dma_wait3A_96 = tpu.memref_slice %arg12[%add3A_79, %dma_wait3A_95] : memref<10000x128xf32, #tpu.memory_space<vmem_shared>> -> memref<8x128xf32, #tpu.memory_space<vmem_shared>>
        %dma_wait3A_97 = arith.constant 0 : i32
        %dma_wait3A_98 = arith.constant 0 : i32
        %dma_wait3A_99 = tpu.memref_slice %arg10[%dma_wait3A_97, %dma_wait3A_98] : memref<80x128xf32, #tpu.memory_space<vmem>> -> memref<8x128xf32, #tpu.memory_space<vmem>>
        tpu.wait_dma2 semaphore(%run_scoped3A : memref<!tpu.dma_semaphore, #tpu.memory_space<semaphore_mem>>) src(%dma_wait3A_99 : memref<8x128xf32, #tpu.memory_space<vmem>>) dst(%dma_wait3A_96 : memref<8x128xf32, #tpu.memory_space<vmem_shared>>)
        tpu.yield
      }) : () -> ()
    } else {
    }
    %barrier3A = arith.constant 0 : index
    tpu.barrier barrier_id(%barrier3A)
    %add3A_16 = arith.constant 0 : i32
    %add3A_17 = arith.addi %add3A, %add3A_16 : i32
    %dma_start3A = tpu.memref_slice %arg4[%add3A_17] : memref<640000xi32, #tpu.memory_space<hbm>> -> memref<80xi32, #tpu.memory_space<hbm>>
    %dma_start3A_18 = tpu.memref_slice %arg4[%add3A_17] : memref<640000xi32, #tpu.memory_space<hbm>> -> memref<80xi32, #tpu.memory_space<hbm>>
    tpu.enqueue_dma source(%dma_start3A_18 : memref<80xi32, #tpu.memory_space<hbm>>) target(%arg6 : memref<80xi32, #tpu.memory_space<vmem>>) target_semaphore(%arg15 : memref<!tpu.dma_semaphore, #tpu.memory_space<semaphore_mem>>)
    %dma_start3A_19 = tpu.memref_slice %arg3[%add3A_17] : memref<640000xi32, #tpu.memory_space<hbm>> -> memref<80xi32, #tpu.memory_space<hbm>>
    %dma_start3A_20 = tpu.memref_slice %arg3[%add3A_17] : memref<640000xi32, #tpu.memory_space<hbm>> -> memref<80xi32, #tpu.memory_space<hbm>>
    tpu.enqueue_dma source(%dma_start3A_20 : memref<80xi32, #tpu.memory_space<hbm>>) target(%arg8 : memref<80xi32, #tpu.memory_space<vmem>>) target_semaphore(%arg15 : memref<!tpu.dma_semaphore, #tpu.memory_space<semaphore_mem>>)
    %dma_wait3A = tpu.memref_slice %arg4[%add3A_17] : memref<640000xi32, #tpu.memory_space<hbm>> -> memref<80xi32, #tpu.memory_space<hbm>>
    %dma_wait3A_21 = tpu.memref_slice %arg4[%add3A_17] : memref<640000xi32, #tpu.memory_space<hbm>> -> memref<80xi32, #tpu.memory_space<hbm>>
    tpu.wait_dma2 semaphore(%arg15 : memref<!tpu.dma_semaphore, #tpu.memory_space<semaphore_mem>>) src(%dma_wait3A_21 : memref<80xi32, #tpu.memory_space<hbm>>) dst(%arg6 : memref<80xi32, #tpu.memory_space<vmem>>)
    %dma_wait3A_22 = tpu.memref_slice %arg3[%add3A_17] : memref<640000xi32, #tpu.memory_space<hbm>> -> memref<80xi32, #tpu.memory_space<hbm>>
    %dma_wait3A_23 = tpu.memref_slice %arg3[%add3A_17] : memref<640000xi32, #tpu.memory_space<hbm>> -> memref<80xi32, #tpu.memory_space<hbm>>
    tpu.wait_dma2 semaphore(%arg15 : memref<!tpu.dma_semaphore, #tpu.memory_space<semaphore_mem>>) src(%dma_wait3A_23 : memref<80xi32, #tpu.memory_space<hbm>>) dst(%arg8 : memref<80xi32, #tpu.memory_space<vmem>>)
    %dma_start3A_24 = arith.constant 0 : i32
    %dma_start3A_25 = arith.constant 0 : i32
    %dma_start3A_26 = tpu.memref_slice %arg2[%dma_start3A_24, %dma_start3A_25] : memref<10000x128xf32, #tpu.memory_space<hbm>> -> memref<10000x128xf32, #tpu.memory_space<hbm>>
    tpu.enqueue_indirect_dma source(%dma_start3A_26 : memref<10000x128xf32, #tpu.memory_space<hbm>>) target(%arg10 : memref<80x128xf32, #tpu.memory_space<vmem>>) offsets(%arg6 : memref<80xi32, #tpu.memory_space<vmem>>) semaphore(%arg13 : memref<!tpu.dma_semaphore, #tpu.memory_space<semaphore_mem>>)
    %add3A_27 = arith.constant 80 : i32
    %add3A_28 = arith.addi %add3A, %add3A_27 : i32
    %dma_start3A_29 = tpu.memref_slice %arg4[%add3A_28] : memref<640000xi32, #tpu.memory_space<hbm>> -> memref<80xi32, #tpu.memory_space<hbm>>
    %dma_start3A_30 = tpu.memref_slice %arg4[%add3A_28] : memref<640000xi32, #tpu.memory_space<hbm>> -> memref<80xi32, #tpu.memory_space<hbm>>
    tpu.enqueue_dma source(%dma_start3A_30 : memref<80xi32, #tpu.memory_space<hbm>>) target(%arg7 : memref<80xi32, #tpu.memory_space<vmem>>) target_semaphore(%arg16 : memref<!tpu.dma_semaphore, #tpu.memory_space<semaphore_mem>>)
    %dma_start3A_31 = tpu.memref_slice %arg3[%add3A_28] : memref<640000xi32, #tpu.memory_space<hbm>> -> memref<80xi32, #tpu.memory_space<hbm>>
    %dma_start3A_32 = tpu.memref_slice %arg3[%add3A_28] : memref<640000xi32, #tpu.memory_space<hbm>> -> memref<80xi32, #tpu.memory_space<hbm>>
    tpu.enqueue_dma source(%dma_start3A_32 : memref<80xi32, #tpu.memory_space<hbm>>) target(%arg9 : memref<80xi32, #tpu.memory_space<vmem>>) target_semaphore(%arg16 : memref<!tpu.dma_semaphore, #tpu.memory_space<semaphore_mem>>)
    %scan3A_33 = arith.constant 0 : i32
    %scan3A_34 = arith.constant 125 : i32
    %scan3A_35 = arith.addi %scan3A_33, %scan3A_34 : i32
    %scan3A_36 = arith.constant 1 : i32
    scf.for %scan3A_62 = %scan3A_33 to %scan3A_35 step %scan3A_36  : i32 {
      %mul3A_63 = arith.constant 2 : i32
      %mul3A_64 = arith.muli %scan3A_62, %mul3A_63 : i32
      %add3A_65 = arith.constant 0 : i32
      %add3A_66 = arith.addi %add3A_65, %mul3A_64 : i32
      %add3A_67 = arith.constant 0 : i32
      %add3A_68 = arith.addi %add3A_66, %add3A_67 : i32
      %dma_wait3A_69 = arith.constant 0 : i32
      %dma_wait3A_70 = tpu.memref_slice %arg4[%dma_wait3A_69] : memref<640000xi32, #tpu.memory_space<hbm>> -> memref<80xi32, #tpu.memory_space<hbm>>
      %dma_wait3A_71 = arith.constant 0 : i32
      %dma_wait3A_72 = tpu.memref_slice %arg4[%dma_wait3A_71] : memref<640000xi32, #tpu.memory_space<hbm>> -> memref<80xi32, #tpu.memory_space<hbm>>
      tpu.wait_dma2 semaphore(%arg16 : memref<!tpu.dma_semaphore, #tpu.memory_space<semaphore_mem>>) src(%dma_wait3A_72 : memref<80xi32, #tpu.memory_space<hbm>>) dst(%arg7 : memref<80xi32, #tpu.memory_space<vmem>>)
      %dma_wait3A_73 = arith.constant 0 : i32
      %dma_wait3A_74 = tpu.memref_slice %arg3[%dma_wait3A_73] : memref<640000xi32, #tpu.memory_space<hbm>> -> memref<80xi32, #tpu.memory_space<hbm>>
      %dma_wait3A_75 = arith.constant 0 : i32
      %dma_wait3A_76 = tpu.memref_slice %arg3[%dma_wait3A_75] : memref<640000xi32, #tpu.memory_space<hbm>> -> memref<80xi32, #tpu.memory_space<hbm>>
      tpu.wait_dma2 semaphore(%arg16 : memref<!tpu.dma_semaphore, #tpu.memory_space<semaphore_mem>>) src(%dma_wait3A_76 : memref<80xi32, #tpu.memory_space<hbm>>) dst(%arg9 : memref<80xi32, #tpu.memory_space<vmem>>)
      %dma_wait3A_77 = arith.constant 0 : i32
      %dma_wait3A_78 = arith.constant 0 : i32
      %dma_wait3A_79 = tpu.memref_slice %arg2[%dma_wait3A_77, %dma_wait3A_78] : memref<10000x128xf32, #tpu.memory_space<hbm>> -> memref<10000x128xf32, #tpu.memory_space<hbm>>
      tpu.wait_indirect_dma semaphore(%arg13 : memref<!tpu.dma_semaphore, #tpu.memory_space<semaphore_mem>>) src(%dma_wait3A_79 : memref<10000x128xf32, #tpu.memory_space<hbm>>) dst(%arg10 : memref<80x128xf32, #tpu.memory_space<vmem>>)
      %dma_start3A_80 = arith.constant 0 : i32
      %dma_start3A_81 = arith.constant 0 : i32
      %dma_start3A_82 = tpu.memref_slice %arg2[%dma_start3A_80, %dma_start3A_81] : memref<10000x128xf32, #tpu.memory_space<hbm>> -> memref<10000x128xf32, #tpu.memory_space<hbm>>
      tpu.enqueue_indirect_dma source(%dma_start3A_82 : memref<10000x128xf32, #tpu.memory_space<hbm>>) target(%arg11 : memref<80x128xf32, #tpu.memory_space<vmem>>) offsets(%arg7 : memref<80xi32, #tpu.memory_space<vmem>>) semaphore(%arg14 : memref<!tpu.dma_semaphore, #tpu.memory_space<semaphore_mem>>)
      "tpu.region"() ({
        %run_scoped3A = tpu.sem_alloc : memref<!tpu.dma_semaphore, #tpu.memory_space<semaphore_mem>>
        %dma_start3A_120 = arith.constant 0 : i32
        %dma_start3A_121 = arith.constant 0 : i32
        %dma_start3A_122 = tpu.memref_slice %arg12[%dma_start3A_120, %dma_start3A_121] : memref<10000x128xf32, #tpu.memory_space<vmem_shared>> -> memref<10000x128xf32, #tpu.memory_space<vmem_shared>>
        tpu.enqueue_indirect_dma source(%arg10 : memref<80x128xf32, #tpu.memory_space<vmem>>) target(%dma_start3A_122 : memref<10000x128xf32, #tpu.memory_space<vmem_shared>>) offsets(%arg8 : memref<80xi32, #tpu.memory_space<vmem>>) semaphore(%run_scoped3A : memref<!tpu.dma_semaphore, #tpu.memory_space<semaphore_mem>>) {add = true}
        %dma_wait3A_123 = arith.constant 0 : i32
        %dma_wait3A_124 = arith.constant 0 : i32
        %dma_wait3A_125 = tpu.memref_slice %arg12[%dma_wait3A_123, %dma_wait3A_124] : memref<10000x128xf32, #tpu.memory_space<vmem_shared>> -> memref<10000x128xf32, #tpu.memory_space<vmem_shared>>
        tpu.wait_indirect_dma semaphore(%run_scoped3A : memref<!tpu.dma_semaphore, #tpu.memory_space<semaphore_mem>>) src(%arg10 : memref<80x128xf32, #tpu.memory_space<vmem>>) dst(%dma_wait3A_125 : memref<10000x128xf32, #tpu.memory_space<vmem_shared>>)
        tpu.yield
      }) : () -> ()
      %add3A_83 = arith.constant 2 : i32
      %add3A_84 = arith.addi %add3A_68, %add3A_83 : i32
      %min3A = arith.constant 249 : i32
      %min3A_85 = arith.minsi %add3A_84, %min3A : i32
      %mul3A_86 = arith.constant 80 : i32
      %mul3A_87 = arith.muli %min3A_85, %mul3A_86 : i32
      %add3A_88 = arith.addi %add3A, %mul3A_87 : i32
      %dma_start3A_89 = tpu.memref_slice %arg4[%add3A_88] : memref<640000xi32, #tpu.memory_space<hbm>> -> memref<80xi32, #tpu.memory_space<hbm>>
      %dma_start3A_90 = tpu.memref_slice %arg4[%add3A_88] : memref<640000xi32, #tpu.memory_space<hbm>> -> memref<80xi32, #tpu.memory_space<hbm>>
      tpu.enqueue_dma source(%dma_start3A_90 : memref<80xi32, #tpu.memory_space<hbm>>) target(%arg6 : memref<80xi32, #tpu.memory_space<vmem>>) target_semaphore(%arg15 : memref<!tpu.dma_semaphore, #tpu.memory_space<semaphore_mem>>)
      %dma_start3A_91 = tpu.memref_slice %arg3[%add3A_88] : memref<640000xi32, #tpu.memory_space<hbm>> -> memref<80xi32, #tpu.memory_space<hbm>>
      %dma_start3A_92 = tpu.memref_slice %arg3[%add3A_88] : memref<640000xi32, #tpu.memory_space<hbm>> -> memref<80xi32, #tpu.memory_space<hbm>>
      tpu.enqueue_dma source(%dma_start3A_92 : memref<80xi32, #tpu.memory_space<hbm>>) target(%arg8 : memref<80xi32, #tpu.memory_space<vmem>>) target_semaphore(%arg15 : memref<!tpu.dma_semaphore, #tpu.memory_space<semaphore_mem>>)
      %add3A_93 = arith.constant 1 : i32
      %add3A_94 = arith.addi %add3A_66, %add3A_93 : i32
      %dma_wait3A_95 = arith.constant 0 : i32
      %dma_wait3A_96 = tpu.memref_slice %arg4[%dma_wait3A_95] : memref<640000xi32, #tpu.memory_space<hbm>> -> memref<80xi32, #tpu.memory_space<hbm>>
      %dma_wait3A_97 = arith.constant 0 : i32
      %dma_wait3A_98 = tpu.memref_slice %arg4[%dma_wait3A_97] : memref<640000xi32, #tpu.memory_space<hbm>> -> memref<80xi32, #tpu.memory_space<hbm>>
      tpu.wait_dma2 semaphore(%arg15 : memref<!tpu.dma_semaphore, #tpu.memory_space<semaphore_mem>>) src(%dma_wait3A_98 : memref<80xi32, #tpu.memory_space<hbm>>) dst(%arg6 : memref<80xi32, #tpu.memory_space<vmem>>)
      %dma_wait3A_99 = arith.constant 0 : i32
      %dma_wait3A_100 = tpu.memref_slice %arg3[%dma_wait3A_99] : memref<640000xi32, #tpu.memory_space<hbm>> -> memref<80xi32, #tpu.memory_space<hbm>>
      %dma_wait3A_101 = arith.constant 0 : i32
      %dma_wait3A_102 = tpu.memref_slice %arg3[%dma_wait3A_101] : memref<640000xi32, #tpu.memory_space<hbm>> -> memref<80xi32, #tpu.memory_space<hbm>>
      tpu.wait_dma2 semaphore(%arg15 : memref<!tpu.dma_semaphore, #tpu.memory_space<semaphore_mem>>) src(%dma_wait3A_102 : memref<80xi32, #tpu.memory_space<hbm>>) dst(%arg8 : memref<80xi32, #tpu.memory_space<vmem>>)
      %dma_wait3A_103 = arith.constant 0 : i32
      %dma_wait3A_104 = arith.constant 0 : i32
      %dma_wait3A_105 = tpu.memref_slice %arg2[%dma_wait3A_103, %dma_wait3A_104] : memref<10000x128xf32, #tpu.memory_space<hbm>> -> memref<10000x128xf32, #tpu.memory_space<hbm>>
      tpu.wait_indirect_dma semaphore(%arg14 : memref<!tpu.dma_semaphore, #tpu.memory_space<semaphore_mem>>) src(%dma_wait3A_105 : memref<10000x128xf32, #tpu.memory_space<hbm>>) dst(%arg11 : memref<80x128xf32, #tpu.memory_space<vmem>>)
      %dma_start3A_106 = arith.constant 0 : i32
      %dma_start3A_107 = arith.constant 0 : i32
      %dma_start3A_108 = tpu.memref_slice %arg2[%dma_start3A_106, %dma_start3A_107] : memref<10000x128xf32, #tpu.memory_space<hbm>> -> memref<10000x128xf32, #tpu.memory_space<hbm>>
      tpu.enqueue_indirect_dma source(%dma_start3A_108 : memref<10000x128xf32, #tpu.memory_space<hbm>>) target(%arg10 : memref<80x128xf32, #tpu.memory_space<vmem>>) offsets(%arg6 : memref<80xi32, #tpu.memory_space<vmem>>) semaphore(%arg13 : memref<!tpu.dma_semaphore, #tpu.memory_space<semaphore_mem>>)
      "tpu.region"() ({
        %run_scoped3A = tpu.sem_alloc : memref<!tpu.dma_semaphore, #tpu.memory_space<semaphore_mem>>
        %dma_start3A_120 = arith.constant 0 : i32
        %dma_start3A_121 = arith.constant 0 : i32
        %dma_start3A_122 = tpu.memref_slice %arg12[%dma_start3A_120, %dma_start3A_121] : memref<10000x128xf32, #tpu.memory_space<vmem_shared>> -> memref<10000x128xf32, #tpu.memory_space<vmem_shared>>
        tpu.enqueue_indirect_dma source(%arg11 : memref<80x128xf32, #tpu.memory_space<vmem>>) target(%dma_start3A_122 : memref<10000x128xf32, #tpu.memory_space<vmem_shared>>) offsets(%arg9 : memref<80xi32, #tpu.memory_space<vmem>>) semaphore(%run_scoped3A : memref<!tpu.dma_semaphore, #tpu.memory_space<semaphore_mem>>) {add = true}
        %dma_wait3A_123 = arith.constant 0 : i32
        %dma_wait3A_124 = arith.constant 0 : i32
        %dma_wait3A_125 = tpu.memref_slice %arg12[%dma_wait3A_123, %dma_wait3A_124] : memref<10000x128xf32, #tpu.memory_space<vmem_shared>> -> memref<10000x128xf32, #tpu.memory_space<vmem_shared>>
        tpu.wait_indirect_dma semaphore(%run_scoped3A : memref<!tpu.dma_semaphore, #tpu.memory_space<semaphore_mem>>) src(%arg11 : memref<80x128xf32, #tpu.memory_space<vmem>>) dst(%dma_wait3A_125 : memref<10000x128xf32, #tpu.memory_space<vmem_shared>>)
        tpu.yield
      }) : () -> ()
      %add3A_109 = arith.constant 2 : i32
      %add3A_110 = arith.addi %add3A_94, %add3A_109 : i32
      %min3A_111 = arith.constant 249 : i32
      %min3A_112 = arith.minsi %add3A_110, %min3A_111 : i32
      %mul3A_113 = arith.constant 80 : i32
      %mul3A_114 = arith.muli %min3A_112, %mul3A_113 : i32
      %add3A_115 = arith.addi %add3A, %mul3A_114 : i32
      %dma_start3A_116 = tpu.memref_slice %arg4[%add3A_115] : memref<640000xi32, #tpu.memory_space<hbm>> -> memref<80xi32, #tpu.memory_space<hbm>>
      %dma_start3A_117 = tpu.memref_slice %arg4[%add3A_115] : memref<640000xi32, #tpu.memory_space<hbm>> -> memref<80xi32, #tpu.memory_space<hbm>>
      tpu.enqueue_dma source(%dma_start3A_117 : memref<80xi32, #tpu.memory_space<hbm>>) target(%arg7 : memref<80xi32, #tpu.memory_space<vmem>>) target_semaphore(%arg16 : memref<!tpu.dma_semaphore, #tpu.memory_space<semaphore_mem>>)
      %dma_start3A_118 = tpu.memref_slice %arg3[%add3A_115] : memref<640000xi32, #tpu.memory_space<hbm>> -> memref<80xi32, #tpu.memory_space<hbm>>
      %dma_start3A_119 = tpu.memref_slice %arg3[%add3A_115] : memref<640000xi32, #tpu.memory_space<hbm>> -> memref<80xi32, #tpu.memory_space<hbm>>
      tpu.enqueue_dma source(%dma_start3A_119 : memref<80xi32, #tpu.memory_space<hbm>>) target(%arg9 : memref<80xi32, #tpu.memory_space<vmem>>) target_semaphore(%arg16 : memref<!tpu.dma_semaphore, #tpu.memory_space<semaphore_mem>>)
    }
    %scan3A_37 = arith.constant 125 : i32
    %dma_wait3A_38 = arith.constant 0 : i32
    %dma_wait3A_39 = arith.constant 0 : i32
    %dma_wait3A_40 = tpu.memref_slice %arg2[%dma_wait3A_38, %dma_wait3A_39] : memref<10000x128xf32, #tpu.memory_space<hbm>> -> memref<10000x128xf32, #tpu.memory_space<hbm>>
    tpu.wait_indirect_dma semaphore(%arg13 : memref<!tpu.dma_semaphore, #tpu.memory_space<semaphore_mem>>) src(%dma_wait3A_40 : memref<10000x128xf32, #tpu.memory_space<hbm>>) dst(%arg10 : memref<80x128xf32, #tpu.memory_space<vmem>>)
    %dma_wait3A_41 = arith.constant 0 : i32
    %dma_wait3A_42 = tpu.memref_slice %arg4[%dma_wait3A_41] : memref<640000xi32, #tpu.memory_space<hbm>> -> memref<80xi32, #tpu.memory_space<hbm>>
    %dma_wait3A_43 = arith.constant 0 : i32
    %dma_wait3A_44 = tpu.memref_slice %arg4[%dma_wait3A_43] : memref<640000xi32, #tpu.memory_space<hbm>> -> memref<80xi32, #tpu.memory_space<hbm>>
    tpu.wait_dma2 semaphore(%arg16 : memref<!tpu.dma_semaphore, #tpu.memory_space<semaphore_mem>>) src(%dma_wait3A_44 : memref<80xi32, #tpu.memory_space<hbm>>) dst(%arg7 : memref<80xi32, #tpu.memory_space<vmem>>)
    %dma_wait3A_45 = arith.constant 0 : i32
    %dma_wait3A_46 = tpu.memref_slice %arg3[%dma_wait3A_45] : memref<640000xi32, #tpu.memory_space<hbm>> -> memref<80xi32, #tpu.memory_space<hbm>>
    %dma_wait3A_47 = arith.constant 0 : i32
    %dma_wait3A_48 = tpu.memref_slice %arg3[%dma_wait3A_47] : memref<640000xi32, #tpu.memory_space<hbm>> -> memref<80xi32, #tpu.memory_space<hbm>>
    tpu.wait_dma2 semaphore(%arg16 : memref<!tpu.dma_semaphore, #tpu.memory_space<semaphore_mem>>) src(%dma_wait3A_48 : memref<80xi32, #tpu.memory_space<hbm>>) dst(%arg9 : memref<80xi32, #tpu.memory_space<vmem>>)
    %barrier3A_49 = arith.constant 0 : index
    tpu.barrier barrier_id(%barrier3A_49)
    %mul3A_50 = arith.constant 632 : i32
    %mul3A_51 = arith.muli %arg1, %mul3A_50 : i32
    %lt3A_52 = arith.constant 15 : i32
    %lt3A_53 = arith.cmpi slt, %arg1, %lt3A_52 : i32
    %convert_element_type3A_54 = arith.extui %lt3A_53 : i1 to i32
    %cond3A_55 = arith.constant 0 : i32
    %cond3A_56 = arith.cmpi ne, %convert_element_type3A_54, %cond3A_55 : i32
    scf.if %cond3A_56 {
      %mul3A_62 = arith.constant 10000 : i32
      %mul3A_63 = arith.muli %arg0, %mul3A_62 : i32
      %add3A_64 = arith.addi %mul3A_63, %mul3A_51 : i32
      "tpu.region"() ({
        %run_scoped3A = tpu.sem_alloc : memref<!tpu.dma_semaphore, #tpu.memory_space<semaphore_mem>>
        %dma_start3A_65 = arith.constant 0 : i32
        %dma_start3A_66 = tpu.memref_slice %arg5[%add3A_64, %dma_start3A_65] : memref<20000x128xf32, #tpu.memory_space<hbm>> -> memref<632x128xf32, #tpu.memory_space<hbm>>
        %dma_start3A_67 = arith.constant 0 : i32
        %dma_start3A_68 = tpu.memref_slice %arg12[%mul3A_51, %dma_start3A_67] : memref<10000x128xf32, #tpu.memory_space<vmem_shared>> -> memref<632x128xf32, #tpu.memory_space<vmem_shared>>
        tpu.enqueue_dma source(%dma_start3A_68 : memref<632x128xf32, #tpu.memory_space<vmem_shared>>) target(%dma_start3A_66 : memref<632x128xf32, #tpu.memory_space<hbm>>) target_semaphore(%run_scoped3A : memref<!tpu.dma_semaphore, #tpu.memory_space<semaphore_mem>>)
        %dma_wait3A_69 = arith.constant 0 : i32
        %dma_wait3A_70 = tpu.memref_slice %arg5[%add3A_64, %dma_wait3A_69] : memref<20000x128xf32, #tpu.memory_space<hbm>> -> memref<632x128xf32, #tpu.memory_space<hbm>>
        %dma_wait3A_71 = arith.constant 0 : i32
        %dma_wait3A_72 = tpu.memref_slice %arg12[%mul3A_51, %dma_wait3A_71] : memref<10000x128xf32, #tpu.memory_space<vmem_shared>> -> memref<632x128xf32, #tpu.memory_space<vmem_shared>>
        tpu.wait_dma2 semaphore(%run_scoped3A : memref<!tpu.dma_semaphore, #tpu.memory_space<semaphore_mem>>) src(%dma_wait3A_72 : memref<632x128xf32, #tpu.memory_space<vmem_shared>>) dst(%dma_wait3A_70 : memref<632x128xf32, #tpu.memory_space<hbm>>)
        tpu.yield
      }) : () -> ()
    } else {
    }
    %eq3A_57 = arith.constant 15 : i32
    %eq3A_58 = arith.cmpi eq, %arg1, %eq3A_57 : i32
    %convert_element_type3A_59 = arith.extui %eq3A_58 : i1 to i32
    %cond3A_60 = arith.constant 0 : i32
    %cond3A_61 = arith.cmpi ne, %convert_element_type3A_59, %cond3A_60 : i32
    scf.if %cond3A_61 {
      %mul3A_62 = arith.constant 10000 : i32
      %mul3A_63 = arith.muli %arg0, %mul3A_62 : i32
      %add3A_64 = arith.addi %mul3A_63, %mul3A_51 : i32
      "tpu.region"() ({
        %run_scoped3A = tpu.sem_alloc : memref<!tpu.dma_semaphore, #tpu.memory_space<semaphore_mem>>
        %dma_start3A_65 = arith.constant 0 : i32
        %dma_start3A_66 = tpu.memref_slice %arg5[%add3A_64, %dma_start3A_65] : memref<20000x128xf32, #tpu.memory_space<hbm>> -> memref<520x128xf32, #tpu.memory_space<hbm>>
        %dma_start3A_67 = arith.constant 0 : i32
        %dma_start3A_68 = tpu.memref_slice %arg12[%mul3A_51, %dma_start3A_67] : memref<10000x128xf32, #tpu.memory_space<vmem_shared>> -> memref<520x128xf32, #tpu.memory_space<vmem_shared>>
        tpu.enqueue_dma source(%dma_start3A_68 : memref<520x128xf32, #tpu.memory_space<vmem_shared>>) target(%dma_start3A_66 : memref<520x128xf32, #tpu.memory_space<hbm>>) target_semaphore(%run_scoped3A : memref<!tpu.dma_semaphore, #tpu.memory_space<semaphore_mem>>)
        %dma_wait3A_69 = arith.constant 0 : i32
        %dma_wait3A_70 = tpu.memref_slice %arg5[%add3A_64, %dma_wait3A_69] : memref<20000x128xf32, #tpu.memory_space<hbm>> -> memref<520x128xf32, #tpu.memory_space<hbm>>
        %dma_wait3A_71 = arith.constant 0 : i32
        %dma_wait3A_72 = tpu.memref_slice %arg12[%mul3A_51, %dma_wait3A_71] : memref<10000x128xf32, #tpu.memory_space<vmem_shared>> -> memref<520x128xf32, #tpu.memory_space<vmem_shared>>
        tpu.wait_dma2 semaphore(%run_scoped3A : memref<!tpu.dma_semaphore, #tpu.memory_space<semaphore_mem>>) src(%dma_wait3A_72 : memref<520x128xf32, #tpu.memory_space<vmem_shared>>) dst(%dma_wait3A_70 : memref<520x128xf32, #tpu.memory_space<hbm>>)
        tpu.yield
      }) : () -> ()
    } else {
    }
    return
  }
}

#map = affine_map<(d0, d1) -> (0)>
#map1 = affine_map<(d0, d1) -> (0, 0)>
module attributes {stable_mosaic.version = 14 : i64} {
  func.func @body(%arg0: i32, %arg1: i32, %arg2: memref<640000xi32, #tpu.memory_space<hbm>>, %arg3: memref<20000x128xf32, #tpu.memory_space<hbm>>, %arg4: memref<80xi32, #tpu.memory_space<vmem>>, %arg5: memref<80xi32, #tpu.memory_space<vmem>>, %arg6: memref<80x128xf32, #tpu.memory_space<vmem>>, %arg7: memref<10000x128xf32, #tpu.memory_space<vmem_shared>>, %arg8: memref<!tpu.dma_semaphore, #tpu.memory_space<semaphore_mem>>, %arg9: memref<!tpu.dma_semaphore, #tpu.memory_space<semaphore_mem>>) attributes {dimension_semantics = [#tpu.dimension_semantics<core_parallel>, #tpu.dimension_semantics<subcore_parallel>], iteration_bounds = array<i64: 2, 16>, scalar_prefetch = 0 : i64, scratch_operands = 6 : i64, tpu.core_type = #tpu.core_type<sc_vector_subcore>, window_params = [{transform_indices = #map}, {transform_indices = #map1}]} {
    %mul3A = arith.constant 320000 : i32
    %mul3A_0 = arith.muli %arg0, %mul3A : i32
    %mul3A_1 = arith.constant 20000 : i32
    %mul3A_2 = arith.muli %arg1, %mul3A_1 : i32
    %add3A = arith.addi %mul3A_0, %mul3A_2 : i32
    %broadcast_in_dim3A = arith.constant 0.000000e+00 : f32
    %broadcast_in_dim3A_3 = vector.broadcast %broadcast_in_dim3A : f32 to vector<16xf32>
    %scan3A = arith.constant 0 : i32
    %scan3A_4 = arith.constant 64 : i32
    %scan3A_5 = arith.addi %scan3A, %scan3A_4 : i32
    %scan3A_6 = arith.constant 1 : i32
    scf.for %scan3A_55 = %scan3A to %scan3A_5 step %scan3A_6  : i32 {
      %mul3A_56 = arith.constant 1 : i32
      %mul3A_57 = arith.muli %scan3A_55, %mul3A_56 : i32
      %add3A_58 = arith.constant 0 : i32
      %add3A_59 = arith.addi %add3A_58, %mul3A_57 : i32
      %swap3A = arith.index_cast %add3A_59 : i32 to index
      %swap3A_60 = arith.constant 0 : index
      %swap3A_61 = tpu.vector_load %arg6[%swap3A, %swap3A_60] {strides = array<i32>} : memref<80x128xf32, #tpu.memory_space<vmem>>, vector<1x16xf32>,
      %swap3A_62 = vector.shape_cast %swap3A_61 : vector<1x16xf32> to vector<16xf32>
      %swap3A_63 = vector.shape_cast %broadcast_in_dim3A_3 : vector<16xf32> to vector<1x16xf32>
      tpu.vector_store %arg6[%swap3A, %swap3A_60], %swap3A_63 {strides = array<i32>} : memref<80x128xf32, #tpu.memory_space<vmem>>, vector<1x16xf32>,
      %swap3A_64 = arith.index_cast %add3A_59 : i32 to index
      %swap3A_65 = arith.constant 16 : index
      %swap3A_66 = tpu.vector_load %arg6[%swap3A_64, %swap3A_65] {strides = array<i32>} : memref<80x128xf32, #tpu.memory_space<vmem>>, vector<1x16xf32>,
      %swap3A_67 = vector.shape_cast %swap3A_66 : vector<1x16xf32> to vector<16xf32>
      %swap3A_68 = vector.shape_cast %broadcast_in_dim3A_3 : vector<16xf32> to vector<1x16xf32>
      tpu.vector_store %arg6[%swap3A_64, %swap3A_65], %swap3A_68 {strides = array<i32>} : memref<80x128xf32, #tpu.memory_space<vmem>>, vector<1x16xf32>,
      %swap3A_69 = arith.index_cast %add3A_59 : i32 to index
      %swap3A_70 = arith.constant 32 : index
      %swap3A_71 = tpu.vector_load %arg6[%swap3A_69, %swap3A_70] {strides = array<i32>} : memref<80x128xf32, #tpu.memory_space<vmem>>, vector<1x16xf32>,
      %swap3A_72 = vector.shape_cast %swap3A_71 : vector<1x16xf32> to vector<16xf32>
      %swap3A_73 = vector.shape_cast %broadcast_in_dim3A_3 : vector<16xf32> to vector<1x16xf32>
      tpu.vector_store %arg6[%swap3A_69, %swap3A_70], %swap3A_73 {strides = array<i32>} : memref<80x128xf32, #tpu.memory_space<vmem>>, vector<1x16xf32>,
      %swap3A_74 = arith.index_cast %add3A_59 : i32 to index
      %swap3A_75 = arith.constant 48 : index
      %swap3A_76 = tpu.vector_load %arg6[%swap3A_74, %swap3A_75] {strides = array<i32>} : memref<80x128xf32, #tpu.memory_space<vmem>>, vector<1x16xf32>,
      %swap3A_77 = vector.shape_cast %swap3A_76 : vector<1x16xf32> to vector<16xf32>
      %swap3A_78 = vector.shape_cast %broadcast_in_dim3A_3 : vector<16xf32> to vector<1x16xf32>
      tpu.vector_store %arg6[%swap3A_74, %swap3A_75], %swap3A_78 {strides = array<i32>} : memref<80x128xf32, #tpu.memory_space<vmem>>, vector<1x16xf32>,
      %swap3A_79 = arith.index_cast %add3A_59 : i32 to index
      %swap3A_80 = arith.constant 64 : index
      %swap3A_81 = tpu.vector_load %arg6[%swap3A_79, %swap3A_80] {strides = array<i32>} : memref<80x128xf32, #tpu.memory_space<vmem>>, vector<1x16xf32>,
      %swap3A_82 = vector.shape_cast %swap3A_81 : vector<1x16xf32> to vector<16xf32>
      %swap3A_83 = vector.shape_cast %broadcast_in_dim3A_3 : vector<16xf32> to vector<1x16xf32>
      tpu.vector_store %arg6[%swap3A_79, %swap3A_80], %swap3A_83 {strides = array<i32>} : memref<80x128xf32, #tpu.memory_space<vmem>>, vector<1x16xf32>,
      %swap3A_84 = arith.index_cast %add3A_59 : i32 to index
      %swap3A_85 = arith.constant 80 : index
      %swap3A_86 = tpu.vector_load %arg6[%swap3A_84, %swap3A_85] {strides = array<i32>} : memref<80x128xf32, #tpu.memory_space<vmem>>, vector<1x16xf32>,
      %swap3A_87 = vector.shape_cast %swap3A_86 : vector<1x16xf32> to vector<16xf32>
      %swap3A_88 = vector.shape_cast %broadcast_in_dim3A_3 : vector<16xf32> to vector<1x16xf32>
      tpu.vector_store %arg6[%swap3A_84, %swap3A_85], %swap3A_88 {strides = array<i32>} : memref<80x128xf32, #tpu.memory_space<vmem>>, vector<1x16xf32>,
      %swap3A_89 = arith.index_cast %add3A_59 : i32 to index
      %swap3A_90 = arith.constant 96 : index
      %swap3A_91 = tpu.vector_load %arg6[%swap3A_89, %swap3A_90] {strides = array<i32>} : memref<80x128xf32, #tpu.memory_space<vmem>>, vector<1x16xf32>,
      %swap3A_92 = vector.shape_cast %swap3A_91 : vector<1x16xf32> to vector<16xf32>
      %swap3A_93 = vector.shape_cast %broadcast_in_dim3A_3 : vector<16xf32> to vector<1x16xf32>
      tpu.vector_store %arg6[%swap3A_89, %swap3A_90], %swap3A_93 {strides = array<i32>} : memref<80x128xf32, #tpu.memory_space<vmem>>, vector<1x16xf32>,
      %swap3A_94 = arith.index_cast %add3A_59 : i32 to index
      %swap3A_95 = arith.constant 112 : index
      %swap3A_96 = tpu.vector_load %arg6[%swap3A_94, %swap3A_95] {strides = array<i32>} : memref<80x128xf32, #tpu.memory_space<vmem>>, vector<1x16xf32>,
      %swap3A_97 = vector.shape_cast %swap3A_96 : vector<1x16xf32> to vector<16xf32>
      %swap3A_98 = vector.shape_cast %broadcast_in_dim3A_3 : vector<16xf32> to vector<1x16xf32>
      tpu.vector_store %arg6[%swap3A_94, %swap3A_95], %swap3A_98 {strides = array<i32>} : memref<80x128xf32, #tpu.memory_space<vmem>>, vector<1x16xf32>,
    }
    %scan3A_7 = arith.constant 64 : i32
    %mul3A_8 = arith.constant 632 : i32
    %mul3A_9 = arith.muli %arg1, %mul3A_8 : i32
    %lt3A = arith.constant 15 : i32
    %lt3A_10 = arith.cmpi slt, %arg1, %lt3A : i32
    %convert_element_type3A = arith.extui %lt3A_10 : i1 to i32
    %cond3A = arith.constant 0 : i32
    %cond3A_11 = arith.cmpi ne, %convert_element_type3A, %cond3A : i32
    scf.if %cond3A_11 {
      %add3A_55 = arith.constant 0 : i32
      %add3A_56 = arith.addi %mul3A_9, %add3A_55 : i32
      "tpu.region"() ({
        %run_scoped3A = tpu.sem_alloc : memref<!tpu.dma_semaphore, #tpu.memory_space<semaphore_mem>>
        %dma_start3A_75 = arith.constant 0 : i32
        %dma_start3A_76 = arith.constant 0 : i32
        %dma_start3A_77 = tpu.memref_slice %arg6[%dma_start3A_75, %dma_start3A_76] : memref<80x128xf32, #tpu.memory_space<vmem>> -> memref<64x128xf32, #tpu.memory_space<vmem>>
        %dma_start3A_78 = arith.constant 0 : i32
        %dma_start3A_79 = tpu.memref_slice %arg7[%add3A_56, %dma_start3A_78] : memref<10000x128xf32, #tpu.memory_space<vmem_shared>> -> memref<64x128xf32, #tpu.memory_space<vmem_shared>>
        %dma_start3A_80 = arith.constant 0 : i32
        %dma_start3A_81 = tpu.memref_slice %arg7[%add3A_56, %dma_start3A_80] : memref<10000x128xf32, #tpu.memory_space<vmem_shared>> -> memref<64x128xf32, #tpu.memory_space<vmem_shared>>
        %dma_start3A_82 = arith.constant 0 : i32
        %dma_start3A_83 = arith.constant 0 : i32
        %dma_start3A_84 = tpu.memref_slice %arg6[%dma_start3A_82, %dma_start3A_83] : memref<80x128xf32, #tpu.memory_space<vmem>> -> memref<64x128xf32, #tpu.memory_space<vmem>>
        tpu.enqueue_dma source(%dma_start3A_84 : memref<64x128xf32, #tpu.memory_space<vmem>>) target(%dma_start3A_81 : memref<64x128xf32, #tpu.memory_space<vmem_shared>>) target_semaphore(%run_scoped3A : memref<!tpu.dma_semaphore, #tpu.memory_space<semaphore_mem>>)
        %dma_wait3A_85 = arith.constant 0 : i32
        %dma_wait3A_86 = arith.constant 0 : i32
        %dma_wait3A_87 = tpu.memref_slice %arg6[%dma_wait3A_85, %dma_wait3A_86] : memref<80x128xf32, #tpu.memory_space<vmem>> -> memref<64x128xf32, #tpu.memory_space<vmem>>
        %dma_wait3A_88 = arith.constant 0 : i32
        %dma_wait3A_89 = tpu.memref_slice %arg7[%add3A_56, %dma_wait3A_88] : memref<10000x128xf32, #tpu.memory_space<vmem_shared>> -> memref<64x128xf32, #tpu.memory_space<vmem_shared>>
        %dma_wait3A_90 = arith.constant 0 : i32
        %dma_wait3A_91 = tpu.memref_slice %arg7[%add3A_56, %dma_wait3A_90] : memref<10000x128xf32, #tpu.memory_space<vmem_shared>> -> memref<64x128xf32, #tpu.memory_space<vmem_shared>>
        %dma_wait3A_92 = arith.constant 0 : i32
        %dma_wait3A_93 = arith.constant 0 : i32
        %dma_wait3A_94 = tpu.memref_slice %arg6[%dma_wait3A_92, %dma_wait3A_93] : memref<80x128xf32, #tpu.memory_space<vmem>> -> memref<64x128xf32, #tpu.memory_space<vmem>>
        tpu.wait_dma2 semaphore(%run_scoped3A : memref<!tpu.dma_semaphore, #tpu.memory_space<semaphore_mem>>) src(%dma_wait3A_94 : memref<64x128xf32, #tpu.memory_space<vmem>>) dst(%dma_wait3A_91 : memref<64x128xf32, #tpu.memory_space<vmem_shared>>)
        tpu.yield
      }) : () -> ()
      %add3A_57 = arith.constant 64 : i32
      %add3A_58 = arith.addi %mul3A_9, %add3A_57 : i32
      "tpu.region"() ({
        %run_scoped3A = tpu.sem_alloc : memref<!tpu.dma_semaphore, #tpu.memory_space<semaphore_mem>>
        %dma_start3A_75 = arith.constant 0 : i32
        %dma_start3A_76 = arith.constant 0 : i32
        %dma_start3A_77 = tpu.memref_slice %arg6[%dma_start3A_75, %dma_start3A_76] : memref<80x128xf32, #tpu.memory_space<vmem>> -> memref<64x128xf32, #tpu.memory_space<vmem>>
        %dma_start3A_78 = arith.constant 0 : i32
        %dma_start3A_79 = tpu.memref_slice %arg7[%add3A_58, %dma_start3A_78] : memref<10000x128xf32, #tpu.memory_space<vmem_shared>> -> memref<64x128xf32, #tpu.memory_space<vmem_shared>>
        %dma_start3A_80 = arith.constant 0 : i32
        %dma_start3A_81 = tpu.memref_slice %arg7[%add3A_58, %dma_start3A_80] : memref<10000x128xf32, #tpu.memory_space<vmem_shared>> -> memref<64x128xf32, #tpu.memory_space<vmem_shared>>
        %dma_start3A_82 = arith.constant 0 : i32
        %dma_start3A_83 = arith.constant 0 : i32
        %dma_start3A_84 = tpu.memref_slice %arg6[%dma_start3A_82, %dma_start3A_83] : memref<80x128xf32, #tpu.memory_space<vmem>> -> memref<64x128xf32, #tpu.memory_space<vmem>>
        tpu.enqueue_dma source(%dma_start3A_84 : memref<64x128xf32, #tpu.memory_space<vmem>>) target(%dma_start3A_81 : memref<64x128xf32, #tpu.memory_space<vmem_shared>>) target_semaphore(%run_scoped3A : memref<!tpu.dma_semaphore, #tpu.memory_space<semaphore_mem>>)
        %dma_wait3A_85 = arith.constant 0 : i32
        %dma_wait3A_86 = arith.constant 0 : i32
        %dma_wait3A_87 = tpu.memref_slice %arg6[%dma_wait3A_85, %dma_wait3A_86] : memref<80x128xf32, #tpu.memory_space<vmem>> -> memref<64x128xf32, #tpu.memory_space<vmem>>
        %dma_wait3A_88 = arith.constant 0 : i32
        %dma_wait3A_89 = tpu.memref_slice %arg7[%add3A_58, %dma_wait3A_88] : memref<10000x128xf32, #tpu.memory_space<vmem_shared>> -> memref<64x128xf32, #tpu.memory_space<vmem_shared>>
        %dma_wait3A_90 = arith.constant 0 : i32
        %dma_wait3A_91 = tpu.memref_slice %arg7[%add3A_58, %dma_wait3A_90] : memref<10000x128xf32, #tpu.memory_space<vmem_shared>> -> memref<64x128xf32, #tpu.memory_space<vmem_shared>>
        %dma_wait3A_92 = arith.constant 0 : i32
        %dma_wait3A_93 = arith.constant 0 : i32
        %dma_wait3A_94 = tpu.memref_slice %arg6[%dma_wait3A_92, %dma_wait3A_93] : memref<80x128xf32, #tpu.memory_space<vmem>> -> memref<64x128xf32, #tpu.memory_space<vmem>>
        tpu.wait_dma2 semaphore(%run_scoped3A : memref<!tpu.dma_semaphore, #tpu.memory_space<semaphore_mem>>) src(%dma_wait3A_94 : memref<64x128xf32, #tpu.memory_space<vmem>>) dst(%dma_wait3A_91 : memref<64x128xf32, #tpu.memory_space<vmem_shared>>)
        tpu.yield
      }) : () -> ()
      %add3A_59 = arith.constant 128 : i32
      %add3A_60 = arith.addi %mul3A_9, %add3A_59 : i32
      "tpu.region"() ({
        %run_scoped3A = tpu.sem_alloc : memref<!tpu.dma_semaphore, #tpu.memory_space<semaphore_mem>>
        %dma_start3A_75 = arith.constant 0 : i32
        %dma_start3A_76 = arith.constant 0 : i32
        %dma_start3A_77 = tpu.memref_slice %arg6[%dma_start3A_75, %dma_start3A_76] : memref<80x128xf32, #tpu.memory_space<vmem>> -> memref<64x128xf32, #tpu.memory_space<vmem>>
        %dma_start3A_78 = arith.constant 0 : i32
        %dma_start3A_79 = tpu.memref_slice %arg7[%add3A_60, %dma_start3A_78] : memref<10000x128xf32, #tpu.memory_space<vmem_shared>> -> memref<64x128xf32, #tpu.memory_space<vmem_shared>>
        %dma_start3A_80 = arith.constant 0 : i32
        %dma_start3A_81 = tpu.memref_slice %arg7[%add3A_60, %dma_start3A_80] : memref<10000x128xf32, #tpu.memory_space<vmem_shared>> -> memref<64x128xf32, #tpu.memory_space<vmem_shared>>
        %dma_start3A_82 = arith.constant 0 : i32
        %dma_start3A_83 = arith.constant 0 : i32
        %dma_start3A_84 = tpu.memref_slice %arg6[%dma_start3A_82, %dma_start3A_83] : memref<80x128xf32, #tpu.memory_space<vmem>> -> memref<64x128xf32, #tpu.memory_space<vmem>>
        tpu.enqueue_dma source(%dma_start3A_84 : memref<64x128xf32, #tpu.memory_space<vmem>>) target(%dma_start3A_81 : memref<64x128xf32, #tpu.memory_space<vmem_shared>>) target_semaphore(%run_scoped3A : memref<!tpu.dma_semaphore, #tpu.memory_space<semaphore_mem>>)
        %dma_wait3A_85 = arith.constant 0 : i32
        %dma_wait3A_86 = arith.constant 0 : i32
        %dma_wait3A_87 = tpu.memref_slice %arg6[%dma_wait3A_85, %dma_wait3A_86] : memref<80x128xf32, #tpu.memory_space<vmem>> -> memref<64x128xf32, #tpu.memory_space<vmem>>
        %dma_wait3A_88 = arith.constant 0 : i32
        %dma_wait3A_89 = tpu.memref_slice %arg7[%add3A_60, %dma_wait3A_88] : memref<10000x128xf32, #tpu.memory_space<vmem_shared>> -> memref<64x128xf32, #tpu.memory_space<vmem_shared>>
        %dma_wait3A_90 = arith.constant 0 : i32
        %dma_wait3A_91 = tpu.memref_slice %arg7[%add3A_60, %dma_wait3A_90] : memref<10000x128xf32, #tpu.memory_space<vmem_shared>> -> memref<64x128xf32, #tpu.memory_space<vmem_shared>>
        %dma_wait3A_92 = arith.constant 0 : i32
        %dma_wait3A_93 = arith.constant 0 : i32
        %dma_wait3A_94 = tpu.memref_slice %arg6[%dma_wait3A_92, %dma_wait3A_93] : memref<80x128xf32, #tpu.memory_space<vmem>> -> memref<64x128xf32, #tpu.memory_space<vmem>>
        tpu.wait_dma2 semaphore(%run_scoped3A : memref<!tpu.dma_semaphore, #tpu.memory_space<semaphore_mem>>) src(%dma_wait3A_94 : memref<64x128xf32, #tpu.memory_space<vmem>>) dst(%dma_wait3A_91 : memref<64x128xf32, #tpu.memory_space<vmem_shared>>)
        tpu.yield
      }) : () -> ()
      %add3A_61 = arith.constant 192 : i32
      %add3A_62 = arith.addi %mul3A_9, %add3A_61 : i32
      "tpu.region"() ({
        %run_scoped3A = tpu.sem_alloc : memref<!tpu.dma_semaphore, #tpu.memory_space<semaphore_mem>>
        %dma_start3A_75 = arith.constant 0 : i32
        %dma_start3A_76 = arith.constant 0 : i32
        %dma_start3A_77 = tpu.memref_slice %arg6[%dma_start3A_75, %dma_start3A_76] : memref<80x128xf32, #tpu.memory_space<vmem>> -> memref<64x128xf32, #tpu.memory_space<vmem>>
        %dma_start3A_78 = arith.constant 0 : i32
        %dma_start3A_79 = tpu.memref_slice %arg7[%add3A_62, %dma_start3A_78] : memref<10000x128xf32, #tpu.memory_space<vmem_shared>> -> memref<64x128xf32, #tpu.memory_space<vmem_shared>>
        %dma_start3A_80 = arith.constant 0 : i32
        %dma_start3A_81 = tpu.memref_slice %arg7[%add3A_62, %dma_start3A_80] : memref<10000x128xf32, #tpu.memory_space<vmem_shared>> -> memref<64x128xf32, #tpu.memory_space<vmem_shared>>
        %dma_start3A_82 = arith.constant 0 : i32
        %dma_start3A_83 = arith.constant 0 : i32
        %dma_start3A_84 = tpu.memref_slice %arg6[%dma_start3A_82, %dma_start3A_83] : memref<80x128xf32, #tpu.memory_space<vmem>> -> memref<64x128xf32, #tpu.memory_space<vmem>>
        tpu.enqueue_dma source(%dma_start3A_84 : memref<64x128xf32, #tpu.memory_space<vmem>>) target(%dma_start3A_81 : memref<64x128xf32, #tpu.memory_space<vmem_shared>>) target_semaphore(%run_scoped3A : memref<!tpu.dma_semaphore, #tpu.memory_space<semaphore_mem>>)
        %dma_wait3A_85 = arith.constant 0 : i32
        %dma_wait3A_86 = arith.constant 0 : i32
        %dma_wait3A_87 = tpu.memref_slice %arg6[%dma_wait3A_85, %dma_wait3A_86] : memref<80x128xf32, #tpu.memory_space<vmem>> -> memref<64x128xf32, #tpu.memory_space<vmem>>
        %dma_wait3A_88 = arith.constant 0 : i32
        %dma_wait3A_89 = tpu.memref_slice %arg7[%add3A_62, %dma_wait3A_88] : memref<10000x128xf32, #tpu.memory_space<vmem_shared>> -> memref<64x128xf32, #tpu.memory_space<vmem_shared>>
        %dma_wait3A_90 = arith.constant 0 : i32
        %dma_wait3A_91 = tpu.memref_slice %arg7[%add3A_62, %dma_wait3A_90] : memref<10000x128xf32, #tpu.memory_space<vmem_shared>> -> memref<64x128xf32, #tpu.memory_space<vmem_shared>>
        %dma_wait3A_92 = arith.constant 0 : i32
        %dma_wait3A_93 = arith.constant 0 : i32
        %dma_wait3A_94 = tpu.memref_slice %arg6[%dma_wait3A_92, %dma_wait3A_93] : memref<80x128xf32, #tpu.memory_space<vmem>> -> memref<64x128xf32, #tpu.memory_space<vmem>>
        tpu.wait_dma2 semaphore(%run_scoped3A : memref<!tpu.dma_semaphore, #tpu.memory_space<semaphore_mem>>) src(%dma_wait3A_94 : memref<64x128xf32, #tpu.memory_space<vmem>>) dst(%dma_wait3A_91 : memref<64x128xf32, #tpu.memory_space<vmem_shared>>)
        tpu.yield
      }) : () -> ()
      %add3A_63 = arith.constant 256 : i32
      %add3A_64 = arith.addi %mul3A_9, %add3A_63 : i32
      "tpu.region"() ({
        %run_scoped3A = tpu.sem_alloc : memref<!tpu.dma_semaphore, #tpu.memory_space<semaphore_mem>>
        %dma_start3A_75 = arith.constant 0 : i32
        %dma_start3A_76 = arith.constant 0 : i32
        %dma_start3A_77 = tpu.memref_slice %arg6[%dma_start3A_75, %dma_start3A_76] : memref<80x128xf32, #tpu.memory_space<vmem>> -> memref<64x128xf32, #tpu.memory_space<vmem>>
        %dma_start3A_78 = arith.constant 0 : i32
        %dma_start3A_79 = tpu.memref_slice %arg7[%add3A_64, %dma_start3A_78] : memref<10000x128xf32, #tpu.memory_space<vmem_shared>> -> memref<64x128xf32, #tpu.memory_space<vmem_shared>>
        %dma_start3A_80 = arith.constant 0 : i32
        %dma_start3A_81 = tpu.memref_slice %arg7[%add3A_64, %dma_start3A_80] : memref<10000x128xf32, #tpu.memory_space<vmem_shared>> -> memref<64x128xf32, #tpu.memory_space<vmem_shared>>
        %dma_start3A_82 = arith.constant 0 : i32
        %dma_start3A_83 = arith.constant 0 : i32
        %dma_start3A_84 = tpu.memref_slice %arg6[%dma_start3A_82, %dma_start3A_83] : memref<80x128xf32, #tpu.memory_space<vmem>> -> memref<64x128xf32, #tpu.memory_space<vmem>>
        tpu.enqueue_dma source(%dma_start3A_84 : memref<64x128xf32, #tpu.memory_space<vmem>>) target(%dma_start3A_81 : memref<64x128xf32, #tpu.memory_space<vmem_shared>>) target_semaphore(%run_scoped3A : memref<!tpu.dma_semaphore, #tpu.memory_space<semaphore_mem>>)
        %dma_wait3A_85 = arith.constant 0 : i32
        %dma_wait3A_86 = arith.constant 0 : i32
        %dma_wait3A_87 = tpu.memref_slice %arg6[%dma_wait3A_85, %dma_wait3A_86] : memref<80x128xf32, #tpu.memory_space<vmem>> -> memref<64x128xf32, #tpu.memory_space<vmem>>
        %dma_wait3A_88 = arith.constant 0 : i32
        %dma_wait3A_89 = tpu.memref_slice %arg7[%add3A_64, %dma_wait3A_88] : memref<10000x128xf32, #tpu.memory_space<vmem_shared>> -> memref<64x128xf32, #tpu.memory_space<vmem_shared>>
        %dma_wait3A_90 = arith.constant 0 : i32
        %dma_wait3A_91 = tpu.memref_slice %arg7[%add3A_64, %dma_wait3A_90] : memref<10000x128xf32, #tpu.memory_space<vmem_shared>> -> memref<64x128xf32, #tpu.memory_space<vmem_shared>>
        %dma_wait3A_92 = arith.constant 0 : i32
        %dma_wait3A_93 = arith.constant 0 : i32
        %dma_wait3A_94 = tpu.memref_slice %arg6[%dma_wait3A_92, %dma_wait3A_93] : memref<80x128xf32, #tpu.memory_space<vmem>> -> memref<64x128xf32, #tpu.memory_space<vmem>>
        tpu.wait_dma2 semaphore(%run_scoped3A : memref<!tpu.dma_semaphore, #tpu.memory_space<semaphore_mem>>) src(%dma_wait3A_94 : memref<64x128xf32, #tpu.memory_space<vmem>>) dst(%dma_wait3A_91 : memref<64x128xf32, #tpu.memory_space<vmem_shared>>)
        tpu.yield
      }) : () -> ()
      %add3A_65 = arith.constant 320 : i32
      %add3A_66 = arith.addi %mul3A_9, %add3A_65 : i32
      "tpu.region"() ({
        %run_scoped3A = tpu.sem_alloc : memref<!tpu.dma_semaphore, #tpu.memory_space<semaphore_mem>>
        %dma_start3A_75 = arith.constant 0 : i32
        %dma_start3A_76 = arith.constant 0 : i32
        %dma_start3A_77 = tpu.memref_slice %arg6[%dma_start3A_75, %dma_start3A_76] : memref<80x128xf32, #tpu.memory_space<vmem>> -> memref<64x128xf32, #tpu.memory_space<vmem>>
        %dma_start3A_78 = arith.constant 0 : i32
        %dma_start3A_79 = tpu.memref_slice %arg7[%add3A_66, %dma_start3A_78] : memref<10000x128xf32, #tpu.memory_space<vmem_shared>> -> memref<64x128xf32, #tpu.memory_space<vmem_shared>>
        %dma_start3A_80 = arith.constant 0 : i32
        %dma_start3A_81 = tpu.memref_slice %arg7[%add3A_66, %dma_start3A_80] : memref<10000x128xf32, #tpu.memory_space<vmem_shared>> -> memref<64x128xf32, #tpu.memory_space<vmem_shared>>
        %dma_start3A_82 = arith.constant 0 : i32
        %dma_start3A_83 = arith.constant 0 : i32
        %dma_start3A_84 = tpu.memref_slice %arg6[%dma_start3A_82, %dma_start3A_83] : memref<80x128xf32, #tpu.memory_space<vmem>> -> memref<64x128xf32, #tpu.memory_space<vmem>>
        tpu.enqueue_dma source(%dma_start3A_84 : memref<64x128xf32, #tpu.memory_space<vmem>>) target(%dma_start3A_81 : memref<64x128xf32, #tpu.memory_space<vmem_shared>>) target_semaphore(%run_scoped3A : memref<!tpu.dma_semaphore, #tpu.memory_space<semaphore_mem>>)
        %dma_wait3A_85 = arith.constant 0 : i32
        %dma_wait3A_86 = arith.constant 0 : i32
        %dma_wait3A_87 = tpu.memref_slice %arg6[%dma_wait3A_85, %dma_wait3A_86] : memref<80x128xf32, #tpu.memory_space<vmem>> -> memref<64x128xf32, #tpu.memory_space<vmem>>
        %dma_wait3A_88 = arith.constant 0 : i32
        %dma_wait3A_89 = tpu.memref_slice %arg7[%add3A_66, %dma_wait3A_88] : memref<10000x128xf32, #tpu.memory_space<vmem_shared>> -> memref<64x128xf32, #tpu.memory_space<vmem_shared>>
        %dma_wait3A_90 = arith.constant 0 : i32
        %dma_wait3A_91 = tpu.memref_slice %arg7[%add3A_66, %dma_wait3A_90] : memref<10000x128xf32, #tpu.memory_space<vmem_shared>> -> memref<64x128xf32, #tpu.memory_space<vmem_shared>>
        %dma_wait3A_92 = arith.constant 0 : i32
        %dma_wait3A_93 = arith.constant 0 : i32
        %dma_wait3A_94 = tpu.memref_slice %arg6[%dma_wait3A_92, %dma_wait3A_93] : memref<80x128xf32, #tpu.memory_space<vmem>> -> memref<64x128xf32, #tpu.memory_space<vmem>>
        tpu.wait_dma2 semaphore(%run_scoped3A : memref<!tpu.dma_semaphore, #tpu.memory_space<semaphore_mem>>) src(%dma_wait3A_94 : memref<64x128xf32, #tpu.memory_space<vmem>>) dst(%dma_wait3A_91 : memref<64x128xf32, #tpu.memory_space<vmem_shared>>)
        tpu.yield
      }) : () -> ()
      %add3A_67 = arith.constant 384 : i32
      %add3A_68 = arith.addi %mul3A_9, %add3A_67 : i32
      "tpu.region"() ({
        %run_scoped3A = tpu.sem_alloc : memref<!tpu.dma_semaphore, #tpu.memory_space<semaphore_mem>>
        %dma_start3A_75 = arith.constant 0 : i32
        %dma_start3A_76 = arith.constant 0 : i32
        %dma_start3A_77 = tpu.memref_slice %arg6[%dma_start3A_75, %dma_start3A_76] : memref<80x128xf32, #tpu.memory_space<vmem>> -> memref<64x128xf32, #tpu.memory_space<vmem>>
        %dma_start3A_78 = arith.constant 0 : i32
        %dma_start3A_79 = tpu.memref_slice %arg7[%add3A_68, %dma_start3A_78] : memref<10000x128xf32, #tpu.memory_space<vmem_shared>> -> memref<64x128xf32, #tpu.memory_space<vmem_shared>>
        %dma_start3A_80 = arith.constant 0 : i32
        %dma_start3A_81 = tpu.memref_slice %arg7[%add3A_68, %dma_start3A_80] : memref<10000x128xf32, #tpu.memory_space<vmem_shared>> -> memref<64x128xf32, #tpu.memory_space<vmem_shared>>
        %dma_start3A_82 = arith.constant 0 : i32
        %dma_start3A_83 = arith.constant 0 : i32
        %dma_start3A_84 = tpu.memref_slice %arg6[%dma_start3A_82, %dma_start3A_83] : memref<80x128xf32, #tpu.memory_space<vmem>> -> memref<64x128xf32, #tpu.memory_space<vmem>>
        tpu.enqueue_dma source(%dma_start3A_84 : memref<64x128xf32, #tpu.memory_space<vmem>>) target(%dma_start3A_81 : memref<64x128xf32, #tpu.memory_space<vmem_shared>>) target_semaphore(%run_scoped3A : memref<!tpu.dma_semaphore, #tpu.memory_space<semaphore_mem>>)
        %dma_wait3A_85 = arith.constant 0 : i32
        %dma_wait3A_86 = arith.constant 0 : i32
        %dma_wait3A_87 = tpu.memref_slice %arg6[%dma_wait3A_85, %dma_wait3A_86] : memref<80x128xf32, #tpu.memory_space<vmem>> -> memref<64x128xf32, #tpu.memory_space<vmem>>
        %dma_wait3A_88 = arith.constant 0 : i32
        %dma_wait3A_89 = tpu.memref_slice %arg7[%add3A_68, %dma_wait3A_88] : memref<10000x128xf32, #tpu.memory_space<vmem_shared>> -> memref<64x128xf32, #tpu.memory_space<vmem_shared>>
        %dma_wait3A_90 = arith.constant 0 : i32
        %dma_wait3A_91 = tpu.memref_slice %arg7[%add3A_68, %dma_wait3A_90] : memref<10000x128xf32, #tpu.memory_space<vmem_shared>> -> memref<64x128xf32, #tpu.memory_space<vmem_shared>>
        %dma_wait3A_92 = arith.constant 0 : i32
        %dma_wait3A_93 = arith.constant 0 : i32
        %dma_wait3A_94 = tpu.memref_slice %arg6[%dma_wait3A_92, %dma_wait3A_93] : memref<80x128xf32, #tpu.memory_space<vmem>> -> memref<64x128xf32, #tpu.memory_space<vmem>>
        tpu.wait_dma2 semaphore(%run_scoped3A : memref<!tpu.dma_semaphore, #tpu.memory_space<semaphore_mem>>) src(%dma_wait3A_94 : memref<64x128xf32, #tpu.memory_space<vmem>>) dst(%dma_wait3A_91 : memref<64x128xf32, #tpu.memory_space<vmem_shared>>)
        tpu.yield
      }) : () -> ()
      %add3A_69 = arith.constant 448 : i32
      %add3A_70 = arith.addi %mul3A_9, %add3A_69 : i32
      "tpu.region"() ({
        %run_scoped3A = tpu.sem_alloc : memref<!tpu.dma_semaphore, #tpu.memory_space<semaphore_mem>>
        %dma_start3A_75 = arith.constant 0 : i32
        %dma_start3A_76 = arith.constant 0 : i32
        %dma_start3A_77 = tpu.memref_slice %arg6[%dma_start3A_75, %dma_start3A_76] : memref<80x128xf32, #tpu.memory_space<vmem>> -> memref<64x128xf32, #tpu.memory_space<vmem>>
        %dma_start3A_78 = arith.constant 0 : i32
        %dma_start3A_79 = tpu.memref_slice %arg7[%add3A_70, %dma_start3A_78] : memref<10000x128xf32, #tpu.memory_space<vmem_shared>> -> memref<64x128xf32, #tpu.memory_space<vmem_shared>>
        %dma_start3A_80 = arith.constant 0 : i32
        %dma_start3A_81 = tpu.memref_slice %arg7[%add3A_70, %dma_start3A_80] : memref<10000x128xf32, #tpu.memory_space<vmem_shared>> -> memref<64x128xf32, #tpu.memory_space<vmem_shared>>
        %dma_start3A_82 = arith.constant 0 : i32
        %dma_start3A_83 = arith.constant 0 : i32
        %dma_start3A_84 = tpu.memref_slice %arg6[%dma_start3A_82, %dma_start3A_83] : memref<80x128xf32, #tpu.memory_space<vmem>> -> memref<64x128xf32, #tpu.memory_space<vmem>>
        tpu.enqueue_dma source(%dma_start3A_84 : memref<64x128xf32, #tpu.memory_space<vmem>>) target(%dma_start3A_81 : memref<64x128xf32, #tpu.memory_space<vmem_shared>>) target_semaphore(%run_scoped3A : memref<!tpu.dma_semaphore, #tpu.memory_space<semaphore_mem>>)
        %dma_wait3A_85 = arith.constant 0 : i32
        %dma_wait3A_86 = arith.constant 0 : i32
        %dma_wait3A_87 = tpu.memref_slice %arg6[%dma_wait3A_85, %dma_wait3A_86] : memref<80x128xf32, #tpu.memory_space<vmem>> -> memref<64x128xf32, #tpu.memory_space<vmem>>
        %dma_wait3A_88 = arith.constant 0 : i32
        %dma_wait3A_89 = tpu.memref_slice %arg7[%add3A_70, %dma_wait3A_88] : memref<10000x128xf32, #tpu.memory_space<vmem_shared>> -> memref<64x128xf32, #tpu.memory_space<vmem_shared>>
        %dma_wait3A_90 = arith.constant 0 : i32
        %dma_wait3A_91 = tpu.memref_slice %arg7[%add3A_70, %dma_wait3A_90] : memref<10000x128xf32, #tpu.memory_space<vmem_shared>> -> memref<64x128xf32, #tpu.memory_space<vmem_shared>>
        %dma_wait3A_92 = arith.constant 0 : i32
        %dma_wait3A_93 = arith.constant 0 : i32
        %dma_wait3A_94 = tpu.memref_slice %arg6[%dma_wait3A_92, %dma_wait3A_93] : memref<80x128xf32, #tpu.memory_space<vmem>> -> memref<64x128xf32, #tpu.memory_space<vmem>>
        tpu.wait_dma2 semaphore(%run_scoped3A : memref<!tpu.dma_semaphore, #tpu.memory_space<semaphore_mem>>) src(%dma_wait3A_94 : memref<64x128xf32, #tpu.memory_space<vmem>>) dst(%dma_wait3A_91 : memref<64x128xf32, #tpu.memory_space<vmem_shared>>)
        tpu.yield
      }) : () -> ()
      %add3A_71 = arith.constant 512 : i32
      %add3A_72 = arith.addi %mul3A_9, %add3A_71 : i32
      "tpu.region"() ({
        %run_scoped3A = tpu.sem_alloc : memref<!tpu.dma_semaphore, #tpu.memory_space<semaphore_mem>>
        %dma_start3A_75 = arith.constant 0 : i32
        %dma_start3A_76 = arith.constant 0 : i32
        %dma_start3A_77 = tpu.memref_slice %arg6[%dma_start3A_75, %dma_start3A_76] : memref<80x128xf32, #tpu.memory_space<vmem>> -> memref<64x128xf32, #tpu.memory_space<vmem>>
        %dma_start3A_78 = arith.constant 0 : i32
        %dma_start3A_79 = tpu.memref_slice %arg7[%add3A_72, %dma_start3A_78] : memref<10000x128xf32, #tpu.memory_space<vmem_shared>> -> memref<64x128xf32, #tpu.memory_space<vmem_shared>>
        %dma_start3A_80 = arith.constant 0 : i32
        %dma_start3A_81 = tpu.memref_slice %arg7[%add3A_72, %dma_start3A_80] : memref<10000x128xf32, #tpu.memory_space<vmem_shared>> -> memref<64x128xf32, #tpu.memory_space<vmem_shared>>
        %dma_start3A_82 = arith.constant 0 : i32
        %dma_start3A_83 = arith.constant 0 : i32
        %dma_start3A_84 = tpu.memref_slice %arg6[%dma_start3A_82, %dma_start3A_83] : memref<80x128xf32, #tpu.memory_space<vmem>> -> memref<64x128xf32, #tpu.memory_space<vmem>>
        tpu.enqueue_dma source(%dma_start3A_84 : memref<64x128xf32, #tpu.memory_space<vmem>>) target(%dma_start3A_81 : memref<64x128xf32, #tpu.memory_space<vmem_shared>>) target_semaphore(%run_scoped3A : memref<!tpu.dma_semaphore, #tpu.memory_space<semaphore_mem>>)
        %dma_wait3A_85 = arith.constant 0 : i32
        %dma_wait3A_86 = arith.constant 0 : i32
        %dma_wait3A_87 = tpu.memref_slice %arg6[%dma_wait3A_85, %dma_wait3A_86] : memref<80x128xf32, #tpu.memory_space<vmem>> -> memref<64x128xf32, #tpu.memory_space<vmem>>
        %dma_wait3A_88 = arith.constant 0 : i32
        %dma_wait3A_89 = tpu.memref_slice %arg7[%add3A_72, %dma_wait3A_88] : memref<10000x128xf32, #tpu.memory_space<vmem_shared>> -> memref<64x128xf32, #tpu.memory_space<vmem_shared>>
        %dma_wait3A_90 = arith.constant 0 : i32
        %dma_wait3A_91 = tpu.memref_slice %arg7[%add3A_72, %dma_wait3A_90] : memref<10000x128xf32, #tpu.memory_space<vmem_shared>> -> memref<64x128xf32, #tpu.memory_space<vmem_shared>>
        %dma_wait3A_92 = arith.constant 0 : i32
        %dma_wait3A_93 = arith.constant 0 : i32
        %dma_wait3A_94 = tpu.memref_slice %arg6[%dma_wait3A_92, %dma_wait3A_93] : memref<80x128xf32, #tpu.memory_space<vmem>> -> memref<64x128xf32, #tpu.memory_space<vmem>>
        tpu.wait_dma2 semaphore(%run_scoped3A : memref<!tpu.dma_semaphore, #tpu.memory_space<semaphore_mem>>) src(%dma_wait3A_94 : memref<64x128xf32, #tpu.memory_space<vmem>>) dst(%dma_wait3A_91 : memref<64x128xf32, #tpu.memory_space<vmem_shared>>)
        tpu.yield
      }) : () -> ()
      %add3A_73 = arith.constant 576 : i32
      %add3A_74 = arith.addi %mul3A_9, %add3A_73 : i32
      "tpu.region"() ({
        %run_scoped3A = tpu.sem_alloc : memref<!tpu.dma_semaphore, #tpu.memory_space<semaphore_mem>>
        %dma_start3A_75 = arith.constant 0 : i32
        %dma_start3A_76 = arith.constant 0 : i32
        %dma_start3A_77 = tpu.memref_slice %arg6[%dma_start3A_75, %dma_start3A_76] : memref<80x128xf32, #tpu.memory_space<vmem>> -> memref<56x128xf32, #tpu.memory_space<vmem>>
        %dma_start3A_78 = arith.constant 0 : i32
        %dma_start3A_79 = tpu.memref_slice %arg7[%add3A_74, %dma_start3A_78] : memref<10000x128xf32, #tpu.memory_space<vmem_shared>> -> memref<56x128xf32, #tpu.memory_space<vmem_shared>>
        %dma_start3A_80 = arith.constant 0 : i32
        %dma_start3A_81 = tpu.memref_slice %arg7[%add3A_74, %dma_start3A_80] : memref<10000x128xf32, #tpu.memory_space<vmem_shared>> -> memref<56x128xf32, #tpu.memory_space<vmem_shared>>
        %dma_start3A_82 = arith.constant 0 : i32
        %dma_start3A_83 = arith.constant 0 : i32
        %dma_start3A_84 = tpu.memref_slice %arg6[%dma_start3A_82, %dma_start3A_83] : memref<80x128xf32, #tpu.memory_space<vmem>> -> memref<56x128xf32, #tpu.memory_space<vmem>>
        tpu.enqueue_dma source(%dma_start3A_84 : memref<56x128xf32, #tpu.memory_space<vmem>>) target(%dma_start3A_81 : memref<56x128xf32, #tpu.memory_space<vmem_shared>>) target_semaphore(%run_scoped3A : memref<!tpu.dma_semaphore, #tpu.memory_space<semaphore_mem>>)
        %dma_wait3A_85 = arith.constant 0 : i32
        %dma_wait3A_86 = arith.constant 0 : i32
        %dma_wait3A_87 = tpu.memref_slice %arg6[%dma_wait3A_85, %dma_wait3A_86] : memref<80x128xf32, #tpu.memory_space<vmem>> -> memref<56x128xf32, #tpu.memory_space<vmem>>
        %dma_wait3A_88 = arith.constant 0 : i32
        %dma_wait3A_89 = tpu.memref_slice %arg7[%add3A_74, %dma_wait3A_88] : memref<10000x128xf32, #tpu.memory_space<vmem_shared>> -> memref<56x128xf32, #tpu.memory_space<vmem_shared>>
        %dma_wait3A_90 = arith.constant 0 : i32
        %dma_wait3A_91 = tpu.memref_slice %arg7[%add3A_74, %dma_wait3A_90] : memref<10000x128xf32, #tpu.memory_space<vmem_shared>> -> memref<56x128xf32, #tpu.memory_space<vmem_shared>>
        %dma_wait3A_92 = arith.constant 0 : i32
        %dma_wait3A_93 = arith.constant 0 : i32
        %dma_wait3A_94 = tpu.memref_slice %arg6[%dma_wait3A_92, %dma_wait3A_93] : memref<80x128xf32, #tpu.memory_space<vmem>> -> memref<56x128xf32, #tpu.memory_space<vmem>>
        tpu.wait_dma2 semaphore(%run_scoped3A : memref<!tpu.dma_semaphore, #tpu.memory_space<semaphore_mem>>) src(%dma_wait3A_94 : memref<56x128xf32, #tpu.memory_space<vmem>>) dst(%dma_wait3A_91 : memref<56x128xf32, #tpu.memory_space<vmem_shared>>)
        tpu.yield
      }) : () -> ()
    } else {
    }
    %eq3A = arith.constant 15 : i32
    %eq3A_12 = arith.cmpi eq, %arg1, %eq3A : i32
    %convert_element_type3A_13 = arith.extui %eq3A_12 : i1 to i32
    %cond3A_14 = arith.constant 0 : i32
    %cond3A_15 = arith.cmpi ne, %convert_element_type3A_13, %cond3A_14 : i32
    scf.if %cond3A_15 {
      %add3A_55 = arith.constant 0 : i32
      %add3A_56 = arith.addi %mul3A_9, %add3A_55 : i32
      "tpu.region"() ({
        %run_scoped3A = tpu.sem_alloc : memref<!tpu.dma_semaphore, #tpu.memory_space<semaphore_mem>>
        %dma_start3A_73 = arith.constant 0 : i32
        %dma_start3A_74 = arith.constant 0 : i32
        %dma_start3A_75 = tpu.memref_slice %arg6[%dma_start3A_73, %dma_start3A_74] : memref<80x128xf32, #tpu.memory_space<vmem>> -> memref<64x128xf32, #tpu.memory_space<vmem>>
        %dma_start3A_76 = arith.constant 0 : i32
        %dma_start3A_77 = tpu.memref_slice %arg7[%add3A_56, %dma_start3A_76] : memref<10000x128xf32, #tpu.memory_space<vmem_shared>> -> memref<64x128xf32, #tpu.memory_space<vmem_shared>>
        %dma_start3A_78 = arith.constant 0 : i32
        %dma_start3A_79 = tpu.memref_slice %arg7[%add3A_56, %dma_start3A_78] : memref<10000x128xf32, #tpu.memory_space<vmem_shared>> -> memref<64x128xf32, #tpu.memory_space<vmem_shared>>
        %dma_start3A_80 = arith.constant 0 : i32
        %dma_start3A_81 = arith.constant 0 : i32
        %dma_start3A_82 = tpu.memref_slice %arg6[%dma_start3A_80, %dma_start3A_81] : memref<80x128xf32, #tpu.memory_space<vmem>> -> memref<64x128xf32, #tpu.memory_space<vmem>>
        tpu.enqueue_dma source(%dma_start3A_82 : memref<64x128xf32, #tpu.memory_space<vmem>>) target(%dma_start3A_79 : memref<64x128xf32, #tpu.memory_space<vmem_shared>>) target_semaphore(%run_scoped3A : memref<!tpu.dma_semaphore, #tpu.memory_space<semaphore_mem>>)
        %dma_wait3A_83 = arith.constant 0 : i32
        %dma_wait3A_84 = arith.constant 0 : i32
        %dma_wait3A_85 = tpu.memref_slice %arg6[%dma_wait3A_83, %dma_wait3A_84] : memref<80x128xf32, #tpu.memory_space<vmem>> -> memref<64x128xf32, #tpu.memory_space<vmem>>
        %dma_wait3A_86 = arith.constant 0 : i32
        %dma_wait3A_87 = tpu.memref_slice %arg7[%add3A_56, %dma_wait3A_86] : memref<10000x128xf32, #tpu.memory_space<vmem_shared>> -> memref<64x128xf32, #tpu.memory_space<vmem_shared>>
        %dma_wait3A_88 = arith.constant 0 : i32
        %dma_wait3A_89 = tpu.memref_slice %arg7[%add3A_56, %dma_wait3A_88] : memref<10000x128xf32, #tpu.memory_space<vmem_shared>> -> memref<64x128xf32, #tpu.memory_space<vmem_shared>>
        %dma_wait3A_90 = arith.constant 0 : i32
        %dma_wait3A_91 = arith.constant 0 : i32
        %dma_wait3A_92 = tpu.memref_slice %arg6[%dma_wait3A_90, %dma_wait3A_91] : memref<80x128xf32, #tpu.memory_space<vmem>> -> memref<64x128xf32, #tpu.memory_space<vmem>>
        tpu.wait_dma2 semaphore(%run_scoped3A : memref<!tpu.dma_semaphore, #tpu.memory_space<semaphore_mem>>) src(%dma_wait3A_92 : memref<64x128xf32, #tpu.memory_space<vmem>>) dst(%dma_wait3A_89 : memref<64x128xf32, #tpu.memory_space<vmem_shared>>)
        tpu.yield
      }) : () -> ()
      %add3A_57 = arith.constant 64 : i32
      %add3A_58 = arith.addi %mul3A_9, %add3A_57 : i32
      "tpu.region"() ({
        %run_scoped3A = tpu.sem_alloc : memref<!tpu.dma_semaphore, #tpu.memory_space<semaphore_mem>>
        %dma_start3A_73 = arith.constant 0 : i32
        %dma_start3A_74 = arith.constant 0 : i32
        %dma_start3A_75 = tpu.memref_slice %arg6[%dma_start3A_73, %dma_start3A_74] : memref<80x128xf32, #tpu.memory_space<vmem>> -> memref<64x128xf32, #tpu.memory_space<vmem>>
        %dma_start3A_76 = arith.constant 0 : i32
        %dma_start3A_77 = tpu.memref_slice %arg7[%add3A_58, %dma_start3A_76] : memref<10000x128xf32, #tpu.memory_space<vmem_shared>> -> memref<64x128xf32, #tpu.memory_space<vmem_shared>>
        %dma_start3A_78 = arith.constant 0 : i32
        %dma_start3A_79 = tpu.memref_slice %arg7[%add3A_58, %dma_start3A_78] : memref<10000x128xf32, #tpu.memory_space<vmem_shared>> -> memref<64x128xf32, #tpu.memory_space<vmem_shared>>
        %dma_start3A_80 = arith.constant 0 : i32
        %dma_start3A_81 = arith.constant 0 : i32
        %dma_start3A_82 = tpu.memref_slice %arg6[%dma_start3A_80, %dma_start3A_81] : memref<80x128xf32, #tpu.memory_space<vmem>> -> memref<64x128xf32, #tpu.memory_space<vmem>>
        tpu.enqueue_dma source(%dma_start3A_82 : memref<64x128xf32, #tpu.memory_space<vmem>>) target(%dma_start3A_79 : memref<64x128xf32, #tpu.memory_space<vmem_shared>>) target_semaphore(%run_scoped3A : memref<!tpu.dma_semaphore, #tpu.memory_space<semaphore_mem>>)
        %dma_wait3A_83 = arith.constant 0 : i32
        %dma_wait3A_84 = arith.constant 0 : i32
        %dma_wait3A_85 = tpu.memref_slice %arg6[%dma_wait3A_83, %dma_wait3A_84] : memref<80x128xf32, #tpu.memory_space<vmem>> -> memref<64x128xf32, #tpu.memory_space<vmem>>
        %dma_wait3A_86 = arith.constant 0 : i32
        %dma_wait3A_87 = tpu.memref_slice %arg7[%add3A_58, %dma_wait3A_86] : memref<10000x128xf32, #tpu.memory_space<vmem_shared>> -> memref<64x128xf32, #tpu.memory_space<vmem_shared>>
        %dma_wait3A_88 = arith.constant 0 : i32
        %dma_wait3A_89 = tpu.memref_slice %arg7[%add3A_58, %dma_wait3A_88] : memref<10000x128xf32, #tpu.memory_space<vmem_shared>> -> memref<64x128xf32, #tpu.memory_space<vmem_shared>>
        %dma_wait3A_90 = arith.constant 0 : i32
        %dma_wait3A_91 = arith.constant 0 : i32
        %dma_wait3A_92 = tpu.memref_slice %arg6[%dma_wait3A_90, %dma_wait3A_91] : memref<80x128xf32, #tpu.memory_space<vmem>> -> memref<64x128xf32, #tpu.memory_space<vmem>>
        tpu.wait_dma2 semaphore(%run_scoped3A : memref<!tpu.dma_semaphore, #tpu.memory_space<semaphore_mem>>) src(%dma_wait3A_92 : memref<64x128xf32, #tpu.memory_space<vmem>>) dst(%dma_wait3A_89 : memref<64x128xf32, #tpu.memory_space<vmem_shared>>)
        tpu.yield
      }) : () -> ()
      %add3A_59 = arith.constant 128 : i32
      %add3A_60 = arith.addi %mul3A_9, %add3A_59 : i32
      "tpu.region"() ({
        %run_scoped3A = tpu.sem_alloc : memref<!tpu.dma_semaphore, #tpu.memory_space<semaphore_mem>>
        %dma_start3A_73 = arith.constant 0 : i32
        %dma_start3A_74 = arith.constant 0 : i32
        %dma_start3A_75 = tpu.memref_slice %arg6[%dma_start3A_73, %dma_start3A_74] : memref<80x128xf32, #tpu.memory_space<vmem>> -> memref<64x128xf32, #tpu.memory_space<vmem>>
        %dma_start3A_76 = arith.constant 0 : i32
        %dma_start3A_77 = tpu.memref_slice %arg7[%add3A_60, %dma_start3A_76] : memref<10000x128xf32, #tpu.memory_space<vmem_shared>> -> memref<64x128xf32, #tpu.memory_space<vmem_shared>>
        %dma_start3A_78 = arith.constant 0 : i32
        %dma_start3A_79 = tpu.memref_slice %arg7[%add3A_60, %dma_start3A_78] : memref<10000x128xf32, #tpu.memory_space<vmem_shared>> -> memref<64x128xf32, #tpu.memory_space<vmem_shared>>
        %dma_start3A_80 = arith.constant 0 : i32
        %dma_start3A_81 = arith.constant 0 : i32
        %dma_start3A_82 = tpu.memref_slice %arg6[%dma_start3A_80, %dma_start3A_81] : memref<80x128xf32, #tpu.memory_space<vmem>> -> memref<64x128xf32, #tpu.memory_space<vmem>>
        tpu.enqueue_dma source(%dma_start3A_82 : memref<64x128xf32, #tpu.memory_space<vmem>>) target(%dma_start3A_79 : memref<64x128xf32, #tpu.memory_space<vmem_shared>>) target_semaphore(%run_scoped3A : memref<!tpu.dma_semaphore, #tpu.memory_space<semaphore_mem>>)
        %dma_wait3A_83 = arith.constant 0 : i32
        %dma_wait3A_84 = arith.constant 0 : i32
        %dma_wait3A_85 = tpu.memref_slice %arg6[%dma_wait3A_83, %dma_wait3A_84] : memref<80x128xf32, #tpu.memory_space<vmem>> -> memref<64x128xf32, #tpu.memory_space<vmem>>
        %dma_wait3A_86 = arith.constant 0 : i32
        %dma_wait3A_87 = tpu.memref_slice %arg7[%add3A_60, %dma_wait3A_86] : memref<10000x128xf32, #tpu.memory_space<vmem_shared>> -> memref<64x128xf32, #tpu.memory_space<vmem_shared>>
        %dma_wait3A_88 = arith.constant 0 : i32
        %dma_wait3A_89 = tpu.memref_slice %arg7[%add3A_60, %dma_wait3A_88] : memref<10000x128xf32, #tpu.memory_space<vmem_shared>> -> memref<64x128xf32, #tpu.memory_space<vmem_shared>>
        %dma_wait3A_90 = arith.constant 0 : i32
        %dma_wait3A_91 = arith.constant 0 : i32
        %dma_wait3A_92 = tpu.memref_slice %arg6[%dma_wait3A_90, %dma_wait3A_91] : memref<80x128xf32, #tpu.memory_space<vmem>> -> memref<64x128xf32, #tpu.memory_space<vmem>>
        tpu.wait_dma2 semaphore(%run_scoped3A : memref<!tpu.dma_semaphore, #tpu.memory_space<semaphore_mem>>) src(%dma_wait3A_92 : memref<64x128xf32, #tpu.memory_space<vmem>>) dst(%dma_wait3A_89 : memref<64x128xf32, #tpu.memory_space<vmem_shared>>)
        tpu.yield
      }) : () -> ()
      %add3A_61 = arith.constant 192 : i32
      %add3A_62 = arith.addi %mul3A_9, %add3A_61 : i32
      "tpu.region"() ({
        %run_scoped3A = tpu.sem_alloc : memref<!tpu.dma_semaphore, #tpu.memory_space<semaphore_mem>>
        %dma_start3A_73 = arith.constant 0 : i32
        %dma_start3A_74 = arith.constant 0 : i32
        %dma_start3A_75 = tpu.memref_slice %arg6[%dma_start3A_73, %dma_start3A_74] : memref<80x128xf32, #tpu.memory_space<vmem>> -> memref<64x128xf32, #tpu.memory_space<vmem>>
        %dma_start3A_76 = arith.constant 0 : i32
        %dma_start3A_77 = tpu.memref_slice %arg7[%add3A_62, %dma_start3A_76] : memref<10000x128xf32, #tpu.memory_space<vmem_shared>> -> memref<64x128xf32, #tpu.memory_space<vmem_shared>>
        %dma_start3A_78 = arith.constant 0 : i32
        %dma_start3A_79 = tpu.memref_slice %arg7[%add3A_62, %dma_start3A_78] : memref<10000x128xf32, #tpu.memory_space<vmem_shared>> -> memref<64x128xf32, #tpu.memory_space<vmem_shared>>
        %dma_start3A_80 = arith.constant 0 : i32
        %dma_start3A_81 = arith.constant 0 : i32
        %dma_start3A_82 = tpu.memref_slice %arg6[%dma_start3A_80, %dma_start3A_81] : memref<80x128xf32, #tpu.memory_space<vmem>> -> memref<64x128xf32, #tpu.memory_space<vmem>>
        tpu.enqueue_dma source(%dma_start3A_82 : memref<64x128xf32, #tpu.memory_space<vmem>>) target(%dma_start3A_79 : memref<64x128xf32, #tpu.memory_space<vmem_shared>>) target_semaphore(%run_scoped3A : memref<!tpu.dma_semaphore, #tpu.memory_space<semaphore_mem>>)
        %dma_wait3A_83 = arith.constant 0 : i32
        %dma_wait3A_84 = arith.constant 0 : i32
        %dma_wait3A_85 = tpu.memref_slice %arg6[%dma_wait3A_83, %dma_wait3A_84] : memref<80x128xf32, #tpu.memory_space<vmem>> -> memref<64x128xf32, #tpu.memory_space<vmem>>
        %dma_wait3A_86 = arith.constant 0 : i32
        %dma_wait3A_87 = tpu.memref_slice %arg7[%add3A_62, %dma_wait3A_86] : memref<10000x128xf32, #tpu.memory_space<vmem_shared>> -> memref<64x128xf32, #tpu.memory_space<vmem_shared>>
        %dma_wait3A_88 = arith.constant 0 : i32
        %dma_wait3A_89 = tpu.memref_slice %arg7[%add3A_62, %dma_wait3A_88] : memref<10000x128xf32, #tpu.memory_space<vmem_shared>> -> memref<64x128xf32, #tpu.memory_space<vmem_shared>>
        %dma_wait3A_90 = arith.constant 0 : i32
        %dma_wait3A_91 = arith.constant 0 : i32
        %dma_wait3A_92 = tpu.memref_slice %arg6[%dma_wait3A_90, %dma_wait3A_91] : memref<80x128xf32, #tpu.memory_space<vmem>> -> memref<64x128xf32, #tpu.memory_space<vmem>>
        tpu.wait_dma2 semaphore(%run_scoped3A : memref<!tpu.dma_semaphore, #tpu.memory_space<semaphore_mem>>) src(%dma_wait3A_92 : memref<64x128xf32, #tpu.memory_space<vmem>>) dst(%dma_wait3A_89 : memref<64x128xf32, #tpu.memory_space<vmem_shared>>)
        tpu.yield
      }) : () -> ()
      %add3A_63 = arith.constant 256 : i32
      %add3A_64 = arith.addi %mul3A_9, %add3A_63 : i32
      "tpu.region"() ({
        %run_scoped3A = tpu.sem_alloc : memref<!tpu.dma_semaphore, #tpu.memory_space<semaphore_mem>>
        %dma_start3A_73 = arith.constant 0 : i32
        %dma_start3A_74 = arith.constant 0 : i32
        %dma_start3A_75 = tpu.memref_slice %arg6[%dma_start3A_73, %dma_start3A_74] : memref<80x128xf32, #tpu.memory_space<vmem>> -> memref<64x128xf32, #tpu.memory_space<vmem>>
        %dma_start3A_76 = arith.constant 0 : i32
        %dma_start3A_77 = tpu.memref_slice %arg7[%add3A_64, %dma_start3A_76] : memref<10000x128xf32, #tpu.memory_space<vmem_shared>> -> memref<64x128xf32, #tpu.memory_space<vmem_shared>>
        %dma_start3A_78 = arith.constant 0 : i32
        %dma_start3A_79 = tpu.memref_slice %arg7[%add3A_64, %dma_start3A_78] : memref<10000x128xf32, #tpu.memory_space<vmem_shared>> -> memref<64x128xf32, #tpu.memory_space<vmem_shared>>
        %dma_start3A_80 = arith.constant 0 : i32
        %dma_start3A_81 = arith.constant 0 : i32
        %dma_start3A_82 = tpu.memref_slice %arg6[%dma_start3A_80, %dma_start3A_81] : memref<80x128xf32, #tpu.memory_space<vmem>> -> memref<64x128xf32, #tpu.memory_space<vmem>>
        tpu.enqueue_dma source(%dma_start3A_82 : memref<64x128xf32, #tpu.memory_space<vmem>>) target(%dma_start3A_79 : memref<64x128xf32, #tpu.memory_space<vmem_shared>>) target_semaphore(%run_scoped3A : memref<!tpu.dma_semaphore, #tpu.memory_space<semaphore_mem>>)
        %dma_wait3A_83 = arith.constant 0 : i32
        %dma_wait3A_84 = arith.constant 0 : i32
        %dma_wait3A_85 = tpu.memref_slice %arg6[%dma_wait3A_83, %dma_wait3A_84] : memref<80x128xf32, #tpu.memory_space<vmem>> -> memref<64x128xf32, #tpu.memory_space<vmem>>
        %dma_wait3A_86 = arith.constant 0 : i32
        %dma_wait3A_87 = tpu.memref_slice %arg7[%add3A_64, %dma_wait3A_86] : memref<10000x128xf32, #tpu.memory_space<vmem_shared>> -> memref<64x128xf32, #tpu.memory_space<vmem_shared>>
        %dma_wait3A_88 = arith.constant 0 : i32
        %dma_wait3A_89 = tpu.memref_slice %arg7[%add3A_64, %dma_wait3A_88] : memref<10000x128xf32, #tpu.memory_space<vmem_shared>> -> memref<64x128xf32, #tpu.memory_space<vmem_shared>>
        %dma_wait3A_90 = arith.constant 0 : i32
        %dma_wait3A_91 = arith.constant 0 : i32
        %dma_wait3A_92 = tpu.memref_slice %arg6[%dma_wait3A_90, %dma_wait3A_91] : memref<80x128xf32, #tpu.memory_space<vmem>> -> memref<64x128xf32, #tpu.memory_space<vmem>>
        tpu.wait_dma2 semaphore(%run_scoped3A : memref<!tpu.dma_semaphore, #tpu.memory_space<semaphore_mem>>) src(%dma_wait3A_92 : memref<64x128xf32, #tpu.memory_space<vmem>>) dst(%dma_wait3A_89 : memref<64x128xf32, #tpu.memory_space<vmem_shared>>)
        tpu.yield
      }) : () -> ()
      %add3A_65 = arith.constant 320 : i32
      %add3A_66 = arith.addi %mul3A_9, %add3A_65 : i32
      "tpu.region"() ({
        %run_scoped3A = tpu.sem_alloc : memref<!tpu.dma_semaphore, #tpu.memory_space<semaphore_mem>>
        %dma_start3A_73 = arith.constant 0 : i32
        %dma_start3A_74 = arith.constant 0 : i32
        %dma_start3A_75 = tpu.memref_slice %arg6[%dma_start3A_73, %dma_start3A_74] : memref<80x128xf32, #tpu.memory_space<vmem>> -> memref<64x128xf32, #tpu.memory_space<vmem>>
        %dma_start3A_76 = arith.constant 0 : i32
        %dma_start3A_77 = tpu.memref_slice %arg7[%add3A_66, %dma_start3A_76] : memref<10000x128xf32, #tpu.memory_space<vmem_shared>> -> memref<64x128xf32, #tpu.memory_space<vmem_shared>>
        %dma_start3A_78 = arith.constant 0 : i32
        %dma_start3A_79 = tpu.memref_slice %arg7[%add3A_66, %dma_start3A_78] : memref<10000x128xf32, #tpu.memory_space<vmem_shared>> -> memref<64x128xf32, #tpu.memory_space<vmem_shared>>
        %dma_start3A_80 = arith.constant 0 : i32
        %dma_start3A_81 = arith.constant 0 : i32
        %dma_start3A_82 = tpu.memref_slice %arg6[%dma_start3A_80, %dma_start3A_81] : memref<80x128xf32, #tpu.memory_space<vmem>> -> memref<64x128xf32, #tpu.memory_space<vmem>>
        tpu.enqueue_dma source(%dma_start3A_82 : memref<64x128xf32, #tpu.memory_space<vmem>>) target(%dma_start3A_79 : memref<64x128xf32, #tpu.memory_space<vmem_shared>>) target_semaphore(%run_scoped3A : memref<!tpu.dma_semaphore, #tpu.memory_space<semaphore_mem>>)
        %dma_wait3A_83 = arith.constant 0 : i32
        %dma_wait3A_84 = arith.constant 0 : i32
        %dma_wait3A_85 = tpu.memref_slice %arg6[%dma_wait3A_83, %dma_wait3A_84] : memref<80x128xf32, #tpu.memory_space<vmem>> -> memref<64x128xf32, #tpu.memory_space<vmem>>
        %dma_wait3A_86 = arith.constant 0 : i32
        %dma_wait3A_87 = tpu.memref_slice %arg7[%add3A_66, %dma_wait3A_86] : memref<10000x128xf32, #tpu.memory_space<vmem_shared>> -> memref<64x128xf32, #tpu.memory_space<vmem_shared>>
        %dma_wait3A_88 = arith.constant 0 : i32
        %dma_wait3A_89 = tpu.memref_slice %arg7[%add3A_66, %dma_wait3A_88] : memref<10000x128xf32, #tpu.memory_space<vmem_shared>> -> memref<64x128xf32, #tpu.memory_space<vmem_shared>>
        %dma_wait3A_90 = arith.constant 0 : i32
        %dma_wait3A_91 = arith.constant 0 : i32
        %dma_wait3A_92 = tpu.memref_slice %arg6[%dma_wait3A_90, %dma_wait3A_91] : memref<80x128xf32, #tpu.memory_space<vmem>> -> memref<64x128xf32, #tpu.memory_space<vmem>>
        tpu.wait_dma2 semaphore(%run_scoped3A : memref<!tpu.dma_semaphore, #tpu.memory_space<semaphore_mem>>) src(%dma_wait3A_92 : memref<64x128xf32, #tpu.memory_space<vmem>>) dst(%dma_wait3A_89 : memref<64x128xf32, #tpu.memory_space<vmem_shared>>)
        tpu.yield
      }) : () -> ()
      %add3A_67 = arith.constant 384 : i32
      %add3A_68 = arith.addi %mul3A_9, %add3A_67 : i32
      "tpu.region"() ({
        %run_scoped3A = tpu.sem_alloc : memref<!tpu.dma_semaphore, #tpu.memory_space<semaphore_mem>>
        %dma_start3A_73 = arith.constant 0 : i32
        %dma_start3A_74 = arith.constant 0 : i32
        %dma_start3A_75 = tpu.memref_slice %arg6[%dma_start3A_73, %dma_start3A_74] : memref<80x128xf32, #tpu.memory_space<vmem>> -> memref<64x128xf32, #tpu.memory_space<vmem>>
        %dma_start3A_76 = arith.constant 0 : i32
        %dma_start3A_77 = tpu.memref_slice %arg7[%add3A_68, %dma_start3A_76] : memref<10000x128xf32, #tpu.memory_space<vmem_shared>> -> memref<64x128xf32, #tpu.memory_space<vmem_shared>>
        %dma_start3A_78 = arith.constant 0 : i32
        %dma_start3A_79 = tpu.memref_slice %arg7[%add3A_68, %dma_start3A_78] : memref<10000x128xf32, #tpu.memory_space<vmem_shared>> -> memref<64x128xf32, #tpu.memory_space<vmem_shared>>
        %dma_start3A_80 = arith.constant 0 : i32
        %dma_start3A_81 = arith.constant 0 : i32
        %dma_start3A_82 = tpu.memref_slice %arg6[%dma_start3A_80, %dma_start3A_81] : memref<80x128xf32, #tpu.memory_space<vmem>> -> memref<64x128xf32, #tpu.memory_space<vmem>>
        tpu.enqueue_dma source(%dma_start3A_82 : memref<64x128xf32, #tpu.memory_space<vmem>>) target(%dma_start3A_79 : memref<64x128xf32, #tpu.memory_space<vmem_shared>>) target_semaphore(%run_scoped3A : memref<!tpu.dma_semaphore, #tpu.memory_space<semaphore_mem>>)
        %dma_wait3A_83 = arith.constant 0 : i32
        %dma_wait3A_84 = arith.constant 0 : i32
        %dma_wait3A_85 = tpu.memref_slice %arg6[%dma_wait3A_83, %dma_wait3A_84] : memref<80x128xf32, #tpu.memory_space<vmem>> -> memref<64x128xf32, #tpu.memory_space<vmem>>
        %dma_wait3A_86 = arith.constant 0 : i32
        %dma_wait3A_87 = tpu.memref_slice %arg7[%add3A_68, %dma_wait3A_86] : memref<10000x128xf32, #tpu.memory_space<vmem_shared>> -> memref<64x128xf32, #tpu.memory_space<vmem_shared>>
        %dma_wait3A_88 = arith.constant 0 : i32
        %dma_wait3A_89 = tpu.memref_slice %arg7[%add3A_68, %dma_wait3A_88] : memref<10000x128xf32, #tpu.memory_space<vmem_shared>> -> memref<64x128xf32, #tpu.memory_space<vmem_shared>>
        %dma_wait3A_90 = arith.constant 0 : i32
        %dma_wait3A_91 = arith.constant 0 : i32
        %dma_wait3A_92 = tpu.memref_slice %arg6[%dma_wait3A_90, %dma_wait3A_91] : memref<80x128xf32, #tpu.memory_space<vmem>> -> memref<64x128xf32, #tpu.memory_space<vmem>>
        tpu.wait_dma2 semaphore(%run_scoped3A : memref<!tpu.dma_semaphore, #tpu.memory_space<semaphore_mem>>) src(%dma_wait3A_92 : memref<64x128xf32, #tpu.memory_space<vmem>>) dst(%dma_wait3A_89 : memref<64x128xf32, #tpu.memory_space<vmem_shared>>)
        tpu.yield
      }) : () -> ()
      %add3A_69 = arith.constant 448 : i32
      %add3A_70 = arith.addi %mul3A_9, %add3A_69 : i32
      "tpu.region"() ({
        %run_scoped3A = tpu.sem_alloc : memref<!tpu.dma_semaphore, #tpu.memory_space<semaphore_mem>>
        %dma_start3A_73 = arith.constant 0 : i32
        %dma_start3A_74 = arith.constant 0 : i32
        %dma_start3A_75 = tpu.memref_slice %arg6[%dma_start3A_73, %dma_start3A_74] : memref<80x128xf32, #tpu.memory_space<vmem>> -> memref<64x128xf32, #tpu.memory_space<vmem>>
        %dma_start3A_76 = arith.constant 0 : i32
        %dma_start3A_77 = tpu.memref_slice %arg7[%add3A_70, %dma_start3A_76] : memref<10000x128xf32, #tpu.memory_space<vmem_shared>> -> memref<64x128xf32, #tpu.memory_space<vmem_shared>>
        %dma_start3A_78 = arith.constant 0 : i32
        %dma_start3A_79 = tpu.memref_slice %arg7[%add3A_70, %dma_start3A_78] : memref<10000x128xf32, #tpu.memory_space<vmem_shared>> -> memref<64x128xf32, #tpu.memory_space<vmem_shared>>
        %dma_start3A_80 = arith.constant 0 : i32
        %dma_start3A_81 = arith.constant 0 : i32
        %dma_start3A_82 = tpu.memref_slice %arg6[%dma_start3A_80, %dma_start3A_81] : memref<80x128xf32, #tpu.memory_space<vmem>> -> memref<64x128xf32, #tpu.memory_space<vmem>>
        tpu.enqueue_dma source(%dma_start3A_82 : memref<64x128xf32, #tpu.memory_space<vmem>>) target(%dma_start3A_79 : memref<64x128xf32, #tpu.memory_space<vmem_shared>>) target_semaphore(%run_scoped3A : memref<!tpu.dma_semaphore, #tpu.memory_space<semaphore_mem>>)
        %dma_wait3A_83 = arith.constant 0 : i32
        %dma_wait3A_84 = arith.constant 0 : i32
        %dma_wait3A_85 = tpu.memref_slice %arg6[%dma_wait3A_83, %dma_wait3A_84] : memref<80x128xf32, #tpu.memory_space<vmem>> -> memref<64x128xf32, #tpu.memory_space<vmem>>
        %dma_wait3A_86 = arith.constant 0 : i32
        %dma_wait3A_87 = tpu.memref_slice %arg7[%add3A_70, %dma_wait3A_86] : memref<10000x128xf32, #tpu.memory_space<vmem_shared>> -> memref<64x128xf32, #tpu.memory_space<vmem_shared>>
        %dma_wait3A_88 = arith.constant 0 : i32
        %dma_wait3A_89 = tpu.memref_slice %arg7[%add3A_70, %dma_wait3A_88] : memref<10000x128xf32, #tpu.memory_space<vmem_shared>> -> memref<64x128xf32, #tpu.memory_space<vmem_shared>>
        %dma_wait3A_90 = arith.constant 0 : i32
        %dma_wait3A_91 = arith.constant 0 : i32
        %dma_wait3A_92 = tpu.memref_slice %arg6[%dma_wait3A_90, %dma_wait3A_91] : memref<80x128xf32, #tpu.memory_space<vmem>> -> memref<64x128xf32, #tpu.memory_space<vmem>>
        tpu.wait_dma2 semaphore(%run_scoped3A : memref<!tpu.dma_semaphore, #tpu.memory_space<semaphore_mem>>) src(%dma_wait3A_92 : memref<64x128xf32, #tpu.memory_space<vmem>>) dst(%dma_wait3A_89 : memref<64x128xf32, #tpu.memory_space<vmem_shared>>)
        tpu.yield
      }) : () -> ()
      %add3A_71 = arith.constant 512 : i32
      %add3A_72 = arith.addi %mul3A_9, %add3A_71 : i32
      "tpu.region"() ({
        %run_scoped3A = tpu.sem_alloc : memref<!tpu.dma_semaphore, #tpu.memory_space<semaphore_mem>>
        %dma_start3A_73 = arith.constant 0 : i32
        %dma_start3A_74 = arith.constant 0 : i32
        %dma_start3A_75 = tpu.memref_slice %arg6[%dma_start3A_73, %dma_start3A_74] : memref<80x128xf32, #tpu.memory_space<vmem>> -> memref<8x128xf32, #tpu.memory_space<vmem>>
        %dma_start3A_76 = arith.constant 0 : i32
        %dma_start3A_77 = tpu.memref_slice %arg7[%add3A_72, %dma_start3A_76] : memref<10000x128xf32, #tpu.memory_space<vmem_shared>> -> memref<8x128xf32, #tpu.memory_space<vmem_shared>>
        %dma_start3A_78 = arith.constant 0 : i32
        %dma_start3A_79 = tpu.memref_slice %arg7[%add3A_72, %dma_start3A_78] : memref<10000x128xf32, #tpu.memory_space<vmem_shared>> -> memref<8x128xf32, #tpu.memory_space<vmem_shared>>
        %dma_start3A_80 = arith.constant 0 : i32
        %dma_start3A_81 = arith.constant 0 : i32
        %dma_start3A_82 = tpu.memref_slice %arg6[%dma_start3A_80, %dma_start3A_81] : memref<80x128xf32, #tpu.memory_space<vmem>> -> memref<8x128xf32, #tpu.memory_space<vmem>>
        tpu.enqueue_dma source(%dma_start3A_82 : memref<8x128xf32, #tpu.memory_space<vmem>>) target(%dma_start3A_79 : memref<8x128xf32, #tpu.memory_space<vmem_shared>>) target_semaphore(%run_scoped3A : memref<!tpu.dma_semaphore, #tpu.memory_space<semaphore_mem>>)
        %dma_wait3A_83 = arith.constant 0 : i32
        %dma_wait3A_84 = arith.constant 0 : i32
        %dma_wait3A_85 = tpu.memref_slice %arg6[%dma_wait3A_83, %dma_wait3A_84] : memref<80x128xf32, #tpu.memory_space<vmem>> -> memref<8x128xf32, #tpu.memory_space<vmem>>
        %dma_wait3A_86 = arith.constant 0 : i32
        %dma_wait3A_87 = tpu.memref_slice %arg7[%add3A_72, %dma_wait3A_86] : memref<10000x128xf32, #tpu.memory_space<vmem_shared>> -> memref<8x128xf32, #tpu.memory_space<vmem_shared>>
        %dma_wait3A_88 = arith.constant 0 : i32
        %dma_wait3A_89 = tpu.memref_slice %arg7[%add3A_72, %dma_wait3A_88] : memref<10000x128xf32, #tpu.memory_space<vmem_shared>> -> memref<8x128xf32, #tpu.memory_space<vmem_shared>>
        %dma_wait3A_90 = arith.constant 0 : i32
        %dma_wait3A_91 = arith.constant 0 : i32
        %dma_wait3A_92 = tpu.memref_slice %arg6[%dma_wait3A_90, %dma_wait3A_91] : memref<80x128xf32, #tpu.memory_space<vmem>> -> memref<8x128xf32, #tpu.memory_space<vmem>>
        tpu.wait_dma2 semaphore(%run_scoped3A : memref<!tpu.dma_semaphore, #tpu.memory_space<semaphore_mem>>) src(%dma_wait3A_92 : memref<8x128xf32, #tpu.memory_space<vmem>>) dst(%dma_wait3A_89 : memref<8x128xf32, #tpu.memory_space<vmem_shared>>)
        tpu.yield
      }) : () -> ()
    } else {
    }
    %broadcast_in_dim3A_16 = arith.constant 1.000000e+00 : f32
    %broadcast_in_dim3A_17 = vector.broadcast %broadcast_in_dim3A_16 : f32 to vector<16xf32>
    %scan3A_18 = arith.constant 0 : i32
    %scan3A_19 = arith.constant 80 : i32
    %scan3A_20 = arith.addi %scan3A_18, %scan3A_19 : i32
    %scan3A_21 = arith.constant 1 : i32
    scf.for %scan3A_55 = %scan3A_18 to %scan3A_20 step %scan3A_21  : i32 {
      %mul3A_56 = arith.constant 1 : i32
      %mul3A_57 = arith.muli %scan3A_55, %mul3A_56 : i32
      %add3A_58 = arith.constant 0 : i32
      %add3A_59 = arith.addi %add3A_58, %mul3A_57 : i32
      %swap3A = arith.index_cast %add3A_59 : i32 to index
      %swap3A_60 = arith.constant 0 : index
      %swap3A_61 = tpu.vector_load %arg6[%swap3A, %swap3A_60] {strides = array<i32>} : memref<80x128xf32, #tpu.memory_space<vmem>>, vector<1x16xf32>,
      %swap3A_62 = vector.shape_cast %swap3A_61 : vector<1x16xf32> to vector<16xf32>
      %swap3A_63 = vector.shape_cast %broadcast_in_dim3A_17 : vector<16xf32> to vector<1x16xf32>
      tpu.vector_store %arg6[%swap3A, %swap3A_60], %swap3A_63 {strides = array<i32>} : memref<80x128xf32, #tpu.memory_space<vmem>>, vector<1x16xf32>,
      %swap3A_64 = arith.index_cast %add3A_59 : i32 to index
      %swap3A_65 = arith.constant 16 : index
      %swap3A_66 = tpu.vector_load %arg6[%swap3A_64, %swap3A_65] {strides = array<i32>} : memref<80x128xf32, #tpu.memory_space<vmem>>, vector<1x16xf32>,
      %swap3A_67 = vector.shape_cast %swap3A_66 : vector<1x16xf32> to vector<16xf32>
      %swap3A_68 = vector.shape_cast %broadcast_in_dim3A_17 : vector<16xf32> to vector<1x16xf32>
      tpu.vector_store %arg6[%swap3A_64, %swap3A_65], %swap3A_68 {strides = array<i32>} : memref<80x128xf32, #tpu.memory_space<vmem>>, vector<1x16xf32>,
      %swap3A_69 = arith.index_cast %add3A_59 : i32 to index
      %swap3A_70 = arith.constant 32 : index
      %swap3A_71 = tpu.vector_load %arg6[%swap3A_69, %swap3A_70] {strides = array<i32>} : memref<80x128xf32, #tpu.memory_space<vmem>>, vector<1x16xf32>,
      %swap3A_72 = vector.shape_cast %swap3A_71 : vector<1x16xf32> to vector<16xf32>
      %swap3A_73 = vector.shape_cast %broadcast_in_dim3A_17 : vector<16xf32> to vector<1x16xf32>
      tpu.vector_store %arg6[%swap3A_69, %swap3A_70], %swap3A_73 {strides = array<i32>} : memref<80x128xf32, #tpu.memory_space<vmem>>, vector<1x16xf32>,
      %swap3A_74 = arith.index_cast %add3A_59 : i32 to index
      %swap3A_75 = arith.constant 48 : index
      %swap3A_76 = tpu.vector_load %arg6[%swap3A_74, %swap3A_75] {strides = array<i32>} : memref<80x128xf32, #tpu.memory_space<vmem>>, vector<1x16xf32>,
      %swap3A_77 = vector.shape_cast %swap3A_76 : vector<1x16xf32> to vector<16xf32>
      %swap3A_78 = vector.shape_cast %broadcast_in_dim3A_17 : vector<16xf32> to vector<1x16xf32>
      tpu.vector_store %arg6[%swap3A_74, %swap3A_75], %swap3A_78 {strides = array<i32>} : memref<80x128xf32, #tpu.memory_space<vmem>>, vector<1x16xf32>,
      %swap3A_79 = arith.index_cast %add3A_59 : i32 to index
      %swap3A_80 = arith.constant 64 : index
      %swap3A_81 = tpu.vector_load %arg6[%swap3A_79, %swap3A_80] {strides = array<i32>} : memref<80x128xf32, #tpu.memory_space<vmem>>, vector<1x16xf32>,
      %swap3A_82 = vector.shape_cast %swap3A_81 : vector<1x16xf32> to vector<16xf32>
      %swap3A_83 = vector.shape_cast %broadcast_in_dim3A_17 : vector<16xf32> to vector<1x16xf32>
      tpu.vector_store %arg6[%swap3A_79, %swap3A_80], %swap3A_83 {strides = array<i32>} : memref<80x128xf32, #tpu.memory_space<vmem>>, vector<1x16xf32>,
      %swap3A_84 = arith.index_cast %add3A_59 : i32 to index
      %swap3A_85 = arith.constant 80 : index
      %swap3A_86 = tpu.vector_load %arg6[%swap3A_84, %swap3A_85] {strides = array<i32>} : memref<80x128xf32, #tpu.memory_space<vmem>>, vector<1x16xf32>,
      %swap3A_87 = vector.shape_cast %swap3A_86 : vector<1x16xf32> to vector<16xf32>
      %swap3A_88 = vector.shape_cast %broadcast_in_dim3A_17 : vector<16xf32> to vector<1x16xf32>
      tpu.vector_store %arg6[%swap3A_84, %swap3A_85], %swap3A_88 {strides = array<i32>} : memref<80x128xf32, #tpu.memory_space<vmem>>, vector<1x16xf32>,
      %swap3A_89 = arith.index_cast %add3A_59 : i32 to index
      %swap3A_90 = arith.constant 96 : index
      %swap3A_91 = tpu.vector_load %arg6[%swap3A_89, %swap3A_90] {strides = array<i32>} : memref<80x128xf32, #tpu.memory_space<vmem>>, vector<1x16xf32>,
      %swap3A_92 = vector.shape_cast %swap3A_91 : vector<1x16xf32> to vector<16xf32>
      %swap3A_93 = vector.shape_cast %broadcast_in_dim3A_17 : vector<16xf32> to vector<1x16xf32>
      tpu.vector_store %arg6[%swap3A_89, %swap3A_90], %swap3A_93 {strides = array<i32>} : memref<80x128xf32, #tpu.memory_space<vmem>>, vector<1x16xf32>,
      %swap3A_94 = arith.index_cast %add3A_59 : i32 to index
      %swap3A_95 = arith.constant 112 : index
      %swap3A_96 = tpu.vector_load %arg6[%swap3A_94, %swap3A_95] {strides = array<i32>} : memref<80x128xf32, #tpu.memory_space<vmem>>, vector<1x16xf32>,
      %swap3A_97 = vector.shape_cast %swap3A_96 : vector<1x16xf32> to vector<16xf32>
      %swap3A_98 = vector.shape_cast %broadcast_in_dim3A_17 : vector<16xf32> to vector<1x16xf32>
      tpu.vector_store %arg6[%swap3A_94, %swap3A_95], %swap3A_98 {strides = array<i32>} : memref<80x128xf32, #tpu.memory_space<vmem>>, vector<1x16xf32>,
    }
    %scan3A_22 = arith.constant 80 : i32
    %barrier3A = arith.constant 0 : index
    tpu.barrier barrier_id(%barrier3A)
    %add3A_23 = arith.constant 0 : i32
    %add3A_24 = arith.addi %add3A, %add3A_23 : i32
    %dma_start3A = tpu.memref_slice %arg2[%add3A_24] : memref<640000xi32, #tpu.memory_space<hbm>> -> memref<80xi32, #tpu.memory_space<hbm>>
    %dma_start3A_25 = tpu.memref_slice %arg2[%add3A_24] : memref<640000xi32, #tpu.memory_space<hbm>> -> memref<80xi32, #tpu.memory_space<hbm>>
    tpu.enqueue_dma source(%dma_start3A_25 : memref<80xi32, #tpu.memory_space<hbm>>) target(%arg4 : memref<80xi32, #tpu.memory_space<vmem>>) target_semaphore(%arg8 : memref<!tpu.dma_semaphore, #tpu.memory_space<semaphore_mem>>)
    %add3A_26 = arith.constant 80 : i32
    %add3A_27 = arith.addi %add3A, %add3A_26 : i32
    %dma_start3A_28 = tpu.memref_slice %arg2[%add3A_27] : memref<640000xi32, #tpu.memory_space<hbm>> -> memref<80xi32, #tpu.memory_space<hbm>>
    %dma_start3A_29 = tpu.memref_slice %arg2[%add3A_27] : memref<640000xi32, #tpu.memory_space<hbm>> -> memref<80xi32, #tpu.memory_space<hbm>>
    tpu.enqueue_dma source(%dma_start3A_29 : memref<80xi32, #tpu.memory_space<hbm>>) target(%arg5 : memref<80xi32, #tpu.memory_space<vmem>>) target_semaphore(%arg9 : memref<!tpu.dma_semaphore, #tpu.memory_space<semaphore_mem>>)
    %scan3A_30 = arith.constant 0 : i32
    %scan3A_31 = arith.constant 125 : i32
    %scan3A_32 = arith.addi %scan3A_30, %scan3A_31 : i32
    %scan3A_33 = arith.constant 1 : i32
    scf.for %scan3A_55 = %scan3A_30 to %scan3A_32 step %scan3A_33  : i32 {
      %mul3A_56 = arith.constant 2 : i32
      %mul3A_57 = arith.muli %scan3A_55, %mul3A_56 : i32
      %add3A_58 = arith.constant 0 : i32
      %add3A_59 = arith.addi %add3A_58, %mul3A_57 : i32
      %add3A_60 = arith.constant 0 : i32
      %add3A_61 = arith.addi %add3A_59, %add3A_60 : i32
      %dma_wait3A_62 = arith.constant 0 : i32
      %dma_wait3A_63 = tpu.memref_slice %arg2[%dma_wait3A_62] : memref<640000xi32, #tpu.memory_space<hbm>> -> memref<80xi32, #tpu.memory_space<hbm>>
      %dma_wait3A_64 = arith.constant 0 : i32
      %dma_wait3A_65 = tpu.memref_slice %arg2[%dma_wait3A_64] : memref<640000xi32, #tpu.memory_space<hbm>> -> memref<80xi32, #tpu.memory_space<hbm>>
      tpu.wait_dma2 semaphore(%arg8 : memref<!tpu.dma_semaphore, #tpu.memory_space<semaphore_mem>>) src(%dma_wait3A_65 : memref<80xi32, #tpu.memory_space<hbm>>) dst(%arg4 : memref<80xi32, #tpu.memory_space<vmem>>)
      "tpu.region"() ({
        %run_scoped3A = tpu.sem_alloc : memref<!tpu.dma_semaphore, #tpu.memory_space<semaphore_mem>>
        %dma_start3A_89 = arith.constant 0 : i32
        %dma_start3A_90 = arith.constant 0 : i32
        %dma_start3A_91 = tpu.memref_slice %arg7[%dma_start3A_89, %dma_start3A_90] : memref<10000x128xf32, #tpu.memory_space<vmem_shared>> -> memref<10000x128xf32, #tpu.memory_space<vmem_shared>>
        tpu.enqueue_indirect_dma source(%arg6 : memref<80x128xf32, #tpu.memory_space<vmem>>) target(%dma_start3A_91 : memref<10000x128xf32, #tpu.memory_space<vmem_shared>>) offsets(%arg4 : memref<80xi32, #tpu.memory_space<vmem>>) semaphore(%run_scoped3A : memref<!tpu.dma_semaphore, #tpu.memory_space<semaphore_mem>>) {add = true}
        %dma_wait3A_92 = arith.constant 0 : i32
        %dma_wait3A_93 = arith.constant 0 : i32
        %dma_wait3A_94 = tpu.memref_slice %arg7[%dma_wait3A_92, %dma_wait3A_93] : memref<10000x128xf32, #tpu.memory_space<vmem_shared>> -> memref<10000x128xf32, #tpu.memory_space<vmem_shared>>
        tpu.wait_indirect_dma semaphore(%run_scoped3A : memref<!tpu.dma_semaphore, #tpu.memory_space<semaphore_mem>>) src(%arg6 : memref<80x128xf32, #tpu.memory_space<vmem>>) dst(%dma_wait3A_94 : memref<10000x128xf32, #tpu.memory_space<vmem_shared>>)
        tpu.yield
      }) : () -> ()
      %add3A_66 = arith.constant 2 : i32
      %add3A_67 = arith.addi %add3A_61, %add3A_66 : i32
      %min3A = arith.constant 249 : i32
      %min3A_68 = arith.minsi %add3A_67, %min3A : i32
      %mul3A_69 = arith.constant 80 : i32
      %mul3A_70 = arith.muli %min3A_68, %mul3A_69 : i32
      %add3A_71 = arith.addi %add3A, %mul3A_70 : i32
      %dma_start3A_72 = tpu.memref_slice %arg2[%add3A_71] : memref<640000xi32, #tpu.memory_space<hbm>> -> memref<80xi32, #tpu.memory_space<hbm>>
      %dma_start3A_73 = tpu.memref_slice %arg2[%add3A_71] : memref<640000xi32, #tpu.memory_space<hbm>> -> memref<80xi32, #tpu.memory_space<hbm>>
      tpu.enqueue_dma source(%dma_start3A_73 : memref<80xi32, #tpu.memory_space<hbm>>) target(%arg4 : memref<80xi32, #tpu.memory_space<vmem>>) target_semaphore(%arg8 : memref<!tpu.dma_semaphore, #tpu.memory_space<semaphore_mem>>)
      %add3A_74 = arith.constant 1 : i32
      %add3A_75 = arith.addi %add3A_59, %add3A_74 : i32
      %dma_wait3A_76 = arith.constant 0 : i32
      %dma_wait3A_77 = tpu.memref_slice %arg2[%dma_wait3A_76] : memref<640000xi32, #tpu.memory_space<hbm>> -> memref<80xi32, #tpu.memory_space<hbm>>
      %dma_wait3A_78 = arith.constant 0 : i32
      %dma_wait3A_79 = tpu.memref_slice %arg2[%dma_wait3A_78] : memref<640000xi32, #tpu.memory_space<hbm>> -> memref<80xi32, #tpu.memory_space<hbm>>
      tpu.wait_dma2 semaphore(%arg9 : memref<!tpu.dma_semaphore, #tpu.memory_space<semaphore_mem>>) src(%dma_wait3A_79 : memref<80xi32, #tpu.memory_space<hbm>>) dst(%arg5 : memref<80xi32, #tpu.memory_space<vmem>>)
      "tpu.region"() ({
        %run_scoped3A = tpu.sem_alloc : memref<!tpu.dma_semaphore, #tpu.memory_space<semaphore_mem>>
        %dma_start3A_89 = arith.constant 0 : i32
        %dma_start3A_90 = arith.constant 0 : i32
        %dma_start3A_91 = tpu.memref_slice %arg7[%dma_start3A_89, %dma_start3A_90] : memref<10000x128xf32, #tpu.memory_space<vmem_shared>> -> memref<10000x128xf32, #tpu.memory_space<vmem_shared>>
        tpu.enqueue_indirect_dma source(%arg6 : memref<80x128xf32, #tpu.memory_space<vmem>>) target(%dma_start3A_91 : memref<10000x128xf32, #tpu.memory_space<vmem_shared>>) offsets(%arg5 : memref<80xi32, #tpu.memory_space<vmem>>) semaphore(%run_scoped3A : memref<!tpu.dma_semaphore, #tpu.memory_space<semaphore_mem>>) {add = true}
        %dma_wait3A_92 = arith.constant 0 : i32
        %dma_wait3A_93 = arith.constant 0 : i32
        %dma_wait3A_94 = tpu.memref_slice %arg7[%dma_wait3A_92, %dma_wait3A_93] : memref<10000x128xf32, #tpu.memory_space<vmem_shared>> -> memref<10000x128xf32, #tpu.memory_space<vmem_shared>>
        tpu.wait_indirect_dma semaphore(%run_scoped3A : memref<!tpu.dma_semaphore, #tpu.memory_space<semaphore_mem>>) src(%arg6 : memref<80x128xf32, #tpu.memory_space<vmem>>) dst(%dma_wait3A_94 : memref<10000x128xf32, #tpu.memory_space<vmem_shared>>)
        tpu.yield
      }) : () -> ()
      %add3A_80 = arith.constant 2 : i32
      %add3A_81 = arith.addi %add3A_75, %add3A_80 : i32
      %min3A_82 = arith.constant 249 : i32
      %min3A_83 = arith.minsi %add3A_81, %min3A_82 : i32
      %mul3A_84 = arith.constant 80 : i32
      %mul3A_85 = arith.muli %min3A_83, %mul3A_84 : i32
      %add3A_86 = arith.addi %add3A, %mul3A_85 : i32
      %dma_start3A_87 = tpu.memref_slice %arg2[%add3A_86] : memref<640000xi32, #tpu.memory_space<hbm>> -> memref<80xi32, #tpu.memory_space<hbm>>
      %dma_start3A_88 = tpu.memref_slice %arg2[%add3A_86] : memref<640000xi32, #tpu.memory_space<hbm>> -> memref<80xi32, #tpu.memory_space<hbm>>
      tpu.enqueue_dma source(%dma_start3A_88 : memref<80xi32, #tpu.memory_space<hbm>>) target(%arg5 : memref<80xi32, #tpu.memory_space<vmem>>) target_semaphore(%arg9 : memref<!tpu.dma_semaphore, #tpu.memory_space<semaphore_mem>>)
    }
    %scan3A_34 = arith.constant 125 : i32
    %dma_wait3A = arith.constant 0 : i32
    %dma_wait3A_35 = tpu.memref_slice %arg2[%dma_wait3A] : memref<640000xi32, #tpu.memory_space<hbm>> -> memref<80xi32, #tpu.memory_space<hbm>>
    %dma_wait3A_36 = arith.constant 0 : i32
    %dma_wait3A_37 = tpu.memref_slice %arg2[%dma_wait3A_36] : memref<640000xi32, #tpu.memory_space<hbm>> -> memref<80xi32, #tpu.memory_space<hbm>>
    tpu.wait_dma2 semaphore(%arg8 : memref<!tpu.dma_semaphore, #tpu.memory_space<semaphore_mem>>) src(%dma_wait3A_37 : memref<80xi32, #tpu.memory_space<hbm>>) dst(%arg4 : memref<80xi32, #tpu.memory_space<vmem>>)
    %dma_wait3A_38 = arith.constant 0 : i32
    %dma_wait3A_39 = tpu.memref_slice %arg2[%dma_wait3A_38] : memref<640000xi32, #tpu.memory_space<hbm>> -> memref<80xi32, #tpu.memory_space<hbm>>
    %dma_wait3A_40 = arith.constant 0 : i32
    %dma_wait3A_41 = tpu.memref_slice %arg2[%dma_wait3A_40] : memref<640000xi32, #tpu.memory_space<hbm>> -> memref<80xi32, #tpu.memory_space<hbm>>
    tpu.wait_dma2 semaphore(%arg9 : memref<!tpu.dma_semaphore, #tpu.memory_space<semaphore_mem>>) src(%dma_wait3A_41 : memref<80xi32, #tpu.memory_space<hbm>>) dst(%arg5 : memref<80xi32, #tpu.memory_space<vmem>>)
    %barrier3A_42 = arith.constant 0 : index
    tpu.barrier barrier_id(%barrier3A_42)
    %mul3A_43 = arith.constant 632 : i32
    %mul3A_44 = arith.muli %arg1, %mul3A_43 : i32
    %lt3A_45 = arith.constant 15 : i32
    %lt3A_46 = arith.cmpi slt, %arg1, %lt3A_45 : i32
    %convert_element_type3A_47 = arith.extui %lt3A_46 : i1 to i32
    %cond3A_48 = arith.constant 0 : i32
    %cond3A_49 = arith.cmpi ne, %convert_element_type3A_47, %cond3A_48 : i32
    scf.if %cond3A_49 {
      %mul3A_55 = arith.constant 10000 : i32
      %mul3A_56 = arith.muli %arg0, %mul3A_55 : i32
      %add3A_57 = arith.addi %mul3A_56, %mul3A_44 : i32
      "tpu.region"() ({
        %run_scoped3A = tpu.sem_alloc : memref<!tpu.dma_semaphore, #tpu.memory_space<semaphore_mem>>
        %dma_start3A_58 = arith.constant 0 : i32
        %dma_start3A_59 = tpu.memref_slice %arg3[%add3A_57, %dma_start3A_58] : memref<20000x128xf32, #tpu.memory_space<hbm>> -> memref<632x128xf32, #tpu.memory_space<hbm>>
        %dma_start3A_60 = arith.constant 0 : i32
        %dma_start3A_61 = tpu.memref_slice %arg7[%mul3A_44, %dma_start3A_60] : memref<10000x128xf32, #tpu.memory_space<vmem_shared>> -> memref<632x128xf32, #tpu.memory_space<vmem_shared>>
        tpu.enqueue_dma source(%dma_start3A_61 : memref<632x128xf32, #tpu.memory_space<vmem_shared>>) target(%dma_start3A_59 : memref<632x128xf32, #tpu.memory_space<hbm>>) target_semaphore(%run_scoped3A : memref<!tpu.dma_semaphore, #tpu.memory_space<semaphore_mem>>)
        %dma_wait3A_62 = arith.constant 0 : i32
        %dma_wait3A_63 = tpu.memref_slice %arg3[%add3A_57, %dma_wait3A_62] : memref<20000x128xf32, #tpu.memory_space<hbm>> -> memref<632x128xf32, #tpu.memory_space<hbm>>
        %dma_wait3A_64 = arith.constant 0 : i32
        %dma_wait3A_65 = tpu.memref_slice %arg7[%mul3A_44, %dma_wait3A_64] : memref<10000x128xf32, #tpu.memory_space<vmem_shared>> -> memref<632x128xf32, #tpu.memory_space<vmem_shared>>
        tpu.wait_dma2 semaphore(%run_scoped3A : memref<!tpu.dma_semaphore, #tpu.memory_space<semaphore_mem>>) src(%dma_wait3A_65 : memref<632x128xf32, #tpu.memory_space<vmem_shared>>) dst(%dma_wait3A_63 : memref<632x128xf32, #tpu.memory_space<hbm>>)
        tpu.yield
      }) : () -> ()
    } else {
    }
    %eq3A_50 = arith.constant 15 : i32
    %eq3A_51 = arith.cmpi eq, %arg1, %eq3A_50 : i32
    %convert_element_type3A_52 = arith.extui %eq3A_51 : i1 to i32
    %cond3A_53 = arith.constant 0 : i32
    %cond3A_54 = arith.cmpi ne, %convert_element_type3A_52, %cond3A_53 : i32
    scf.if %cond3A_54 {
      %mul3A_55 = arith.constant 10000 : i32
      %mul3A_56 = arith.muli %arg0, %mul3A_55 : i32
      %add3A_57 = arith.addi %mul3A_56, %mul3A_44 : i32
      "tpu.region"() ({
        %run_scoped3A = tpu.sem_alloc : memref<!tpu.dma_semaphore, #tpu.memory_space<semaphore_mem>>
        %dma_start3A_58 = arith.constant 0 : i32
        %dma_start3A_59 = tpu.memref_slice %arg3[%add3A_57, %dma_start3A_58] : memref<20000x128xf32, #tpu.memory_space<hbm>> -> memref<520x128xf32, #tpu.memory_space<hbm>>
        %dma_start3A_60 = arith.constant 0 : i32
        %dma_start3A_61 = tpu.memref_slice %arg7[%mul3A_44, %dma_start3A_60] : memref<10000x128xf32, #tpu.memory_space<vmem_shared>> -> memref<520x128xf32, #tpu.memory_space<vmem_shared>>
        tpu.enqueue_dma source(%dma_start3A_61 : memref<520x128xf32, #tpu.memory_space<vmem_shared>>) target(%dma_start3A_59 : memref<520x128xf32, #tpu.memory_space<hbm>>) target_semaphore(%run_scoped3A : memref<!tpu.dma_semaphore, #tpu.memory_space<semaphore_mem>>)
        %dma_wait3A_62 = arith.constant 0 : i32
        %dma_wait3A_63 = tpu.memref_slice %arg3[%add3A_57, %dma_wait3A_62] : memref<20000x128xf32, #tpu.memory_space<hbm>> -> memref<520x128xf32, #tpu.memory_space<hbm>>
        %dma_wait3A_64 = arith.constant 0 : i32
        %dma_wait3A_65 = tpu.memref_slice %arg7[%mul3A_44, %dma_wait3A_64] : memref<10000x128xf32, #tpu.memory_space<vmem_shared>> -> memref<520x128xf32, #tpu.memory_space<vmem_shared>>
        tpu.wait_dma2 semaphore(%run_scoped3A : memref<!tpu.dma_semaphore, #tpu.memory_space<semaphore_mem>>) src(%dma_wait3A_65 : memref<520x128xf32, #tpu.memory_space<vmem_shared>>) dst(%dma_wait3A_63 : memref<520x128xf32, #tpu.memory_space<hbm>>)
        tpu.yield
      }) : () -> ()
    } else {
    }
    return
  }
}

module attributes {stable_mosaic.version = 14 : i64} {
  func.func @body(%arg0: i32, %arg1: i32, %arg2: memref<1000x128xf32, #tpu.memory_space<vmem>>, %arg3: memref<1x128x128xf32, #tpu.memory_space<vmem>>, %arg4: memref<1x1x128xf32, #tpu.memory_space<vmem>>, %arg5: memref<1000x128xf32, #tpu.memory_space<vmem>>) attributes {dimension_semantics = [#tpu.dimension_semantics<arbitrary>, #tpu.dimension_semantics<arbitrary>], iteration_bounds = array<i64: 2, 10>, scalar_prefetch = 0 : i64, scratch_operands = 0 : i64, tpu.core_type = #tpu.core_type<tc>, window_params = [{transform_indices = @transform_0, window_bounds = array<i64: 1000, 128>}, {transform_indices = @transform_1, window_bounds = array<i64: 1, 128, 128>}, {transform_indices = @transform_2, window_bounds = array<i64: 1, 1, 128>}, {transform_indices = @transform_3, window_bounds = array<i64: 1000, 128>}]} {
    %get3A = arith.constant 0 : index
    %get3A_0 = arith.constant 0 : index
    %get3A_1 = vector.load %arg2[%get3A, %get3A_0] : memref<1000x128xf32, #tpu.memory_space<vmem>>, vector<1000x128xf32>
    %get3A_2 = arith.constant 0 : index
    %get3A_3 = arith.constant 0 : index
    %get3A_4 = arith.constant 0 : index
    %get3A_5 = vector.load %arg3[%get3A_2, %get3A_3, %get3A_4] : memref<1x128x128xf32, #tpu.memory_space<vmem>>, vector<1x128x128xf32>
    %get3A_6 = vector.shape_cast %get3A_5 : vector<1x128x128xf32> to vector<128x128xf32>
    %dot_general3A = arith.constant dense<0.000000e+00> : vector<1000x128xf32>
    %dot_general3A_7 = tpu.matmul %get3A_1, %get3A_6, %dot_general3A {dimension_numbers = #tpu.dot_dimension_numbers<[1], [0], [0], [1], [0, 0, 1, 1], [], []>, precision = #tpu.contract_precision<fp32>, transpose_lhs_hint = false} : vector<1000x128xf32>, vector<128x128xf32>, vector<1000x128xf32> -> vector<1000x128xf32>
    %get3A_8 = arith.constant 0 : index
    %get3A_9 = arith.constant 0 : index
    %get3A_10 = arith.constant 0 : index
    %get3A_11 = vector.load %arg4[%get3A_8, %get3A_9, %get3A_10] : memref<1x1x128xf32, #tpu.memory_space<vmem>>, vector<1x1x128xf32>
    %get3A_12 = vector.shape_cast %get3A_11 : vector<1x1x128xf32> to vector<1x128xf32>
    %add3A = vector.broadcast %get3A_12 : vector<1x128xf32> to vector<1000x128xf32>
    %add3A_13 = arith.addf %dot_general3A_7, %add3A : vector<1000x128xf32>
    %swap3A = arith.constant 0 : index
    %swap3A_14 = arith.constant 0 : index
    %swap3A_15 = vector.load %arg5[%swap3A, %swap3A_14] : memref<1000x128xf32, #tpu.memory_space<vmem>>, vector<1000x128xf32>
    tpu.vector_store %arg5[%swap3A, %swap3A_14], %add3A_13 {strides = array<i32>} : memref<1000x128xf32, #tpu.memory_space<vmem>>, vector<1000x128xf32>,
    return
  }
  func.func @transform_0(%arg0: i32, %arg1: i32) -> (i32, i32) {
    %c0_i32 = arith.constant 0 : i32
    %c0_i32_0 = arith.constant 0 : i32
    return %arg1, %c0_i32 : i32, i32
  }
  func.func @transform_1(%arg0: i32, %arg1: i32) -> (i32, i32, i32) {
    %c0_i32 = arith.constant 0 : i32
    %c0_i32_0 = arith.constant 0 : i32
    %c0_i32_1 = arith.constant 0 : i32
    return %arg0, %c0_i32, %c0_i32_0 : i32, i32, i32
  }
  func.func @transform_2(%arg0: i32, %arg1: i32) -> (i32, i32, i32) {
    %c0_i32 = arith.constant 0 : i32
    %c0_i32_0 = arith.constant 0 : i32
    %c0_i32_1 = arith.constant 0 : i32
    return %arg0, %c0_i32, %c0_i32_0 : i32, i32, i32
  }
  func.func @transform_3(%arg0: i32, %arg1: i32) -> (i32, i32) {
    %mul3A = arith.constant 10 : i32
    %mul3A_0 = arith.muli %arg0, %mul3A : i32
    %add3A = arith.addi %mul3A_0, %arg1 : i32
    %c0_i32 = arith.constant 0 : i32
    %c0_i32_1 = arith.constant 0 : i32
    return %add3A, %c0_i32 : i32, i32
  }
}

module attributes {stable_mosaic.version = 14 : i64} {
  func.func @body(%arg0: i32, %arg1: i32, %arg2: memref<1000x128xf32, #tpu.memory_space<vmem>>, %arg3: memref<1000x128xf32, #tpu.memory_space<vmem>>, %arg4: memref<1000x128xf32, #tpu.memory_space<vmem>>, %arg5: memref<1x128x128xf32, #tpu.memory_space<vmem>>, %arg6: memref<1000x128xf32, #tpu.memory_space<vmem>>) attributes {dimension_semantics = [#tpu.dimension_semantics<arbitrary>, #tpu.dimension_semantics<arbitrary>], iteration_bounds = array<i64: 2, 10>, scalar_prefetch = 0 : i64, scratch_operands = 0 : i64, tpu.core_type = #tpu.core_type<tc>, window_params = [{transform_indices = @transform_0, window_bounds = array<i64: 1000, 128>}, {transform_indices = @transform_1, window_bounds = array<i64: 1000, 128>}, {transform_indices = @transform_2, window_bounds = array<i64: 1000, 128>}, {transform_indices = @transform_3, window_bounds = array<i64: 1, 128, 128>}, {transform_indices = @transform_4, window_bounds = array<i64: 1000, 128>}]} {
    %get3A = arith.constant 0 : index
    %get3A_0 = arith.constant 0 : index
    %get3A_1 = vector.load %arg2[%get3A, %get3A_0] : memref<1000x128xf32, #tpu.memory_space<vmem>>, vector<1000x128xf32>
    %get3A_2 = arith.constant 0 : index
    %get3A_3 = arith.constant 0 : index
    %get3A_4 = arith.constant 0 : index
    %get3A_5 = vector.load %arg5[%get3A_2, %get3A_3, %get3A_4] : memref<1x128x128xf32, #tpu.memory_space<vmem>>, vector<1x128x128xf32>
    %get3A_6 = vector.shape_cast %get3A_5 : vector<1x128x128xf32> to vector<128x128xf32>
    %dot_general3A = arith.constant dense<0.000000e+00> : vector<1000x128xf32>
    %dot_general3A_7 = tpu.matmul %get3A_1, %get3A_6, %dot_general3A {dimension_numbers = #tpu.dot_dimension_numbers<[1], [0], [0], [1], [0, 0, 1, 1], [], []>, precision = #tpu.contract_precision<fp32>, transpose_lhs_hint = false} : vector<1000x128xf32>, vector<128x128xf32>, vector<1000x128xf32> -> vector<1000x128xf32>
    %get3A_8 = arith.constant 0 : index
    %get3A_9 = arith.constant 0 : index
    %get3A_10 = vector.load %arg3[%get3A_8, %get3A_9] : memref<1000x128xf32, #tpu.memory_space<vmem>>, vector<1000x128xf32>
    %add3A = arith.constant 9.99999996E-13 : f32
    %add3A_11 = vector.broadcast %add3A : f32 to vector<1000x128xf32>
    %add3A_12 = arith.addf %get3A_10, %add3A_11 : vector<1000x128xf32>
    %div3A = arith.divf %dot_general3A_7, %add3A_12 : vector<1000x128xf32>
    %get3A_13 = arith.constant 0 : index
    %get3A_14 = arith.constant 0 : index
    %get3A_15 = vector.load %arg4[%get3A_13, %get3A_14] : memref<1000x128xf32, #tpu.memory_space<vmem>>, vector<1000x128xf32>
    %add3A_16 = arith.addf %get3A_15, %div3A : vector<1000x128xf32>
    %max3A = arith.constant 0.000000e+00 : f32
    %max3A_17 = vector.broadcast %max3A : f32 to vector<1000x128xf32>
    %max3A_18 = arith.maximumf %add3A_16, %max3A_17 : vector<1000x128xf32>
    %swap3A = arith.constant 0 : index
    %swap3A_19 = arith.constant 0 : index
    %swap3A_20 = vector.load %arg6[%swap3A, %swap3A_19] : memref<1000x128xf32, #tpu.memory_space<vmem>>, vector<1000x128xf32>
    tpu.vector_store %arg6[%swap3A, %swap3A_19], %max3A_18 {strides = array<i32>} : memref<1000x128xf32, #tpu.memory_space<vmem>>, vector<1000x128xf32>,
    return
  }
  func.func @transform_0(%arg0: i32, %arg1: i32) -> (i32, i32) {
    %mul3A = arith.constant 10 : i32
    %mul3A_0 = arith.muli %arg0, %mul3A : i32
    %add3A = arith.addi %mul3A_0, %arg1 : i32
    %c0_i32 = arith.constant 0 : i32
    %c0_i32_1 = arith.constant 0 : i32
    return %add3A, %c0_i32 : i32, i32
  }
  func.func @transform_1(%arg0: i32, %arg1: i32) -> (i32, i32) {
    %mul3A = arith.constant 10 : i32
    %mul3A_0 = arith.muli %arg0, %mul3A : i32
    %add3A = arith.addi %mul3A_0, %arg1 : i32
    %c0_i32 = arith.constant 0 : i32
    %c0_i32_1 = arith.constant 0 : i32
    return %add3A, %c0_i32 : i32, i32
  }
  func.func @transform_2(%arg0: i32, %arg1: i32) -> (i32, i32) {
    %mul3A = arith.constant 10 : i32
    %mul3A_0 = arith.muli %arg0, %mul3A : i32
    %add3A = arith.addi %mul3A_0, %arg1 : i32
    %c0_i32 = arith.constant 0 : i32
    %c0_i32_1 = arith.constant 0 : i32
    return %add3A, %c0_i32 : i32, i32
  }
  func.func @transform_3(%arg0: i32, %arg1: i32) -> (i32, i32, i32) {
    %c0_i32 = arith.constant 0 : i32
    %c0_i32_0 = arith.constant 0 : i32
    %c0_i32_1 = arith.constant 0 : i32
    return %arg0, %c0_i32, %c0_i32_0 : i32, i32, i32
  }
  func.func @transform_4(%arg0: i32, %arg1: i32) -> (i32, i32) {
    %mul3A = arith.constant 10 : i32
    %mul3A_0 = arith.muli %arg0, %mul3A : i32
    %add3A = arith.addi %mul3A_0, %arg1 : i32
    %c0_i32 = arith.constant 0 : i32
    %c0_i32_1 = arith.constant 0 : i32
    return %add3A, %c0_i32 : i32, i32
  }
}

module attributes {stable_mosaic.version = 14 : i64} {
  func.func @body(%arg0: i32, %arg1: i32, %arg2: memref<1000x128xf32, #tpu.memory_space<vmem>>, %arg3: memref<1x128x128xf32, #tpu.memory_space<vmem>>, %arg4: memref<1x1x128xf32, #tpu.memory_space<vmem>>, %arg5: memref<1000x128xf32, #tpu.memory_space<vmem>>) attributes {dimension_semantics = [#tpu.dimension_semantics<arbitrary>, #tpu.dimension_semantics<arbitrary>], iteration_bounds = array<i64: 2, 10>, scalar_prefetch = 0 : i64, scratch_operands = 0 : i64, tpu.core_type = #tpu.core_type<tc>, window_params = [{transform_indices = @transform_0, window_bounds = array<i64: 1000, 128>}, {transform_indices = @transform_1, window_bounds = array<i64: 1, 128, 128>}, {transform_indices = @transform_2, window_bounds = array<i64: 1, 1, 128>}, {transform_indices = @transform_3, window_bounds = array<i64: 1000, 128>}]} {
    %get3A = arith.constant 0 : index
    %get3A_0 = arith.constant 0 : index
    %get3A_1 = vector.load %arg2[%get3A, %get3A_0] : memref<1000x128xf32, #tpu.memory_space<vmem>>, vector<1000x128xf32>
    %get3A_2 = arith.constant 0 : index
    %get3A_3 = arith.constant 0 : index
    %get3A_4 = arith.constant 0 : index
    %get3A_5 = vector.load %arg3[%get3A_2, %get3A_3, %get3A_4] : memref<1x128x128xf32, #tpu.memory_space<vmem>>, vector<1x128x128xf32>
    %get3A_6 = vector.shape_cast %get3A_5 : vector<1x128x128xf32> to vector<128x128xf32>
    %dot_general3A = arith.constant dense<0.000000e+00> : vector<1000x128xf32>
    %dot_general3A_7 = tpu.matmul %get3A_1, %get3A_6, %dot_general3A {dimension_numbers = #tpu.dot_dimension_numbers<[1], [0], [0], [1], [0, 0, 1, 1], [], []>, precision = #tpu.contract_precision<fp32>, transpose_lhs_hint = false} : vector<1000x128xf32>, vector<128x128xf32>, vector<1000x128xf32> -> vector<1000x128xf32>
    %get3A_8 = arith.constant 0 : index
    %get3A_9 = arith.constant 0 : index
    %get3A_10 = arith.constant 0 : index
    %get3A_11 = vector.load %arg4[%get3A_8, %get3A_9, %get3A_10] : memref<1x1x128xf32, #tpu.memory_space<vmem>>, vector<1x1x128xf32>
    %get3A_12 = vector.shape_cast %get3A_11 : vector<1x1x128xf32> to vector<1x128xf32>
    %add3A = vector.broadcast %get3A_12 : vector<1x128xf32> to vector<1000x128xf32>
    %add3A_13 = arith.addf %dot_general3A_7, %add3A : vector<1000x128xf32>
    %swap3A = arith.constant 0 : index
    %swap3A_14 = arith.constant 0 : index
    %swap3A_15 = vector.load %arg5[%swap3A, %swap3A_14] : memref<1000x128xf32, #tpu.memory_space<vmem>>, vector<1000x128xf32>
    tpu.vector_store %arg5[%swap3A, %swap3A_14], %add3A_13 {strides = array<i32>} : memref<1000x128xf32, #tpu.memory_space<vmem>>, vector<1000x128xf32>,
    return
  }
  func.func @transform_0(%arg0: i32, %arg1: i32) -> (i32, i32) {
    %mul3A = arith.constant 10 : i32
    %mul3A_0 = arith.muli %arg0, %mul3A : i32
    %add3A = arith.addi %mul3A_0, %arg1 : i32
    %c0_i32 = arith.constant 0 : i32
    %c0_i32_1 = arith.constant 0 : i32
    return %add3A, %c0_i32 : i32, i32
  }
  func.func @transform_1(%arg0: i32, %arg1: i32) -> (i32, i32, i32) {
    %c0_i32 = arith.constant 0 : i32
    %c0_i32_0 = arith.constant 0 : i32
    %c0_i32_1 = arith.constant 0 : i32
    return %arg0, %c0_i32, %c0_i32_0 : i32, i32, i32
  }
  func.func @transform_2(%arg0: i32, %arg1: i32) -> (i32, i32, i32) {
    %c0_i32 = arith.constant 0 : i32
    %c0_i32_0 = arith.constant 0 : i32
    %c0_i32_1 = arith.constant 0 : i32
    return %arg0, %c0_i32, %c0_i32_0 : i32, i32, i32
  }
  func.func @transform_3(%arg0: i32, %arg1: i32) -> (i32, i32) {
    %mul3A = arith.constant 10 : i32
    %mul3A_0 = arith.muli %arg0, %mul3A : i32
    %add3A = arith.addi %mul3A_0, %arg1 : i32
    %c0_i32 = arith.constant 0 : i32
    %c0_i32_1 = arith.constant 0 : i32
    return %add3A, %c0_i32 : i32, i32
  }
}

module attributes {stable_mosaic.version = 14 : i64} {
  func.func @body(%arg0: i32, %arg1: memref<1000x128xf32, #tpu.memory_space<vmem>>, %arg2: memref<1000x128xf32, #tpu.memory_space<vmem>>, %arg3: memref<1000x128xf32, #tpu.memory_space<vmem>>, %arg4: memref<1000x128xf32, #tpu.memory_space<vmem>>, %arg5: memref<1000x128xf32, #tpu.memory_space<vmem>>, %arg6: memref<1000x128xf32, #tpu.memory_space<vmem>>, %arg7: memref<2x128x128xf32, #tpu.memory_space<vmem>>, %arg8: memref<1x1xf32, #tpu.memory_space<smem>>, %arg9: memref<1000x128xf32, #tpu.memory_space<vmem>>) attributes {dimension_semantics = [#tpu.dimension_semantics<arbitrary>], iteration_bounds = array<i64: 10>, scalar_prefetch = 0 : i64, scratch_operands = 0 : i64, tpu.core_type = #tpu.core_type<tc>, window_params = [{transform_indices = @transform_0, window_bounds = array<i64: 1000, 128>}, {transform_indices = @transform_1, window_bounds = array<i64: 1000, 128>}, {transform_indices = @transform_2, window_bounds = array<i64: 1000, 128>}, {transform_indices = @transform_3, window_bounds = array<i64: 1000, 128>}, {transform_indices = @transform_4, window_bounds = array<i64: 1000, 128>}, {transform_indices = @transform_5, window_bounds = array<i64: 1000, 128>}, {pipeline_mode = #tpu.pipeline_mode<synchronous>, transform_indices = @transform_6, window_bounds = array<i64: 2, 128, 128>}, {transform_indices = @transform_7, window_bounds = array<i64: 1, 1>}, {transform_indices = @transform_8, window_bounds = array<i64: 1000, 128>}]} {
    %get3A = arith.constant 0 : index
    %get3A_0 = arith.constant 0 : index
    %get3A_1 = memref.load %arg8[%get3A, %get3A_0] : memref<1x1xf32, #tpu.memory_space<smem>>
    %neg3A = arith.constant 0.000000e+00 : f32
    %neg3A_2 = arith.subf %neg3A, %get3A_1 : f32
    %exp3A = math.exp %neg3A_2 : f32
    %add3A = arith.constant 1.000000e+00 : f32
    %add3A_3 = arith.addf %add3A, %exp3A : f32
    %div3A = arith.constant 1.000000e+00 : f32
    %div3A_4 = arith.divf %div3A, %add3A_3 : f32
    %get3A_5 = arith.constant 0 : index
    %get3A_6 = arith.constant 0 : index
    %get3A_7 = vector.load %arg3[%get3A_5, %get3A_6] : memref<1000x128xf32, #tpu.memory_space<vmem>>, vector<1000x128xf32>
    %get3A_8 = arith.constant 0 : index
    %get3A_9 = arith.constant 0 : index
    %get3A_10 = arith.constant 0 : index
    %get3A_11 = vector.load %arg7[%get3A_8, %get3A_9, %get3A_10] : memref<2x128x128xf32, #tpu.memory_space<vmem>>, vector<1x128x128xf32>
    %get3A_12 = vector.shape_cast %get3A_11 : vector<1x128x128xf32> to vector<128x128xf32>
    %dot_general3A = arith.constant dense<0.000000e+00> : vector<1000x128xf32>
    %dot_general3A_13 = tpu.matmul %get3A_7, %get3A_12, %dot_general3A {dimension_numbers = #tpu.dot_dimension_numbers<[1], [0], [0], [1], [0, 0, 1, 1], [], []>, precision = #tpu.contract_precision<fp32>, transpose_lhs_hint = false} : vector<1000x128xf32>, vector<128x128xf32>, vector<1000x128xf32> -> vector<1000x128xf32>
    %get3A_14 = arith.constant 0 : index
    %get3A_15 = arith.constant 0 : index
    %get3A_16 = vector.load %arg5[%get3A_14, %get3A_15] : memref<1000x128xf32, #tpu.memory_space<vmem>>, vector<1000x128xf32>
    %add3A_17 = arith.constant 9.99999996E-13 : f32
    %add3A_18 = vector.broadcast %add3A_17 : f32 to vector<1000x128xf32>
    %add3A_19 = arith.addf %get3A_16, %add3A_18 : vector<1000x128xf32>
    %div3A_20 = arith.divf %dot_general3A_13, %add3A_19 : vector<1000x128xf32>
    %get3A_21 = arith.constant 0 : index
    %get3A_22 = arith.constant 0 : index
    %get3A_23 = vector.load %arg4[%get3A_21, %get3A_22] : memref<1000x128xf32, #tpu.memory_space<vmem>>, vector<1000x128xf32>
    %get3A_24 = arith.constant 1 : index
    %get3A_25 = arith.constant 0 : index
    %get3A_26 = arith.constant 0 : index
    %get3A_27 = vector.load %arg7[%get3A_24, %get3A_25, %get3A_26] : memref<2x128x128xf32, #tpu.memory_space<vmem>>, vector<1x128x128xf32>
    %get3A_28 = vector.shape_cast %get3A_27 : vector<1x128x128xf32> to vector<128x128xf32>
    %dot_general3A_29 = arith.constant dense<0.000000e+00> : vector<1000x128xf32>
    %dot_general3A_30 = tpu.matmul %get3A_23, %get3A_28, %dot_general3A_29 {dimension_numbers = #tpu.dot_dimension_numbers<[1], [0], [0], [1], [0, 0, 1, 1], [], []>, precision = #tpu.contract_precision<fp32>, transpose_lhs_hint = false} : vector<1000x128xf32>, vector<128x128xf32>, vector<1000x128xf32> -> vector<1000x128xf32>
    %get3A_31 = arith.constant 0 : index
    %get3A_32 = arith.constant 0 : index
    %get3A_33 = vector.load %arg6[%get3A_31, %get3A_32] : memref<1000x128xf32, #tpu.memory_space<vmem>>, vector<1000x128xf32>
    %add3A_34 = arith.constant 9.99999996E-13 : f32
    %add3A_35 = vector.broadcast %add3A_34 : f32 to vector<1000x128xf32>
    %add3A_36 = arith.addf %get3A_33, %add3A_35 : vector<1000x128xf32>
    %div3A_37 = arith.divf %dot_general3A_30, %add3A_36 : vector<1000x128xf32>
    %get3A_38 = arith.constant 0 : index
    %get3A_39 = arith.constant 0 : index
    %get3A_40 = vector.load %arg1[%get3A_38, %get3A_39] : memref<1000x128xf32, #tpu.memory_space<vmem>>, vector<1000x128xf32>
    %add3A_41 = arith.addf %get3A_40, %div3A_20 : vector<1000x128xf32>
    %max3A = arith.constant 0.000000e+00 : f32
    %max3A_42 = vector.broadcast %max3A : f32 to vector<1000x128xf32>
    %max3A_43 = arith.maximumf %add3A_41, %max3A_42 : vector<1000x128xf32>
    %get3A_44 = arith.constant 0 : index
    %get3A_45 = arith.constant 0 : index
    %get3A_46 = vector.load %arg2[%get3A_44, %get3A_45] : memref<1000x128xf32, #tpu.memory_space<vmem>>, vector<1000x128xf32>
    %add3A_47 = arith.addf %get3A_46, %div3A_37 : vector<1000x128xf32>
    %max3A_48 = arith.constant 0.000000e+00 : f32
    %max3A_49 = vector.broadcast %max3A_48 : f32 to vector<1000x128xf32>
    %max3A_50 = arith.maximumf %add3A_47, %max3A_49 : vector<1000x128xf32>
    %mul3A = vector.broadcast %div3A_4 : f32 to vector<1000x128xf32>
    %mul3A_51 = arith.mulf %mul3A, %max3A_43 : vector<1000x128xf32>
    %sub3A = arith.constant 1.000000e+00 : f32
    %sub3A_52 = arith.subf %sub3A, %div3A_4 : f32
    %mul3A_53 = vector.broadcast %sub3A_52 : f32 to vector<1000x128xf32>
    %mul3A_54 = arith.mulf %mul3A_53, %max3A_50 : vector<1000x128xf32>
    %add3A_55 = arith.addf %mul3A_51, %mul3A_54 : vector<1000x128xf32>
    %swap3A = arith.constant 0 : index
    %swap3A_56 = arith.constant 0 : index
    %swap3A_57 = vector.load %arg9[%swap3A, %swap3A_56] : memref<1000x128xf32, #tpu.memory_space<vmem>>, vector<1000x128xf32>
    tpu.vector_store %arg9[%swap3A, %swap3A_56], %add3A_55 {strides = array<i32>} : memref<1000x128xf32, #tpu.memory_space<vmem>>, vector<1000x128xf32>,
    return
  }
  func.func @transform_0(%arg0: i32) -> (i32, i32) {
    %c0_i32 = arith.constant 0 : i32
    %c0_i32_0 = arith.constant 0 : i32
    return %arg0, %c0_i32 : i32, i32
  }
  func.func @transform_1(%arg0: i32) -> (i32, i32) {
    %add3A = arith.constant 10 : i32
    %add3A_0 = arith.addi %add3A, %arg0 : i32
    %c0_i32 = arith.constant 0 : i32
    %c0_i32_1 = arith.constant 0 : i32
    return %add3A_0, %c0_i32 : i32, i32
  }
  func.func @transform_2(%arg0: i32) -> (i32, i32) {
    %c0_i32 = arith.constant 0 : i32
    %c0_i32_0 = arith.constant 0 : i32
    return %arg0, %c0_i32 : i32, i32
  }
  func.func @transform_3(%arg0: i32) -> (i32, i32) {
    %add3A = arith.constant 10 : i32
    %add3A_0 = arith.addi %add3A, %arg0 : i32
    %c0_i32 = arith.constant 0 : i32
    %c0_i32_1 = arith.constant 0 : i32
    return %add3A_0, %c0_i32 : i32, i32
  }
  func.func @transform_4(%arg0: i32) -> (i32, i32) {
    %c0_i32 = arith.constant 0 : i32
    %c0_i32_0 = arith.constant 0 : i32
    return %arg0, %c0_i32 : i32, i32
  }
  func.func @transform_5(%arg0: i32) -> (i32, i32) {
    %add3A = arith.constant 10 : i32
    %add3A_0 = arith.addi %add3A, %arg0 : i32
    %c0_i32 = arith.constant 0 : i32
    %c0_i32_1 = arith.constant 0 : i32
    return %add3A_0, %c0_i32 : i32, i32
  }
  func.func @transform_6(%arg0: i32) -> (i32, i32, i32) {
    %c0_i32 = arith.constant 0 : i32
    %c0_i32_0 = arith.constant 0 : i32
    %c0_i32_1 = arith.constant 0 : i32
    %c0_i32_2 = arith.constant 0 : i32
    return %c0_i32, %c0_i32_0, %c0_i32_1 : i32, i32, i32
  }
  func.func @transform_7(%arg0: i32) -> (i32, i32) {
    %c0_i32 = arith.constant 0 : i32
    %c0_i32_0 = arith.constant 0 : i32
    %c0_i32_1 = arith.constant 0 : i32
    return %c0_i32, %c0_i32_0 : i32, i32
  }
  func.func @transform_8(%arg0: i32) -> (i32, i32) {
    %c0_i32 = arith.constant 0 : i32
    %c0_i32_0 = arith.constant 0 : i32
    return %arg0, %c0_i32 : i32, i32
  }
}

</mosaic_0001>

<sc_bundles>
// kernel: kernel.12.cloned.1.call-start
scs
__scs_entry_jumppad:
0x0: {  	(pc) =	sbr.rel $0x88, $3  }
0x1: {  	(tag) =	ssettag $0x0;
	lr =	simm.s32 $0x1  }
0x2: {  	[smem:$0x3F8D] =	sst lr;
	_ =	strace $0xD0000000  }
0x3: {  	_ = 	snop  }
0x4: {  	_ = 	snop  }
0x5: {  	_ = 	snop  }
0x6: {  	_ = 	snop  }
0x7: {  	_ = 	snop  }
__scs_overlays_trampoline_lowered:
0x8: {  	[smem:$0x3F9C] =	sst s0  }
0x9: {  	[smem:$0x3F9D] =	sst s1  }
0xa: {  	[smem:$0x3F9E] =	sst s2  }
0xb: {  	[smem:$0x3F9F] =	sst s3  }
0xc: {  	[smem:$0x3FA0] =	sst s4  }
0xd: {  	[smem:$0x3FA1] =	sst s5  }
0xe: {  	[smem:$0x3FA2] =	sst s6  }
0xf: {  	[smem:$0x3FA3] =	sst s7  }
0x10: {  	[smem:$0x3FA4] =	sst s8  }
0x11: {  	[smem:$0x3FA5] =	sst s9;
	s0 =	simm.s32 @!p0 $0x0  }
0x12: {  	s1 =	sld [smem:$0x3F8B];
	s0 =	simm.s32 @p0 $0x1  }
0x13: {  	[smem:$0x3FA6] =	sst s0;
	s0 =	simm.s32 @!p1 $0x0  }
0x14: {  	s2 =	sld [smem:$0x3F8A];
	s0 =	simm.s32 @p1 $0x1  }
0x15: {  	[smem:$0x3FA7] =	sst s0;
	s0 =	simm.s32 @!p2 $0x0  }
0x16: {  	s3 =	sld [smem:$0x3FDB];
	s0 =	simm.s32 @p2 $0x1  }
0x17: {  	s4 =	simm.s32 $0x1BF5;
	[smem:$0x3FA9] =	sst s0  }
0x18: {  	s0 =	sld [smem:$0x3F8C];
	_ =	swait.ge [sflag:s4], $0x0  }
0x19: {  	s7 =	sld [smem:$0x3F8D]  }
0x1a: {  	s8 =	sadd.s32 $0xFFFFE003, lr  }
0x1b: {  	s9 =	sadd.s32 $0xFFFFFEF7, lr;
	s5 =	simm.s32 $0xFFFFFFFF;
	p2 =	slt.u32 s8, $0xFFFFF086  }
0x1c: {  	p1 =	slt.u32 s9, $0xF7A;
	s5 =	simm.s32 @!p2 $0x0  }
0x1d: {  	s5 =	simm.s32 @p1 $0x1;
	p0 =	seq.s32 s7, s2  }
0x1e: {  	s7 =	smul.u32 @!p0 $0xF7A, s2;
	p2 =	seq.s32 @!p0 s5, $0x0  }
0x1f: {  	s9 =	smul.u32 $0xF7A, s1;
	s8 =	simm.s32 @!p0 $0x1BF5;
	p2 =	por !p2, p0  }
0x20: {  	[sflag:s8] =	ssyncset.s32 @!p0 $0xFFFFF086;
	s6 =	sadd.s32 @!p0 s3, s7;
	s7 =	simm.s32 @!p0 $0x108  }
0x21: {  	s3 =	sadd.s32 s3, s9;
	s6 =	sadd.s32 @!p0 $0x88, s6;
	s7 =	simm.s32 @p2 $0x1082  }
0x22: {  	[simem:s7], [sflag:s8] =	dma.local @!p0 [hbm:s6], $0xF7A  }
0x23: {  	s9 =	sor.u32 $0xD0000000, s2;
	s6 =	simm.s32 $0x108;
	_ =	swait.ge @!p0 [sflag:s8], $0x0  }
0x24: {  	s3 =	sadd.s32 $0x88, s3;
	s6 =	simm.s32 @!p1 $0x1082;
	[sflag:s4] =	ssyncset.s32 $0xFFFFF086  }
0x25: {  	[simem:s6], [sflag:s4] =	dma.local [hbm:s3], $0xF7A  }
0x26: {  	[smem:$0x3F8D] =	sst s1;
	(tag) =	ssettag s2;
	_ =	strace s9  }
0x27: {  	s1 =	sld [smem:$0x3F9D]  }
0x28: {  	s2 =	sld [smem:$0x3F9E]  }
0x29: {  	s4 =	sld [smem:$0x3FA0]  }
0x2a: {  	p0 =	seq.s32 s5, $0x0;
	s5 =	sld [smem:$0x3FA1]  }
0x2b: {  	s6 =	sld [smem:$0x3FA2]  }
0x2c: {  	s7 =	sld [smem:$0x3FA3]  }
0x2d: {  	s3 =	simm.s32 $0x108;
	s8 =	sld [smem:$0x3FA4]  }
0x2e: {  	s3 =	simm.s32 @!p0 $0x1082;
	s9 =	sld [smem:$0x3FA5]  }
0x2f: {  	lr =	sadd.s32 s0, s3;
	s0 =	sld [smem:$0x3F9C]  }
0x30: {  	s3 =	sld [smem:$0x3F9F]  }
0x31: {  	[smem:$0x3FA8] =	sst s10  }
0x32: {  	s10 =	sld [smem:$0x3FA6];
	_ =	sdelay $0x3  }
0x33: {  	p0 =	seq.s32 s10, $0x1;
	s10 =	sld [smem:$0x3FA8];
	_ =	sdelay $0x3  }
0x34: {  	[smem:$0x3FA8] =	sst s10  }
0x35: {  	s10 =	sld [smem:$0x3FA7];
	_ =	sdelay $0x3  }
0x36: {  	p1 =	seq.s32 s10, $0x1;
	s10 =	sld [smem:$0x3FA8];
	_ =	sdelay $0x3  }
0x37: {  	[smem:$0x3FA8] =	sst s10  }
0x38: {  	s10 =	sld [smem:$0x3FA9]  }
0x39: {  	_ = 	snop;
	(pc) =	sbr.ind lr, $3  }
0x3a: {  	_ = 	snop  }
0x3b: {  	_ = 	snop  }
0x3c: {  	p2 =	seq.s32 s10, $0x1;
	s10 =	sld [smem:$0x3FA8]  }
0x3d: {  	_ =	shalt  }
0x3e: {  	_ =	shalt  }
0x3f: {  	_ =	shalt  }
0x40: {  	_ =	shalt  }
0x41: {  	_ =	shalt  }
0x42: {  	_ =	shalt  }
0x43: {  	_ =	shalt  }
0x44: {  	_ =	shalt  }
0x45: {  	_ =	shalt  }
0x46: {  	_ =	shalt  }
0x47: {  	_ =	shalt  }
0x48: {  	_ =	shalt  }
0x49: {  	_ =	shalt  }
0x4a: {  	_ =	shalt  }
0x4b: {  	_ =	shalt  }
0x4c: {  	_ =	shalt  }
0x4d: {  	_ =	shalt  }
0x4e: {  	_ =	shalt  }
0x4f: {  	_ =	shalt  }
0x50: {  	_ =	shalt  }
0x51: {  	_ =	shalt  }
0x52: {  	_ =	shalt  }
0x53: {  	_ =	shalt  }
0x54: {  	_ =	shalt  }
0x55: {  	_ =	shalt  }
0x56: {  	_ =	shalt  }
0x57: {  	_ =	shalt  }
0x58: {  	_ =	shalt  }
0x59: {  	_ =	shalt  }
0x5a: {  	_ =	shalt  }
0x5b: {  	_ =	shalt  }
0x5c: {  	_ =	shalt  }
0x5d: {  	_ =	shalt  }
0x5e: {  	_ =	shalt  }
0x5f: {  	_ =	shalt  }
0x60: {  	_ =	shalt  }
0x61: {  	_ =	shalt  }
0x62: {  	_ =	shalt  }
0x63: {  	_ =	shalt  }
0x64: {  	_ =	shalt  }
0x65: {  	_ =	shalt  }
0x66: {  	_ =	shalt  }
0x67: {  	_ =	shalt  }
0x68: {  	_ =	shalt  }
0x69: {  	_ =	shalt  }
0x6a: {  	_ =	shalt  }
0x6b: {  	_ =	shalt  }
0x6c: {  	_ =	shalt  }
0x6d: {  	_ =	shalt  }
0x6e: {  	_ =	shalt  }
0x6f: {  	_ =	shalt  }
0x70: {  	_ =	shalt  }
0x71: {  	_ =	shalt  }
0x72: {  	_ =	shalt  }
0x73: {  	_ =	shalt  }
0x74: {  	_ =	shalt  }
0x75: {  	_ =	shalt  }
0x76: {  	_ =	shalt  }
0x77: {  	_ =	shalt  }
0x78: {  	_ =	shalt  }
0x79: {  	_ =	shalt  }
0x7a: {  	_ =	shalt  }
0x7b: {  	_ =	shalt  }
0x7c: {  	_ =	shalt  }
0x7d: {  	_ =	shalt  }
0x7e: {  	_ =	shalt  }
0x7f: {  	_ =	shalt  }
0x80: {  	_ =	shalt  }
0x81: {  	_ =	shalt  }
0x82: {  	_ =	shalt  }
0x83: {  	_ =	shalt  }
0x84: {  	_ =	shalt  }
0x85: {  	_ =	shalt  }
0x86: {  	_ =	shalt  }
0x87: {  	_ =	shalt  }
.Lfunc_end0:
.L_simem_size_0:
called_computation.1_lowered:
.L_overlay_start_0:
0x88: {  	s2 =	sld [smem:$0x3FD9]  }
0x89: {  	s3 =	sld [smem:$0x3FFE];
	_ =	sdelay $0x1  }
0x8a: {  	s1 =	srdreg.scid  }
0x8b: {  	s0 =	sand.u32 $0x1, s1  }
0x8c: {  	s17 =	sshll.u32 s0, $0xA;
	s2 =	sadd.s32 s3, s2  }
0x8d: {  	s2 =	sadd.s32 s2, s17  }
0x8e: {  	[smem:$0x3FB4] =	sst s2  }
0x8f: {  	_ = 	snop  }
0x90: {  	s2 =	sld [smem:$0x3FC9]  }
0x91: {  	s18 =	sld [smem:$0x3FD0];
	(tm) =	ssettm $0x1  }
0x92: {  	s4 =	sld [smem:$0x3FFB];
	_ =	sdelay $0x3  }
0x93: {  	_ =	strace s4  }
0x94: {  	s4 =	sld [smem:$0x3FFC];
	_ =	sdelay $0x3  }
0x95: {  	_ =	strace s4  }
0x96: {  	s4 =	sld [smem:$0x3FFD];
	_ =	sdelay $0x3  }
0x97: {  	_ =	strace s4  }
0x98: {  	_ =	strace $0x8FFFFFFF  }
0x99: {  	s19 =	sld [smem:$0x3FDB];
	_ =	sdelay $0x1  }
0x9a: {  	s5 =	simm.s32 $_scs_section_size  }
0x9b: {  	s6 =	simm.s32 $_size__tile_overlayer_lowered;
	s7 =	simm.s32 $_tile_overlayer_lowered  }
0x9c: {  	s22 =	simm.s32 $0x1BFF;
	s21 =	sshll.u32 s7, $0x1;
	s4 =	sadd.s32 s5, s19  }
0x9d: {  	s8 =	simm.s32 $0x0;
	s20 =	sshll.u32 s6, $0x1;
	s6 =	sadd.s32 s21, s4  }
0x9e: {  	[timem:s8], [sflag:s22] =	dma.local [hbm:s6], s20  }
0x9f: {  	_ =	swait.ge [sflag:s22], s20  }
0xa0: {  	s5 =	ssub.s32 $0x0, s20;
	[sflag:s22] =	ssyncset.done $0x0  }
0xa1: {  	[sflag:s22] =	ssyncadd.s32 s5;
	_ =	sdelay $0x1  }
0xa2: {  	s23 =	simm.s32 $0x1B8B  }
0xa3: {  	_ =	swait.ge [sflag:s23], $0x1  }
0xa4: {  	[sflag:s23] =	ssyncset.done $0x0  }
0xa5: {  	s25 =	simm.s32 $0x1B8E;
	s24 =	sld [smem:$0x3FFE];
	[sflag:s23] =	ssyncadd.s32 $0xFFFFFFFF  }
0xa6: {  	s26 =	simm.s32 $execute0_lowered;
	[smem:$0x3FD2] =	sst s25  }
0xa7: {  	s6 =	sshll.u32 s26, $0x1;
	_ =	strace $0x80000046;
	[dreg:$0x1] =	wrdreg $0xFFFFFFFF  }
0xa8: {  	s28 =	simm.s32 $_size_execute0_lowered;
	s4 =	sadd.s32 s4, s6;
	[dreg:$0x0] =	wrdreg $0x0  }
0xa9: {  	s6 =	sshll.u32 s28, $0x1;
	[dreg:$0x2] =	wrdreg s4  }
0xaa: {  	[dreg:$0x3] =	wrdreg s6  }
0xab: {  	[dreg:$0x4] =	wrdreg $0xC0  }
0xac: {  	_ =	task [dreg:s8], $0x5FFFF  }
0xad: {  	[dreg:$0x1] =	wrdreg $0xFFFFFFFF  }
0xae: {  	[dreg:$0x0] =	wrdreg $0x60  }
0xaf: {  	[dreg:$0x2] =	wrdreg s2  }
0xb0: {  	[dreg:$0x3] =	wrdreg s18  }
0xb1: {  	[dreg:$0x4] =	wrdreg s24  }
0xb2: {  	[dreg:$0x5] =	wrdreg $0x52000  }
0xb3: {  	[dreg:$0x6] =	wrdreg $0xA  }
0xb4: {  	_ =	task.clear_ibuf [dreg:s8], $0x7FFFF;
	_ =	strace $0x90000046  }
0xb5: {  	s29 =	simm.s32 $0xA;
	_ =	strace $0x80000048  }
0xb6: {  	_ =	swait.ge [sflag:s29], $0x1  }
0xb7: {  	[sflag:s29] =	ssyncadd.s32 $0xFFFFFFFF  }
0xb8: {  	_ =	strace $0x90000048  }
0xb9: {  	_ =	sfence  }
0xba: {  	s30 =	sld [smem:$0x0];
	_ =	sdelay $0x2  }
0xbb: {  	s31 =	sshll.u32 s1, $0xD;
	s1 =	sshrl.u32 s1, $0x2  }
0xbc: {  	s3 =	sand.u32 $0x4000, s31;
	s1 =	sadd.s32 s1, s30  }
0xbd: {  	s0 =	sor.u32 s3, s0;
	s1 =	sshll.u32 s1, $0x11  }
0xbe: {  	s0 =	sor.u32 s1, s0  }
0xbf: {  	s0 =	sadd.s32 $0x8F2B, s0  }
0xc0: {  	[sflag:s0] =	ssyncadd.remote.s32 $0x1  }
0xc1: {  	_ =	sfence.sel $0xFFFF  }
0xc2: {  	[dreg:$0x0] =	wrdreg $0xFFFFFFFF;
	(pc) =	sbr.abs _section_cstart, $3  }
0xc3: {  	[dreg:$0x1] =	wrdreg $0xFFFFFFFF  }
0xc4: {  	_ =	task.clear_ibuf [dreg:s8], $0x2FFFF;
	_ =	strace $0x9FFFFFFF  }
0xc5: {  	(tm) =	ssettm $0x7FFFFFFF  }
tec
execute0_lowered:
.L_overlay_start_1:
0x0: {  	(tag) =	ssettag $0x1  }
0x1: {  	s1 =	rddreg [dreg:$0x0]  }
0x2: {  	s2 =	rddreg [dreg:$0x1]  }
0x3: {  	s0 =	rddreg [dreg:$0x2]  }
0x4: {  	s3 =	rddreg [dreg:$0x3];
	s5 =	simm.s32 $0x0;
	s4 =	srdreg.scid  }
0x5: {  	s14 =	stileid.u32;
	s29 =	simm.s32 $0x5;
	s30 =	simm.s32 $0x2  }
0x6: {  	s31 =	simm.s32 $0x0;
	[smem:$0x7FF] =	sst s5;
	s8 =	smul.u32 $0x4F000, s14  }
0x7: {  	s4 =	sand.u32 $0x1, s4;
	s6 =	sadd.s32 $0x3A00, s0;
	s10 =	smul.u32 $0x4E20, s14  }
0x8: {  	s0 =	sadd.s32 $0x2AE00, s0;
	s16 =	smul.u32 $0x2780, s14;
	s28 =	sadd.s32 $0x128400, s3  }
0x9: {  	p0 =	seq.s32 s14, $0xF;
	s7 =	smul.u32 $0x4E200, s4;
	_ =	strace $0x80000047  }
0xa: {  	s9 =	ssub.s32 $0x2, s4;
	s12 =	smul.u32 $0x138800, s4;
	s8 =	sshrl.u32 s8, $0x2  }
0xb: {  	s11 =	sshrl.u32 s9, $0x1;
	s10 =	sadd.s32 s10, s7;
	s7 =	sadd.s32 s8, s3  }
0xc: {  	s4 =	smul.u32 $0x27100, s4;
	s9 =	ssub.s32 s9, s11;
	s17 =	sadd.s32 $0x2000, s7  }
0xd: {  	s12 =	sshrl.u32 s12, $0x3;
	s18 =	sadd.s32 $0x4000, s7;
	[dreg:$0x5] =	wrdreg s17  }
0xe: {  	s4 =	sadd.s32 s16, s4;
	s19 =	sadd.s32 $0x6000, s7;
	[dreg:$0x6] =	wrdreg s18  }
0xf: {  	s20 =	sadd.s32 $0x8000, s7;
	s21 =	sadd.s32 $0xA000, s7;
	[dreg:$0x7] =	wrdreg s19  }
0x10: {  	s22 =	sadd.s32 $0xC000, s7;
	s23 =	sshrl.u32 s10, $0x3;
	[dreg:$0x8] =	wrdreg s20  }
0x11: {  	s26 =	sadd.s32 s0, s12;
	s0 =	sadd.s32 s0, s4;
	[dreg:$0x9] =	wrdreg s21  }
0x12: {  	s9 =	smax.u32 s9, $0x1;
	s12 =	sadd.s32 $0xF0, s10;
	[dreg:$0xa] =	wrdreg s22  }
0x13: {  	s14 =	sadd.s32 $0x10000, s7;
	s13 =	sadd.s32 s6, s23;
	[dreg:$0xf] =	wrdreg s0  }
0x14: {  	s24 =	sadd.s32 $0xA, s23;
	s15 =	sadd.s32 s2, s23;
	[dreg:$0x11] =	wrdreg s9  }
0x15: {  	s4 =	sadd.s32 $0x25080, s26;
	s8 =	sadd.s32 $0x9BA, s23;
	[dreg:$0x13] =	wrdreg s14  }
0x16: {  	s11 =	sadd.s32 $0x9B0, s23;
	s23 =	sadd.s32 $0xA0, s10;
	[dreg:$0xb] =	wrdreg s13  }
0x17: {  	s17 =	sadd.s32 $0x12A400, s3;
	s18 =	sadd.s32 $0x12C400, s3;
	[dreg:$0xc] =	wrdreg s15  }
0x18: {  	s19 =	sshrl.u32 s12, $0x3;
	s20 =	sadd.s32 $0x12E400, s3;
	[dreg:$0x10] =	wrdreg s4  }
0x19: {  	s26 =	sadd.s32 $0x134400, s3;
	s14 =	sadd.s32 $0x138400, s3;
	[dreg:$0x17] =	wrdreg s17  }
0x1a: {  	s25 =	sadd.s32 s6, s24;
	s13 =	sadd.s32 s2, s24;
	[dreg:$0x18] =	wrdreg s18  }
0x1b: {  	s21 =	sadd.s32 s6, s8;
	s22 =	sadd.s32 s2, s8;
	[dreg:$0x19] =	wrdreg s20  }
0x1c: {  	s15 =	sadd.s32 $0x12000, s7;
	s16 =	sadd.s32 s6, s11;
	[dreg:$0x1c] =	wrdreg s26  }
0x1d: {  	s0 =	sadd.s32 s2, s11;
	s24 =	sadd.s32 $0x130400, s3;
	[dreg:$0xd] =	wrdreg s25  }
0x1e: {  	s11 =	sadd.s32 s19, s2;
	s12 =	sadd.s32 s19, s6;
	[dreg:$0xe] =	wrdreg s13  }
0x1f: {  	s17 =	simm.s32 $0x50;
	s18 =	simm.s32 $0x200;
	[dreg:$0x14] =	wrdreg s15  }
0x20: {  	s19 =	simm.s32 $0x80;
	s20 =	simm.s32 $0x180;
	[dreg:$0x15] =	wrdreg s16  }
0x21: {  	s26 =	simm.s32 $0x2A00;
	s13 =	sadd.s32 $0xE000, s7;
	[dreg:$0x16] =	wrdreg s0  }
0x22: {  	[dreg:$0x1a] =	wrdreg s24;
	s25 =	sadd.s32 $0x132400, s3;
	s15 =	simm.s32 $0x100  }
0x23: {  	s16 =	simm.s32 $0x3;
	s24 =	simm.s32 $0x4;
	[dreg:$0x12] =	wrdreg s13  }
0x24: {  	v0 =	vimm.f32 $0.0e+00;
	[dreg:$0x1b] =	wrdreg s25;
	s13 =	sadd.s32 $0x136400, s3;
	s25 =	simm.s32 $0x1  }
.LBB2_1:
0x25: {  	s0 =	simm.s32 $0x0;
	s4 =	simm.s32 $0x200  }
.LBB2_2:
0x26: {  	p1 =	sne.s32 s4, $0x7E00;
	[tilespmem:s0+$0x270] =	vst v0  }
0x27: {  	[tilespmem:s0+$0x200] =	vst v0  }
0x28: {  	[tilespmem:s0+$0x210] =	vst v0  }
.Ltmp0:
0x29: {  	[tilespmem:s0+$0x220] =	vst v0;
	(pc) =	sbr.rel @p1 .LBB2_2-.Ltmp0, $4  }
0x2a: {  	[tilespmem:s0+$0x230] =	vst v0  }
0x2b: {  	[tilespmem:s0+$0x240] =	vst v0  }
0x2c: {  	[tilespmem:s0+$0x250] =	vst v0  }
0x2d: {  	[tilespmem:s0+$0x260] =	vst v0;
	s0 =	sshra.s32 s4, $0x2;
	s4 =	sadd.s32 $0x200, s4  }
0x2e: {  	[tilespmem:s0+$0x270] =	vst v0  }
0x2f: {  	[tilespmem:s0+$0x200] =	vst v0  }
0x30: {  	[tilespmem:s0+$0x210] =	vst v0  }
0x31: {  	[tilespmem:s0+$0x220] =	vst v0  }
0x32: {  	[tilespmem:s0+$0x230] =	vst v0  }
0x33: {  	[tilespmem:s0+$0x240] =	vst v0  }
0x34: {  	[tilespmem:s0+$0x250] =	vst v0  }
0x35: {  	[tilespmem:s0+$0x260] =	vst v0;
	s0 =	simm.s32 @p0 $0x200;
	s4 =	simm.s32 @p0 $0x5  }
0x36: {  	[spmem:s28] =	stream.linear.scatter @p0 [tilespmem:s0], [sflag:$0x5], $0x2000, $0x38;
	[tilespmem:$0x18A80] =	vst v63  }
0x37: {  	_ =	swait.ge @p0 [sflag:s4], $0x2000  }
0x38: {  	[sflag:s4] =	ssyncset.done @p0 $0x0  }
0x39: {  	s8 =	rddreg [dreg:$0x17];
	[sflag:s4] =	ssyncadd.s32 @p0 $0xFFFFE000  }
0x3a: {  	[spmem:s8] =	stream.linear.scatter @p0 [tilespmem:s0], [sflag:$0x5], $0x2000, $0x38;
	[tilespmem:$0x18A80] =	vst v63  }
0x3b: {  	_ =	swait.ge @p0 [sflag:s4], $0x2000  }
0x3c: {  	[sflag:s4] =	ssyncset.done @p0 $0x0  }
0x3d: {  	s8 =	rddreg [dreg:$0x18];
	[sflag:s4] =	ssyncadd.s32 @p0 $0xFFFFE000  }
0x3e: {  	[spmem:s8] =	stream.linear.scatter @p0 [tilespmem:s0], [sflag:$0x5], $0x2000, $0x38;
	[tilespmem:$0x18A80] =	vst v63  }
0x3f: {  	_ =	swait.ge @p0 [sflag:s4], $0x2000  }
0x40: {  	[sflag:s4] =	ssyncset.done @p0 $0x0  }
0x41: {  	s8 =	rddreg [dreg:$0x19];
	[sflag:s4] =	ssyncadd.s32 @p0 $0xFFFFE000  }
0x42: {  	[spmem:s8] =	stream.linear.scatter @p0 [tilespmem:s0], [sflag:$0x5], $0x2000, $0x38;
	[tilespmem:$0x18A80] =	vst v63  }
0x43: {  	_ =	swait.ge @p0 [sflag:s4], $0x2000  }
0x44: {  	[sflag:s4] =	ssyncset.done @p0 $0x0  }
0x45: {  	s8 =	rddreg [dreg:$0x1a];
	[sflag:s4] =	ssyncadd.s32 @p0 $0xFFFFE000  }
0x46: {  	[spmem:s8] =	stream.linear.scatter @p0 [tilespmem:s0], [sflag:$0x5], $0x2000, $0x38;
	[tilespmem:$0x18A80] =	vst v63  }
0x47: {  	_ =	swait.ge @p0 [sflag:s4], $0x2000  }
0x48: {  	[sflag:s4] =	ssyncset.done @p0 $0x0  }
0x49: {  	s8 =	rddreg [dreg:$0x1b];
	[sflag:s4] =	ssyncadd.s32 @p0 $0xFFFFE000  }
0x4a: {  	[spmem:s8] =	stream.linear.scatter @p0 [tilespmem:s0], [sflag:$0x5], $0x2000, $0x38;
	[tilespmem:$0x18A80] =	vst v63  }
0x4b: {  	_ =	swait.ge @p0 [sflag:s4], $0x2000  }
0x4c: {  	[sflag:s4] =	ssyncset.done @p0 $0x0  }
0x4d: {  	s8 =	rddreg [dreg:$0x1c];
	[sflag:s4] =	ssyncadd.s32 @p0 $0xFFFFE000  }
0x4e: {  	[spmem:s8] =	stream.linear.scatter @p0 [tilespmem:s0], [sflag:$0x5], $0x2000, $0x38;
	[tilespmem:$0x18A80] =	vst v63  }
0x4f: {  	_ =	swait.ge @p0 [sflag:s4], $0x2000  }
0x50: {  	[sflag:s4] =	ssyncset.done @p0 $0x0  }
0x51: {  	[sflag:s4] =	ssyncadd.s32 @p0 $0xFFFFE000  }
0x52: {  	[spmem:s13] =	stream.linear.scatter @p0 [tilespmem:s0], [sflag:$0x5], $0x2000, $0x38;
	[tilespmem:$0x18A80] =	vst v63  }
0x53: {  	_ =	swait.ge @p0 [sflag:s4], $0x2000  }
0x54: {  	[sflag:s4] =	ssyncset.done @p0 $0x0  }
0x55: {  	[sflag:s4] =	ssyncadd.s32 @p0 $0xFFFFE000  }
0x56: {  	[spmem:s14] =	stream.linear.scatter @p0 [tilespmem:s0], [sflag:$0x5], $0x400, $0x38;
	[tilespmem:$0x18A80] =	vst v63  }
0x57: {  	_ =	swait.ge @p0 [sflag:s4], $0x400  }
0x58: {  	[sflag:s4] =	ssyncset.done @p0 $0x0  }
0x59: {  	s0 =	simm.s32 @!p0 $0x200;
	[sflag:s4] =	ssyncadd.s32 @p0 $0xFFFFFC00;
	s4 =	simm.s32 @!p0 $0x5  }
0x5a: {  	[spmem:s7] =	stream.linear.scatter @!p0 [tilespmem:s0], [sflag:$0x5], $0x2000, $0x38;
	[tilespmem:$0x18A80] =	vst v63  }
0x5b: {  	_ =	swait.ge @!p0 [sflag:s4], $0x2000  }
0x5c: {  	[sflag:s4] =	ssyncset.done @!p0 $0x0  }
0x5d: {  	s8 =	rddreg [dreg:$0x5];
	[sflag:s4] =	ssyncadd.s32 @!p0 $0xFFFFE000  }
0x5e: {  	[spmem:s8] =	stream.linear.scatter @!p0 [tilespmem:s0], [sflag:$0x5], $0x2000, $0x38;
	[tilespmem:$0x18A80] =	vst v63  }
0x5f: {  	_ =	swait.ge @!p0 [sflag:s4], $0x2000  }
0x60: {  	[sflag:s4] =	ssyncset.done @!p0 $0x0  }
0x61: {  	s8 =	rddreg [dreg:$0x6];
	[sflag:s4] =	ssyncadd.s32 @!p0 $0xFFFFE000  }
0x62: {  	[spmem:s8] =	stream.linear.scatter @!p0 [tilespmem:s0], [sflag:$0x5], $0x2000, $0x38;
	[tilespmem:$0x18A80] =	vst v63  }
0x63: {  	_ =	swait.ge @!p0 [sflag:s4], $0x2000  }
0x64: {  	[sflag:s4] =	ssyncset.done @!p0 $0x0  }
0x65: {  	s8 =	rddreg [dreg:$0x7];
	[sflag:s4] =	ssyncadd.s32 @!p0 $0xFFFFE000  }
0x66: {  	[spmem:s8] =	stream.linear.scatter @!p0 [tilespmem:s0], [sflag:$0x5], $0x2000, $0x38;
	[tilespmem:$0x18A80] =	vst v63  }
0x67: {  	_ =	swait.ge @!p0 [sflag:s4], $0x2000  }
0x68: {  	[sflag:s4] =	ssyncset.done @!p0 $0x0  }
0x69: {  	s8 =	rddreg [dreg:$0x8];
	[sflag:s4] =	ssyncadd.s32 @!p0 $0xFFFFE000  }
0x6a: {  	[spmem:s8] =	stream.linear.scatter @!p0 [tilespmem:s0], [sflag:$0x5], $0x2000, $0x38;
	[tilespmem:$0x18A80] =	vst v63  }
0x6b: {  	_ =	swait.ge @!p0 [sflag:s4], $0x2000  }
0x6c: {  	[sflag:s4] =	ssyncset.done @!p0 $0x0  }
0x6d: {  	s8 =	rddreg [dreg:$0x9];
	[sflag:s4] =	ssyncadd.s32 @!p0 $0xFFFFE000  }
0x6e: {  	[spmem:s8] =	stream.linear.scatter @!p0 [tilespmem:s0], [sflag:$0x5], $0x2000, $0x38;
	[tilespmem:$0x18A80] =	vst v63  }
0x6f: {  	_ =	swait.ge @!p0 [sflag:s4], $0x2000  }
0x70: {  	[sflag:s4] =	ssyncset.done @!p0 $0x0  }
0x71: {  	s8 =	rddreg [dreg:$0xa];
	[sflag:s4] =	ssyncadd.s32 @!p0 $0xFFFFE000  }
0x72: {  	[spmem:s8] =	stream.linear.scatter @!p0 [tilespmem:s0], [sflag:$0x5], $0x2000, $0x38;
	[tilespmem:$0x18A80] =	vst v63  }
0x73: {  	_ =	swait.ge @!p0 [sflag:s4], $0x2000  }
0x74: {  	[sflag:s4] =	ssyncset.done @!p0 $0x0  }
0x75: {  	s8 =	rddreg [dreg:$0x12];
	[sflag:s4] =	ssyncadd.s32 @!p0 $0xFFFFE000  }
0x76: {  	[spmem:s8] =	stream.linear.scatter @!p0 [tilespmem:s0], [sflag:$0x5], $0x2000, $0x38;
	[tilespmem:$0x18A80] =	vst v63  }
0x77: {  	_ =	swait.ge @!p0 [sflag:s4], $0x2000  }
0x78: {  	[sflag:s4] =	ssyncset.done @!p0 $0x0  }
0x79: {  	s8 =	rddreg [dreg:$0x13];
	[sflag:s4] =	ssyncadd.s32 @!p0 $0xFFFFE000  }
0x7a: {  	[spmem:s8] =	stream.linear.scatter @!p0 [tilespmem:s0], [sflag:$0x5], $0x2000, $0x38;
	[tilespmem:$0x18A80] =	vst v63  }
0x7b: {  	_ =	swait.ge @!p0 [sflag:s4], $0x2000  }
0x7c: {  	[sflag:s4] =	ssyncset.done @!p0 $0x0  }
0x7d: {  	s8 =	rddreg [dreg:$0x14];
	[sflag:s4] =	ssyncadd.s32 @!p0 $0xFFFFE000  }
0x7e: {  	[spmem:s8] =	stream.linear.scatter @!p0 [tilespmem:s0], [sflag:$0x5], $0x1C00, $0x38;
	[tilespmem:$0x18A80] =	vst v63  }
0x7f: {  	_ =	swait.ge @!p0 [sflag:s4], $0x1C00  }
0x80: {  	[sflag:s4] =	ssyncset.done @!p0 $0x0  }
0x81: {  	[sflag:s4] =	ssyncadd.s32 @!p0 $0xFFFFE400  }
0x82: {  	[bflag:$0x0] =	sbarrier.arrive $0xFFFF  }
0x83: {  	s0 =	simm.s32 $0x0;
	s10 =	rddreg [dreg:$0xb]  }
0x84: {  	[tilespmem:s0], [sflag:$0x3] =	stream.linear.gather [hbm4b:s10+s0], $0x50, $0x38;
	[tilespmem:$0x18A80] =	vst v63  }
0x85: {  	s8 =	rddreg [dreg:$0xc]  }
0x86: {  	[tilespmem:s15], [sflag:$0x3] =	stream.linear.gather [hbm4b:s8+s0], $0x50, $0x38;
	[tilespmem:$0x18A80] =	vst v63  }
0x87: {  	_ =	swait.ge [sflag:s16], $0x50  }
0x88: {  	[sflag:s16] =	ssyncset.done $0x0  }
0x89: {  	[sflag:s16] =	ssyncadd.s32 $0xFFFFFFB0  }
0x8a: {  	_ =	swait.ge [sflag:s16], $0x50  }
0x8b: {  	[sflag:s16] =	ssyncset.done $0x0  }
0x8c: {  	[sflag:s16] =	ssyncadd.s32 $0xFFFFFFB0  }
0x8d: {  	[tilespmem:s18], [sflag:$0x1] =	stream.indirect.gather [hbm4b:s1+s17], $0x80, s0, s17, $0xb8;
	[tilespmem:$0x18A80] =	vst v63  }
0x8e: {  	s9 =	rddreg [dreg:$0xd]  }
0x8f: {  	[tilespmem:s19], [sflag:$0x4] =	stream.linear.gather [hbm4b:s9+s0], $0x50, $0x38;
	[tilespmem:$0x18A80] =	vst v63  }
0x90: {  	s10 =	rddreg [dreg:$0xe]  }
0x91: {  	[tilespmem:s20], [sflag:$0x4] =	stream.linear.gather [hbm4b:s10+s0], $0x50, $0x38;
	[tilespmem:$0x18A80] =	vst v63  }
0x92: {  	_ =	swait.ge [sflag:s24], $0x50  }
0x93: {  	[sflag:s24] =	ssyncset.done $0x0  }
0x94: {  	[sflag:s24] =	ssyncadd.s32 $0xFFFFFFB0  }
0x95: {  	_ =	swait.ge [sflag:s24], $0x50  }
0x96: {  	[sflag:s24] =	ssyncset.done $0x0  }
0x97: {  	[sflag:s24] =	ssyncadd.s32 $0xFFFFFFB0  }
0x98: {  	_ =	swait.ge [sflag:s25], $0x2800  }
0x99: {  	[sflag:s25] =	ssyncset.done $0x0  }
0x9a: {  	[sflag:s25] =	ssyncadd.s32 $0xFFFFD800  }
0x9b: {  	[tilespmem:s26], [sflag:$0x2] =	stream.indirect.gather [hbm4b:s1+s17], $0x80, s19, s17, $0xb8;
	[tilespmem:$0x18A80] =	vst v63  }
0x9c: {  	_ = 	snop  }
0x9d: {  	[spmem:s3] =	stream.indirect.scatter.add.f32 [tilespmem:s18], [sflag:$0x5], $0x80, s15, s17, $0xb8;
	[tilespmem:$0x18A80] =	vst v63  }
0x9e: {  	_ =	swait.ge [sflag:s29], $0x2800  }
0x9f: {  	s8 =	sshrl.u32 s23, $0x3;
	[sflag:s29] =	ssyncset.done $0x0  }
0xa0: {  	s9 =	sadd.s32 s6, s8;
	[sflag:s29] =	ssyncadd.s32 $0xFFFFD800  }
0xa1: {  	[tilespmem:s5], [sflag:$0x3] =	stream.linear.gather [hbm4b:s9+s5], $0x50, $0x38;
	[tilespmem:$0x18A80] =	vst v63  }
0xa2: {  	s0 =	sadd.s32 s2, s8  }
0xa3: {  	[tilespmem:s15], [sflag:$0x3] =	stream.linear.gather [hbm4b:s0+s5], $0x50, $0x38;
	[tilespmem:$0x18A80] =	vst v63  }
0xa4: {  	_ =	swait.ge [sflag:s16], $0x50  }
0xa5: {  	[sflag:s16] =	ssyncset.done $0x0  }
0xa6: {  	[sflag:s16] =	ssyncadd.s32 $0xFFFFFFB0  }
0xa7: {  	_ =	swait.ge [sflag:s16], $0x50  }
0xa8: {  	[sflag:s16] =	ssyncset.done $0x0  }
0xa9: {  	[sflag:s16] =	ssyncadd.s32 $0xFFFFFFB0  }
0xaa: {  	_ =	swait.ge [sflag:s30], $0x2800  }
0xab: {  	[sflag:s30] =	ssyncset.done $0x0  }
0xac: {  	[sflag:s30] =	ssyncadd.s32 $0xFFFFD800  }
0xad: {  	[tilespmem:s18], [sflag:$0x1] =	stream.indirect.gather [hbm4b:s1+s17], $0x80, s5, s17, $0xb8;
	[tilespmem:$0x18A80] =	vst v63  }
0xae: {  	_ = 	snop  }
0xaf: {  	[spmem:s3] =	stream.indirect.scatter.add.f32 [tilespmem:s26], [sflag:$0x5], $0x80, s20, s17, $0xb8;
	[tilespmem:$0x18A80] =	vst v63  }
0xb0: {  	_ =	swait.ge [sflag:s29], $0x2800  }
0xb1: {  	s4 =	sadd.s32 $0xA0, s23;
	s10 =	sadd.s32 $0x0, s12;
	[sflag:s29] =	ssyncset.done $0x0  }
0xb2: {  	s8 =	sadd.s32 $0x0, s11;
	s0 =	simm.s32 $0x14;
	[sflag:s29] =	ssyncadd.s32 $0xFFFFD800  }
0xb3: {  	[tilespmem:s19], [sflag:$0x4] =	stream.linear.gather [hbm4b:s10+s5], $0x50, $0x38;
	[tilespmem:$0x18A80] =	vst v63  }
.LBB2_4:
0xb4: {  	[tilespmem:s20], [sflag:$0x4] =	stream.linear.gather [hbm4b:s8+s5], $0x50, $0x38;
	[tilespmem:$0x18A80] =	vst v63  }
0xb5: {  	s8 =	smov.u32 s0  }
0xb6: {  	p1 =	sne.s32 s0, $0x988;
	s0 =	sadd.s32 $0x14, s0;
	_ =	swait.ge [sflag:s24], $0x50  }
0xb7: {  	[sflag:s24] =	ssyncset.done $0x0  }
0xb8: {  	[sflag:s24] =	ssyncadd.s32 $0xFFFFFFB0  }
0xb9: {  	_ =	swait.ge [sflag:s24], $0x50  }
0xba: {  	[sflag:s24] =	ssyncset.done $0x0  }
0xbb: {  	[sflag:s24] =	ssyncadd.s32 $0xFFFFFFB0  }
0xbc: {  	_ =	swait.ge [sflag:s25], $0x2800  }
0xbd: {  	[sflag:s25] =	ssyncset.done $0x0  }
0xbe: {  	[sflag:s25] =	ssyncadd.s32 $0xFFFFD800  }
0xbf: {  	[tilespmem:s26], [sflag:$0x2] =	stream.indirect.gather [hbm4b:s1+s17], $0x80, s19, s17, $0xb8;
	[tilespmem:$0x18A80] =	vst v63  }
0xc0: {  	_ = 	snop  }
0xc1: {  	[spmem:s3] =	stream.indirect.scatter.add.f32 [tilespmem:s18], [sflag:$0x5], $0x80, s15, s17, $0xb8;
	[tilespmem:$0x18A80] =	vst v63  }
0xc2: {  	_ =	swait.ge [sflag:s29], $0x2800  }
0xc3: {  	s9 =	sshrl.u32 s4, $0x3;
	[sflag:s29] =	ssyncset.done $0x0  }
0xc4: {  	s10 =	sadd.s32 s6, s9;
	[sflag:s29] =	ssyncadd.s32 $0xFFFFD800  }
0xc5: {  	[tilespmem:s5], [sflag:$0x3] =	stream.linear.gather [hbm4b:s10+s5], $0x50, $0x38;
	[tilespmem:$0x18A80] =	vst v63  }
0xc6: {  	s9 =	sadd.s32 s2, s9  }
0xc7: {  	[tilespmem:s15], [sflag:$0x3] =	stream.linear.gather [hbm4b:s9+s5], $0x50, $0x38;
	[tilespmem:$0x18A80] =	vst v63  }
0xc8: {  	_ =	swait.ge [sflag:s16], $0x50  }
0xc9: {  	[sflag:s16] =	ssyncset.done $0x0  }
0xca: {  	[sflag:s16] =	ssyncadd.s32 $0xFFFFFFB0  }
0xcb: {  	_ =	swait.ge [sflag:s16], $0x50  }
0xcc: {  	[sflag:s16] =	ssyncset.done $0x0  }
0xcd: {  	[sflag:s16] =	ssyncadd.s32 $0xFFFFFFB0  }
0xce: {  	_ =	swait.ge [sflag:s30], $0x2800  }
0xcf: {  	[sflag:s30] =	ssyncset.done $0x0  }
0xd0: {  	[sflag:s30] =	ssyncadd.s32 $0xFFFFD800  }
0xd1: {  	[tilespmem:s18], [sflag:$0x1] =	stream.indirect.gather [hbm4b:s1+s17], $0x80, s5, s17, $0xb8;
	[tilespmem:$0x18A80] =	vst v63  }
0xd2: {  	_ = 	snop  }
0xd3: {  	[spmem:s3] =	stream.indirect.scatter.add.f32 [tilespmem:s26], [sflag:$0x5], $0x80, s20, s17, $0xb8;
	[tilespmem:$0x18A80] =	vst v63  }
.Ltmp1:
0xd4: {  	_ =	swait.ge [sflag:s29], $0x2800;
	(pc) =	sbr.rel @p1 .LBB2_4-.Ltmp1, $4  }
0xd5: {  	[sflag:s29] =	ssyncset.done $0x0  }
0xd6: {  	s9 =	sadd.s32 s8, s12;
	[sflag:s29] =	ssyncadd.s32 $0xFFFFD800  }
0xd7: {  	[tilespmem:s19], [sflag:$0x4] =	stream.linear.gather [hbm4b:s9+s5], $0x50, $0x38;
	[tilespmem:$0x18A80] =	vst v63  }
0xd8: {  	s4 =	sadd.s32 $0xA0, s4;
	s8 =	sadd.s32 s8, s11  }
0xd9: {  	[tilespmem:s20], [sflag:$0x4] =	stream.linear.gather [hbm4b:s8+s5], $0x50, $0x38;
	[tilespmem:$0x18A80] =	vst v63  }
0xda: {  	_ =	swait.ge [sflag:s24], $0x50  }
0xdb: {  	[sflag:s24] =	ssyncset.done $0x0  }
0xdc: {  	[sflag:s24] =	ssyncadd.s32 $0xFFFFFFB0  }
0xdd: {  	_ =	swait.ge [sflag:s24], $0x50  }
0xde: {  	[sflag:s24] =	ssyncset.done $0x0  }
0xdf: {  	[sflag:s24] =	ssyncadd.s32 $0xFFFFFFB0  }
0xe0: {  	_ =	swait.ge [sflag:s25], $0x2800  }
0xe1: {  	[sflag:s25] =	ssyncset.done $0x0  }
0xe2: {  	[sflag:s25] =	ssyncadd.s32 $0xFFFFD800  }
0xe3: {  	[tilespmem:s26], [sflag:$0x2] =	stream.indirect.gather [hbm4b:s1+s17], $0x80, s19, s17, $0xb8;
	[tilespmem:$0x18A80] =	vst v63  }
0xe4: {  	_ = 	snop  }
0xe5: {  	[spmem:s3] =	stream.indirect.scatter.add.f32 [tilespmem:s18], [sflag:$0x5], $0x80, s15, s17, $0xb8;
	[tilespmem:$0x18A80] =	vst v63  }
0xe6: {  	_ =	swait.ge [sflag:s29], $0x2800  }
0xe7: {  	[sflag:s29] =	ssyncset.done $0x0  }
0xe8: {  	s0 =	rddreg [dreg:$0x15];
	[sflag:s29] =	ssyncadd.s32 $0xFFFFD800  }
0xe9: {  	[tilespmem:s5], [sflag:$0x3] =	stream.linear.gather [hbm4b:s0+s5], $0x50, $0x38;
	[tilespmem:$0x18A80] =	vst v63  }
0xea: {  	s9 =	rddreg [dreg:$0x16]  }
0xeb: {  	[tilespmem:s15], [sflag:$0x3] =	stream.linear.gather [hbm4b:s9+s5], $0x50, $0x38;
	[tilespmem:$0x18A80] =	vst v63  }
0xec: {  	_ =	swait.ge [sflag:s16], $0x50  }
0xed: {  	[sflag:s16] =	ssyncset.done $0x0  }
0xee: {  	[sflag:s16] =	ssyncadd.s32 $0xFFFFFFB0  }
0xef: {  	_ =	swait.ge [sflag:s16], $0x50  }
0xf0: {  	[sflag:s16] =	ssyncset.done $0x0  }
0xf1: {  	[sflag:s16] =	ssyncadd.s32 $0xFFFFFFB0  }
0xf2: {  	_ =	swait.ge [sflag:s30], $0x2800  }
0xf3: {  	[sflag:s30] =	ssyncset.done $0x0  }
0xf4: {  	[sflag:s30] =	ssyncadd.s32 $0xFFFFD800  }
0xf5: {  	[tilespmem:s18], [sflag:$0x1] =	stream.indirect.gather [hbm4b:s1+s17], $0x80, s5, s17, $0xb8;
	[tilespmem:$0x18A80] =	vst v63  }
0xf6: {  	_ = 	snop  }
0xf7: {  	[spmem:s3] =	stream.indirect.scatter.add.f32 [tilespmem:s26], [sflag:$0x5], $0x80, s20, s17, $0xb8;
	[tilespmem:$0x18A80] =	vst v63  }
0xf8: {  	_ =	swait.ge [sflag:s29], $0x2800  }
0xf9: {  	[sflag:s29] =	ssyncset.done $0x0  }
0xfa: {  	[sflag:s29] =	ssyncadd.s32 $0xFFFFD800  }
0xfb: {  	[tilespmem:s19], [sflag:$0x4] =	stream.linear.gather [hbm4b:s21+s5], $0x50, $0x38;
	[tilespmem:$0x18A80] =	vst v63  }
0xfc: {  	_ = 	snop  }
0xfd: {  	[tilespmem:s20], [sflag:$0x4] =	stream.linear.gather [hbm4b:s22+s5], $0x50, $0x38;
	[tilespmem:$0x18A80] =	vst v63  }
0xfe: {  	_ =	swait.ge [sflag:s24], $0x50  }
0xff: {  	[sflag:s24] =	ssyncset.done $0x0  }
0x100: {  	[sflag:s24] =	ssyncadd.s32 $0xFFFFFFB0  }
0x101: {  	_ =	swait.ge [sflag:s24], $0x50  }
0x102: {  	[sflag:s24] =	ssyncset.done $0x0  }
0x103: {  	[sflag:s24] =	ssyncadd.s32 $0xFFFFFFB0  }
0x104: {  	_ =	swait.ge [sflag:s25], $0x2800  }
0x105: {  	[sflag:s25] =	ssyncset.done $0x0  }
0x106: {  	[sflag:s25] =	ssyncadd.s32 $0xFFFFD800  }
0x107: {  	[tilespmem:s26], [sflag:$0x2] =	stream.indirect.gather [hbm4b:s1+s17], $0x80, s19, s17, $0xb8;
	[tilespmem:$0x18A80] =	vst v63  }
0x108: {  	_ = 	snop  }
0x109: {  	[spmem:s3] =	stream.indirect.scatter.add.f32 [tilespmem:s18], [sflag:$0x5], $0x80, s15, s17, $0xb8;
	[tilespmem:$0x18A80] =	vst v63  }
0x10a: {  	_ =	swait.ge [sflag:s29], $0x2800  }
0x10b: {  	[sflag:s29] =	ssyncset.done $0x0  }
0x10c: {  	[sflag:s29] =	ssyncadd.s32 $0xFFFFD800  }
0x10d: {  	[tilespmem:s5], [sflag:$0x3] =	stream.linear.gather [hbm4b:s21+s5], $0x50, $0x38;
	[tilespmem:$0x18A80] =	vst v63  }
0x10e: {  	_ = 	snop  }
0x10f: {  	[tilespmem:s15], [sflag:$0x3] =	stream.linear.gather [hbm4b:s22+s5], $0x50, $0x38;
	[tilespmem:$0x18A80] =	vst v63  }
0x110: {  	_ =	swait.ge [sflag:s16], $0x50  }
0x111: {  	[sflag:s16] =	ssyncset.done $0x0  }
0x112: {  	[sflag:s16] =	ssyncadd.s32 $0xFFFFFFB0  }
0x113: {  	_ =	swait.ge [sflag:s16], $0x50  }
0x114: {  	[sflag:s16] =	ssyncset.done $0x0  }
0x115: {  	[sflag:s16] =	ssyncadd.s32 $0xFFFFFFB0  }
0x116: {  	_ =	swait.ge [sflag:s30], $0x2800  }
0x117: {  	[sflag:s30] =	ssyncset.done $0x0  }
0x118: {  	[sflag:s30] =	ssyncadd.s32 $0xFFFFD800  }
0x119: {  	[tilespmem:s18], [sflag:$0x1] =	stream.indirect.gather [hbm4b:s1+s17], $0x80, s5, s17, $0xb8;
	[tilespmem:$0x18A80] =	vst v63  }
0x11a: {  	_ = 	snop  }
0x11b: {  	[spmem:s3] =	stream.indirect.scatter.add.f32 [tilespmem:s26], [sflag:$0x5], $0x80, s20, s17, $0xb8;
	[tilespmem:$0x18A80] =	vst v63  }
0x11c: {  	_ =	swait.ge [sflag:s29], $0x2800  }
0x11d: {  	[sflag:s29] =	ssyncset.done $0x0  }
0x11e: {  	[sflag:s29] =	ssyncadd.s32 $0xFFFFD800  }
0x11f: {  	[tilespmem:s19], [sflag:$0x4] =	stream.linear.gather [hbm4b:s21+s5], $0x50, $0x38;
	[tilespmem:$0x18A80] =	vst v63  }
0x120: {  	_ = 	snop  }
0x121: {  	[tilespmem:s20], [sflag:$0x4] =	stream.linear.gather [hbm4b:s22+s5], $0x50, $0x38;
	[tilespmem:$0x18A80] =	vst v63  }
0x122: {  	_ =	swait.ge [sflag:s25], $0x2800  }
0x123: {  	[sflag:s25] =	ssyncset.done $0x0  }
0x124: {  	[sflag:s25] =	ssyncadd.s32 $0xFFFFD800  }
0x125: {  	_ =	swait.ge [sflag:s24], $0x50  }
0x126: {  	[sflag:s24] =	ssyncset.done $0x0  }
0x127: {  	[sflag:s24] =	ssyncadd.s32 $0xFFFFFFB0  }
0x128: {  	_ =	swait.ge [sflag:s24], $0x50  }
0x129: {  	[sflag:s24] =	ssyncset.done $0x0  }
0x12a: {  	[sflag:s24] =	ssyncadd.s32 $0xFFFFFFB0  }
0x12b: {  	[bflag:$0x0] =	sbarrier.arrive $0xFFFF  }
0x12c: {  	s4 =	simm.s32 @p0 $0x1FC5;
	s0 =	sshrl.u32 @p0 s28, $0x3;
	s8 =	rddreg [dreg:$0x10]  }
0x12d: {  	[hbm:s8], [sflag:s4] =	dma.local @p0 [spmem:s0], $0x2080  }
0x12e: {  	s0 =	simm.s32 @p0 $0x5  }
0x12f: {  	s4 =	stileid.u32;
	_ =	swait.ge @p0 [sflag:s0], $0x2080  }
0x130: {  	s4 =	sshll.u32 @!p0 s4, $0x6;
	[sflag:s0] =	ssyncset.done @p0 $0x0;
	s8 =	rddreg [dreg:$0xf]  }
0x131: {  	[sflag:s0] =	ssyncadd.s32 @p0 $0xFFFFDF80;
	s0 =	sor.u32 @!p0 $0x1C05, s4;
	s4 =	sshrl.u32 @!p0 s7, $0x3  }
0x132: {  	[hbm:s8], [sflag:s0] =	dma.local @!p0 [spmem:s4], $0x2780  }
0x133: {  	s0 =	simm.s32 @!p0 $0x5  }
0x134: {  	_ =	swait.ge @!p0 [sflag:s0], $0x2780  }
0x135: {  	s31 =	sadd.s32 $0x1, s31;
	s10 =	rddreg [dreg:$0x11]  }
0x136: {  	p1 =	sne.s32 s31, s10  }
.Ltmp2:
0x137: {  	_ = 	snop;
	(pc) =	sbr.rel @p1 .LBB2_1-.Ltmp2, $3  }
0x138: {  	_ =	sdelay $0x1  }
0x139: {  	[sflag:s0] =	ssyncset.done @!p0 $0x0  }
0x13a: {  	[sflag:s0] =	ssyncadd.s32 @!p0 $0xFFFFD880  }
0x13b: {  	_ =	sfence.sel $0x180000  }
0x13c: {  	[bflag:$0x0] =	sbarrier.arrive $0xFFFF  }
0x13d: {  	_ =	strace $0x90000047  }
0x13e: {  	s0 =	stileid.u32;
	[bflag:$0x2] =	sbarrier.arrive $0xFFFF  }
0x13f: {  	p0 =	sne.s32 s0, $0x0;
	s0 =	rddreg [dreg:$0x4]  }
0x140: {  	s0 =	sadd.s32 @!p0 $0x100000, s0  }
0x141: {  	[sflag:s0] =	ssyncadd.tile.s32 @!p0 $0x1;
	_ =	shalt  }
.Lfunc_end2:
_tile_overlayer_lowered:
.L_overlay_start_2:
0x142: {  	(tag) =	ssettag $0x2  }
0x143: {  	s0 =	rddreg [dreg:$0x0];
	s2 =	stileid.u32  }
0x144: {  	s1 =	rddreg [dreg:$0x1];
	p0 =	sne.s32 s2, $0x0  }
0x145: {  	s3 =	rddreg [dreg:$0x2];
	[bflag:$0x3] =	sbarrier.arrive $0xFFFF;
	s2 =	simm.s32 @!p0 $0x1C05  }
0x146: {  	[timem:s3], [sflag:s2] =	dma.local @!p0 [hbm:s0], s1  }
0x147: {  	s0 =	simm.s32 @!p0 $0x5  }
0x148: {  	_ =	swait.ge @!p0 [sflag:s0], s1  }
0x149: {  	s1 =	ssub.s32 @!p0 $0x0, s1;
	[sflag:s0] =	ssyncset.done @!p0 $0x0  }
0x14a: {  	[sflag:s0] =	ssyncadd.s32 @!p0 s1  }
0x14b: {  	[bflag:$0x3] =	sbarrier.arrive $0xFFFF  }
0x14c: {  	_ =	shalt  }

// kernel: kernel.15.cloned.1.call-start
scs
__scs_entry_jumppad:
0x0: {  	(pc) =	sbr.rel $0x88, $3  }
0x1: {  	(tag) =	ssettag $0x0;
	lr =	simm.s32 $0x1  }
0x2: {  	[smem:$0x3F8D] =	sst lr;
	_ =	strace $0xD0000000  }
0x3: {  	_ = 	snop  }
0x4: {  	_ = 	snop  }
0x5: {  	_ = 	snop  }
0x6: {  	_ = 	snop  }
0x7: {  	_ = 	snop  }
__scs_overlays_trampoline_lowered:
0x8: {  	[smem:$0x3F9C] =	sst s0  }
0x9: {  	[smem:$0x3F9D] =	sst s1  }
0xa: {  	[smem:$0x3F9E] =	sst s2  }
0xb: {  	[smem:$0x3F9F] =	sst s3  }
0xc: {  	[smem:$0x3FA0] =	sst s4  }
0xd: {  	[smem:$0x3FA1] =	sst s5  }
0xe: {  	[smem:$0x3FA2] =	sst s6  }
0xf: {  	[smem:$0x3FA3] =	sst s7  }
0x10: {  	[smem:$0x3FA4] =	sst s8  }
0x11: {  	[smem:$0x3FA5] =	sst s9;
	s0 =	simm.s32 @!p0 $0x0  }
0x12: {  	s1 =	sld [smem:$0x3F8B];
	s0 =	simm.s32 @p0 $0x1  }
0x13: {  	[smem:$0x3FA6] =	sst s0;
	s0 =	simm.s32 @!p1 $0x0  }
0x14: {  	s2 =	sld [smem:$0x3F8A];
	s0 =	simm.s32 @p1 $0x1  }
0x15: {  	[smem:$0x3FA7] =	sst s0;
	s0 =	simm.s32 @!p2 $0x0  }
0x16: {  	s3 =	sld [smem:$0x3FDB];
	s0 =	simm.s32 @p2 $0x1  }
0x17: {  	s4 =	simm.s32 $0x1BF5;
	[smem:$0x3FA9] =	sst s0  }
0x18: {  	s0 =	sld [smem:$0x3F8C];
	_ =	swait.ge [sflag:s4], $0x0  }
0x19: {  	s7 =	sld [smem:$0x3F8D]  }
0x1a: {  	s8 =	sadd.s32 $0xFFFFE003, lr  }
0x1b: {  	s9 =	sadd.s32 $0xFFFFFEF7, lr;
	s5 =	simm.s32 $0xFFFFFFFF;
	p2 =	slt.u32 s8, $0xFFFFF086  }
0x1c: {  	p1 =	slt.u32 s9, $0xF7A;
	s5 =	simm.s32 @!p2 $0x0  }
0x1d: {  	s5 =	simm.s32 @p1 $0x1;
	p0 =	seq.s32 s7, s2  }
0x1e: {  	s7 =	smul.u32 @!p0 $0xF7A, s2;
	p2 =	seq.s32 @!p0 s5, $0x0  }
0x1f: {  	s9 =	smul.u32 $0xF7A, s1;
	s8 =	simm.s32 @!p0 $0x1BF5;
	p2 =	por !p2, p0  }
0x20: {  	[sflag:s8] =	ssyncset.s32 @!p0 $0xFFFFF086;
	s6 =	sadd.s32 @!p0 s3, s7;
	s7 =	simm.s32 @!p0 $0x108  }
0x21: {  	s3 =	sadd.s32 s3, s9;
	s6 =	sadd.s32 @!p0 $0x88, s6;
	s7 =	simm.s32 @p2 $0x1082  }
0x22: {  	[simem:s7], [sflag:s8] =	dma.local @!p0 [hbm:s6], $0xF7A  }
0x23: {  	s9 =	sor.u32 $0xD0000000, s2;
	s6 =	simm.s32 $0x108;
	_ =	swait.ge @!p0 [sflag:s8], $0x0  }
0x24: {  	s3 =	sadd.s32 $0x88, s3;
	s6 =	simm.s32 @!p1 $0x1082;
	[sflag:s4] =	ssyncset.s32 $0xFFFFF086  }
0x25: {  	[simem:s6], [sflag:s4] =	dma.local [hbm:s3], $0xF7A  }
0x26: {  	[smem:$0x3F8D] =	sst s1;
	(tag) =	ssettag s2;
	_ =	strace s9  }
0x27: {  	s1 =	sld [smem:$0x3F9D]  }
0x28: {  	s2 =	sld [smem:$0x3F9E]  }
0x29: {  	s4 =	sld [smem:$0x3FA0]  }
0x2a: {  	p0 =	seq.s32 s5, $0x0;
	s5 =	sld [smem:$0x3FA1]  }
0x2b: {  	s6 =	sld [smem:$0x3FA2]  }
0x2c: {  	s7 =	sld [smem:$0x3FA3]  }
0x2d: {  	s3 =	simm.s32 $0x108;
	s8 =	sld [smem:$0x3FA4]  }
0x2e: {  	s3 =	simm.s32 @!p0 $0x1082;
	s9 =	sld [smem:$0x3FA5]  }
0x2f: {  	lr =	sadd.s32 s0, s3;
	s0 =	sld [smem:$0x3F9C]  }
0x30: {  	s3 =	sld [smem:$0x3F9F]  }
0x31: {  	[smem:$0x3FA8] =	sst s10  }
0x32: {  	s10 =	sld [smem:$0x3FA6];
	_ =	sdelay $0x3  }
0x33: {  	p0 =	seq.s32 s10, $0x1;
	s10 =	sld [smem:$0x3FA8];
	_ =	sdelay $0x3  }
0x34: {  	[smem:$0x3FA8] =	sst s10  }
0x35: {  	s10 =	sld [smem:$0x3FA7];
	_ =	sdelay $0x3  }
0x36: {  	p1 =	seq.s32 s10, $0x1;
	s10 =	sld [smem:$0x3FA8];
	_ =	sdelay $0x3  }
0x37: {  	[smem:$0x3FA8] =	sst s10  }
0x38: {  	s10 =	sld [smem:$0x3FA9]  }
0x39: {  	_ = 	snop;
	(pc) =	sbr.ind lr, $3  }
0x3a: {  	_ = 	snop  }
0x3b: {  	_ = 	snop  }
0x3c: {  	p2 =	seq.s32 s10, $0x1;
	s10 =	sld [smem:$0x3FA8]  }
0x3d: {  	_ =	shalt  }
0x3e: {  	_ =	shalt  }
0x3f: {  	_ =	shalt  }
0x40: {  	_ =	shalt  }
0x41: {  	_ =	shalt  }
0x42: {  	_ =	shalt  }
0x43: {  	_ =	shalt  }
0x44: {  	_ =	shalt  }
0x45: {  	_ =	shalt  }
0x46: {  	_ =	shalt  }
0x47: {  	_ =	shalt  }
0x48: {  	_ =	shalt  }
0x49: {  	_ =	shalt  }
0x4a: {  	_ =	shalt  }
0x4b: {  	_ =	shalt  }
0x4c: {  	_ =	shalt  }
0x4d: {  	_ =	shalt  }
0x4e: {  	_ =	shalt  }
0x4f: {  	_ =	shalt  }
0x50: {  	_ =	shalt  }
0x51: {  	_ =	shalt  }
0x52: {  	_ =	shalt  }
0x53: {  	_ =	shalt  }
0x54: {  	_ =	shalt  }
0x55: {  	_ =	shalt  }
0x56: {  	_ =	shalt  }
0x57: {  	_ =	shalt  }
0x58: {  	_ =	shalt  }
0x59: {  	_ =	shalt  }
0x5a: {  	_ =	shalt  }
0x5b: {  	_ =	shalt  }
0x5c: {  	_ =	shalt  }
0x5d: {  	_ =	shalt  }
0x5e: {  	_ =	shalt  }
0x5f: {  	_ =	shalt  }
0x60: {  	_ =	shalt  }
0x61: {  	_ =	shalt  }
0x62: {  	_ =	shalt  }
0x63: {  	_ =	shalt  }
0x64: {  	_ =	shalt  }
0x65: {  	_ =	shalt  }
0x66: {  	_ =	shalt  }
0x67: {  	_ =	shalt  }
0x68: {  	_ =	shalt  }
0x69: {  	_ =	shalt  }
0x6a: {  	_ =	shalt  }
0x6b: {  	_ =	shalt  }
0x6c: {  	_ =	shalt  }
0x6d: {  	_ =	shalt  }
0x6e: {  	_ =	shalt  }
0x6f: {  	_ =	shalt  }
0x70: {  	_ =	shalt  }
0x71: {  	_ =	shalt  }
0x72: {  	_ =	shalt  }
0x73: {  	_ =	shalt  }
0x74: {  	_ =	shalt  }
0x75: {  	_ =	shalt  }
0x76: {  	_ =	shalt  }
0x77: {  	_ =	shalt  }
0x78: {  	_ =	shalt  }
0x79: {  	_ =	shalt  }
0x7a: {  	_ =	shalt  }
0x7b: {  	_ =	shalt  }
0x7c: {  	_ =	shalt  }
0x7d: {  	_ =	shalt  }
0x7e: {  	_ =	shalt  }
0x7f: {  	_ =	shalt  }
0x80: {  	_ =	shalt  }
0x81: {  	_ =	shalt  }
0x82: {  	_ =	shalt  }
0x83: {  	_ =	shalt  }
0x84: {  	_ =	shalt  }
0x85: {  	_ =	shalt  }
0x86: {  	_ =	shalt  }
0x87: {  	_ =	shalt  }
.Lfunc_end0:
.L_simem_size_0:
called_computation.2_lowered:
.L_overlay_start_0:
0x88: {  	s2 =	sld [smem:$0x3FD9]  }
0x89: {  	s3 =	sld [smem:$0x3FFE];
	_ =	sdelay $0x1  }
0x8a: {  	s1 =	srdreg.scid  }
0x8b: {  	s0 =	sand.u32 $0x1, s1  }
0x8c: {  	s17 =	sshll.u32 s0, $0xA;
	s2 =	sadd.s32 s3, s2  }
0x8d: {  	s2 =	sadd.s32 s2, s17  }
0x8e: {  	[smem:$0x3FB4] =	sst s2  }
0x8f: {  	_ = 	snop  }
0x90: {  	s2 =	sld [smem:$0x3FD0];
	(tm) =	ssettm $0x1  }
0x91: {  	s18 =	sld [smem:$0x3FFB];
	_ =	sdelay $0x3  }
0x92: {  	_ =	strace s18  }
0x93: {  	s3 =	sld [smem:$0x3FFC];
	_ =	sdelay $0x3  }
0x94: {  	_ =	strace s3  }
0x95: {  	s3 =	sld [smem:$0x3FFD];
	_ =	sdelay $0x3  }
0x96: {  	_ =	strace s3  }
0x97: {  	_ =	strace $0x8FFFFFFF  }
0x98: {  	s19 =	sld [smem:$0x3FDB];
	_ =	sdelay $0x1  }
0x99: {  	s4 =	simm.s32 $_scs_section_size  }
0x9a: {  	s5 =	simm.s32 $_size__tile_overlayer_lowered;
	s6 =	simm.s32 $_tile_overlayer_lowered  }
0x9b: {  	s22 =	simm.s32 $0x1BFF;
	s21 =	sshll.u32 s6, $0x1;
	s3 =	sadd.s32 s4, s19  }
0x9c: {  	s7 =	simm.s32 $0x0;
	s20 =	sshll.u32 s5, $0x1;
	s5 =	sadd.s32 s21, s3  }
0x9d: {  	[timem:s7], [sflag:s22] =	dma.local [hbm:s5], s20  }
0x9e: {  	_ =	swait.ge [sflag:s22], s20  }
0x9f: {  	s4 =	ssub.s32 $0x0, s20;
	[sflag:s22] =	ssyncset.done $0x0  }
0xa0: {  	[sflag:s22] =	ssyncadd.s32 s4;
	_ =	sdelay $0x1  }
0xa1: {  	s23 =	simm.s32 $0x1B8B  }
0xa2: {  	_ =	swait.ge [sflag:s23], $0x1  }
0xa3: {  	[sflag:s23] =	ssyncset.done $0x0  }
0xa4: {  	s25 =	simm.s32 $0x1B8E;
	s24 =	sld [smem:$0x3FFE];
	[sflag:s23] =	ssyncadd.s32 $0xFFFFFFFF  }
0xa5: {  	s26 =	simm.s32 $execute0_lowered;
	[smem:$0x3FD2] =	sst s25  }
0xa6: {  	s5 =	sshll.u32 s26, $0x1;
	_ =	strace $0x8000004C;
	[dreg:$0x1] =	wrdreg $0xFFFFFFFF  }
0xa7: {  	s28 =	simm.s32 $_size_execute0_lowered;
	s3 =	sadd.s32 s3, s5;
	[dreg:$0x0] =	wrdreg $0x0  }
0xa8: {  	s5 =	sshll.u32 s28, $0x1;
	[dreg:$0x2] =	wrdreg s3  }
0xa9: {  	[dreg:$0x3] =	wrdreg s5  }
0xaa: {  	[dreg:$0x4] =	wrdreg $0xC0  }
0xab: {  	_ =	task [dreg:s7], $0x5FFFF  }
0xac: {  	[dreg:$0x1] =	wrdreg $0xFFFFFFFF  }
0xad: {  	[dreg:$0x0] =	wrdreg $0x60  }
0xae: {  	[dreg:$0x2] =	wrdreg s24  }
0xaf: {  	[dreg:$0x3] =	wrdreg s2  }
0xb0: {  	[dreg:$0x4] =	wrdreg $0x52000  }
0xb1: {  	[dreg:$0x5] =	wrdreg $0x9  }
0xb2: {  	_ =	task.clear_ibuf [dreg:s7], $0x6FFFF;
	_ =	strace $0x9000004C  }
0xb3: {  	s29 =	simm.s32 $0x9;
	_ =	strace $0x8000004E  }
0xb4: {  	_ =	swait.ge [sflag:s29], $0x1  }
0xb5: {  	[sflag:s29] =	ssyncadd.s32 $0xFFFFFFFF  }
0xb6: {  	_ =	strace $0x9000004E  }
0xb7: {  	_ =	sfence  }
0xb8: {  	s30 =	sld [smem:$0x0];
	_ =	sdelay $0x2  }
0xb9: {  	s31 =	sshll.u32 s1, $0xD;
	s1 =	sshrl.u32 s1, $0x2  }
0xba: {  	s3 =	sand.u32 $0x4000, s31;
	s1 =	sadd.s32 s1, s30  }
0xbb: {  	s0 =	sor.u32 s3, s0;
	s1 =	sshll.u32 s1, $0x11  }
0xbc: {  	s0 =	sor.u32 s1, s0  }
0xbd: {  	s0 =	sadd.s32 $0x8F2B, s0  }
0xbe: {  	[sflag:s0] =	ssyncadd.remote.s32 $0x1  }
0xbf: {  	_ =	sfence.sel $0xFFFF  }
0xc0: {  	[dreg:$0x0] =	wrdreg $0xFFFFFFFF;
	(pc) =	sbr.abs _section_cstart, $3  }
0xc1: {  	[dreg:$0x1] =	wrdreg $0xFFFFFFFF  }
0xc2: {  	_ =	task.clear_ibuf [dreg:s7], $0x2FFFF;
	_ =	strace $0x9FFFFFFF  }
0xc3: {  	(tm) =	ssettm $0x7FFFFFFF  }
tec
execute0_lowered:
.L_overlay_start_1:
0x0: {  	(tag) =	ssettag $0x1  }
0x1: {  	s0 =	rddreg [dreg:$0x0]  }
0x2: {  	s1 =	rddreg [dreg:$0x1]  }
0x3: {  	s2 =	rddreg [dreg:$0x2]  }
0x4: {  	s4 =	simm.s32 $0x0;
	s3 =	srdreg.scid;
	s14 =	stileid.u32  }
0x5: {  	s29 =	simm.s32 $0x5;
	s30 =	simm.s32 $0x2;
	s31 =	simm.s32 $0x0  }
0x6: {  	[smem:$0x7FF] =	sst s4;
	s3 =	sand.u32 $0x1, s3;
	s8 =	smul.u32 $0x4F000, s14  }
0x7: {  	s5 =	sadd.s32 $0x2AE00, s0;
	s6 =	sadd.s32 $0x17400, s0;
	s10 =	smul.u32 $0x4E20, s14  }
0x8: {  	s0 =	sadd.s32 $0xC7200, s0;
	s16 =	smul.u32 $0x2780, s14;
	s28 =	sadd.s32 $0x128400, s2  }
0x9: {  	p0 =	seq.s32 s14, $0xF;
	s7 =	smul.u32 $0x4E200, s3;
	_ =	strace $0x8000004D  }
0xa: {  	s9 =	ssub.s32 $0x2, s3;
	s12 =	smul.u32 $0x138800, s3;
	s8 =	sshrl.u32 s8, $0x2  }
0xb: {  	s11 =	sshrl.u32 s9, $0x1;
	s10 =	sadd.s32 s10, s7;
	s7 =	sadd.s32 s8, s2  }
0xc: {  	s3 =	smul.u32 $0x27100, s3;
	s9 =	ssub.s32 s9, s11;
	s17 =	sadd.s32 $0x2000, s7  }
0xd: {  	s12 =	sshrl.u32 s12, $0x3;
	s18 =	sadd.s32 $0x4000, s7;
	[dreg:$0x4] =	wrdreg s17  }
0xe: {  	s3 =	sadd.s32 s16, s3;
	s19 =	sadd.s32 $0x6000, s7;
	[dreg:$0x5] =	wrdreg s18  }
0xf: {  	s20 =	sadd.s32 $0x8000, s7;
	s21 =	sadd.s32 $0xA000, s7;
	[dreg:$0x6] =	wrdreg s19  }
0x10: {  	s22 =	sadd.s32 $0xC000, s7;
	s23 =	sshrl.u32 s10, $0x3;
	[dreg:$0x7] =	wrdreg s20  }
0x11: {  	s26 =	sadd.s32 s0, s12;
	s0 =	sadd.s32 s0, s3;
	[dreg:$0x8] =	wrdreg s21  }
0x12: {  	s9 =	smax.u32 s9, $0x1;
	s12 =	sadd.s32 $0xF0, s10;
	[dreg:$0x9] =	wrdreg s22  }
0x13: {  	s14 =	sadd.s32 $0x10000, s7;
	s13 =	sadd.s32 s6, s23;
	[dreg:$0xe] =	wrdreg s0  }
0x14: {  	s24 =	sadd.s32 $0xA, s23;
	s15 =	sadd.s32 s1, s23;
	[dreg:$0x10] =	wrdreg s9  }
0x15: {  	s3 =	sadd.s32 $0x25080, s26;
	s8 =	sadd.s32 $0x9BA, s23;
	[dreg:$0x12] =	wrdreg s14  }
0x16: {  	s11 =	sadd.s32 $0x9B0, s23;
	s23 =	sadd.s32 $0xA0, s10;
	[dreg:$0xa] =	wrdreg s13  }
0x17: {  	s17 =	sadd.s32 $0x12A400, s2;
	s18 =	sadd.s32 $0x12C400, s2;
	[dreg:$0xb] =	wrdreg s15  }
0x18: {  	s19 =	sshrl.u32 s12, $0x3;
	s20 =	sadd.s32 $0x12E400, s2;
	[dreg:$0xf] =	wrdreg s3  }
0x19: {  	s26 =	sadd.s32 $0x134400, s2;
	s14 =	sadd.s32 $0x138400, s2;
	[dreg:$0x16] =	wrdreg s17  }
0x1a: {  	s25 =	sadd.s32 s6, s24;
	s13 =	sadd.s32 s1, s24;
	[dreg:$0x17] =	wrdreg s18  }
0x1b: {  	s21 =	sadd.s32 s6, s8;
	s22 =	sadd.s32 s1, s8;
	[dreg:$0x18] =	wrdreg s20  }
0x1c: {  	s15 =	sadd.s32 $0x12000, s7;
	s16 =	sadd.s32 s6, s11;
	[dreg:$0x1b] =	wrdreg s26  }
0x1d: {  	s0 =	sadd.s32 s1, s11;
	s24 =	sadd.s32 $0x130400, s2;
	[dreg:$0xc] =	wrdreg s25  }
0x1e: {  	s11 =	sadd.s32 s19, s1;
	s12 =	sadd.s32 s19, s6;
	[dreg:$0xd] =	wrdreg s13  }
0x1f: {  	s17 =	simm.s32 $0x50;
	s18 =	simm.s32 $0x200;
	[dreg:$0x13] =	wrdreg s15  }
0x20: {  	s19 =	simm.s32 $0x80;
	s20 =	simm.s32 $0x180;
	[dreg:$0x14] =	wrdreg s16  }
0x21: {  	s26 =	simm.s32 $0x2A00;
	s13 =	sadd.s32 $0xE000, s7;
	[dreg:$0x15] =	wrdreg s0  }
0x22: {  	[dreg:$0x19] =	wrdreg s24;
	s25 =	sadd.s32 $0x132400, s2;
	s15 =	simm.s32 $0x100  }
0x23: {  	s16 =	simm.s32 $0x3;
	s24 =	simm.s32 $0x4;
	[dreg:$0x11] =	wrdreg s13  }
0x24: {  	v0 =	vimm.f32 $0.0e+00;
	[dreg:$0x1a] =	wrdreg s25;
	s13 =	sadd.s32 $0x136400, s2;
	s25 =	simm.s32 $0x1  }
.LBB2_1:
0x25: {  	s0 =	simm.s32 $0x0;
	s3 =	simm.s32 $0x200  }
.LBB2_2:
0x26: {  	p1 =	sne.s32 s3, $0x7E00;
	[tilespmem:s0+$0x270] =	vst v0  }
0x27: {  	[tilespmem:s0+$0x200] =	vst v0  }
0x28: {  	[tilespmem:s0+$0x210] =	vst v0  }
.Ltmp0:
0x29: {  	[tilespmem:s0+$0x220] =	vst v0;
	(pc) =	sbr.rel @p1 .LBB2_2-.Ltmp0, $4  }
0x2a: {  	[tilespmem:s0+$0x230] =	vst v0  }
0x2b: {  	[tilespmem:s0+$0x240] =	vst v0  }
0x2c: {  	[tilespmem:s0+$0x250] =	vst v0  }
0x2d: {  	[tilespmem:s0+$0x260] =	vst v0;
	s0 =	sshra.s32 s3, $0x2;
	s3 =	sadd.s32 $0x200, s3  }
0x2e: {  	[tilespmem:s0+$0x270] =	vst v0  }
0x2f: {  	[tilespmem:s0+$0x200] =	vst v0  }
0x30: {  	[tilespmem:s0+$0x210] =	vst v0  }
0x31: {  	[tilespmem:s0+$0x220] =	vst v0  }
0x32: {  	[tilespmem:s0+$0x230] =	vst v0  }
0x33: {  	[tilespmem:s0+$0x240] =	vst v0  }
0x34: {  	[tilespmem:s0+$0x250] =	vst v0  }
0x35: {  	[tilespmem:s0+$0x260] =	vst v0;
	s0 =	simm.s32 @p0 $0x200;
	s3 =	simm.s32 @p0 $0x5  }
0x36: {  	[spmem:s28] =	stream.linear.scatter @p0 [tilespmem:s0], [sflag:$0x5], $0x2000, $0x38;
	[tilespmem:$0x18A80] =	vst v63  }
0x37: {  	_ =	swait.ge @p0 [sflag:s3], $0x2000  }
0x38: {  	[sflag:s3] =	ssyncset.done @p0 $0x0  }
0x39: {  	s8 =	rddreg [dreg:$0x16];
	[sflag:s3] =	ssyncadd.s32 @p0 $0xFFFFE000  }
0x3a: {  	[spmem:s8] =	stream.linear.scatter @p0 [tilespmem:s0], [sflag:$0x5], $0x2000, $0x38;
	[tilespmem:$0x18A80] =	vst v63  }
0x3b: {  	_ =	swait.ge @p0 [sflag:s3], $0x2000  }
0x3c: {  	[sflag:s3] =	ssyncset.done @p0 $0x0  }
0x3d: {  	s8 =	rddreg [dreg:$0x17];
	[sflag:s3] =	ssyncadd.s32 @p0 $0xFFFFE000  }
0x3e: {  	[spmem:s8] =	stream.linear.scatter @p0 [tilespmem:s0], [sflag:$0x5], $0x2000, $0x38;
	[tilespmem:$0x18A80] =	vst v63  }
0x3f: {  	_ =	swait.ge @p0 [sflag:s3], $0x2000  }
0x40: {  	[sflag:s3] =	ssyncset.done @p0 $0x0  }
0x41: {  	s8 =	rddreg [dreg:$0x18];
	[sflag:s3] =	ssyncadd.s32 @p0 $0xFFFFE000  }
0x42: {  	[spmem:s8] =	stream.linear.scatter @p0 [tilespmem:s0], [sflag:$0x5], $0x2000, $0x38;
	[tilespmem:$0x18A80] =	vst v63  }
0x43: {  	_ =	swait.ge @p0 [sflag:s3], $0x2000  }
0x44: {  	[sflag:s3] =	ssyncset.done @p0 $0x0  }
0x45: {  	s8 =	rddreg [dreg:$0x19];
	[sflag:s3] =	ssyncadd.s32 @p0 $0xFFFFE000  }
0x46: {  	[spmem:s8] =	stream.linear.scatter @p0 [tilespmem:s0], [sflag:$0x5], $0x2000, $0x38;
	[tilespmem:$0x18A80] =	vst v63  }
0x47: {  	_ =	swait.ge @p0 [sflag:s3], $0x2000  }
0x48: {  	[sflag:s3] =	ssyncset.done @p0 $0x0  }
0x49: {  	s8 =	rddreg [dreg:$0x1a];
	[sflag:s3] =	ssyncadd.s32 @p0 $0xFFFFE000  }
0x4a: {  	[spmem:s8] =	stream.linear.scatter @p0 [tilespmem:s0], [sflag:$0x5], $0x2000, $0x38;
	[tilespmem:$0x18A80] =	vst v63  }
0x4b: {  	_ =	swait.ge @p0 [sflag:s3], $0x2000  }
0x4c: {  	[sflag:s3] =	ssyncset.done @p0 $0x0  }
0x4d: {  	s8 =	rddreg [dreg:$0x1b];
	[sflag:s3] =	ssyncadd.s32 @p0 $0xFFFFE000  }
0x4e: {  	[spmem:s8] =	stream.linear.scatter @p0 [tilespmem:s0], [sflag:$0x5], $0x2000, $0x38;
	[tilespmem:$0x18A80] =	vst v63  }
0x4f: {  	_ =	swait.ge @p0 [sflag:s3], $0x2000  }
0x50: {  	[sflag:s3] =	ssyncset.done @p0 $0x0  }
0x51: {  	[sflag:s3] =	ssyncadd.s32 @p0 $0xFFFFE000  }
0x52: {  	[spmem:s13] =	stream.linear.scatter @p0 [tilespmem:s0], [sflag:$0x5], $0x2000, $0x38;
	[tilespmem:$0x18A80] =	vst v63  }
0x53: {  	_ =	swait.ge @p0 [sflag:s3], $0x2000  }
0x54: {  	[sflag:s3] =	ssyncset.done @p0 $0x0  }
0x55: {  	[sflag:s3] =	ssyncadd.s32 @p0 $0xFFFFE000  }
0x56: {  	[spmem:s14] =	stream.linear.scatter @p0 [tilespmem:s0], [sflag:$0x5], $0x400, $0x38;
	[tilespmem:$0x18A80] =	vst v63  }
0x57: {  	_ =	swait.ge @p0 [sflag:s3], $0x400  }
0x58: {  	[sflag:s3] =	ssyncset.done @p0 $0x0  }
0x59: {  	s0 =	simm.s32 @!p0 $0x200;
	[sflag:s3] =	ssyncadd.s32 @p0 $0xFFFFFC00;
	s3 =	simm.s32 @!p0 $0x5  }
0x5a: {  	[spmem:s7] =	stream.linear.scatter @!p0 [tilespmem:s0], [sflag:$0x5], $0x2000, $0x38;
	[tilespmem:$0x18A80] =	vst v63  }
0x5b: {  	_ =	swait.ge @!p0 [sflag:s3], $0x2000  }
0x5c: {  	[sflag:s3] =	ssyncset.done @!p0 $0x0  }
0x5d: {  	s8 =	rddreg [dreg:$0x4];
	[sflag:s3] =	ssyncadd.s32 @!p0 $0xFFFFE000  }
0x5e: {  	[spmem:s8] =	stream.linear.scatter @!p0 [tilespmem:s0], [sflag:$0x5], $0x2000, $0x38;
	[tilespmem:$0x18A80] =	vst v63  }
0x5f: {  	_ =	swait.ge @!p0 [sflag:s3], $0x2000  }
0x60: {  	[sflag:s3] =	ssyncset.done @!p0 $0x0  }
0x61: {  	s8 =	rddreg [dreg:$0x5];
	[sflag:s3] =	ssyncadd.s32 @!p0 $0xFFFFE000  }
0x62: {  	[spmem:s8] =	stream.linear.scatter @!p0 [tilespmem:s0], [sflag:$0x5], $0x2000, $0x38;
	[tilespmem:$0x18A80] =	vst v63  }
0x63: {  	_ =	swait.ge @!p0 [sflag:s3], $0x2000  }
0x64: {  	[sflag:s3] =	ssyncset.done @!p0 $0x0  }
0x65: {  	s8 =	rddreg [dreg:$0x6];
	[sflag:s3] =	ssyncadd.s32 @!p0 $0xFFFFE000  }
0x66: {  	[spmem:s8] =	stream.linear.scatter @!p0 [tilespmem:s0], [sflag:$0x5], $0x2000, $0x38;
	[tilespmem:$0x18A80] =	vst v63  }
0x67: {  	_ =	swait.ge @!p0 [sflag:s3], $0x2000  }
0x68: {  	[sflag:s3] =	ssyncset.done @!p0 $0x0  }
0x69: {  	s8 =	rddreg [dreg:$0x7];
	[sflag:s3] =	ssyncadd.s32 @!p0 $0xFFFFE000  }
0x6a: {  	[spmem:s8] =	stream.linear.scatter @!p0 [tilespmem:s0], [sflag:$0x5], $0x2000, $0x38;
	[tilespmem:$0x18A80] =	vst v63  }
0x6b: {  	_ =	swait.ge @!p0 [sflag:s3], $0x2000  }
0x6c: {  	[sflag:s3] =	ssyncset.done @!p0 $0x0  }
0x6d: {  	s8 =	rddreg [dreg:$0x8];
	[sflag:s3] =	ssyncadd.s32 @!p0 $0xFFFFE000  }
0x6e: {  	[spmem:s8] =	stream.linear.scatter @!p0 [tilespmem:s0], [sflag:$0x5], $0x2000, $0x38;
	[tilespmem:$0x18A80] =	vst v63  }
0x6f: {  	_ =	swait.ge @!p0 [sflag:s3], $0x2000  }
0x70: {  	[sflag:s3] =	ssyncset.done @!p0 $0x0  }
0x71: {  	s8 =	rddreg [dreg:$0x9];
	[sflag:s3] =	ssyncadd.s32 @!p0 $0xFFFFE000  }
0x72: {  	[spmem:s8] =	stream.linear.scatter @!p0 [tilespmem:s0], [sflag:$0x5], $0x2000, $0x38;
	[tilespmem:$0x18A80] =	vst v63  }
0x73: {  	_ =	swait.ge @!p0 [sflag:s3], $0x2000  }
0x74: {  	[sflag:s3] =	ssyncset.done @!p0 $0x0  }
0x75: {  	s8 =	rddreg [dreg:$0x11];
	[sflag:s3] =	ssyncadd.s32 @!p0 $0xFFFFE000  }
0x76: {  	[spmem:s8] =	stream.linear.scatter @!p0 [tilespmem:s0], [sflag:$0x5], $0x2000, $0x38;
	[tilespmem:$0x18A80] =	vst v63  }
0x77: {  	_ =	swait.ge @!p0 [sflag:s3], $0x2000  }
0x78: {  	[sflag:s3] =	ssyncset.done @!p0 $0x0  }
0x79: {  	s8 =	rddreg [dreg:$0x12];
	[sflag:s3] =	ssyncadd.s32 @!p0 $0xFFFFE000  }
0x7a: {  	[spmem:s8] =	stream.linear.scatter @!p0 [tilespmem:s0], [sflag:$0x5], $0x2000, $0x38;
	[tilespmem:$0x18A80] =	vst v63  }
0x7b: {  	_ =	swait.ge @!p0 [sflag:s3], $0x2000  }
0x7c: {  	[sflag:s3] =	ssyncset.done @!p0 $0x0  }
0x7d: {  	s8 =	rddreg [dreg:$0x13];
	[sflag:s3] =	ssyncadd.s32 @!p0 $0xFFFFE000  }
0x7e: {  	[spmem:s8] =	stream.linear.scatter @!p0 [tilespmem:s0], [sflag:$0x5], $0x1C00, $0x38;
	[tilespmem:$0x18A80] =	vst v63  }
0x7f: {  	_ =	swait.ge @!p0 [sflag:s3], $0x1C00  }
0x80: {  	[sflag:s3] =	ssyncset.done @!p0 $0x0  }
0x81: {  	[sflag:s3] =	ssyncadd.s32 @!p0 $0xFFFFE400  }
0x82: {  	[bflag:$0x0] =	sbarrier.arrive $0xFFFF  }
0x83: {  	s0 =	simm.s32 $0x0;
	s10 =	rddreg [dreg:$0xa]  }
0x84: {  	[tilespmem:s0], [sflag:$0x3] =	stream.linear.gather [hbm4b:s10+s0], $0x50, $0x38;
	[tilespmem:$0x18A80] =	vst v63  }
0x85: {  	s8 =	rddreg [dreg:$0xb]  }
0x86: {  	[tilespmem:s15], [sflag:$0x3] =	stream.linear.gather [hbm4b:s8+s0], $0x50, $0x38;
	[tilespmem:$0x18A80] =	vst v63  }
0x87: {  	_ =	swait.ge [sflag:s16], $0x50  }
0x88: {  	[sflag:s16] =	ssyncset.done $0x0  }
0x89: {  	[sflag:s16] =	ssyncadd.s32 $0xFFFFFFB0  }
0x8a: {  	_ =	swait.ge [sflag:s16], $0x50  }
0x8b: {  	[sflag:s16] =	ssyncset.done $0x0  }
0x8c: {  	[sflag:s16] =	ssyncadd.s32 $0xFFFFFFB0  }
0x8d: {  	[tilespmem:s18], [sflag:$0x1] =	stream.indirect.gather [hbm4b:s5+s17], $0x80, s0, s17, $0xb8;
	[tilespmem:$0x18A80] =	vst v63  }
0x8e: {  	s9 =	rddreg [dreg:$0xc]  }
0x8f: {  	[tilespmem:s19], [sflag:$0x4] =	stream.linear.gather [hbm4b:s9+s0], $0x50, $0x38;
	[tilespmem:$0x18A80] =	vst v63  }
0x90: {  	s10 =	rddreg [dreg:$0xd]  }
0x91: {  	[tilespmem:s20], [sflag:$0x4] =	stream.linear.gather [hbm4b:s10+s0], $0x50, $0x38;
	[tilespmem:$0x18A80] =	vst v63  }
0x92: {  	_ =	swait.ge [sflag:s24], $0x50  }
0x93: {  	[sflag:s24] =	ssyncset.done $0x0  }
0x94: {  	[sflag:s24] =	ssyncadd.s32 $0xFFFFFFB0  }
0x95: {  	_ =	swait.ge [sflag:s24], $0x50  }
0x96: {  	[sflag:s24] =	ssyncset.done $0x0  }
0x97: {  	[sflag:s24] =	ssyncadd.s32 $0xFFFFFFB0  }
0x98: {  	_ =	swait.ge [sflag:s25], $0x2800  }
0x99: {  	[sflag:s25] =	ssyncset.done $0x0  }
0x9a: {  	[sflag:s25] =	ssyncadd.s32 $0xFFFFD800  }
0x9b: {  	[tilespmem:s26], [sflag:$0x2] =	stream.indirect.gather [hbm4b:s5+s17], $0x80, s19, s17, $0xb8;
	[tilespmem:$0x18A80] =	vst v63  }
0x9c: {  	_ = 	snop  }
0x9d: {  	[spmem:s2] =	stream.indirect.scatter.add.f32 [tilespmem:s18], [sflag:$0x5], $0x80, s15, s17, $0xb8;
	[tilespmem:$0x18A80] =	vst v63  }
0x9e: {  	_ =	swait.ge [sflag:s29], $0x2800  }
0x9f: {  	s8 =	sshrl.u32 s23, $0x3;
	[sflag:s29] =	ssyncset.done $0x0  }
0xa0: {  	s9 =	sadd.s32 s6, s8;
	[sflag:s29] =	ssyncadd.s32 $0xFFFFD800  }
0xa1: {  	[tilespmem:s4], [sflag:$0x3] =	stream.linear.gather [hbm4b:s9+s4], $0x50, $0x38;
	[tilespmem:$0x18A80] =	vst v63  }
0xa2: {  	s0 =	sadd.s32 s1, s8  }
0xa3: {  	[tilespmem:s15], [sflag:$0x3] =	stream.linear.gather [hbm4b:s0+s4], $0x50, $0x38;
	[tilespmem:$0x18A80] =	vst v63  }
0xa4: {  	_ =	swait.ge [sflag:s16], $0x50  }
0xa5: {  	[sflag:s16] =	ssyncset.done $0x0  }
0xa6: {  	[sflag:s16] =	ssyncadd.s32 $0xFFFFFFB0  }
0xa7: {  	_ =	swait.ge [sflag:s16], $0x50  }
0xa8: {  	[sflag:s16] =	ssyncset.done $0x0  }
0xa9: {  	[sflag:s16] =	ssyncadd.s32 $0xFFFFFFB0  }
0xaa: {  	_ =	swait.ge [sflag:s30], $0x2800  }
0xab: {  	[sflag:s30] =	ssyncset.done $0x0  }
0xac: {  	[sflag:s30] =	ssyncadd.s32 $0xFFFFD800  }
0xad: {  	[tilespmem:s18], [sflag:$0x1] =	stream.indirect.gather [hbm4b:s5+s17], $0x80, s4, s17, $0xb8;
	[tilespmem:$0x18A80] =	vst v63  }
0xae: {  	_ = 	snop  }
0xaf: {  	[spmem:s2] =	stream.indirect.scatter.add.f32 [tilespmem:s26], [sflag:$0x5], $0x80, s20, s17, $0xb8;
	[tilespmem:$0x18A80] =	vst v63  }
0xb0: {  	_ =	swait.ge [sflag:s29], $0x2800  }
0xb1: {  	s3 =	sadd.s32 $0xA0, s23;
	s10 =	sadd.s32 $0x0, s12;
	[sflag:s29] =	ssyncset.done $0x0  }
0xb2: {  	s8 =	sadd.s32 $0x0, s11;
	s0 =	simm.s32 $0x14;
	[sflag:s29] =	ssyncadd.s32 $0xFFFFD800  }
0xb3: {  	[tilespmem:s19], [sflag:$0x4] =	stream.linear.gather [hbm4b:s10+s4], $0x50, $0x38;
	[tilespmem:$0x18A80] =	vst v63  }
.LBB2_4:
0xb4: {  	[tilespmem:s20], [sflag:$0x4] =	stream.linear.gather [hbm4b:s8+s4], $0x50, $0x38;
	[tilespmem:$0x18A80] =	vst v63  }
0xb5: {  	s8 =	smov.u32 s0  }
0xb6: {  	p1 =	sne.s32 s0, $0x988;
	s0 =	sadd.s32 $0x14, s0;
	_ =	swait.ge [sflag:s24], $0x50  }
0xb7: {  	[sflag:s24] =	ssyncset.done $0x0  }
0xb8: {  	[sflag:s24] =	ssyncadd.s32 $0xFFFFFFB0  }
0xb9: {  	_ =	swait.ge [sflag:s24], $0x50  }
0xba: {  	[sflag:s24] =	ssyncset.done $0x0  }
0xbb: {  	[sflag:s24] =	ssyncadd.s32 $0xFFFFFFB0  }
0xbc: {  	_ =	swait.ge [sflag:s25], $0x2800  }
0xbd: {  	[sflag:s25] =	ssyncset.done $0x0  }
0xbe: {  	[sflag:s25] =	ssyncadd.s32 $0xFFFFD800  }
0xbf: {  	[tilespmem:s26], [sflag:$0x2] =	stream.indirect.gather [hbm4b:s5+s17], $0x80, s19, s17, $0xb8;
	[tilespmem:$0x18A80] =	vst v63  }
0xc0: {  	_ = 	snop  }
0xc1: {  	[spmem:s2] =	stream.indirect.scatter.add.f32 [tilespmem:s18], [sflag:$0x5], $0x80, s15, s17, $0xb8;
	[tilespmem:$0x18A80] =	vst v63  }
0xc2: {  	_ =	swait.ge [sflag:s29], $0x2800  }
0xc3: {  	s9 =	sshrl.u32 s3, $0x3;
	[sflag:s29] =	ssyncset.done $0x0  }
0xc4: {  	s10 =	sadd.s32 s6, s9;
	[sflag:s29] =	ssyncadd.s32 $0xFFFFD800  }
0xc5: {  	[tilespmem:s4], [sflag:$0x3] =	stream.linear.gather [hbm4b:s10+s4], $0x50, $0x38;
	[tilespmem:$0x18A80] =	vst v63  }
0xc6: {  	s9 =	sadd.s32 s1, s9  }
0xc7: {  	[tilespmem:s15], [sflag:$0x3] =	stream.linear.gather [hbm4b:s9+s4], $0x50, $0x38;
	[tilespmem:$0x18A80] =	vst v63  }
0xc8: {  	_ =	swait.ge [sflag:s16], $0x50  }
0xc9: {  	[sflag:s16] =	ssyncset.done $0x0  }
0xca: {  	[sflag:s16] =	ssyncadd.s32 $0xFFFFFFB0  }
0xcb: {  	_ =	swait.ge [sflag:s16], $0x50  }
0xcc: {  	[sflag:s16] =	ssyncset.done $0x0  }
0xcd: {  	[sflag:s16] =	ssyncadd.s32 $0xFFFFFFB0  }
0xce: {  	_ =	swait.ge [sflag:s30], $0x2800  }
0xcf: {  	[sflag:s30] =	ssyncset.done $0x0  }
0xd0: {  	[sflag:s30] =	ssyncadd.s32 $0xFFFFD800  }
0xd1: {  	[tilespmem:s18], [sflag:$0x1] =	stream.indirect.gather [hbm4b:s5+s17], $0x80, s4, s17, $0xb8;
	[tilespmem:$0x18A80] =	vst v63  }
0xd2: {  	_ = 	snop  }
0xd3: {  	[spmem:s2] =	stream.indirect.scatter.add.f32 [tilespmem:s26], [sflag:$0x5], $0x80, s20, s17, $0xb8;
	[tilespmem:$0x18A80] =	vst v63  }
.Ltmp1:
0xd4: {  	_ =	swait.ge [sflag:s29], $0x2800;
	(pc) =	sbr.rel @p1 .LBB2_4-.Ltmp1, $4  }
0xd5: {  	[sflag:s29] =	ssyncset.done $0x0  }
0xd6: {  	s9 =	sadd.s32 s8, s12;
	[sflag:s29] =	ssyncadd.s32 $0xFFFFD800  }
0xd7: {  	[tilespmem:s19], [sflag:$0x4] =	stream.linear.gather [hbm4b:s9+s4], $0x50, $0x38;
	[tilespmem:$0x18A80] =	vst v63  }
0xd8: {  	s3 =	sadd.s32 $0xA0, s3;
	s8 =	sadd.s32 s8, s11  }
0xd9: {  	[tilespmem:s20], [sflag:$0x4] =	stream.linear.gather [hbm4b:s8+s4], $0x50, $0x38;
	[tilespmem:$0x18A80] =	vst v63  }
0xda: {  	_ =	swait.ge [sflag:s24], $0x50  }
0xdb: {  	[sflag:s24] =	ssyncset.done $0x0  }
0xdc: {  	[sflag:s24] =	ssyncadd.s32 $0xFFFFFFB0  }
0xdd: {  	_ =	swait.ge [sflag:s24], $0x50  }
0xde: {  	[sflag:s24] =	ssyncset.done $0x0  }
0xdf: {  	[sflag:s24] =	ssyncadd.s32 $0xFFFFFFB0  }
0xe0: {  	_ =	swait.ge [sflag:s25], $0x2800  }
0xe1: {  	[sflag:s25] =	ssyncset.done $0x0  }
0xe2: {  	[sflag:s25] =	ssyncadd.s32 $0xFFFFD800  }
0xe3: {  	[tilespmem:s26], [sflag:$0x2] =	stream.indirect.gather [hbm4b:s5+s17], $0x80, s19, s17, $0xb8;
	[tilespmem:$0x18A80] =	vst v63  }
0xe4: {  	_ = 	snop  }
0xe5: {  	[spmem:s2] =	stream.indirect.scatter.add.f32 [tilespmem:s18], [sflag:$0x5], $0x80, s15, s17, $0xb8;
	[tilespmem:$0x18A80] =	vst v63  }
0xe6: {  	_ =	swait.ge [sflag:s29], $0x2800  }
0xe7: {  	[sflag:s29] =	ssyncset.done $0x0  }
0xe8: {  	s0 =	rddreg [dreg:$0x14];
	[sflag:s29] =	ssyncadd.s32 $0xFFFFD800  }
0xe9: {  	[tilespmem:s4], [sflag:$0x3] =	stream.linear.gather [hbm4b:s0+s4], $0x50, $0x38;
	[tilespmem:$0x18A80] =	vst v63  }
0xea: {  	s9 =	rddreg [dreg:$0x15]  }
0xeb: {  	[tilespmem:s15], [sflag:$0x3] =	stream.linear.gather [hbm4b:s9+s4], $0x50, $0x38;
	[tilespmem:$0x18A80] =	vst v63  }
0xec: {  	_ =	swait.ge [sflag:s16], $0x50  }
0xed: {  	[sflag:s16] =	ssyncset.done $0x0  }
0xee: {  	[sflag:s16] =	ssyncadd.s32 $0xFFFFFFB0  }
0xef: {  	_ =	swait.ge [sflag:s16], $0x50  }
0xf0: {  	[sflag:s16] =	ssyncset.done $0x0  }
0xf1: {  	[sflag:s16] =	ssyncadd.s32 $0xFFFFFFB0  }
0xf2: {  	_ =	swait.ge [sflag:s30], $0x2800  }
0xf3: {  	[sflag:s30] =	ssyncset.done $0x0  }
0xf4: {  	[sflag:s30] =	ssyncadd.s32 $0xFFFFD800  }
0xf5: {  	[tilespmem:s18], [sflag:$0x1] =	stream.indirect.gather [hbm4b:s5+s17], $0x80, s4, s17, $0xb8;
	[tilespmem:$0x18A80] =	vst v63  }
0xf6: {  	_ = 	snop  }
0xf7: {  	[spmem:s2] =	stream.indirect.scatter.add.f32 [tilespmem:s26], [sflag:$0x5], $0x80, s20, s17, $0xb8;
	[tilespmem:$0x18A80] =	vst v63  }
0xf8: {  	_ =	swait.ge [sflag:s29], $0x2800  }
0xf9: {  	[sflag:s29] =	ssyncset.done $0x0  }
0xfa: {  	[sflag:s29] =	ssyncadd.s32 $0xFFFFD800  }
0xfb: {  	[tilespmem:s19], [sflag:$0x4] =	stream.linear.gather [hbm4b:s21+s4], $0x50, $0x38;
	[tilespmem:$0x18A80] =	vst v63  }
0xfc: {  	_ = 	snop  }
0xfd: {  	[tilespmem:s20], [sflag:$0x4] =	stream.linear.gather [hbm4b:s22+s4], $0x50, $0x38;
	[tilespmem:$0x18A80] =	vst v63  }
0xfe: {  	_ =	swait.ge [sflag:s24], $0x50  }
0xff: {  	[sflag:s24] =	ssyncset.done $0x0  }
0x100: {  	[sflag:s24] =	ssyncadd.s32 $0xFFFFFFB0  }
0x101: {  	_ =	swait.ge [sflag:s24], $0x50  }
0x102: {  	[sflag:s24] =	ssyncset.done $0x0  }
0x103: {  	[sflag:s24] =	ssyncadd.s32 $0xFFFFFFB0  }
0x104: {  	_ =	swait.ge [sflag:s25], $0x2800  }
0x105: {  	[sflag:s25] =	ssyncset.done $0x0  }
0x106: {  	[sflag:s25] =	ssyncadd.s32 $0xFFFFD800  }
0x107: {  	[tilespmem:s26], [sflag:$0x2] =	stream.indirect.gather [hbm4b:s5+s17], $0x80, s19, s17, $0xb8;
	[tilespmem:$0x18A80] =	vst v63  }
0x108: {  	_ = 	snop  }
0x109: {  	[spmem:s2] =	stream.indirect.scatter.add.f32 [tilespmem:s18], [sflag:$0x5], $0x80, s15, s17, $0xb8;
	[tilespmem:$0x18A80] =	vst v63  }
0x10a: {  	_ =	swait.ge [sflag:s29], $0x2800  }
0x10b: {  	[sflag:s29] =	ssyncset.done $0x0  }
0x10c: {  	[sflag:s29] =	ssyncadd.s32 $0xFFFFD800  }
0x10d: {  	[tilespmem:s4], [sflag:$0x3] =	stream.linear.gather [hbm4b:s21+s4], $0x50, $0x38;
	[tilespmem:$0x18A80] =	vst v63  }
0x10e: {  	_ = 	snop  }
0x10f: {  	[tilespmem:s15], [sflag:$0x3] =	stream.linear.gather [hbm4b:s22+s4], $0x50, $0x38;
	[tilespmem:$0x18A80] =	vst v63  }
0x110: {  	_ =	swait.ge [sflag:s16], $0x50  }
0x111: {  	[sflag:s16] =	ssyncset.done $0x0  }
0x112: {  	[sflag:s16] =	ssyncadd.s32 $0xFFFFFFB0  }
0x113: {  	_ =	swait.ge [sflag:s16], $0x50  }
0x114: {  	[sflag:s16] =	ssyncset.done $0x0  }
0x115: {  	[sflag:s16] =	ssyncadd.s32 $0xFFFFFFB0  }
0x116: {  	_ =	swait.ge [sflag:s30], $0x2800  }
0x117: {  	[sflag:s30] =	ssyncset.done $0x0  }
0x118: {  	[sflag:s30] =	ssyncadd.s32 $0xFFFFD800  }
0x119: {  	[tilespmem:s18], [sflag:$0x1] =	stream.indirect.gather [hbm4b:s5+s17], $0x80, s4, s17, $0xb8;
	[tilespmem:$0x18A80] =	vst v63  }
0x11a: {  	_ = 	snop  }
0x11b: {  	[spmem:s2] =	stream.indirect.scatter.add.f32 [tilespmem:s26], [sflag:$0x5], $0x80, s20, s17, $0xb8;
	[tilespmem:$0x18A80] =	vst v63  }
0x11c: {  	_ =	swait.ge [sflag:s29], $0x2800  }
0x11d: {  	[sflag:s29] =	ssyncset.done $0x0  }
0x11e: {  	[sflag:s29] =	ssyncadd.s32 $0xFFFFD800  }
0x11f: {  	[tilespmem:s19], [sflag:$0x4] =	stream.linear.gather [hbm4b:s21+s4], $0x50, $0x38;
	[tilespmem:$0x18A80] =	vst v63  }
0x120: {  	_ = 	snop  }
0x121: {  	[tilespmem:s20], [sflag:$0x4] =	stream.linear.gather [hbm4b:s22+s4], $0x50, $0x38;
	[tilespmem:$0x18A80] =	vst v63  }
0x122: {  	_ =	swait.ge [sflag:s25], $0x2800  }
0x123: {  	[sflag:s25] =	ssyncset.done $0x0  }
0x124: {  	[sflag:s25] =	ssyncadd.s32 $0xFFFFD800  }
0x125: {  	_ =	swait.ge [sflag:s24], $0x50  }
0x126: {  	[sflag:s24] =	ssyncset.done $0x0  }
0x127: {  	[sflag:s24] =	ssyncadd.s32 $0xFFFFFFB0  }
0x128: {  	_ =	swait.ge [sflag:s24], $0x50  }
0x129: {  	[sflag:s24] =	ssyncset.done $0x0  }
0x12a: {  	[sflag:s24] =	ssyncadd.s32 $0xFFFFFFB0  }
0x12b: {  	[bflag:$0x0] =	sbarrier.arrive $0xFFFF  }
0x12c: {  	s3 =	simm.s32 @p0 $0x1FC5;
	s0 =	sshrl.u32 @p0 s28, $0x3;
	s8 =	rddreg [dreg:$0xf]  }
0x12d: {  	[hbm:s8], [sflag:s3] =	dma.local @p0 [spmem:s0], $0x2080  }
0x12e: {  	s0 =	simm.s32 @p0 $0x5  }
0x12f: {  	s3 =	stileid.u32;
	_ =	swait.ge @p0 [sflag:s0], $0x2080  }
0x130: {  	s3 =	sshll.u32 @!p0 s3, $0x6;
	[sflag:s0] =	ssyncset.done @p0 $0x0;
	s8 =	rddreg [dreg:$0xe]  }
0x131: {  	[sflag:s0] =	ssyncadd.s32 @p0 $0xFFFFDF80;
	s0 =	sor.u32 @!p0 $0x1C05, s3;
	s3 =	sshrl.u32 @!p0 s7, $0x3  }
0x132: {  	[hbm:s8], [sflag:s0] =	dma.local @!p0 [spmem:s3], $0x2780  }
0x133: {  	s0 =	simm.s32 @!p0 $0x5  }
0x134: {  	_ =	swait.ge @!p0 [sflag:s0], $0x2780  }
0x135: {  	s31 =	sadd.s32 $0x1, s31;
	s10 =	rddreg [dreg:$0x10]  }
0x136: {  	p1 =	sne.s32 s31, s10  }
.Ltmp2:
0x137: {  	_ = 	snop;
	(pc) =	sbr.rel @p1 .LBB2_1-.Ltmp2, $3  }
0x138: {  	_ =	sdelay $0x1  }
0x139: {  	[sflag:s0] =	ssyncset.done @!p0 $0x0  }
0x13a: {  	[sflag:s0] =	ssyncadd.s32 @!p0 $0xFFFFD880  }
0x13b: {  	_ =	sfence.sel $0x180000  }
0x13c: {  	[bflag:$0x0] =	sbarrier.arrive $0xFFFF  }
0x13d: {  	_ =	strace $0x9000004D  }
0x13e: {  	s0 =	stileid.u32;
	[bflag:$0x2] =	sbarrier.arrive $0xFFFF  }
0x13f: {  	p0 =	sne.s32 s0, $0x0;
	s0 =	rddreg [dreg:$0x3]  }
0x140: {  	s0 =	sadd.s32 @!p0 $0x100000, s0  }
0x141: {  	[sflag:s0] =	ssyncadd.tile.s32 @!p0 $0x1;
	_ =	shalt  }
.Lfunc_end2:
_tile_overlayer_lowered:
.L_overlay_start_2:
0x142: {  	(tag) =	ssettag $0x2  }
0x143: {  	s0 =	rddreg [dreg:$0x0];
	s2 =	stileid.u32  }
0x144: {  	s1 =	rddreg [dreg:$0x1];
	p0 =	sne.s32 s2, $0x0  }
0x145: {  	s3 =	rddreg [dreg:$0x2];
	[bflag:$0x3] =	sbarrier.arrive $0xFFFF;
	s2 =	simm.s32 @!p0 $0x1C05  }
0x146: {  	[timem:s3], [sflag:s2] =	dma.local @!p0 [hbm:s0], s1  }
0x147: {  	s0 =	simm.s32 @!p0 $0x5  }
0x148: {  	_ =	swait.ge @!p0 [sflag:s0], s1  }
0x149: {  	s1 =	ssub.s32 @!p0 $0x0, s1;
	[sflag:s0] =	ssyncset.done @!p0 $0x0  }
0x14a: {  	[sflag:s0] =	ssyncadd.s32 @!p0 s1  }
0x14b: {  	[bflag:$0x3] =	sbarrier.arrive $0xFFFF  }
0x14c: {  	_ =	shalt  }

// kernel: kernel.9.cloned.1.call-start
scs
__scs_entry_jumppad:
0x0: {  	(pc) =	sbr.rel $0x88, $3  }
0x1: {  	(tag) =	ssettag $0x0;
	lr =	simm.s32 $0x1  }
0x2: {  	[smem:$0x3F8D] =	sst lr;
	_ =	strace $0xD0000000  }
0x3: {  	_ = 	snop  }
0x4: {  	_ = 	snop  }
0x5: {  	_ = 	snop  }
0x6: {  	_ = 	snop  }
0x7: {  	_ = 	snop  }
__scs_overlays_trampoline_lowered:
0x8: {  	[smem:$0x3F9C] =	sst s0  }
0x9: {  	[smem:$0x3F9D] =	sst s1  }
0xa: {  	[smem:$0x3F9E] =	sst s2  }
0xb: {  	[smem:$0x3F9F] =	sst s3  }
0xc: {  	[smem:$0x3FA0] =	sst s4  }
0xd: {  	[smem:$0x3FA1] =	sst s5  }
0xe: {  	[smem:$0x3FA2] =	sst s6  }
0xf: {  	[smem:$0x3FA3] =	sst s7  }
0x10: {  	[smem:$0x3FA4] =	sst s8  }
0x11: {  	[smem:$0x3FA5] =	sst s9;
	s0 =	simm.s32 @!p0 $0x0  }
0x12: {  	s1 =	sld [smem:$0x3F8B];
	s0 =	simm.s32 @p0 $0x1  }
0x13: {  	[smem:$0x3FA6] =	sst s0;
	s0 =	simm.s32 @!p1 $0x0  }
0x14: {  	s2 =	sld [smem:$0x3F8A];
	s0 =	simm.s32 @p1 $0x1  }
0x15: {  	[smem:$0x3FA7] =	sst s0;
	s0 =	simm.s32 @!p2 $0x0  }
0x16: {  	s3 =	sld [smem:$0x3FDB];
	s0 =	simm.s32 @p2 $0x1  }
0x17: {  	s4 =	simm.s32 $0x1BF5;
	[smem:$0x3FA9] =	sst s0  }
0x18: {  	s0 =	sld [smem:$0x3F8C];
	_ =	swait.ge [sflag:s4], $0x0  }
0x19: {  	s7 =	sld [smem:$0x3F8D]  }
0x1a: {  	s8 =	sadd.s32 $0xFFFFE003, lr  }
0x1b: {  	s9 =	sadd.s32 $0xFFFFFEF7, lr;
	s5 =	simm.s32 $0xFFFFFFFF;
	p2 =	slt.u32 s8, $0xFFFFF086  }
0x1c: {  	p1 =	slt.u32 s9, $0xF7A;
	s5 =	simm.s32 @!p2 $0x0  }
0x1d: {  	s5 =	simm.s32 @p1 $0x1;
	p0 =	seq.s32 s7, s2  }
0x1e: {  	s7 =	smul.u32 @!p0 $0xF7A, s2;
	p2 =	seq.s32 @!p0 s5, $0x0  }
0x1f: {  	s9 =	smul.u32 $0xF7A, s1;
	s8 =	simm.s32 @!p0 $0x1BF5;
	p2 =	por !p2, p0  }
0x20: {  	[sflag:s8] =	ssyncset.s32 @!p0 $0xFFFFF086;
	s6 =	sadd.s32 @!p0 s3, s7;
	s7 =	simm.s32 @!p0 $0x108  }
0x21: {  	s3 =	sadd.s32 s3, s9;
	s6 =	sadd.s32 @!p0 $0x88, s6;
	s7 =	simm.s32 @p2 $0x1082  }
0x22: {  	[simem:s7], [sflag:s8] =	dma.local @!p0 [hbm:s6], $0xF7A  }
0x23: {  	s9 =	sor.u32 $0xD0000000, s2;
	s6 =	simm.s32 $0x108;
	_ =	swait.ge @!p0 [sflag:s8], $0x0  }
0x24: {  	s3 =	sadd.s32 $0x88, s3;
	s6 =	simm.s32 @!p1 $0x1082;
	[sflag:s4] =	ssyncset.s32 $0xFFFFF086  }
0x25: {  	[simem:s6], [sflag:s4] =	dma.local [hbm:s3], $0xF7A  }
0x26: {  	[smem:$0x3F8D] =	sst s1;
	(tag) =	ssettag s2;
	_ =	strace s9  }
0x27: {  	s1 =	sld [smem:$0x3F9D]  }
0x28: {  	s2 =	sld [smem:$0x3F9E]  }
0x29: {  	s4 =	sld [smem:$0x3FA0]  }
0x2a: {  	p0 =	seq.s32 s5, $0x0;
	s5 =	sld [smem:$0x3FA1]  }
0x2b: {  	s6 =	sld [smem:$0x3FA2]  }
0x2c: {  	s7 =	sld [smem:$0x3FA3]  }
0x2d: {  	s3 =	simm.s32 $0x108;
	s8 =	sld [smem:$0x3FA4]  }
0x2e: {  	s3 =	simm.s32 @!p0 $0x1082;
	s9 =	sld [smem:$0x3FA5]  }
0x2f: {  	lr =	sadd.s32 s0, s3;
	s0 =	sld [smem:$0x3F9C]  }
0x30: {  	s3 =	sld [smem:$0x3F9F]  }
0x31: {  	[smem:$0x3FA8] =	sst s10  }
0x32: {  	s10 =	sld [smem:$0x3FA6];
	_ =	sdelay $0x3  }
0x33: {  	p0 =	seq.s32 s10, $0x1;
	s10 =	sld [smem:$0x3FA8];
	_ =	sdelay $0x3  }
0x34: {  	[smem:$0x3FA8] =	sst s10  }
0x35: {  	s10 =	sld [smem:$0x3FA7];
	_ =	sdelay $0x3  }
0x36: {  	p1 =	seq.s32 s10, $0x1;
	s10 =	sld [smem:$0x3FA8];
	_ =	sdelay $0x3  }
0x37: {  	[smem:$0x3FA8] =	sst s10  }
0x38: {  	s10 =	sld [smem:$0x3FA9]  }
0x39: {  	_ = 	snop;
	(pc) =	sbr.ind lr, $3  }
0x3a: {  	_ = 	snop  }
0x3b: {  	_ = 	snop  }
0x3c: {  	p2 =	seq.s32 s10, $0x1;
	s10 =	sld [smem:$0x3FA8]  }
0x3d: {  	_ =	shalt  }
0x3e: {  	_ =	shalt  }
0x3f: {  	_ =	shalt  }
0x40: {  	_ =	shalt  }
0x41: {  	_ =	shalt  }
0x42: {  	_ =	shalt  }
0x43: {  	_ =	shalt  }
0x44: {  	_ =	shalt  }
0x45: {  	_ =	shalt  }
0x46: {  	_ =	shalt  }
0x47: {  	_ =	shalt  }
0x48: {  	_ =	shalt  }
0x49: {  	_ =	shalt  }
0x4a: {  	_ =	shalt  }
0x4b: {  	_ =	shalt  }
0x4c: {  	_ =	shalt  }
0x4d: {  	_ =	shalt  }
0x4e: {  	_ =	shalt  }
0x4f: {  	_ =	shalt  }
0x50: {  	_ =	shalt  }
0x51: {  	_ =	shalt  }
0x52: {  	_ =	shalt  }
0x53: {  	_ =	shalt  }
0x54: {  	_ =	shalt  }
0x55: {  	_ =	shalt  }
0x56: {  	_ =	shalt  }
0x57: {  	_ =	shalt  }
0x58: {  	_ =	shalt  }
0x59: {  	_ =	shalt  }
0x5a: {  	_ =	shalt  }
0x5b: {  	_ =	shalt  }
0x5c: {  	_ =	shalt  }
0x5d: {  	_ =	shalt  }
0x5e: {  	_ =	shalt  }
0x5f: {  	_ =	shalt  }
0x60: {  	_ =	shalt  }
0x61: {  	_ =	shalt  }
0x62: {  	_ =	shalt  }
0x63: {  	_ =	shalt  }
0x64: {  	_ =	shalt  }
0x65: {  	_ =	shalt  }
0x66: {  	_ =	shalt  }
0x67: {  	_ =	shalt  }
0x68: {  	_ =	shalt  }
0x69: {  	_ =	shalt  }
0x6a: {  	_ =	shalt  }
0x6b: {  	_ =	shalt  }
0x6c: {  	_ =	shalt  }
0x6d: {  	_ =	shalt  }
0x6e: {  	_ =	shalt  }
0x6f: {  	_ =	shalt  }
0x70: {  	_ =	shalt  }
0x71: {  	_ =	shalt  }
0x72: {  	_ =	shalt  }
0x73: {  	_ =	shalt  }
0x74: {  	_ =	shalt  }
0x75: {  	_ =	shalt  }
0x76: {  	_ =	shalt  }
0x77: {  	_ =	shalt  }
0x78: {  	_ =	shalt  }
0x79: {  	_ =	shalt  }
0x7a: {  	_ =	shalt  }
0x7b: {  	_ =	shalt  }
0x7c: {  	_ =	shalt  }
0x7d: {  	_ =	shalt  }
0x7e: {  	_ =	shalt  }
0x7f: {  	_ =	shalt  }
0x80: {  	_ =	shalt  }
0x81: {  	_ =	shalt  }
0x82: {  	_ =	shalt  }
0x83: {  	_ =	shalt  }
0x84: {  	_ =	shalt  }
0x85: {  	_ =	shalt  }
0x86: {  	_ =	shalt  }
0x87: {  	_ =	shalt  }
.Lfunc_end0:
.L_simem_size_0:
called_computation_lowered:
.L_overlay_start_0:
0x88: {  	s2 =	sld [smem:$0x3FD9]  }
0x89: {  	s3 =	sld [smem:$0x3FFE];
	_ =	sdelay $0x1  }
0x8a: {  	s1 =	srdreg.scid  }
0x8b: {  	s0 =	sand.u32 $0x1, s1  }
0x8c: {  	s17 =	sshll.u32 s0, $0xA;
	s2 =	sadd.s32 s3, s2  }
0x8d: {  	s2 =	sadd.s32 s2, s17  }
0x8e: {  	[smem:$0x3FB4] =	sst s2  }
0x8f: {  	_ = 	snop  }
0x90: {  	s18 =	sld [smem:$0x3FD0];
	(tm) =	ssettm $0x1  }
0x91: {  	s19 =	sld [smem:$0x3FFB];
	_ =	sdelay $0x3  }
0x92: {  	_ =	strace s19  }
0x93: {  	s2 =	sld [smem:$0x3FFC];
	_ =	sdelay $0x3  }
0x94: {  	_ =	strace s2  }
0x95: {  	s2 =	sld [smem:$0x3FFD];
	_ =	sdelay $0x3  }
0x96: {  	_ =	strace s2  }
0x97: {  	_ =	strace $0x8FFFFFFF  }
0x98: {  	s20 =	sld [smem:$0x3FDB];
	_ =	sdelay $0x1  }
0x99: {  	s4 =	simm.s32 $_scs_section_size  }
0x9a: {  	s5 =	simm.s32 $_size__tile_overlayer_lowered;
	s6 =	simm.s32 $_tile_overlayer_lowered  }
0x9b: {  	s7 =	simm.s32 $0x1BFF;
	s21 =	sshll.u32 s6, $0x1;
	s4 =	sadd.s32 s4, s20  }
0x9c: {  	s22 =	simm.s32 $0x0;
	s5 =	sshll.u32 s5, $0x1;
	s6 =	sadd.s32 s21, s4  }
0x9d: {  	[timem:s22], [sflag:s7] =	dma.local [hbm:s6], s5  }
0x9e: {  	_ =	swait.ge [sflag:s7], s5  }
0x9f: {  	s5 =	ssub.s32 $0x0, s5;
	[sflag:s7] =	ssyncset.done $0x0  }
0xa0: {  	[sflag:s7] =	ssyncadd.s32 s5;
	_ =	sdelay $0x1  }
0xa1: {  	s23 =	simm.s32 $0x1B8B  }
0xa2: {  	_ =	swait.ge [sflag:s23], $0x1  }
0xa3: {  	[sflag:s23] =	ssyncset.done $0x0  }
0xa4: {  	[sflag:s23] =	ssyncadd.s32 $0xFFFFFFFF  }
0xa5: {  	s5 =	sld [smem:$0x0]  }
0xa6: {  	s6 =	sand.u32 $0xFFFFFFFE, s1  }
0xa7: {  	p0 =	sne.s32 s1, s6  }
0xa8: {  	s6 =	sshll.u32 @p0 s6, $0xE  }
0xa9: {  	s6 =	sadd.s32 @p0 $0x11B8D, s6;
	s7 =	sshll.u32 @p0 s5, $0x11  }
0xaa: {  	s6 =	sor.u32 @p0 s7, s6  }
0xab: {  	[sflag:s6] =	ssyncadd.remote.s32 @p0 $0x1;
	_ =	sdelay $0x1  }
0xac: {  	s6 =	simm.s32 @p0 $0x1B8D  }
0xad: {  	_ =	swait.eq @p0 [sflag:s6], $0x1  }
0xae: {  	[sflag:s6] =	ssyncadd.s32 @p0 $0xFFFFFFFF  }
0xaf: {  	s7 =	sshll.u32 @!p0 s1, $0xE  }
0xb0: {  	s7 =	sor.u32 @!p0 $0x4000, s7;
	s6 =	simm.s32 @!p0 $0x1B8D  }
0xb1: {  	s5 =	sshll.u32 @!p0 s5, $0x11;
	s7 =	sadd.s32 @!p0 $0x11B8D, s7;
	_ =	swait.eq @!p0 [sflag:s6], $0x1  }
0xb2: {  	s5 =	sor.u32 @!p0 s5, s7;
	[sflag:s6] =	ssyncadd.s32 @!p0 $0xFFFFFFFF  }
0xb3: {  	s25 =	simm.s32 $0x1B8E;
	s24 =	sld [smem:$0x3FFE];
	[sflag:s5] =	ssyncadd.remote.s32 @!p0 $0x1  }
0xb4: {  	s26 =	simm.s32 $execute0_lowered;
	[smem:$0x3FD2] =	sst s25  }
0xb5: {  	s6 =	sshll.u32 s26, $0x1;
	_ =	strace $0x80000049;
	[dreg:$0x1] =	wrdreg $0xFFFFFFFF  }
0xb6: {  	s28 =	simm.s32 $_size_execute0_lowered;
	s4 =	sadd.s32 s4, s6;
	[dreg:$0x0] =	wrdreg $0x0  }
0xb7: {  	s6 =	sshll.u32 s28, $0x1;
	[dreg:$0x2] =	wrdreg s4  }
0xb8: {  	[dreg:$0x3] =	wrdreg s6  }
0xb9: {  	[dreg:$0x4] =	wrdreg $0xC0  }
0xba: {  	_ =	task [dreg:s22], $0x5FFFF  }
0xbb: {  	[dreg:$0x1] =	wrdreg $0xFFFFFFFF  }
0xbc: {  	[dreg:$0x0] =	wrdreg $0x60  }
0xbd: {  	[dreg:$0x2] =	wrdreg s18  }
0xbe: {  	[dreg:$0x3] =	wrdreg s24  }
0xbf: {  	[dreg:$0x4] =	wrdreg $0x29000  }
0xc0: {  	[dreg:$0x5] =	wrdreg $0x9  }
0xc1: {  	_ =	task.clear_ibuf [dreg:s22], $0x6FFFF;
	_ =	strace $0x90000049  }
0xc2: {  	s29 =	simm.s32 $0x9;
	_ =	strace $0x8000004B  }
0xc3: {  	_ =	swait.ge [sflag:s29], $0x1  }
0xc4: {  	[sflag:s29] =	ssyncadd.s32 $0xFFFFFFFF  }
0xc5: {  	_ =	strace $0x9000004B  }
0xc6: {  	_ =	sfence  }
0xc7: {  	s30 =	sld [smem:$0x0];
	_ =	sdelay $0x2  }
0xc8: {  	s31 =	sshll.u32 s1, $0xD;
	s1 =	sshrl.u32 s1, $0x2  }
0xc9: {  	s4 =	sand.u32 $0x4000, s31;
	s1 =	sadd.s32 s1, s30  }
0xca: {  	s0 =	sor.u32 s4, s0;
	s1 =	sshll.u32 s1, $0x11  }
0xcb: {  	s0 =	sor.u32 s1, s0  }
0xcc: {  	s0 =	sadd.s32 $0x8F2B, s0  }
0xcd: {  	[sflag:s0] =	ssyncadd.remote.s32 $0x1  }
0xce: {  	_ =	sfence.sel $0xFFFF  }
0xcf: {  	[dreg:$0x0] =	wrdreg $0xFFFFFFFF;
	(pc) =	sbr.abs _section_cstart, $3  }
0xd0: {  	[dreg:$0x1] =	wrdreg $0xFFFFFFFF  }
0xd1: {  	_ =	task.clear_ibuf [dreg:s22], $0x2FFFF;
	_ =	strace $0x9FFFFFFF  }
0xd2: {  	(tm) =	ssettm $0x7FFFFFFF  }
0xd3: {  	_ =	shalt  }
tec
execute0_lowered:
.L_overlay_start_1:
0x0: {  	(tag) =	ssettag $0x1  }
0x1: {  	s2 =	rddreg [dreg:$0x0]  }
0x2: {  	s0 =	rddreg [dreg:$0x1]  }
0x3: {  	s3 =	rddreg [dreg:$0x2]  }
0x4: {  	s12 =	stileid.u32;
	s4 =	simm.s32 $0x0;
	s1 =	srdreg.scid  }
0x5: {  	s5 =	smul.u32 $0x4F000, s12;
	[smem:$0x7FF] =	sst s4  }
0x6: {  	s0 =	sadd.s32 $0x79000, s0;
	s7 =	smul.u32 $0x4E20, s12;
	s11 =	sadd.s32 $0x12A400, s3  }
0x7: {  	s1 =	sand.u32 $0x1, s1;
	s21 =	sadd.s32 $0x12C400, s3;
	s23 =	sadd.s32 $0x12E400, s3  }
0x8: {  	s9 =	smul.u32 $0x2780, s12;
	p0 =	seq.s32 s12, $0xF;
	s28 =	sadd.s32 $0x136400, s3  }
0x9: {  	s30 =	sadd.s32 $0x138400, s3;
	_ =	strace $0x8000004A;
	[dreg:$0xb] =	wrdreg s11  }
0xa: {  	s12 =	simm.s32 $0x0;
	s6 =	smul.u32 $0x4E200, s1;
	[dreg:$0xd] =	wrdreg s21  }
0xb: {  	s8 =	ssub.s32 $0x2, s1;
	s22 =	smul.u32 $0x27100, s1;
	[dreg:$0xe] =	wrdreg s23  }
0xc: {  	s1 =	smul.u32 $0x138800, s1;
	s5 =	sshrl.u32 s5, $0x2;
	s19 =	sshrl.u32 s8, $0x1  }
0xd: {  	s11 =	simm.s32 $0x2;
	s5 =	sadd.s32 s5, s3;
	s8 =	ssub.s32 s8, s19  }
0xe: {  	s6 =	sadd.s32 s7, s6;
	s19 =	sadd.s32 $0x132400, s3;
	s24 =	sadd.s32 s9, s22  }
0xf: {  	s1 =	sshrl.u32 s1, $0x3;
	s7 =	simm.s32 $0x1;
	s9 =	simm.s32 $0x100  }
0x10: {  	s10 =	sadd.s32 $0x2000, s5;
	s13 =	sadd.s32 $0x4000, s5;
	s14 =	sadd.s32 $0x6000, s5  }
0x11: {  	s15 =	sadd.s32 $0x8000, s5;
	s16 =	sadd.s32 $0xA000, s5;
	[dreg:$0x4] =	wrdreg s10  }
0x12: {  	s17 =	sadd.s32 $0xC000, s5;
	s18 =	sadd.s32 $0xE000, s5;
	[dreg:$0x5] =	wrdreg s13  }
0x13: {  	s20 =	sadd.s32 $0x10000, s5;
	s25 =	sshrl.u32 s6, $0x3;
	[dreg:$0x6] =	wrdreg s14  }
0x14: {  	s21 =	sadd.s32 s0, s24;
	s0 =	sadd.s32 s0, s1;
	[dreg:$0x7] =	wrdreg s15  }
0x15: {  	s23 =	smax.u32 s8, $0x1;
	s26 =	sadd.s32 $0xF0, s6;
	[dreg:$0x8] =	wrdreg s16  }
0x16: {  	s24 =	sadd.s32 $0xA0, s6;
	s29 =	sadd.s32 $0x12000, s5;
	[dreg:$0x9] =	wrdreg s17  }
0x17: {  	s6 =	simm.s32 $0x80;
	s8 =	simm.s32 $0x50;
	[dreg:$0xa] =	wrdreg s18  }
0x18: {  	s13 =	sadd.s32 $0x128400, s3;
	[dreg:$0xc] =	wrdreg s20;
	s18 =	sadd.s32 $0x130400, s3  }
0x19: {  	s20 =	sadd.s32 s2, s25;
	s22 =	sadd.s32 $0x25080, s0;
	s0 =	sshrl.u32 s26, $0x3  }
0x1a: {  	s26 =	sadd.s32 $0x134400, s3;
	s10 =	simm.s32 $0x3;
	s25 =	sadd.s32 s0, s2  }
0x1b: {  	v0 =	vimm.f32 $0.0e+00;
	v1 =	vimm.f32 $1.000000000e+00;
	s31 =	sadd.s32 $0xA, s20;
	s0 =	sadd.s32 $0x9BA, s20;
	s1 =	sadd.s32 $0x9B0, s20  }
.LBB2_1:
0x1c: {  	s14 =	simm.s32 $0x0;
	s15 =	simm.s32 $0x200  }
.LBB2_2:
0x1d: {  	p1 =	sne.s32 s15, $0x7E00;
	[tilespmem:s14+$0x170] =	vst v0  }
0x1e: {  	[tilespmem:s14+$0x100] =	vst v0  }
0x1f: {  	[tilespmem:s14+$0x110] =	vst v0  }
.Ltmp0:
0x20: {  	[tilespmem:s14+$0x120] =	vst v0;
	(pc) =	sbr.rel @p1 .LBB2_2-.Ltmp0, $4  }
0x21: {  	[tilespmem:s14+$0x130] =	vst v0  }
0x22: {  	[tilespmem:s14+$0x140] =	vst v0  }
0x23: {  	[tilespmem:s14+$0x150] =	vst v0  }
0x24: {  	[tilespmem:s14+$0x160] =	vst v0;
	s14 =	sshra.s32 s15, $0x2;
	s15 =	sadd.s32 $0x200, s15  }
0x25: {  	[tilespmem:s14+$0x170] =	vst v0  }
0x26: {  	[tilespmem:s14+$0x100] =	vst v0  }
0x27: {  	[tilespmem:s14+$0x110] =	vst v0  }
0x28: {  	[tilespmem:s14+$0x120] =	vst v0  }
0x29: {  	[tilespmem:s14+$0x130] =	vst v0  }
0x2a: {  	[tilespmem:s14+$0x140] =	vst v0  }
0x2b: {  	[tilespmem:s14+$0x150] =	vst v0  }
0x2c: {  	[tilespmem:s14+$0x160] =	vst v0;
	s14 =	simm.s32 @p0 $0x100;
	s15 =	simm.s32 @p0 $0x3  }
0x2d: {  	[spmem:s13] =	stream.linear.scatter @p0 [tilespmem:s14], [sflag:$0x3], $0x2000, $0x38;
	[tilespmem:$0x16180] =	vst v63  }
0x2e: {  	_ =	swait.ge @p0 [sflag:s15], $0x2000  }
0x2f: {  	[sflag:s15] =	ssyncset.done @p0 $0x0  }
0x30: {  	s16 =	rddreg [dreg:$0xb];
	[sflag:s15] =	ssyncadd.s32 @p0 $0xFFFFE000  }
0x31: {  	[spmem:s16] =	stream.linear.scatter @p0 [tilespmem:s14], [sflag:$0x3], $0x2000, $0x38;
	[tilespmem:$0x16180] =	vst v63  }
0x32: {  	_ =	swait.ge @p0 [sflag:s15], $0x2000  }
0x33: {  	[sflag:s15] =	ssyncset.done @p0 $0x0  }
0x34: {  	s16 =	rddreg [dreg:$0xd];
	[sflag:s15] =	ssyncadd.s32 @p0 $0xFFFFE000  }
0x35: {  	[spmem:s16] =	stream.linear.scatter @p0 [tilespmem:s14], [sflag:$0x3], $0x2000, $0x38;
	[tilespmem:$0x16180] =	vst v63  }
0x36: {  	_ =	swait.ge @p0 [sflag:s15], $0x2000  }
0x37: {  	[sflag:s15] =	ssyncset.done @p0 $0x0  }
0x38: {  	s16 =	rddreg [dreg:$0xe];
	[sflag:s15] =	ssyncadd.s32 @p0 $0xFFFFE000  }
0x39: {  	[spmem:s16] =	stream.linear.scatter @p0 [tilespmem:s14], [sflag:$0x3], $0x2000, $0x38;
	[tilespmem:$0x16180] =	vst v63  }
0x3a: {  	_ =	swait.ge @p0 [sflag:s15], $0x2000  }
0x3b: {  	[sflag:s15] =	ssyncset.done @p0 $0x0  }
0x3c: {  	[sflag:s15] =	ssyncadd.s32 @p0 $0xFFFFE000  }
0x3d: {  	[spmem:s18] =	stream.linear.scatter @p0 [tilespmem:s14], [sflag:$0x3], $0x2000, $0x38;
	[tilespmem:$0x16180] =	vst v63  }
0x3e: {  	_ =	swait.ge @p0 [sflag:s15], $0x2000  }
0x3f: {  	[sflag:s15] =	ssyncset.done @p0 $0x0  }
0x40: {  	[sflag:s15] =	ssyncadd.s32 @p0 $0xFFFFE000  }
0x41: {  	[spmem:s19] =	stream.linear.scatter @p0 [tilespmem:s14], [sflag:$0x3], $0x2000, $0x38;
	[tilespmem:$0x16180] =	vst v63  }
0x42: {  	_ =	swait.ge @p0 [sflag:s15], $0x2000  }
0x43: {  	[sflag:s15] =	ssyncset.done @p0 $0x0  }
0x44: {  	[sflag:s15] =	ssyncadd.s32 @p0 $0xFFFFE000  }
0x45: {  	[spmem:s26] =	stream.linear.scatter @p0 [tilespmem:s14], [sflag:$0x3], $0x2000, $0x38;
	[tilespmem:$0x16180] =	vst v63  }
0x46: {  	_ =	swait.ge @p0 [sflag:s15], $0x2000  }
0x47: {  	[sflag:s15] =	ssyncset.done @p0 $0x0  }
0x48: {  	[sflag:s15] =	ssyncadd.s32 @p0 $0xFFFFE000  }
0x49: {  	[spmem:s28] =	stream.linear.scatter @p0 [tilespmem:s14], [sflag:$0x3], $0x2000, $0x38;
	[tilespmem:$0x16180] =	vst v63  }
0x4a: {  	_ =	swait.ge @p0 [sflag:s15], $0x2000  }
0x4b: {  	[sflag:s15] =	ssyncset.done @p0 $0x0  }
0x4c: {  	[sflag:s15] =	ssyncadd.s32 @p0 $0xFFFFE000  }
0x4d: {  	[spmem:s30] =	stream.linear.scatter @p0 [tilespmem:s14], [sflag:$0x3], $0x400, $0x38;
	[tilespmem:$0x16180] =	vst v63  }
0x4e: {  	_ =	swait.ge @p0 [sflag:s15], $0x400  }
0x4f: {  	[sflag:s15] =	ssyncset.done @p0 $0x0  }
0x50: {  	s14 =	simm.s32 @!p0 $0x100;
	[sflag:s15] =	ssyncadd.s32 @p0 $0xFFFFFC00;
	s15 =	simm.s32 @!p0 $0x3  }
0x51: {  	[spmem:s5] =	stream.linear.scatter @!p0 [tilespmem:s14], [sflag:$0x3], $0x2000, $0x38;
	[tilespmem:$0x16180] =	vst v63  }
0x52: {  	_ =	swait.ge @!p0 [sflag:s15], $0x2000  }
0x53: {  	[sflag:s15] =	ssyncset.done @!p0 $0x0  }
0x54: {  	s16 =	rddreg [dreg:$0x4];
	[sflag:s15] =	ssyncadd.s32 @!p0 $0xFFFFE000  }
0x55: {  	[spmem:s16] =	stream.linear.scatter @!p0 [tilespmem:s14], [sflag:$0x3], $0x2000, $0x38;
	[tilespmem:$0x16180] =	vst v63  }
0x56: {  	_ =	swait.ge @!p0 [sflag:s15], $0x2000  }
0x57: {  	[sflag:s15] =	ssyncset.done @!p0 $0x0  }
0x58: {  	s16 =	rddreg [dreg:$0x5];
	[sflag:s15] =	ssyncadd.s32 @!p0 $0xFFFFE000  }
0x59: {  	[spmem:s16] =	stream.linear.scatter @!p0 [tilespmem:s14], [sflag:$0x3], $0x2000, $0x38;
	[tilespmem:$0x16180] =	vst v63  }
0x5a: {  	_ =	swait.ge @!p0 [sflag:s15], $0x2000  }
0x5b: {  	[sflag:s15] =	ssyncset.done @!p0 $0x0  }
0x5c: {  	s16 =	rddreg [dreg:$0x6];
	[sflag:s15] =	ssyncadd.s32 @!p0 $0xFFFFE000  }
0x5d: {  	[spmem:s16] =	stream.linear.scatter @!p0 [tilespmem:s14], [sflag:$0x3], $0x2000, $0x38;
	[tilespmem:$0x16180] =	vst v63  }
0x5e: {  	_ =	swait.ge @!p0 [sflag:s15], $0x2000  }
0x5f: {  	[sflag:s15] =	ssyncset.done @!p0 $0x0  }
0x60: {  	s16 =	rddreg [dreg:$0x7];
	[sflag:s15] =	ssyncadd.s32 @!p0 $0xFFFFE000  }
0x61: {  	[spmem:s16] =	stream.linear.scatter @!p0 [tilespmem:s14], [sflag:$0x3], $0x2000, $0x38;
	[tilespmem:$0x16180] =	vst v63  }
0x62: {  	_ =	swait.ge @!p0 [sflag:s15], $0x2000  }
0x63: {  	[sflag:s15] =	ssyncset.done @!p0 $0x0  }
0x64: {  	s16 =	rddreg [dreg:$0x8];
	[sflag:s15] =	ssyncadd.s32 @!p0 $0xFFFFE000  }
0x65: {  	[spmem:s16] =	stream.linear.scatter @!p0 [tilespmem:s14], [sflag:$0x3], $0x2000, $0x38;
	[tilespmem:$0x16180] =	vst v63  }
0x66: {  	_ =	swait.ge @!p0 [sflag:s15], $0x2000  }
0x67: {  	[sflag:s15] =	ssyncset.done @!p0 $0x0  }
0x68: {  	s16 =	rddreg [dreg:$0x9];
	[sflag:s15] =	ssyncadd.s32 @!p0 $0xFFFFE000  }
0x69: {  	[spmem:s16] =	stream.linear.scatter @!p0 [tilespmem:s14], [sflag:$0x3], $0x2000, $0x38;
	[tilespmem:$0x16180] =	vst v63  }
0x6a: {  	_ =	swait.ge @!p0 [sflag:s15], $0x2000  }
0x6b: {  	[sflag:s15] =	ssyncset.done @!p0 $0x0  }
0x6c: {  	s16 =	rddreg [dreg:$0xa];
	[sflag:s15] =	ssyncadd.s32 @!p0 $0xFFFFE000  }
0x6d: {  	[spmem:s16] =	stream.linear.scatter @!p0 [tilespmem:s14], [sflag:$0x3], $0x2000, $0x38;
	[tilespmem:$0x16180] =	vst v63  }
0x6e: {  	_ =	swait.ge @!p0 [sflag:s15], $0x2000  }
0x6f: {  	[sflag:s15] =	ssyncset.done @!p0 $0x0  }
0x70: {  	s16 =	rddreg [dreg:$0xc];
	[sflag:s15] =	ssyncadd.s32 @!p0 $0xFFFFE000  }
0x71: {  	[spmem:s16] =	stream.linear.scatter @!p0 [tilespmem:s14], [sflag:$0x3], $0x2000, $0x38;
	[tilespmem:$0x16180] =	vst v63  }
0x72: {  	_ =	swait.ge @!p0 [sflag:s15], $0x2000  }
0x73: {  	[sflag:s15] =	ssyncset.done @!p0 $0x0  }
0x74: {  	[sflag:s15] =	ssyncadd.s32 @!p0 $0xFFFFE000  }
0x75: {  	[spmem:s29] =	stream.linear.scatter @!p0 [tilespmem:s14], [sflag:$0x3], $0x1C00, $0x38;
	[tilespmem:$0x16180] =	vst v63  }
0x76: {  	_ =	swait.ge @!p0 [sflag:s15], $0x1C00  }
0x77: {  	[sflag:s15] =	ssyncset.done @!p0 $0x0  }
0x78: {  	s14 =	simm.s32 $0x0;
	[sflag:s15] =	ssyncadd.s32 @!p0 $0xFFFFE400;
	s15 =	simm.s32 $0x200  }
.LBB2_4:
0x79: {  	p1 =	sne.s32 s15, $0x9E00;
	[tilespmem:s14+$0x170] =	vst v1  }
0x7a: {  	[tilespmem:s14+$0x100] =	vst v1  }
0x7b: {  	[tilespmem:s14+$0x110] =	vst v1  }
.Ltmp1:
0x7c: {  	[tilespmem:s14+$0x120] =	vst v1;
	(pc) =	sbr.rel @p1 .LBB2_4-.Ltmp1, $4  }
0x7d: {  	[tilespmem:s14+$0x130] =	vst v1  }
0x7e: {  	[tilespmem:s14+$0x140] =	vst v1  }
0x7f: {  	[tilespmem:s14+$0x150] =	vst v1  }
0x80: {  	[tilespmem:s14+$0x160] =	vst v1;
	s14 =	sshra.s32 s15, $0x2;
	s15 =	sadd.s32 $0x200, s15  }
0x81: {  	[tilespmem:s14+$0x170] =	vst v1  }
0x82: {  	[tilespmem:s14+$0x100] =	vst v1  }
0x83: {  	[tilespmem:s14+$0x110] =	vst v1  }
0x84: {  	[tilespmem:s14+$0x120] =	vst v1  }
0x85: {  	[tilespmem:s14+$0x130] =	vst v1  }
0x86: {  	[tilespmem:s14+$0x140] =	vst v1  }
0x87: {  	[tilespmem:s14+$0x150] =	vst v1  }
0x88: {  	[tilespmem:s14+$0x160] =	vst v1  }
0x89: {  	s16 =	simm.s32 $0x0;
	[bflag:$0x0] =	sbarrier.arrive $0xFFFF  }
0x8a: {  	[tilespmem:s16], [sflag:$0x1] =	stream.linear.gather [hbm4b:s20+s16], $0x50, $0x38;
	[tilespmem:$0x16180] =	vst v63  }
0x8b: {  	_ = 	snop  }
0x8c: {  	[tilespmem:s6], [sflag:$0x2] =	stream.linear.gather [hbm4b:s31+s16], $0x50, $0x38;
	[tilespmem:$0x16180] =	vst v63  }
0x8d: {  	_ =	swait.ge [sflag:s7], $0x50  }
0x8e: {  	[sflag:s7] =	ssyncset.done $0x0  }
0x8f: {  	[sflag:s7] =	ssyncadd.s32 $0xFFFFFFB0  }
0x90: {  	[spmem:s3] =	stream.indirect.scatter.add.f32 [tilespmem:s9], [sflag:$0x3], $0x80, s4, s8, $0xb8;
	[tilespmem:$0x16180] =	vst v63  }
0x91: {  	_ =	swait.ge [sflag:s10], $0x2800  }
0x92: {  	s17 =	sshrl.u32 s24, $0x3;
	[sflag:s10] =	ssyncset.done $0x0  }
0x93: {  	s14 =	sadd.s32 s2, s17;
	[sflag:s10] =	ssyncadd.s32 $0xFFFFD800  }
0x94: {  	[tilespmem:s4], [sflag:$0x1] =	stream.linear.gather [hbm4b:s14+s4], $0x50, $0x38;
	[tilespmem:$0x16180] =	vst v63  }
0x95: {  	_ =	swait.ge [sflag:s11], $0x50  }
0x96: {  	[sflag:s11] =	ssyncset.done $0x0  }
0x97: {  	[sflag:s11] =	ssyncadd.s32 $0xFFFFFFB0  }
0x98: {  	[spmem:s3] =	stream.indirect.scatter.add.f32 [tilespmem:s9], [sflag:$0x3], $0x80, s6, s8, $0xb8;
	[tilespmem:$0x16180] =	vst v63  }
0x99: {  	_ =	swait.ge [sflag:s10], $0x2800  }
0x9a: {  	s15 =	sadd.s32 $0xA0, s24;
	[sflag:s10] =	ssyncset.done $0x0  }
0x9b: {  	s16 =	sadd.s32 $0x0, s25;
	s14 =	simm.s32 $0x14;
	[sflag:s10] =	ssyncadd.s32 $0xFFFFD800  }
.LBB2_6:
0x9c: {  	[tilespmem:s6], [sflag:$0x2] =	stream.linear.gather [hbm4b:s16+s4], $0x50, $0x38;
	[tilespmem:$0x16180] =	vst v63  }
0x9d: {  	s16 =	smov.u32 s14  }
0x9e: {  	p1 =	sne.s32 s14, $0x988;
	s14 =	sadd.s32 $0x14, s14;
	_ =	swait.ge [sflag:s7], $0x50  }
0x9f: {  	[sflag:s7] =	ssyncset.done $0x0  }
0xa0: {  	[sflag:s7] =	ssyncadd.s32 $0xFFFFFFB0  }
0xa1: {  	[spmem:s3] =	stream.indirect.scatter.add.f32 [tilespmem:s9], [sflag:$0x3], $0x80, s4, s8, $0xb8;
	[tilespmem:$0x16180] =	vst v63  }
0xa2: {  	_ =	swait.ge [sflag:s10], $0x2800  }
0xa3: {  	s17 =	sshrl.u32 s15, $0x3;
	[sflag:s10] =	ssyncset.done $0x0  }
0xa4: {  	s17 =	sadd.s32 s2, s17;
	[sflag:s10] =	ssyncadd.s32 $0xFFFFD800  }
0xa5: {  	[tilespmem:s4], [sflag:$0x1] =	stream.linear.gather [hbm4b:s17+s4], $0x50, $0x38;
	[tilespmem:$0x16180] =	vst v63  }
0xa6: {  	_ =	swait.ge [sflag:s11], $0x50  }
0xa7: {  	[sflag:s11] =	ssyncset.done $0x0  }
.Ltmp2:
0xa8: {  	[sflag:s11] =	ssyncadd.s32 $0xFFFFFFB0;
	(pc) =	sbr.rel @p1 .LBB2_6-.Ltmp2, $4  }
0xa9: {  	[spmem:s3] =	stream.indirect.scatter.add.f32 [tilespmem:s9], [sflag:$0x3], $0x80, s6, s8, $0xb8;
	[tilespmem:$0x16180] =	vst v63  }
0xaa: {  	_ =	swait.ge [sflag:s10], $0x2800  }
0xab: {  	[sflag:s10] =	ssyncset.done $0x0  }
0xac: {  	s15 =	sadd.s32 $0xA0, s15;
	s16 =	sadd.s32 s16, s25;
	[sflag:s10] =	ssyncadd.s32 $0xFFFFD800  }
0xad: {  	[tilespmem:s6], [sflag:$0x2] =	stream.linear.gather [hbm4b:s16+s4], $0x50, $0x38;
	[tilespmem:$0x16180] =	vst v63  }
0xae: {  	_ =	swait.ge [sflag:s7], $0x50  }
0xaf: {  	[sflag:s7] =	ssyncset.done $0x0  }
0xb0: {  	[sflag:s7] =	ssyncadd.s32 $0xFFFFFFB0  }
0xb1: {  	[spmem:s3] =	stream.indirect.scatter.add.f32 [tilespmem:s9], [sflag:$0x3], $0x80, s4, s8, $0xb8;
	[tilespmem:$0x16180] =	vst v63  }
0xb2: {  	_ =	swait.ge [sflag:s10], $0x2800  }
0xb3: {  	[sflag:s10] =	ssyncset.done $0x0  }
0xb4: {  	[sflag:s10] =	ssyncadd.s32 $0xFFFFD800  }
0xb5: {  	[tilespmem:s4], [sflag:$0x1] =	stream.linear.gather [hbm4b:s1+s4], $0x50, $0x38;
	[tilespmem:$0x16180] =	vst v63  }
0xb6: {  	_ =	swait.ge [sflag:s11], $0x50  }
0xb7: {  	[sflag:s11] =	ssyncset.done $0x0  }
0xb8: {  	[sflag:s11] =	ssyncadd.s32 $0xFFFFFFB0  }
0xb9: {  	[spmem:s3] =	stream.indirect.scatter.add.f32 [tilespmem:s9], [sflag:$0x3], $0x80, s6, s8, $0xb8;
	[tilespmem:$0x16180] =	vst v63  }
0xba: {  	_ =	swait.ge [sflag:s10], $0x2800  }
0xbb: {  	[sflag:s10] =	ssyncset.done $0x0  }
0xbc: {  	[sflag:s10] =	ssyncadd.s32 $0xFFFFD800  }
0xbd: {  	[tilespmem:s6], [sflag:$0x2] =	stream.linear.gather [hbm4b:s0+s4], $0x50, $0x38;
	[tilespmem:$0x16180] =	vst v63  }
0xbe: {  	_ =	swait.ge [sflag:s7], $0x50  }
0xbf: {  	[sflag:s7] =	ssyncset.done $0x0  }
0xc0: {  	[sflag:s7] =	ssyncadd.s32 $0xFFFFFFB0  }
0xc1: {  	[spmem:s3] =	stream.indirect.scatter.add.f32 [tilespmem:s9], [sflag:$0x3], $0x80, s4, s8, $0xb8;
	[tilespmem:$0x16180] =	vst v63  }
0xc2: {  	_ =	swait.ge [sflag:s10], $0x2800  }
0xc3: {  	[sflag:s10] =	ssyncset.done $0x0  }
0xc4: {  	[sflag:s10] =	ssyncadd.s32 $0xFFFFD800  }
0xc5: {  	[tilespmem:s4], [sflag:$0x1] =	stream.linear.gather [hbm4b:s0+s4], $0x50, $0x38;
	[tilespmem:$0x16180] =	vst v63  }
0xc6: {  	_ =	swait.ge [sflag:s11], $0x50  }
0xc7: {  	[sflag:s11] =	ssyncset.done $0x0  }
0xc8: {  	[sflag:s11] =	ssyncadd.s32 $0xFFFFFFB0  }
0xc9: {  	[spmem:s3] =	stream.indirect.scatter.add.f32 [tilespmem:s9], [sflag:$0x3], $0x80, s6, s8, $0xb8;
	[tilespmem:$0x16180] =	vst v63  }
0xca: {  	_ =	swait.ge [sflag:s10], $0x2800  }
0xcb: {  	[sflag:s10] =	ssyncset.done $0x0  }
0xcc: {  	[sflag:s10] =	ssyncadd.s32 $0xFFFFD800  }
0xcd: {  	[tilespmem:s6], [sflag:$0x2] =	stream.linear.gather [hbm4b:s0+s4], $0x50, $0x38;
	[tilespmem:$0x16180] =	vst v63  }
0xce: {  	_ =	swait.ge [sflag:s7], $0x50  }
0xcf: {  	[sflag:s7] =	ssyncset.done $0x0  }
0xd0: {  	[sflag:s7] =	ssyncadd.s32 $0xFFFFFFB0  }
0xd1: {  	_ =	swait.ge [sflag:s11], $0x50  }
0xd2: {  	[sflag:s11] =	ssyncset.done $0x0  }
0xd3: {  	[sflag:s11] =	ssyncadd.s32 $0xFFFFFFB0  }
0xd4: {  	s14 =	sshrl.u32 @p0 s13, $0x3;
	s15 =	simm.s32 @p0 $0x1FC3;
	[bflag:$0x0] =	sbarrier.arrive $0xFFFF  }
0xd5: {  	[hbm:s22], [sflag:s15] =	dma.local @p0 [spmem:s14], $0x2080  }
0xd6: {  	s14 =	simm.s32 @p0 $0x3  }
0xd7: {  	s12 =	sadd.s32 $0x1, s12;
	s15 =	stileid.u32;
	_ =	swait.ge @p0 [sflag:s14], $0x2080  }
0xd8: {  	p1 =	sne.s32 s12, s23;
	s15 =	sshll.u32 @!p0 s15, $0x6;
	[sflag:s14] =	ssyncset.done @p0 $0x0  }
0xd9: {  	[sflag:s14] =	ssyncadd.s32 @p0 $0xFFFFDF80;
	s14 =	sor.u32 @!p0 $0x1C03, s15;
	s15 =	sshrl.u32 @!p0 s5, $0x3  }
0xda: {  	[hbm:s21], [sflag:s14] =	dma.local @!p0 [spmem:s15], $0x2780  }
.Ltmp3:
0xdb: {  	_ = 	snop;
	(pc) =	sbr.rel @p1 .LBB2_1-.Ltmp3, $4  }
0xdc: {  	s14 =	simm.s32 @!p0 $0x3  }
0xdd: {  	_ =	swait.ge @!p0 [sflag:s14], $0x2780  }
0xde: {  	[sflag:s14] =	ssyncset.done @!p0 $0x0  }
0xdf: {  	[sflag:s14] =	ssyncadd.s32 @!p0 $0xFFFFD880  }
0xe0: {  	_ =	sfence.sel $0x180000  }
0xe1: {  	[bflag:$0x0] =	sbarrier.arrive $0xFFFF  }
0xe2: {  	_ =	strace $0x9000004A  }
0xe3: {  	s0 =	stileid.u32;
	[bflag:$0x2] =	sbarrier.arrive $0xFFFF  }
0xe4: {  	p0 =	sne.s32 s0, $0x0;
	s0 =	rddreg [dreg:$0x3]  }
0xe5: {  	s0 =	sadd.s32 @!p0 $0x100000, s0  }
0xe6: {  	[sflag:s0] =	ssyncadd.tile.s32 @!p0 $0x1;
	_ =	shalt  }
.Lfunc_end2:
_tile_overlayer_lowered:
.L_overlay_start_2:
0xe7: {  	(tag) =	ssettag $0x2  }
0xe8: {  	s0 =	rddreg [dreg:$0x0];
	s2 =	stileid.u32  }
0xe9: {  	s1 =	rddreg [dreg:$0x1];
	p0 =	sne.s32 s2, $0x0  }
0xea: {  	s3 =	rddreg [dreg:$0x2];
	[bflag:$0x3] =	sbarrier.arrive $0xFFFF;
	s2 =	simm.s32 @!p0 $0x1C03  }
0xeb: {  	[timem:s3], [sflag:s2] =	dma.local @!p0 [hbm:s0], s1  }
0xec: {  	s0 =	simm.s32 @!p0 $0x3  }
0xed: {  	_ =	swait.ge @!p0 [sflag:s0], s1  }
0xee: {  	s1 =	ssub.s32 @!p0 $0x0, s1;
	[sflag:s0] =	ssyncset.done @!p0 $0x0  }
0xef: {  	[sflag:s0] =	ssyncadd.s32 @!p0 s1  }
0xf0: {  	[bflag:$0x3] =	sbarrier.arrive $0xFFFF  }
0xf1: {  	_ =	shalt  }

</sc_bundles>
